<compile_context>
chip_gen: v7x
topology: tpu7x:2x2x1
jax: 0.10.2.dev20260603
libtpu: 0.0.44.dev20260713+nightly
codegen_flags: <defaults>
</compile_context>

<pallas_src>
import functools

import jax
import jax.numpy as jnp
from jax import lax
from jax.experimental import pallas as pl
from jax.experimental.pallas import tpu as pltpu
from jax.experimental.pallas import tpu_sc as plsc

N_PAD = 10112
LANES = 16
CHUNK = 128
NTILES = 32
NBLOCKS = N_PAD // CHUNK


def _mesh():
    return plsc.VectorSubcoreMesh(core_axis_name="c", subcore_axis_name="s",
                                  num_cores=2, num_subcores=16)


def _tile_blocks(s):
    return [(k, s + k * 16) for k in range((NBLOCKS + 15) // 16)]


def _zero_vmem_block(buf_ref, d):
    def zbody(i, _):
        r = i // (d // LANES)
        col = (i % (d // LANES)) * LANES
        buf_ref[r, pl.ds(col, LANES)] = jnp.zeros((LANES,), jnp.float32)
        return 0
    lax.fori_loop(0, CHUNK * (d // LANES), zbody, 0)


def _sc_degree(dst1d, ones):
    g_per_tile = dst1d.shape[0] // (NTILES * CHUNK)
    d = ones.shape[1]
    R = 4
    assert g_per_tile % R == 0

    @functools.partial(
        pl.kernel,
        out_type=jax.ShapeDtypeStruct((2, N_PAD, d), jnp.float32),
        mesh=_mesh(),
        scratch_types=[
            pltpu.VMEM((R, CHUNK), jnp.int32),
            pltpu.VMEM((CHUNK, d), jnp.float32),
            pltpu.VMEM_SHARED((N_PAD, d), jnp.float32),
            [pltpu.SemaphoreType.DMA] * R,
        ],
    )
    def k(dst_hbm, ones_hbm, out_hbm, ib_v, ones_v, deg_sh, isems):
        c = lax.axis_index("c")
        s = lax.axis_index("s")
        wid = c * 16 + s
        base = wid * g_per_tile

        _zero_vmem_block(ones_v, d)
        for _, blk in _tile_blocks(s):
            @pl.when(blk < NBLOCKS)
            def _():
                pltpu.sync_copy(ones_v, deg_sh.at[pl.ds(blk * CHUNK, CHUNK)])
        plsc.subcore_barrier()
        pltpu.sync_copy(ones_hbm, ones_v)

        def idx_load(g, b):
            pltpu.async_copy(dst_hbm.at[pl.ds((base + g) * CHUNK, CHUNK)],
                             ib_v.at[b], isems[b])

        for j in range(R):
            idx_load(j, j)

        def step(t, _):
            for b in range(R):
                g = t * R + b
                pltpu.make_async_copy(dst_hbm.at[pl.ds((base + g) * CHUNK, CHUNK)],
                                      ib_v.at[b], isems[b]).wait()
                pltpu.sync_copy(ones_v, deg_sh.at[ib_v.at[b]], add=True)

                @pl.when(g + R < g_per_tile)
                def _():
                    idx_load(g + R, b)
            return 0
        lax.fori_loop(0, g_per_tile // R, step, 0)

        plsc.subcore_barrier()
        for _, blk in _tile_blocks(s):
            @pl.when(blk < NBLOCKS)
            def _():
                pltpu.sync_copy(deg_sh.at[pl.ds(blk * CHUNK, CHUNK)],
                                out_hbm.at[c, pl.ds(blk * CHUNK, CHUNK)])

    return k(dst1d, ones)


def _sc_edge_pass(y, src2d, dst1d):
    g_per_tile = src2d.shape[0] // NTILES
    assert g_per_tile % 4 == 0 and g_per_tile % 8 == 0
    d = y.shape[1]

    @functools.partial(
        pl.kernel,
        out_type=jax.ShapeDtypeStruct((2, N_PAD, d), jnp.float32),
        mesh=_mesh(),
        scratch_types=[
            pltpu.VMEM((g_per_tile, CHUNK), jnp.int32),
            pltpu.VMEM((4, CHUNK), jnp.int32),
            pltpu.VMEM((2, CHUNK, d), jnp.float32),
            pltpu.VMEM_SHARED((N_PAD, d), jnp.float32),
            [pltpu.SemaphoreType.DMA] * 2,
            [pltpu.SemaphoreType.DMA] * 4,
            [pltpu.SemaphoreType.DMA] * 2,
        ],
    )
    def k(y_hbm, src_hbm, dst_hbm, out_hbm, src_v, dstb_v, rows_v, agg_sh,
          gsems, isems, ssems):
        c = lax.axis_index("c")
        s = lax.axis_index("s")
        wid = c * 16 + s
        base = wid * g_per_tile

        _zero_vmem_block(rows_v.at[0], d)
        for _, blk in _tile_blocks(s):
            @pl.when(blk < NBLOCKS)
            def _():
                pltpu.sync_copy(rows_v.at[0], agg_sh.at[pl.ds(blk * CHUNK, CHUNK)])
        plsc.subcore_barrier()

        pltpu.sync_copy(src_hbm.at[pl.ds(base, g_per_tile)], src_v)

        def dst_load(g, b4):
            pltpu.async_copy(dst_hbm.at[pl.ds((base + g) * CHUNK, CHUNK)],
                             dstb_v.at[b4], isems[b4])

        def dst_wait(g, b4):
            pltpu.make_async_copy(dst_hbm.at[pl.ds((base + g) * CHUNK, CHUNK)],
                                  dstb_v.at[b4], isems[b4]).wait()

        def gather(g, b2):
            pltpu.async_copy(y_hbm.at[src_v.at[g]], rows_v.at[b2], gsems[b2])

        def gather_wait(g, b2):
            pltpu.make_async_copy(y_hbm.at[src_v.at[g]], rows_v.at[b2],
                                  gsems[b2]).wait()

        def scatter(b2, b4):
            pltpu.async_copy(rows_v.at[b2], agg_sh.at[dstb_v.at[b4]], ssems[b2],
                             add=True)

        def scatter_wait(b2, b4):
            pltpu.make_async_copy(rows_v.at[b2], agg_sh.at[dstb_v.at[b4]],
                                  ssems[b2]).wait()

        for j in range(4):
            dst_load(j, j)
        gather(0, 0)
        gather(1, 1)
        gather_wait(0, 0)
        dst_wait(0, 0)
        scatter(0, 0)

        def body(g, b2, b4):
            scatter_wait(1 - b2, (b4 + 3) % 4)
            @pl.when(g + 3 < g_per_tile)
            def _():
                dst_load(g + 3, (b4 + 3) % 4)
            @pl.when(g + 1 < g_per_tile)
            def _():
                gather(g + 1, 1 - b2)
            gather_wait(g, b2)
            dst_wait(g, b4)
            scatter(b2, b4)

        for g0 in (1, 2, 3):
            body(g0, g0 % 2, g0 % 4)

        def step(t, _):
            for j in range(4):
                body(t * 4 + j, j % 2, j)
            return 0
        lax.fori_loop(1, g_per_tile // 4, step, 0)
        scatter_wait((g_per_tile - 1) % 2, 3)

        plsc.subcore_barrier()
        for _, blk in _tile_blocks(s):
            @pl.when(blk < NBLOCKS)
            def _():
                pltpu.sync_copy(agg_sh.at[pl.ds(blk * CHUNK, CHUNK)],
                                out_hbm.at[c, pl.ds(blk * CHUNK, CHUNK)])

    return k(y, src2d, dst1d)


def _dinv_block(deg_ref):
    deg = deg_ref[0, :, 0:1] + deg_ref[1, :, 0:1]
    return jnp.where(deg > 0, lax.rsqrt(deg), 0.0)


def _tc_in(x, deg_p, W):
    n, d = x.shape

    def body(x_ref, deg_ref, w_ref, y_ref):
        dinv = _dinv_block(deg_ref)
        y_ref[...] = dinv * jnp.dot(x_ref[...], w_ref[...],
                                    preferred_element_type=jnp.float32)

    return pl.pallas_call(
        body,
        grid=(n // 128,),
        in_specs=[
            pl.BlockSpec((128, d), lambda i: (i, 0)),
            pl.BlockSpec((2, 128, 128), lambda i: (0, i, 0)),
            pl.BlockSpec((d, d), lambda i: (0, 0)),
        ],
        out_specs=pl.BlockSpec((128, d), lambda i: (i, 0)),
        out_shape=jax.ShapeDtypeStruct((n, d), jnp.float32),
    )(x, deg_p, W)


def _tc_mid(agg_p, deg_p, b, W):
    n, d = agg_p.shape[1], agg_p.shape[2]

    def body(a_ref, deg_ref, b_ref, w_ref, y_ref):
        dinv = _dinv_block(deg_ref)
        x2 = jnp.maximum(dinv * (a_ref[0] + a_ref[1]) + b_ref[...], 0.0)
        y_ref[...] = dinv * jnp.dot(x2, w_ref[...], preferred_element_type=jnp.float32)

    return pl.pallas_call(
        body,
        grid=(n // 128,),
        in_specs=[
            pl.BlockSpec((2, 128, d), lambda i: (0, i, 0)),
            pl.BlockSpec((2, 128, 128), lambda i: (0, i, 0)),
            pl.BlockSpec((1, d), lambda i: (0, 0)),
            pl.BlockSpec((d, d), lambda i: (0, 0)),
        ],
        out_specs=pl.BlockSpec((128, d), lambda i: (i, 0)),
        out_shape=jax.ShapeDtypeStruct((n, d), jnp.float32),
    )(agg_p, deg_p, b, W)


def _tc_out(agg_p, deg_p, b):
    n, d = agg_p.shape[1], agg_p.shape[2]

    def body(a_ref, deg_ref, b_ref, o_ref):
        dinv = _dinv_block(deg_ref)
        o_ref[...] = jnp.maximum(dinv * (a_ref[0] + a_ref[1]) + b_ref[...], 0.0)

    return pl.pallas_call(
        body,
        grid=(n // 128,),
        in_specs=[
            pl.BlockSpec((2, 128, d), lambda i: (0, i, 0)),
            pl.BlockSpec((2, 128, 128), lambda i: (0, i, 0)),
            pl.BlockSpec((1, d), lambda i: (0, 0)),
        ],
        out_specs=pl.BlockSpec((128, d), lambda i: (i, 0)),
        out_shape=jax.ShapeDtypeStruct((n, d), jnp.float32),
    )(agg_p, deg_p, b)


def kernel(edge_index, emb, W1, b1, W2, b2):
    src, dst = edge_index[0], edge_index[1]
    e = src.shape[0]
    n, d = emb.shape

    unit = NTILES * CHUNK * 8
    e_pad = ((e + unit - 1) // unit) * unit
    src_p = jnp.concatenate([src, jnp.full((e_pad - e,), n, jnp.int32)])
    dst_p = jnp.concatenate([dst, jnp.full((e_pad - e,), N_PAD - 1, jnp.int32)])
    emb_pad = jnp.pad(emb, ((0, N_PAD - n), (0, 0)))
    b1r = b1.reshape(1, d)
    b2r = b2.reshape(1, d)
    ones = jnp.ones((CHUNK, d), jnp.float32)

    deg_p = _sc_degree(dst_p, ones)
    y1 = _tc_in(emb_pad, deg_p, W1)
    src2d = src_p.reshape(-1, CHUNK)
    agg1 = _sc_edge_pass(y1, src2d, dst_p)
    y2 = _tc_mid(agg1, deg_p, b1r, W2)
    agg2 = _sc_edge_pass(y2, src2d, dst_p)
    out = _tc_out(agg2, deg_p, b2r)
    return out[:n]

# --- scband reference (transcript-rebuilt; emitter-appended) ---
"""Pipeline reference for scband-gcn-16638703305286 (READ-ONLY COPY).

The authoritative reference and input builder live on the scoring server;
editing this copy changes nothing except your own understanding.
"""

import jax, jax.numpy as jnp
import numpy as np

N = 10000
E = 320000
D = 128


def setup_inputs(seed: int = 0) -> dict:
    key = jax.random.key(seed)
    ks = jax.random.split(key, 6)
    edge_index = jax.random.randint(ks[0], (2, E), 0, N, dtype=jnp.int32)
    # learned parameters sized per init_kwargs
    xavier = float(np.sqrt(6.0 / (N + D)))
    emb = jax.random.uniform(ks[1], (N, D), minval=-xavier, maxval=xavier, dtype=jnp.float32)
    glorot = float(np.sqrt(6.0 / (D + D)))
    W1 = jax.random.uniform(ks[2], (D, D), minval=-glorot, maxval=glorot, dtype=jnp.float32)
    b1 = jnp.zeros((D,), dtype=jnp.float32)
    W2 = jax.random.uniform(ks[3], (D, D), minval=-glorot, maxval=glorot, dtype=jnp.float32)
    b2 = jnp.zeros((D,), dtype=jnp.float32)
    return {"edge_index": edge_index, "emb": emb, "W1": W1, "b1": b1, "W2": W2, "b2": b2}


def _gcn_layer(x, src, dst, W, b, n):
    # GCNConv (add_self_loops=False): out = D^{-1/2} A D^{-1/2} (x W) + b
    x = x @ W
    ones = jnp.ones(src.shape[0], dtype=x.dtype)
    deg = jnp.zeros((n,), dtype=x.dtype).at[dst].add(ones)
    dinv = jnp.where(deg > 0, 1.0 / jnp.sqrt(jnp.maximum(deg, 1e-12)), 0.0)
    norm = dinv[src] * dinv[dst]
    msg = x[src] * norm[:, None]
    out = jnp.zeros((n, x.shape[1]), dtype=x.dtype).at[dst].add(msg)
    return out + b


def reference(edge_index, emb, W1, b1, W2, b2):
    # GCN.encode: x = emb.weight; for conv in convs: x = relu(conv(x, edge_index)); dropout=0
    src, dst = edge_index[0], edge_index[1]
    x = emb
    x = jax.nn.relu(_gcn_layer(x, src, dst, W1, b1, N))
    x = jax.nn.relu(_gcn_layer(x, src, dst, W2, b2, N))
    return x

if __name__ == "__main__":
    import jax
    _d = setup_inputs()
    print(jax.jit(kernel)(*tuple(_d.values())))

</pallas_src>

<mosaic_0001>
#map = affine_map<(d0, d1) -> (0, 0)>
#map1 = affine_map<(d0, d1) -> (0)>
#map2 = affine_map<(d0, d1) -> (0, 0, 0)>
module attributes {stable_mosaic.version = 14 : i64} {
  func.func @k(%arg0: i32, %arg1: i32, %arg2: memref<10112x128xf32, #tpu.memory_space<hbm>>, %arg3: memref<2560x128xi32, #tpu.memory_space<hbm>>, %arg4: memref<327680xi32, #tpu.memory_space<hbm>>, %arg5: memref<2x10112x128xf32, #tpu.memory_space<hbm>>, %arg6: memref<80x128xi32, #tpu.memory_space<vmem>>, %arg7: memref<4x128xi32, #tpu.memory_space<vmem>>, %arg8: memref<2x128x128xf32, #tpu.memory_space<vmem>>, %arg9: memref<10112x128xf32, #tpu.memory_space<vmem_shared>>, %arg10: memref<!tpu.dma_semaphore, #tpu.memory_space<semaphore_mem>>, %arg11: memref<!tpu.dma_semaphore, #tpu.memory_space<semaphore_mem>>, %arg12: memref<!tpu.dma_semaphore, #tpu.memory_space<semaphore_mem>>, %arg13: memref<!tpu.dma_semaphore, #tpu.memory_space<semaphore_mem>>, %arg14: memref<!tpu.dma_semaphore, #tpu.memory_space<semaphore_mem>>, %arg15: memref<!tpu.dma_semaphore, #tpu.memory_space<semaphore_mem>>, %arg16: memref<!tpu.dma_semaphore, #tpu.memory_space<semaphore_mem>>, %arg17: memref<!tpu.dma_semaphore, #tpu.memory_space<semaphore_mem>>) attributes {dimension_semantics = [#tpu.dimension_semantics<core_parallel>, #tpu.dimension_semantics<subcore_parallel>], iteration_bounds = array<i64: 2, 16>, scalar_prefetch = 0 : i64, scratch_operands = 12 : i64, tpu.core_type = #tpu.core_type<sc_vector_subcore>, window_params = [{transform_indices = #map}, {transform_indices = #map}, {transform_indices = #map1}, {transform_indices = #map2}]} {
    %mul3A = arith.constant 16 : i32
    %mul3A_0 = arith.muli %arg0, %mul3A : i32
    %add3A = arith.addi %mul3A_0, %arg1 : i32
    %mul3A_1 = arith.constant 80 : i32
    %mul3A_2 = arith.muli %add3A, %mul3A_1 : i32
    %scan3A = arith.constant 0 : i32
    %scan3A_3 = arith.constant 0 : i32
    %scan3A_4 = arith.constant 0 : i32
    %scan3A_5 = arith.constant 1024 : i32
    %scan3A_6 = arith.addi %scan3A_4, %scan3A_5 : i32
    %scan3A_7 = arith.constant 1 : i32
    %scan3A_8 = scf.for %scan3A_430 = %scan3A_4 to %scan3A_6 step %scan3A_7 iter_args(%scan3A_431 = %scan3A_3) -> (i32)  : i32 {
      %jit3A = arith.constant 8 : i32
      %div3A = arith.divsi %scan3A_430, %jit3A : i32
      %sign3A = arith.constant 0 : i32
      %sign3A_432 = arith.cmpi sgt, %scan3A_430, %sign3A : i32
      %sign3A_433 = arith.extui %sign3A_432 : i1 to i32
      %sign3A_434 = arith.constant 0 : i32
      %sign3A_435 = arith.cmpi slt, %scan3A_430, %sign3A_434 : i32
      %sign3A_436 = arith.extui %sign3A_435 : i1 to i32
      %sign3A_437 = arith.subi %sign3A_433, %sign3A_436 : i32
      %sign3A_438 = arith.constant 0 : i32
      %sign3A_439 = arith.cmpi sgt, %jit3A, %sign3A_438 : i32
      %sign3A_440 = arith.extui %sign3A_439 : i1 to i32
      %sign3A_441 = arith.constant 0 : i32
      %sign3A_442 = arith.cmpi slt, %jit3A, %sign3A_441 : i32
      %sign3A_443 = arith.extui %sign3A_442 : i1 to i32
      %sign3A_444 = arith.subi %sign3A_440, %sign3A_443 : i32
      %ne3A = arith.cmpi ne, %sign3A_437, %sign3A_444 : i32
      %rem3A = arith.remsi %scan3A_430, %jit3A : i32
      %ne3A_445 = arith.constant 0 : i32
      %ne3A_446 = arith.cmpi ne, %rem3A, %ne3A_445 : i32
      %and3A = arith.andi %ne3A, %ne3A_446 : i1
      %sub3A = arith.constant 1 : i32
      %sub3A_447 = arith.subi %div3A, %sub3A : i32
      %select_n3A = arith.select %and3A, %sub3A_447, %div3A : i32
      %jit3A_448 = arith.constant 8 : i32
      %eq3A = arith.constant 0 : i32
      %eq3A_449 = arith.cmpi eq, %jit3A_448, %eq3A : i32
      %jit3A_450 = arith.constant 1 : i32
      %select_n3A_451 = arith.select %eq3A_449, %jit3A_450, %jit3A_448 : i32
      %rem3A_452 = arith.remsi %scan3A_430, %select_n3A_451 : i32
      %ne3A_453 = arith.constant 0 : i32
      %ne3A_454 = arith.cmpi ne, %rem3A_452, %ne3A_453 : i32
      %lt3A_455 = arith.constant 0 : i32
      %lt3A_456 = arith.cmpi slt, %rem3A_452, %lt3A_455 : i32
      %lt3A_457 = arith.constant 0 : i32
      %lt3A_458 = arith.cmpi slt, %select_n3A_451, %lt3A_457 : i32
      %ne3A_459 = arith.xori %lt3A_456, %lt3A_458 : i1
      %and3A_460 = arith.andi %ne3A_459, %ne3A_454 : i1
      %add3A_461 = arith.addi %rem3A_452, %select_n3A_451 : i32
      %select_n3A_462 = arith.select %and3A_460, %add3A_461, %rem3A_452 : i32
      %mul3A_463 = arith.constant 16 : i32
      %mul3A_464 = arith.muli %select_n3A_462, %mul3A_463 : i32
      %broadcast_in_dim3A = arith.constant 0.000000e+00 : f32
      %broadcast_in_dim3A_465 = vector.broadcast %broadcast_in_dim3A : f32 to vector<16xf32>
      %swap3A = arith.constant 0 : i32
      %swap3A_466 = arith.constant 0 : i32
      %swap3A_467 = tpu.memref_slice %arg8[%scan3A, %swap3A, %swap3A_466] : memref<2x128x128xf32, #tpu.memory_space<vmem>> -> memref<1x128x128xf32, #tpu.memory_space<vmem>>
      %swap3A_468 = tpu.memref_squeeze %swap3A_467 : memref<1x128x128xf32, #tpu.memory_space<vmem>> -> memref<128x128xf32, #tpu.memory_space<vmem>>
      %swap3A_469 = arith.index_cast %select_n3A : i32 to index
      %swap3A_470 = arith.index_cast %mul3A_464 : i32 to index
      %swap3A_471 = tpu.vector_load %swap3A_468[%swap3A_469, %swap3A_470] {strides = array<i32>} : memref<128x128xf32, #tpu.memory_space<vmem>>, vector<1x16xf32>,
      %swap3A_472 = vector.shape_cast %swap3A_471 : vector<1x16xf32> to vector<16xf32>
      %swap3A_473 = vector.shape_cast %broadcast_in_dim3A_465 : vector<16xf32> to vector<1x16xf32>
      tpu.vector_store %swap3A_468[%swap3A_469, %swap3A_470], %swap3A_473 {strides = array<i32>} : memref<128x128xf32, #tpu.memory_space<vmem>>, vector<1x16xf32>,
      %scan3A_474 = arith.constant 0 : i32
      scf.yield %scan3A_474 : i32
    }
    %scan3A_9 = arith.constant 1024 : i32
    %add3A_10 = arith.constant 0 : i32
    %add3A_11 = arith.addi %arg1, %add3A_10 : i32
    %add3A_12 = arith.constant 16 : i32
    %add3A_13 = arith.addi %arg1, %add3A_12 : i32
    %add3A_14 = arith.constant 32 : i32
    %add3A_15 = arith.addi %arg1, %add3A_14 : i32
    %add3A_16 = arith.constant 48 : i32
    %add3A_17 = arith.addi %arg1, %add3A_16 : i32
    %add3A_18 = arith.constant 64 : i32
    %add3A_19 = arith.addi %arg1, %add3A_18 : i32
    %lt3A = arith.constant 79 : i32
    %lt3A_20 = arith.cmpi slt, %add3A_11, %lt3A : i32
    %convert_element_type3A = arith.extui %lt3A_20 : i1 to i32
    %cond3A = arith.constant 0 : i32
    %cond3A_21 = arith.cmpi ne, %convert_element_type3A, %cond3A : i32
    scf.if %cond3A_21 {
      %mul3A_430 = arith.constant 128 : i32
      %mul3A_431 = arith.muli %add3A_11, %mul3A_430 : i32
      %run_scoped3A = arith.constant 0 : i32
      "tpu.region"() ({
        %run_scoped3A_432 = tpu.sem_alloc : memref<!tpu.dma_semaphore, #tpu.memory_space<semaphore_mem>>
        %dma_start3A_433 = arith.constant 0 : i32
        %dma_start3A_434 = arith.constant 0 : i32
        %dma_start3A_435 = tpu.memref_slice %arg8[%run_scoped3A, %dma_start3A_433, %dma_start3A_434] : memref<2x128x128xf32, #tpu.memory_space<vmem>> -> memref<1x128x128xf32, #tpu.memory_space<vmem>>
        %dma_start3A_436 = tpu.memref_squeeze %dma_start3A_435 : memref<1x128x128xf32, #tpu.memory_space<vmem>> -> memref<128x128xf32, #tpu.memory_space<vmem>>
        %dma_start3A_437 = arith.constant 0 : i32
        %dma_start3A_438 = tpu.memref_slice %arg9[%mul3A_431, %dma_start3A_437] : memref<10112x128xf32, #tpu.memory_space<vmem_shared>> -> memref<128x128xf32, #tpu.memory_space<vmem_shared>>
        %dma_start3A_439 = arith.constant 0 : i32
        %dma_start3A_440 = tpu.memref_slice %arg9[%mul3A_431, %dma_start3A_439] : memref<10112x128xf32, #tpu.memory_space<vmem_shared>> -> memref<128x128xf32, #tpu.memory_space<vmem_shared>>
        %dma_start3A_441 = arith.constant 0 : i32
        %dma_start3A_442 = arith.constant 0 : i32
        %dma_start3A_443 = tpu.memref_slice %arg8[%run_scoped3A, %dma_start3A_441, %dma_start3A_442] : memref<2x128x128xf32, #tpu.memory_space<vmem>> -> memref<1x128x128xf32, #tpu.memory_space<vmem>>
        %dma_start3A_444 = tpu.memref_squeeze %dma_start3A_443 : memref<1x128x128xf32, #tpu.memory_space<vmem>> -> memref<128x128xf32, #tpu.memory_space<vmem>>
        tpu.enqueue_dma source(%dma_start3A_444 : memref<128x128xf32, #tpu.memory_space<vmem>>) target(%dma_start3A_440 : memref<128x128xf32, #tpu.memory_space<vmem_shared>>) target_semaphore(%run_scoped3A_432 : memref<!tpu.dma_semaphore, #tpu.memory_space<semaphore_mem>>)
        %dma_wait3A_445 = arith.constant 0 : i32
        %dma_wait3A_446 = arith.constant 0 : i32
        %dma_wait3A_447 = tpu.memref_slice %arg8[%run_scoped3A, %dma_wait3A_445, %dma_wait3A_446] : memref<2x128x128xf32, #tpu.memory_space<vmem>> -> memref<1x128x128xf32, #tpu.memory_space<vmem>>
        %dma_wait3A_448 = tpu.memref_squeeze %dma_wait3A_447 : memref<1x128x128xf32, #tpu.memory_space<vmem>> -> memref<128x128xf32, #tpu.memory_space<vmem>>
        %dma_wait3A_449 = arith.constant 0 : i32
        %dma_wait3A_450 = tpu.memref_slice %arg9[%mul3A_431, %dma_wait3A_449] : memref<10112x128xf32, #tpu.memory_space<vmem_shared>> -> memref<128x128xf32, #tpu.memory_space<vmem_shared>>
        %dma_wait3A_451 = arith.constant 0 : i32
        %dma_wait3A_452 = tpu.memref_slice %arg9[%mul3A_431, %dma_wait3A_451] : memref<10112x128xf32, #tpu.memory_space<vmem_shared>> -> memref<128x128xf32, #tpu.memory_space<vmem_shared>>
        %dma_wait3A_453 = arith.constant 0 : i32
        %dma_wait3A_454 = arith.constant 0 : i32
        %dma_wait3A_455 = tpu.memref_slice %arg8[%run_scoped3A, %dma_wait3A_453, %dma_wait3A_454] : memref<2x128x128xf32, #tpu.memory_space<vmem>> -> memref<1x128x128xf32, #tpu.memory_space<vmem>>
        %dma_wait3A_456 = tpu.memref_squeeze %dma_wait3A_455 : memref<1x128x128xf32, #tpu.memory_space<vmem>> -> memref<128x128xf32, #tpu.memory_space<vmem>>
        tpu.wait_dma2 semaphore(%run_scoped3A_432 : memref<!tpu.dma_semaphore, #tpu.memory_space<semaphore_mem>>) src(%dma_wait3A_456 : memref<128x128xf32, #tpu.memory_space<vmem>>) dst(%dma_wait3A_452 : memref<128x128xf32, #tpu.memory_space<vmem_shared>>)
        tpu.yield
      }) : () -> ()
    } else {
    }
    %lt3A_22 = arith.constant 79 : i32
    %lt3A_23 = arith.cmpi slt, %add3A_13, %lt3A_22 : i32
    %convert_element_type3A_24 = arith.extui %lt3A_23 : i1 to i32
    %cond3A_25 = arith.constant 0 : i32
    %cond3A_26 = arith.cmpi ne, %convert_element_type3A_24, %cond3A_25 : i32
    scf.if %cond3A_26 {
      %mul3A_430 = arith.constant 128 : i32
      %mul3A_431 = arith.muli %add3A_13, %mul3A_430 : i32
      %run_scoped3A = arith.constant 0 : i32
      "tpu.region"() ({
        %run_scoped3A_432 = tpu.sem_alloc : memref<!tpu.dma_semaphore, #tpu.memory_space<semaphore_mem>>
        %dma_start3A_433 = arith.constant 0 : i32
        %dma_start3A_434 = arith.constant 0 : i32
        %dma_start3A_435 = tpu.memref_slice %arg8[%run_scoped3A, %dma_start3A_433, %dma_start3A_434] : memref<2x128x128xf32, #tpu.memory_space<vmem>> -> memref<1x128x128xf32, #tpu.memory_space<vmem>>
        %dma_start3A_436 = tpu.memref_squeeze %dma_start3A_435 : memref<1x128x128xf32, #tpu.memory_space<vmem>> -> memref<128x128xf32, #tpu.memory_space<vmem>>
        %dma_start3A_437 = arith.constant 0 : i32
        %dma_start3A_438 = tpu.memref_slice %arg9[%mul3A_431, %dma_start3A_437] : memref<10112x128xf32, #tpu.memory_space<vmem_shared>> -> memref<128x128xf32, #tpu.memory_space<vmem_shared>>
        %dma_start3A_439 = arith.constant 0 : i32
        %dma_start3A_440 = tpu.memref_slice %arg9[%mul3A_431, %dma_start3A_439] : memref<10112x128xf32, #tpu.memory_space<vmem_shared>> -> memref<128x128xf32, #tpu.memory_space<vmem_shared>>
        %dma_start3A_441 = arith.constant 0 : i32
        %dma_start3A_442 = arith.constant 0 : i32
        %dma_start3A_443 = tpu.memref_slice %arg8[%run_scoped3A, %dma_start3A_441, %dma_start3A_442] : memref<2x128x128xf32, #tpu.memory_space<vmem>> -> memref<1x128x128xf32, #tpu.memory_space<vmem>>
        %dma_start3A_444 = tpu.memref_squeeze %dma_start3A_443 : memref<1x128x128xf32, #tpu.memory_space<vmem>> -> memref<128x128xf32, #tpu.memory_space<vmem>>
        tpu.enqueue_dma source(%dma_start3A_444 : memref<128x128xf32, #tpu.memory_space<vmem>>) target(%dma_start3A_440 : memref<128x128xf32, #tpu.memory_space<vmem_shared>>) target_semaphore(%run_scoped3A_432 : memref<!tpu.dma_semaphore, #tpu.memory_space<semaphore_mem>>)
        %dma_wait3A_445 = arith.constant 0 : i32
        %dma_wait3A_446 = arith.constant 0 : i32
        %dma_wait3A_447 = tpu.memref_slice %arg8[%run_scoped3A, %dma_wait3A_445, %dma_wait3A_446] : memref<2x128x128xf32, #tpu.memory_space<vmem>> -> memref<1x128x128xf32, #tpu.memory_space<vmem>>
        %dma_wait3A_448 = tpu.memref_squeeze %dma_wait3A_447 : memref<1x128x128xf32, #tpu.memory_space<vmem>> -> memref<128x128xf32, #tpu.memory_space<vmem>>
        %dma_wait3A_449 = arith.constant 0 : i32
        %dma_wait3A_450 = tpu.memref_slice %arg9[%mul3A_431, %dma_wait3A_449] : memref<10112x128xf32, #tpu.memory_space<vmem_shared>> -> memref<128x128xf32, #tpu.memory_space<vmem_shared>>
        %dma_wait3A_451 = arith.constant 0 : i32
        %dma_wait3A_452 = tpu.memref_slice %arg9[%mul3A_431, %dma_wait3A_451] : memref<10112x128xf32, #tpu.memory_space<vmem_shared>> -> memref<128x128xf32, #tpu.memory_space<vmem_shared>>
        %dma_wait3A_453 = arith.constant 0 : i32
        %dma_wait3A_454 = arith.constant 0 : i32
        %dma_wait3A_455 = tpu.memref_slice %arg8[%run_scoped3A, %dma_wait3A_453, %dma_wait3A_454] : memref<2x128x128xf32, #tpu.memory_space<vmem>> -> memref<1x128x128xf32, #tpu.memory_space<vmem>>
        %dma_wait3A_456 = tpu.memref_squeeze %dma_wait3A_455 : memref<1x128x128xf32, #tpu.memory_space<vmem>> -> memref<128x128xf32, #tpu.memory_space<vmem>>
        tpu.wait_dma2 semaphore(%run_scoped3A_432 : memref<!tpu.dma_semaphore, #tpu.memory_space<semaphore_mem>>) src(%dma_wait3A_456 : memref<128x128xf32, #tpu.memory_space<vmem>>) dst(%dma_wait3A_452 : memref<128x128xf32, #tpu.memory_space<vmem_shared>>)
        tpu.yield
      }) : () -> ()
    } else {
    }
    %lt3A_27 = arith.constant 79 : i32
    %lt3A_28 = arith.cmpi slt, %add3A_15, %lt3A_27 : i32
    %convert_element_type3A_29 = arith.extui %lt3A_28 : i1 to i32
    %cond3A_30 = arith.constant 0 : i32
    %cond3A_31 = arith.cmpi ne, %convert_element_type3A_29, %cond3A_30 : i32
    scf.if %cond3A_31 {
      %mul3A_430 = arith.constant 128 : i32
      %mul3A_431 = arith.muli %add3A_15, %mul3A_430 : i32
      %run_scoped3A = arith.constant 0 : i32
      "tpu.region"() ({
        %run_scoped3A_432 = tpu.sem_alloc : memref<!tpu.dma_semaphore, #tpu.memory_space<semaphore_mem>>
        %dma_start3A_433 = arith.constant 0 : i32
        %dma_start3A_434 = arith.constant 0 : i32
        %dma_start3A_435 = tpu.memref_slice %arg8[%run_scoped3A, %dma_start3A_433, %dma_start3A_434] : memref<2x128x128xf32, #tpu.memory_space<vmem>> -> memref<1x128x128xf32, #tpu.memory_space<vmem>>
        %dma_start3A_436 = tpu.memref_squeeze %dma_start3A_435 : memref<1x128x128xf32, #tpu.memory_space<vmem>> -> memref<128x128xf32, #tpu.memory_space<vmem>>
        %dma_start3A_437 = arith.constant 0 : i32
        %dma_start3A_438 = tpu.memref_slice %arg9[%mul3A_431, %dma_start3A_437] : memref<10112x128xf32, #tpu.memory_space<vmem_shared>> -> memref<128x128xf32, #tpu.memory_space<vmem_shared>>
        %dma_start3A_439 = arith.constant 0 : i32
        %dma_start3A_440 = tpu.memref_slice %arg9[%mul3A_431, %dma_start3A_439] : memref<10112x128xf32, #tpu.memory_space<vmem_shared>> -> memref<128x128xf32, #tpu.memory_space<vmem_shared>>
        %dma_start3A_441 = arith.constant 0 : i32
        %dma_start3A_442 = arith.constant 0 : i32
        %dma_start3A_443 = tpu.memref_slice %arg8[%run_scoped3A, %dma_start3A_441, %dma_start3A_442] : memref<2x128x128xf32, #tpu.memory_space<vmem>> -> memref<1x128x128xf32, #tpu.memory_space<vmem>>
        %dma_start3A_444 = tpu.memref_squeeze %dma_start3A_443 : memref<1x128x128xf32, #tpu.memory_space<vmem>> -> memref<128x128xf32, #tpu.memory_space<vmem>>
        tpu.enqueue_dma source(%dma_start3A_444 : memref<128x128xf32, #tpu.memory_space<vmem>>) target(%dma_start3A_440 : memref<128x128xf32, #tpu.memory_space<vmem_shared>>) target_semaphore(%run_scoped3A_432 : memref<!tpu.dma_semaphore, #tpu.memory_space<semaphore_mem>>)
        %dma_wait3A_445 = arith.constant 0 : i32
        %dma_wait3A_446 = arith.constant 0 : i32
        %dma_wait3A_447 = tpu.memref_slice %arg8[%run_scoped3A, %dma_wait3A_445, %dma_wait3A_446] : memref<2x128x128xf32, #tpu.memory_space<vmem>> -> memref<1x128x128xf32, #tpu.memory_space<vmem>>
        %dma_wait3A_448 = tpu.memref_squeeze %dma_wait3A_447 : memref<1x128x128xf32, #tpu.memory_space<vmem>> -> memref<128x128xf32, #tpu.memory_space<vmem>>
        %dma_wait3A_449 = arith.constant 0 : i32
        %dma_wait3A_450 = tpu.memref_slice %arg9[%mul3A_431, %dma_wait3A_449] : memref<10112x128xf32, #tpu.memory_space<vmem_shared>> -> memref<128x128xf32, #tpu.memory_space<vmem_shared>>
        %dma_wait3A_451 = arith.constant 0 : i32
        %dma_wait3A_452 = tpu.memref_slice %arg9[%mul3A_431, %dma_wait3A_451] : memref<10112x128xf32, #tpu.memory_space<vmem_shared>> -> memref<128x128xf32, #tpu.memory_space<vmem_shared>>
        %dma_wait3A_453 = arith.constant 0 : i32
        %dma_wait3A_454 = arith.constant 0 : i32
        %dma_wait3A_455 = tpu.memref_slice %arg8[%run_scoped3A, %dma_wait3A_453, %dma_wait3A_454] : memref<2x128x128xf32, #tpu.memory_space<vmem>> -> memref<1x128x128xf32, #tpu.memory_space<vmem>>
        %dma_wait3A_456 = tpu.memref_squeeze %dma_wait3A_455 : memref<1x128x128xf32, #tpu.memory_space<vmem>> -> memref<128x128xf32, #tpu.memory_space<vmem>>
        tpu.wait_dma2 semaphore(%run_scoped3A_432 : memref<!tpu.dma_semaphore, #tpu.memory_space<semaphore_mem>>) src(%dma_wait3A_456 : memref<128x128xf32, #tpu.memory_space<vmem>>) dst(%dma_wait3A_452 : memref<128x128xf32, #tpu.memory_space<vmem_shared>>)
        tpu.yield
      }) : () -> ()
    } else {
    }
    %lt3A_32 = arith.constant 79 : i32
    %lt3A_33 = arith.cmpi slt, %add3A_17, %lt3A_32 : i32
    %convert_element_type3A_34 = arith.extui %lt3A_33 : i1 to i32
    %cond3A_35 = arith.constant 0 : i32
    %cond3A_36 = arith.cmpi ne, %convert_element_type3A_34, %cond3A_35 : i32
    scf.if %cond3A_36 {
      %mul3A_430 = arith.constant 128 : i32
      %mul3A_431 = arith.muli %add3A_17, %mul3A_430 : i32
      %run_scoped3A = arith.constant 0 : i32
      "tpu.region"() ({
        %run_scoped3A_432 = tpu.sem_alloc : memref<!tpu.dma_semaphore, #tpu.memory_space<semaphore_mem>>
        %dma_start3A_433 = arith.constant 0 : i32
        %dma_start3A_434 = arith.constant 0 : i32
        %dma_start3A_435 = tpu.memref_slice %arg8[%run_scoped3A, %dma_start3A_433, %dma_start3A_434] : memref<2x128x128xf32, #tpu.memory_space<vmem>> -> memref<1x128x128xf32, #tpu.memory_space<vmem>>
        %dma_start3A_436 = tpu.memref_squeeze %dma_start3A_435 : memref<1x128x128xf32, #tpu.memory_space<vmem>> -> memref<128x128xf32, #tpu.memory_space<vmem>>
        %dma_start3A_437 = arith.constant 0 : i32
        %dma_start3A_438 = tpu.memref_slice %arg9[%mul3A_431, %dma_start3A_437] : memref<10112x128xf32, #tpu.memory_space<vmem_shared>> -> memref<128x128xf32, #tpu.memory_space<vmem_shared>>
        %dma_start3A_439 = arith.constant 0 : i32
        %dma_start3A_440 = tpu.memref_slice %arg9[%mul3A_431, %dma_start3A_439] : memref<10112x128xf32, #tpu.memory_space<vmem_shared>> -> memref<128x128xf32, #tpu.memory_space<vmem_shared>>
        %dma_start3A_441 = arith.constant 0 : i32
        %dma_start3A_442 = arith.constant 0 : i32
        %dma_start3A_443 = tpu.memref_slice %arg8[%run_scoped3A, %dma_start3A_441, %dma_start3A_442] : memref<2x128x128xf32, #tpu.memory_space<vmem>> -> memref<1x128x128xf32, #tpu.memory_space<vmem>>
        %dma_start3A_444 = tpu.memref_squeeze %dma_start3A_443 : memref<1x128x128xf32, #tpu.memory_space<vmem>> -> memref<128x128xf32, #tpu.memory_space<vmem>>
        tpu.enqueue_dma source(%dma_start3A_444 : memref<128x128xf32, #tpu.memory_space<vmem>>) target(%dma_start3A_440 : memref<128x128xf32, #tpu.memory_space<vmem_shared>>) target_semaphore(%run_scoped3A_432 : memref<!tpu.dma_semaphore, #tpu.memory_space<semaphore_mem>>)
        %dma_wait3A_445 = arith.constant 0 : i32
        %dma_wait3A_446 = arith.constant 0 : i32
        %dma_wait3A_447 = tpu.memref_slice %arg8[%run_scoped3A, %dma_wait3A_445, %dma_wait3A_446] : memref<2x128x128xf32, #tpu.memory_space<vmem>> -> memref<1x128x128xf32, #tpu.memory_space<vmem>>
        %dma_wait3A_448 = tpu.memref_squeeze %dma_wait3A_447 : memref<1x128x128xf32, #tpu.memory_space<vmem>> -> memref<128x128xf32, #tpu.memory_space<vmem>>
        %dma_wait3A_449 = arith.constant 0 : i32
        %dma_wait3A_450 = tpu.memref_slice %arg9[%mul3A_431, %dma_wait3A_449] : memref<10112x128xf32, #tpu.memory_space<vmem_shared>> -> memref<128x128xf32, #tpu.memory_space<vmem_shared>>
        %dma_wait3A_451 = arith.constant 0 : i32
        %dma_wait3A_452 = tpu.memref_slice %arg9[%mul3A_431, %dma_wait3A_451] : memref<10112x128xf32, #tpu.memory_space<vmem_shared>> -> memref<128x128xf32, #tpu.memory_space<vmem_shared>>
        %dma_wait3A_453 = arith.constant 0 : i32
        %dma_wait3A_454 = arith.constant 0 : i32
        %dma_wait3A_455 = tpu.memref_slice %arg8[%run_scoped3A, %dma_wait3A_453, %dma_wait3A_454] : memref<2x128x128xf32, #tpu.memory_space<vmem>> -> memref<1x128x128xf32, #tpu.memory_space<vmem>>
        %dma_wait3A_456 = tpu.memref_squeeze %dma_wait3A_455 : memref<1x128x128xf32, #tpu.memory_space<vmem>> -> memref<128x128xf32, #tpu.memory_space<vmem>>
        tpu.wait_dma2 semaphore(%run_scoped3A_432 : memref<!tpu.dma_semaphore, #tpu.memory_space<semaphore_mem>>) src(%dma_wait3A_456 : memref<128x128xf32, #tpu.memory_space<vmem>>) dst(%dma_wait3A_452 : memref<128x128xf32, #tpu.memory_space<vmem_shared>>)
        tpu.yield
      }) : () -> ()
    } else {
    }
    %lt3A_37 = arith.constant 79 : i32
    %lt3A_38 = arith.cmpi slt, %add3A_19, %lt3A_37 : i32
    %convert_element_type3A_39 = arith.extui %lt3A_38 : i1 to i32
    %cond3A_40 = arith.constant 0 : i32
    %cond3A_41 = arith.cmpi ne, %convert_element_type3A_39, %cond3A_40 : i32
    scf.if %cond3A_41 {
      %mul3A_430 = arith.constant 128 : i32
      %mul3A_431 = arith.muli %add3A_19, %mul3A_430 : i32
      %run_scoped3A = arith.constant 0 : i32
      "tpu.region"() ({
        %run_scoped3A_432 = tpu.sem_alloc : memref<!tpu.dma_semaphore, #tpu.memory_space<semaphore_mem>>
        %dma_start3A_433 = arith.constant 0 : i32
        %dma_start3A_434 = arith.constant 0 : i32
        %dma_start3A_435 = tpu.memref_slice %arg8[%run_scoped3A, %dma_start3A_433, %dma_start3A_434] : memref<2x128x128xf32, #tpu.memory_space<vmem>> -> memref<1x128x128xf32, #tpu.memory_space<vmem>>
        %dma_start3A_436 = tpu.memref_squeeze %dma_start3A_435 : memref<1x128x128xf32, #tpu.memory_space<vmem>> -> memref<128x128xf32, #tpu.memory_space<vmem>>
        %dma_start3A_437 = arith.constant 0 : i32
        %dma_start3A_438 = tpu.memref_slice %arg9[%mul3A_431, %dma_start3A_437] : memref<10112x128xf32, #tpu.memory_space<vmem_shared>> -> memref<128x128xf32, #tpu.memory_space<vmem_shared>>
        %dma_start3A_439 = arith.constant 0 : i32
        %dma_start3A_440 = tpu.memref_slice %arg9[%mul3A_431, %dma_start3A_439] : memref<10112x128xf32, #tpu.memory_space<vmem_shared>> -> memref<128x128xf32, #tpu.memory_space<vmem_shared>>
        %dma_start3A_441 = arith.constant 0 : i32
        %dma_start3A_442 = arith.constant 0 : i32
        %dma_start3A_443 = tpu.memref_slice %arg8[%run_scoped3A, %dma_start3A_441, %dma_start3A_442] : memref<2x128x128xf32, #tpu.memory_space<vmem>> -> memref<1x128x128xf32, #tpu.memory_space<vmem>>
        %dma_start3A_444 = tpu.memref_squeeze %dma_start3A_443 : memref<1x128x128xf32, #tpu.memory_space<vmem>> -> memref<128x128xf32, #tpu.memory_space<vmem>>
        tpu.enqueue_dma source(%dma_start3A_444 : memref<128x128xf32, #tpu.memory_space<vmem>>) target(%dma_start3A_440 : memref<128x128xf32, #tpu.memory_space<vmem_shared>>) target_semaphore(%run_scoped3A_432 : memref<!tpu.dma_semaphore, #tpu.memory_space<semaphore_mem>>)
        %dma_wait3A_445 = arith.constant 0 : i32
        %dma_wait3A_446 = arith.constant 0 : i32
        %dma_wait3A_447 = tpu.memref_slice %arg8[%run_scoped3A, %dma_wait3A_445, %dma_wait3A_446] : memref<2x128x128xf32, #tpu.memory_space<vmem>> -> memref<1x128x128xf32, #tpu.memory_space<vmem>>
        %dma_wait3A_448 = tpu.memref_squeeze %dma_wait3A_447 : memref<1x128x128xf32, #tpu.memory_space<vmem>> -> memref<128x128xf32, #tpu.memory_space<vmem>>
        %dma_wait3A_449 = arith.constant 0 : i32
        %dma_wait3A_450 = tpu.memref_slice %arg9[%mul3A_431, %dma_wait3A_449] : memref<10112x128xf32, #tpu.memory_space<vmem_shared>> -> memref<128x128xf32, #tpu.memory_space<vmem_shared>>
        %dma_wait3A_451 = arith.constant 0 : i32
        %dma_wait3A_452 = tpu.memref_slice %arg9[%mul3A_431, %dma_wait3A_451] : memref<10112x128xf32, #tpu.memory_space<vmem_shared>> -> memref<128x128xf32, #tpu.memory_space<vmem_shared>>
        %dma_wait3A_453 = arith.constant 0 : i32
        %dma_wait3A_454 = arith.constant 0 : i32
        %dma_wait3A_455 = tpu.memref_slice %arg8[%run_scoped3A, %dma_wait3A_453, %dma_wait3A_454] : memref<2x128x128xf32, #tpu.memory_space<vmem>> -> memref<1x128x128xf32, #tpu.memory_space<vmem>>
        %dma_wait3A_456 = tpu.memref_squeeze %dma_wait3A_455 : memref<1x128x128xf32, #tpu.memory_space<vmem>> -> memref<128x128xf32, #tpu.memory_space<vmem>>
        tpu.wait_dma2 semaphore(%run_scoped3A_432 : memref<!tpu.dma_semaphore, #tpu.memory_space<semaphore_mem>>) src(%dma_wait3A_456 : memref<128x128xf32, #tpu.memory_space<vmem>>) dst(%dma_wait3A_452 : memref<128x128xf32, #tpu.memory_space<vmem_shared>>)
        tpu.yield
      }) : () -> ()
    } else {
    }
    %barrier3A = arith.constant 0 : index
    tpu.barrier barrier_id(%barrier3A)
    "tpu.region"() ({
      %run_scoped3A = tpu.sem_alloc : memref<!tpu.dma_semaphore, #tpu.memory_space<semaphore_mem>>
      %dma_start3A_430 = arith.constant 0 : i32
      %dma_start3A_431 = tpu.memref_slice %arg3[%mul3A_2, %dma_start3A_430] : memref<2560x128xi32, #tpu.memory_space<hbm>> -> memref<80x128xi32, #tpu.memory_space<hbm>>
      %dma_start3A_432 = arith.constant 0 : i32
      %dma_start3A_433 = tpu.memref_slice %arg3[%mul3A_2, %dma_start3A_432] : memref<2560x128xi32, #tpu.memory_space<hbm>> -> memref<80x128xi32, #tpu.memory_space<hbm>>
      tpu.enqueue_dma source(%dma_start3A_433 : memref<80x128xi32, #tpu.memory_space<hbm>>) target(%arg6 : memref<80x128xi32, #tpu.memory_space<vmem>>) target_semaphore(%run_scoped3A : memref<!tpu.dma_semaphore, #tpu.memory_space<semaphore_mem>>)
      %dma_wait3A_434 = arith.constant 0 : i32
      %dma_wait3A_435 = tpu.memref_slice %arg3[%mul3A_2, %dma_wait3A_434] : memref<2560x128xi32, #tpu.memory_space<hbm>> -> memref<80x128xi32, #tpu.memory_space<hbm>>
      %dma_wait3A_436 = arith.constant 0 : i32
      %dma_wait3A_437 = tpu.memref_slice %arg3[%mul3A_2, %dma_wait3A_436] : memref<2560x128xi32, #tpu.memory_space<hbm>> -> memref<80x128xi32, #tpu.memory_space<hbm>>
      tpu.wait_dma2 semaphore(%run_scoped3A : memref<!tpu.dma_semaphore, #tpu.memory_space<semaphore_mem>>) src(%dma_wait3A_437 : memref<80x128xi32, #tpu.memory_space<hbm>>) dst(%arg6 : memref<80x128xi32, #tpu.memory_space<vmem>>)
      tpu.yield
    }) : () -> ()
    %add3A_42 = arith.constant 0 : i32
    %add3A_43 = arith.addi %mul3A_2, %add3A_42 : i32
    %mul3A_44 = arith.constant 128 : i32
    %mul3A_45 = arith.muli %add3A_43, %mul3A_44 : i32
    %dma_start3A = arith.constant 0 : i32
    %dma_start3A_46 = arith.constant 0 : i32
    %dma_start3A_47 = tpu.memref_slice %arg7[%dma_start3A, %dma_start3A_46] : memref<4x128xi32, #tpu.memory_space<vmem>> -> memref<1x128xi32, #tpu.memory_space<vmem>>
    %dma_start3A_48 = tpu.memref_squeeze %dma_start3A_47 : memref<1x128xi32, #tpu.memory_space<vmem>> -> memref<128xi32, #tpu.memory_space<vmem>>
    %dma_start3A_49 = tpu.memref_slice %arg4[%mul3A_45] : memref<327680xi32, #tpu.memory_space<hbm>> -> memref<128xi32, #tpu.memory_space<hbm>>
    %dma_start3A_50 = arith.constant 0 : i32
    %dma_start3A_51 = tpu.memref_slice %arg7[%dma_start3A, %dma_start3A_50] : memref<4x128xi32, #tpu.memory_space<vmem>> -> memref<1x128xi32, #tpu.memory_space<vmem>>
    %dma_start3A_52 = tpu.memref_squeeze %dma_start3A_51 : memref<1x128xi32, #tpu.memory_space<vmem>> -> memref<128xi32, #tpu.memory_space<vmem>>
    %dma_start3A_53 = tpu.memref_slice %arg4[%mul3A_45] : memref<327680xi32, #tpu.memory_space<hbm>> -> memref<128xi32, #tpu.memory_space<hbm>>
    tpu.enqueue_dma source(%dma_start3A_53 : memref<128xi32, #tpu.memory_space<hbm>>) target(%dma_start3A_52 : memref<128xi32, #tpu.memory_space<vmem>>) target_semaphore(%arg12 : memref<!tpu.dma_semaphore, #tpu.memory_space<semaphore_mem>>)
    %add3A_54 = arith.constant 1 : i32
    %add3A_55 = arith.addi %mul3A_2, %add3A_54 : i32
    %mul3A_56 = arith.constant 128 : i32
    %mul3A_57 = arith.muli %add3A_55, %mul3A_56 : i32
    %dma_start3A_58 = arith.constant 1 : i32
    %dma_start3A_59 = arith.constant 0 : i32
    %dma_start3A_60 = tpu.memref_slice %arg7[%dma_start3A_58, %dma_start3A_59] : memref<4x128xi32, #tpu.memory_space<vmem>> -> memref<1x128xi32, #tpu.memory_space<vmem>>
    %dma_start3A_61 = tpu.memref_squeeze %dma_start3A_60 : memref<1x128xi32, #tpu.memory_space<vmem>> -> memref<128xi32, #tpu.memory_space<vmem>>
    %dma_start3A_62 = tpu.memref_slice %arg4[%mul3A_57] : memref<327680xi32, #tpu.memory_space<hbm>> -> memref<128xi32, #tpu.memory_space<hbm>>
    %dma_start3A_63 = arith.constant 0 : i32
    %dma_start3A_64 = tpu.memref_slice %arg7[%dma_start3A_58, %dma_start3A_63] : memref<4x128xi32, #tpu.memory_space<vmem>> -> memref<1x128xi32, #tpu.memory_space<vmem>>
    %dma_start3A_65 = tpu.memref_squeeze %dma_start3A_64 : memref<1x128xi32, #tpu.memory_space<vmem>> -> memref<128xi32, #tpu.memory_space<vmem>>
    %dma_start3A_66 = tpu.memref_slice %arg4[%mul3A_57] : memref<327680xi32, #tpu.memory_space<hbm>> -> memref<128xi32, #tpu.memory_space<hbm>>
    tpu.enqueue_dma source(%dma_start3A_66 : memref<128xi32, #tpu.memory_space<hbm>>) target(%dma_start3A_65 : memref<128xi32, #tpu.memory_space<vmem>>) target_semaphore(%arg13 : memref<!tpu.dma_semaphore, #tpu.memory_space<semaphore_mem>>)
    %add3A_67 = arith.constant 2 : i32
    %add3A_68 = arith.addi %mul3A_2, %add3A_67 : i32
    %mul3A_69 = arith.constant 128 : i32
    %mul3A_70 = arith.muli %add3A_68, %mul3A_69 : i32
    %dma_start3A_71 = arith.constant 2 : i32
    %dma_start3A_72 = arith.constant 0 : i32
    %dma_start3A_73 = tpu.memref_slice %arg7[%dma_start3A_71, %dma_start3A_72] : memref<4x128xi32, #tpu.memory_space<vmem>> -> memref<1x128xi32, #tpu.memory_space<vmem>>
    %dma_start3A_74 = tpu.memref_squeeze %dma_start3A_73 : memref<1x128xi32, #tpu.memory_space<vmem>> -> memref<128xi32, #tpu.memory_space<vmem>>
    %dma_start3A_75 = tpu.memref_slice %arg4[%mul3A_70] : memref<327680xi32, #tpu.memory_space<hbm>> -> memref<128xi32, #tpu.memory_space<hbm>>
    %dma_start3A_76 = arith.constant 0 : i32
    %dma_start3A_77 = tpu.memref_slice %arg7[%dma_start3A_71, %dma_start3A_76] : memref<4x128xi32, #tpu.memory_space<vmem>> -> memref<1x128xi32, #tpu.memory_space<vmem>>
    %dma_start3A_78 = tpu.memref_squeeze %dma_start3A_77 : memref<1x128xi32, #tpu.memory_space<vmem>> -> memref<128xi32, #tpu.memory_space<vmem>>
    %dma_start3A_79 = tpu.memref_slice %arg4[%mul3A_70] : memref<327680xi32, #tpu.memory_space<hbm>> -> memref<128xi32, #tpu.memory_space<hbm>>
    tpu.enqueue_dma source(%dma_start3A_79 : memref<128xi32, #tpu.memory_space<hbm>>) target(%dma_start3A_78 : memref<128xi32, #tpu.memory_space<vmem>>) target_semaphore(%arg14 : memref<!tpu.dma_semaphore, #tpu.memory_space<semaphore_mem>>)
    %add3A_80 = arith.constant 3 : i32
    %add3A_81 = arith.addi %mul3A_2, %add3A_80 : i32
    %mul3A_82 = arith.constant 128 : i32
    %mul3A_83 = arith.muli %add3A_81, %mul3A_82 : i32
    %dma_start3A_84 = arith.constant 3 : i32
    %dma_start3A_85 = arith.constant 0 : i32
    %dma_start3A_86 = tpu.memref_slice %arg7[%dma_start3A_84, %dma_start3A_85] : memref<4x128xi32, #tpu.memory_space<vmem>> -> memref<1x128xi32, #tpu.memory_space<vmem>>
    %dma_start3A_87 = tpu.memref_squeeze %dma_start3A_86 : memref<1x128xi32, #tpu.memory_space<vmem>> -> memref<128xi32, #tpu.memory_space<vmem>>
    %dma_start3A_88 = tpu.memref_slice %arg4[%mul3A_83] : memref<327680xi32, #tpu.memory_space<hbm>> -> memref<128xi32, #tpu.memory_space<hbm>>
    %dma_start3A_89 = arith.constant 0 : i32
    %dma_start3A_90 = tpu.memref_slice %arg7[%dma_start3A_84, %dma_start3A_89] : memref<4x128xi32, #tpu.memory_space<vmem>> -> memref<1x128xi32, #tpu.memory_space<vmem>>
    %dma_start3A_91 = tpu.memref_squeeze %dma_start3A_90 : memref<1x128xi32, #tpu.memory_space<vmem>> -> memref<128xi32, #tpu.memory_space<vmem>>
    %dma_start3A_92 = tpu.memref_slice %arg4[%mul3A_83] : memref<327680xi32, #tpu.memory_space<hbm>> -> memref<128xi32, #tpu.memory_space<hbm>>
    tpu.enqueue_dma source(%dma_start3A_92 : memref<128xi32, #tpu.memory_space<hbm>>) target(%dma_start3A_91 : memref<128xi32, #tpu.memory_space<vmem>>) target_semaphore(%arg15 : memref<!tpu.dma_semaphore, #tpu.memory_space<semaphore_mem>>)
    %dma_start3A_93 = arith.constant 0 : i32
    %dma_start3A_94 = arith.constant 0 : i32
    %dma_start3A_95 = arith.constant 0 : i32
    %dma_start3A_96 = arith.constant 0 : i32
    %dma_start3A_97 = tpu.memref_slice %arg8[%dma_start3A_94, %dma_start3A_95, %dma_start3A_96] : memref<2x128x128xf32, #tpu.memory_space<vmem>> -> memref<1x128x128xf32, #tpu.memory_space<vmem>>
    %dma_start3A_98 = tpu.memref_squeeze %dma_start3A_97 : memref<1x128x128xf32, #tpu.memory_space<vmem>> -> memref<128x128xf32, #tpu.memory_space<vmem>>
    %dma_start3A_99 = arith.constant 0 : i32
    %dma_start3A_100 = tpu.memref_slice %arg6[%dma_start3A_93, %dma_start3A_99] : memref<80x128xi32, #tpu.memory_space<vmem>> -> memref<1x128xi32, #tpu.memory_space<vmem>>
    %dma_start3A_101 = tpu.memref_squeeze %dma_start3A_100 : memref<1x128xi32, #tpu.memory_space<vmem>> -> memref<128xi32, #tpu.memory_space<vmem>>
    %dma_start3A_102 = arith.constant 0 : i32
    %dma_start3A_103 = arith.constant 0 : i32
    %dma_start3A_104 = tpu.memref_slice %arg2[%dma_start3A_102, %dma_start3A_103] : memref<10112x128xf32, #tpu.memory_space<hbm>> -> memref<10112x128xf32, #tpu.memory_space<hbm>>
    tpu.enqueue_indirect_dma source(%dma_start3A_104 : memref<10112x128xf32, #tpu.memory_space<hbm>>) target(%dma_start3A_98 : memref<128x128xf32, #tpu.memory_space<vmem>>) offsets(%dma_start3A_101 : memref<128xi32, #tpu.memory_space<vmem>>) semaphore(%arg10 : memref<!tpu.dma_semaphore, #tpu.memory_space<semaphore_mem>>)
    %dma_start3A_105 = arith.constant 1 : i32
    %dma_start3A_106 = arith.constant 1 : i32
    %dma_start3A_107 = arith.constant 0 : i32
    %dma_start3A_108 = arith.constant 0 : i32
    %dma_start3A_109 = tpu.memref_slice %arg8[%dma_start3A_106, %dma_start3A_107, %dma_start3A_108] : memref<2x128x128xf32, #tpu.memory_space<vmem>> -> memref<1x128x128xf32, #tpu.memory_space<vmem>>
    %dma_start3A_110 = tpu.memref_squeeze %dma_start3A_109 : memref<1x128x128xf32, #tpu.memory_space<vmem>> -> memref<128x128xf32, #tpu.memory_space<vmem>>
    %dma_start3A_111 = arith.constant 0 : i32
    %dma_start3A_112 = tpu.memref_slice %arg6[%dma_start3A_105, %dma_start3A_111] : memref<80x128xi32, #tpu.memory_space<vmem>> -> memref<1x128xi32, #tpu.memory_space<vmem>>
    %dma_start3A_113 = tpu.memref_squeeze %dma_start3A_112 : memref<1x128xi32, #tpu.memory_space<vmem>> -> memref<128xi32, #tpu.memory_space<vmem>>
    %dma_start3A_114 = arith.constant 0 : i32
    %dma_start3A_115 = arith.constant 0 : i32
    %dma_start3A_116 = tpu.memref_slice %arg2[%dma_start3A_114, %dma_start3A_115] : memref<10112x128xf32, #tpu.memory_space<hbm>> -> memref<10112x128xf32, #tpu.memory_space<hbm>>
    tpu.enqueue_indirect_dma source(%dma_start3A_116 : memref<10112x128xf32, #tpu.memory_space<hbm>>) target(%dma_start3A_110 : memref<128x128xf32, #tpu.memory_space<vmem>>) offsets(%dma_start3A_113 : memref<128xi32, #tpu.memory_space<vmem>>) semaphore(%arg11 : memref<!tpu.dma_semaphore, #tpu.memory_space<semaphore_mem>>)
    %dma_wait3A = arith.constant 0 : i32
    %dma_wait3A_117 = arith.constant 0 : i32
    %dma_wait3A_118 = arith.constant 0 : i32
    %dma_wait3A_119 = arith.constant 0 : i32
    %dma_wait3A_120 = tpu.memref_slice %arg8[%dma_wait3A_117, %dma_wait3A_118, %dma_wait3A_119] : memref<2x128x128xf32, #tpu.memory_space<vmem>> -> memref<1x128x128xf32, #tpu.memory_space<vmem>>
    %dma_wait3A_121 = tpu.memref_squeeze %dma_wait3A_120 : memref<1x128x128xf32, #tpu.memory_space<vmem>> -> memref<128x128xf32, #tpu.memory_space<vmem>>
    %dma_wait3A_122 = arith.constant 0 : i32
    %dma_wait3A_123 = tpu.memref_slice %arg6[%dma_wait3A, %dma_wait3A_122] : memref<80x128xi32, #tpu.memory_space<vmem>> -> memref<1x128xi32, #tpu.memory_space<vmem>>
    %dma_wait3A_124 = tpu.memref_squeeze %dma_wait3A_123 : memref<1x128xi32, #tpu.memory_space<vmem>> -> memref<128xi32, #tpu.memory_space<vmem>>
    %dma_wait3A_125 = arith.constant 0 : i32
    %dma_wait3A_126 = arith.constant 0 : i32
    %dma_wait3A_127 = tpu.memref_slice %arg2[%dma_wait3A_125, %dma_wait3A_126] : memref<10112x128xf32, #tpu.memory_space<hbm>> -> memref<10112x128xf32, #tpu.memory_space<hbm>>
    tpu.wait_indirect_dma semaphore(%arg10 : memref<!tpu.dma_semaphore, #tpu.memory_space<semaphore_mem>>) src(%dma_wait3A_127 : memref<10112x128xf32, #tpu.memory_space<hbm>>) dst(%dma_wait3A_121 : memref<128x128xf32, #tpu.memory_space<vmem>>)
    %add3A_128 = arith.constant 0 : i32
    %add3A_129 = arith.addi %mul3A_2, %add3A_128 : i32
    %mul3A_130 = arith.constant 128 : i32
    %mul3A_131 = arith.muli %add3A_129, %mul3A_130 : i32
    %dma_wait3A_132 = arith.constant 0 : i32
    %dma_wait3A_133 = arith.constant 0 : i32
    %dma_wait3A_134 = tpu.memref_slice %arg7[%dma_wait3A_132, %dma_wait3A_133] : memref<4x128xi32, #tpu.memory_space<vmem>> -> memref<1x128xi32, #tpu.memory_space<vmem>>
    %dma_wait3A_135 = tpu.memref_squeeze %dma_wait3A_134 : memref<1x128xi32, #tpu.memory_space<vmem>> -> memref<128xi32, #tpu.memory_space<vmem>>
    %dma_wait3A_136 = tpu.memref_slice %arg4[%mul3A_131] : memref<327680xi32, #tpu.memory_space<hbm>> -> memref<128xi32, #tpu.memory_space<hbm>>
    %dma_wait3A_137 = arith.constant 0 : i32
    %dma_wait3A_138 = tpu.memref_slice %arg7[%dma_wait3A_132, %dma_wait3A_137] : memref<4x128xi32, #tpu.memory_space<vmem>> -> memref<1x128xi32, #tpu.memory_space<vmem>>
    %dma_wait3A_139 = tpu.memref_squeeze %dma_wait3A_138 : memref<1x128xi32, #tpu.memory_space<vmem>> -> memref<128xi32, #tpu.memory_space<vmem>>
    %dma_wait3A_140 = tpu.memref_slice %arg4[%mul3A_131] : memref<327680xi32, #tpu.memory_space<hbm>> -> memref<128xi32, #tpu.memory_space<hbm>>
    tpu.wait_dma2 semaphore(%arg12 : memref<!tpu.dma_semaphore, #tpu.memory_space<semaphore_mem>>) src(%dma_wait3A_140 : memref<128xi32, #tpu.memory_space<hbm>>) dst(%dma_wait3A_139 : memref<128xi32, #tpu.memory_space<vmem>>)
    %dma_start3A_141 = arith.constant 0 : i32
    %dma_start3A_142 = arith.constant 0 : i32
    %dma_start3A_143 = arith.constant 0 : i32
    %dma_start3A_144 = arith.constant 0 : i32
    %dma_start3A_145 = tpu.memref_slice %arg8[%dma_start3A_141, %dma_start3A_143, %dma_start3A_144] : memref<2x128x128xf32, #tpu.memory_space<vmem>> -> memref<1x128x128xf32, #tpu.memory_space<vmem>>
    %dma_start3A_146 = tpu.memref_squeeze %dma_start3A_145 : memref<1x128x128xf32, #tpu.memory_space<vmem>> -> memref<128x128xf32, #tpu.memory_space<vmem>>
    %dma_start3A_147 = arith.constant 0 : i32
    %dma_start3A_148 = tpu.memref_slice %arg7[%dma_start3A_142, %dma_start3A_147] : memref<4x128xi32, #tpu.memory_space<vmem>> -> memref<1x128xi32, #tpu.memory_space<vmem>>
    %dma_start3A_149 = tpu.memref_squeeze %dma_start3A_148 : memref<1x128xi32, #tpu.memory_space<vmem>> -> memref<128xi32, #tpu.memory_space<vmem>>
    %dma_start3A_150 = arith.constant 0 : i32
    %dma_start3A_151 = arith.constant 0 : i32
    %dma_start3A_152 = tpu.memref_slice %arg9[%dma_start3A_150, %dma_start3A_151] : memref<10112x128xf32, #tpu.memory_space<vmem_shared>> -> memref<10112x128xf32, #tpu.memory_space<vmem_shared>>
    tpu.enqueue_indirect_dma source(%dma_start3A_146 : memref<128x128xf32, #tpu.memory_space<vmem>>) target(%dma_start3A_152 : memref<10112x128xf32, #tpu.memory_space<vmem_shared>>) offsets(%dma_start3A_149 : memref<128xi32, #tpu.memory_space<vmem>>) semaphore(%arg16 : memref<!tpu.dma_semaphore, #tpu.memory_space<semaphore_mem>>) {add = true}
    %dma_wait3A_153 = arith.constant 0 : i32
    %dma_wait3A_154 = arith.constant 0 : i32
    %dma_wait3A_155 = arith.constant 0 : i32
    %dma_wait3A_156 = arith.constant 0 : i32
    %dma_wait3A_157 = tpu.memref_slice %arg8[%dma_wait3A_153, %dma_wait3A_155, %dma_wait3A_156] : memref<2x128x128xf32, #tpu.memory_space<vmem>> -> memref<1x128x128xf32, #tpu.memory_space<vmem>>
    %dma_wait3A_158 = tpu.memref_squeeze %dma_wait3A_157 : memref<1x128x128xf32, #tpu.memory_space<vmem>> -> memref<128x128xf32, #tpu.memory_space<vmem>>
    %dma_wait3A_159 = arith.constant 0 : i32
    %dma_wait3A_160 = tpu.memref_slice %arg7[%dma_wait3A_154, %dma_wait3A_159] : memref<4x128xi32, #tpu.memory_space<vmem>> -> memref<1x128xi32, #tpu.memory_space<vmem>>
    %dma_wait3A_161 = tpu.memref_squeeze %dma_wait3A_160 : memref<1x128xi32, #tpu.memory_space<vmem>> -> memref<128xi32, #tpu.memory_space<vmem>>
    %dma_wait3A_162 = arith.constant 0 : i32
    %dma_wait3A_163 = arith.constant 0 : i32
    %dma_wait3A_164 = tpu.memref_slice %arg9[%dma_wait3A_162, %dma_wait3A_163] : memref<10112x128xf32, #tpu.memory_space<vmem_shared>> -> memref<10112x128xf32, #tpu.memory_space<vmem_shared>>
    tpu.wait_indirect_dma semaphore(%arg16 : memref<!tpu.dma_semaphore, #tpu.memory_space<semaphore_mem>>) src(%dma_wait3A_158 : memref<128x128xf32, #tpu.memory_space<vmem>>) dst(%dma_wait3A_164 : memref<10112x128xf32, #tpu.memory_space<vmem_shared>>)
    %add3A_165 = arith.constant 4 : i32
    %add3A_166 = arith.addi %mul3A_2, %add3A_165 : i32
    %mul3A_167 = arith.constant 128 : i32
    %mul3A_168 = arith.muli %add3A_166, %mul3A_167 : i32
    %dma_start3A_169 = arith.constant 0 : i32
    %dma_start3A_170 = arith.constant 0 : i32
    %dma_start3A_171 = tpu.memref_slice %arg7[%dma_start3A_169, %dma_start3A_170] : memref<4x128xi32, #tpu.memory_space<vmem>> -> memref<1x128xi32, #tpu.memory_space<vmem>>
    %dma_start3A_172 = tpu.memref_squeeze %dma_start3A_171 : memref<1x128xi32, #tpu.memory_space<vmem>> -> memref<128xi32, #tpu.memory_space<vmem>>
    %dma_start3A_173 = tpu.memref_slice %arg4[%mul3A_168] : memref<327680xi32, #tpu.memory_space<hbm>> -> memref<128xi32, #tpu.memory_space<hbm>>
    %dma_start3A_174 = arith.constant 0 : i32
    %dma_start3A_175 = tpu.memref_slice %arg7[%dma_start3A_169, %dma_start3A_174] : memref<4x128xi32, #tpu.memory_space<vmem>> -> memref<1x128xi32, #tpu.memory_space<vmem>>
    %dma_start3A_176 = tpu.memref_squeeze %dma_start3A_175 : memref<1x128xi32, #tpu.memory_space<vmem>> -> memref<128xi32, #tpu.memory_space<vmem>>
    %dma_start3A_177 = tpu.memref_slice %arg4[%mul3A_168] : memref<327680xi32, #tpu.memory_space<hbm>> -> memref<128xi32, #tpu.memory_space<hbm>>
    tpu.enqueue_dma source(%dma_start3A_177 : memref<128xi32, #tpu.memory_space<hbm>>) target(%dma_start3A_176 : memref<128xi32, #tpu.memory_space<vmem>>) target_semaphore(%arg12 : memref<!tpu.dma_semaphore, #tpu.memory_space<semaphore_mem>>)
    %dma_start3A_178 = arith.constant 2 : i32
    %dma_start3A_179 = arith.constant 0 : i32
    %dma_start3A_180 = arith.constant 0 : i32
    %dma_start3A_181 = arith.constant 0 : i32
    %dma_start3A_182 = tpu.memref_slice %arg8[%dma_start3A_179, %dma_start3A_180, %dma_start3A_181] : memref<2x128x128xf32, #tpu.memory_space<vmem>> -> memref<1x128x128xf32, #tpu.memory_space<vmem>>
    %dma_start3A_183 = tpu.memref_squeeze %dma_start3A_182 : memref<1x128x128xf32, #tpu.memory_space<vmem>> -> memref<128x128xf32, #tpu.memory_space<vmem>>
    %dma_start3A_184 = arith.constant 0 : i32
    %dma_start3A_185 = tpu.memref_slice %arg6[%dma_start3A_178, %dma_start3A_184] : memref<80x128xi32, #tpu.memory_space<vmem>> -> memref<1x128xi32, #tpu.memory_space<vmem>>
    %dma_start3A_186 = tpu.memref_squeeze %dma_start3A_185 : memref<1x128xi32, #tpu.memory_space<vmem>> -> memref<128xi32, #tpu.memory_space<vmem>>
    %dma_start3A_187 = arith.constant 0 : i32
    %dma_start3A_188 = arith.constant 0 : i32
    %dma_start3A_189 = tpu.memref_slice %arg2[%dma_start3A_187, %dma_start3A_188] : memref<10112x128xf32, #tpu.memory_space<hbm>> -> memref<10112x128xf32, #tpu.memory_space<hbm>>
    tpu.enqueue_indirect_dma source(%dma_start3A_189 : memref<10112x128xf32, #tpu.memory_space<hbm>>) target(%dma_start3A_183 : memref<128x128xf32, #tpu.memory_space<vmem>>) offsets(%dma_start3A_186 : memref<128xi32, #tpu.memory_space<vmem>>) semaphore(%arg10 : memref<!tpu.dma_semaphore, #tpu.memory_space<semaphore_mem>>)
    %dma_wait3A_190 = arith.constant 1 : i32
    %dma_wait3A_191 = arith.constant 1 : i32
    %dma_wait3A_192 = arith.constant 0 : i32
    %dma_wait3A_193 = arith.constant 0 : i32
    %dma_wait3A_194 = tpu.memref_slice %arg8[%dma_wait3A_191, %dma_wait3A_192, %dma_wait3A_193] : memref<2x128x128xf32, #tpu.memory_space<vmem>> -> memref<1x128x128xf32, #tpu.memory_space<vmem>>
    %dma_wait3A_195 = tpu.memref_squeeze %dma_wait3A_194 : memref<1x128x128xf32, #tpu.memory_space<vmem>> -> memref<128x128xf32, #tpu.memory_space<vmem>>
    %dma_wait3A_196 = arith.constant 0 : i32
    %dma_wait3A_197 = tpu.memref_slice %arg6[%dma_wait3A_190, %dma_wait3A_196] : memref<80x128xi32, #tpu.memory_space<vmem>> -> memref<1x128xi32, #tpu.memory_space<vmem>>
    %dma_wait3A_198 = tpu.memref_squeeze %dma_wait3A_197 : memref<1x128xi32, #tpu.memory_space<vmem>> -> memref<128xi32, #tpu.memory_space<vmem>>
    %dma_wait3A_199 = arith.constant 0 : i32
    %dma_wait3A_200 = arith.constant 0 : i32
    %dma_wait3A_201 = tpu.memref_slice %arg2[%dma_wait3A_199, %dma_wait3A_200] : memref<10112x128xf32, #tpu.memory_space<hbm>> -> memref<10112x128xf32, #tpu.memory_space<hbm>>
    tpu.wait_indirect_dma semaphore(%arg11 : memref<!tpu.dma_semaphore, #tpu.memory_space<semaphore_mem>>) src(%dma_wait3A_201 : memref<10112x128xf32, #tpu.memory_space<hbm>>) dst(%dma_wait3A_195 : memref<128x128xf32, #tpu.memory_space<vmem>>)
    %add3A_202 = arith.constant 1 : i32
    %add3A_203 = arith.addi %mul3A_2, %add3A_202 : i32
    %mul3A_204 = arith.constant 128 : i32
    %mul3A_205 = arith.muli %add3A_203, %mul3A_204 : i32
    %dma_wait3A_206 = arith.constant 1 : i32
    %dma_wait3A_207 = arith.constant 0 : i32
    %dma_wait3A_208 = tpu.memref_slice %arg7[%dma_wait3A_206, %dma_wait3A_207] : memref<4x128xi32, #tpu.memory_space<vmem>> -> memref<1x128xi32, #tpu.memory_space<vmem>>
    %dma_wait3A_209 = tpu.memref_squeeze %dma_wait3A_208 : memref<1x128xi32, #tpu.memory_space<vmem>> -> memref<128xi32, #tpu.memory_space<vmem>>
    %dma_wait3A_210 = tpu.memref_slice %arg4[%mul3A_205] : memref<327680xi32, #tpu.memory_space<hbm>> -> memref<128xi32, #tpu.memory_space<hbm>>
    %dma_wait3A_211 = arith.constant 0 : i32
    %dma_wait3A_212 = tpu.memref_slice %arg7[%dma_wait3A_206, %dma_wait3A_211] : memref<4x128xi32, #tpu.memory_space<vmem>> -> memref<1x128xi32, #tpu.memory_space<vmem>>
    %dma_wait3A_213 = tpu.memref_squeeze %dma_wait3A_212 : memref<1x128xi32, #tpu.memory_space<vmem>> -> memref<128xi32, #tpu.memory_space<vmem>>
    %dma_wait3A_214 = tpu.memref_slice %arg4[%mul3A_205] : memref<327680xi32, #tpu.memory_space<hbm>> -> memref<128xi32, #tpu.memory_space<hbm>>
    tpu.wait_dma2 semaphore(%arg13 : memref<!tpu.dma_semaphore, #tpu.memory_space<semaphore_mem>>) src(%dma_wait3A_214 : memref<128xi32, #tpu.memory_space<hbm>>) dst(%dma_wait3A_213 : memref<128xi32, #tpu.memory_space<vmem>>)
    %dma_start3A_215 = arith.constant 1 : i32
    %dma_start3A_216 = arith.constant 1 : i32
    %dma_start3A_217 = arith.constant 0 : i32
    %dma_start3A_218 = arith.constant 0 : i32
    %dma_start3A_219 = tpu.memref_slice %arg8[%dma_start3A_215, %dma_start3A_217, %dma_start3A_218] : memref<2x128x128xf32, #tpu.memory_space<vmem>> -> memref<1x128x128xf32, #tpu.memory_space<vmem>>
    %dma_start3A_220 = tpu.memref_squeeze %dma_start3A_219 : memref<1x128x128xf32, #tpu.memory_space<vmem>> -> memref<128x128xf32, #tpu.memory_space<vmem>>
    %dma_start3A_221 = arith.constant 0 : i32
    %dma_start3A_222 = tpu.memref_slice %arg7[%dma_start3A_216, %dma_start3A_221] : memref<4x128xi32, #tpu.memory_space<vmem>> -> memref<1x128xi32, #tpu.memory_space<vmem>>
    %dma_start3A_223 = tpu.memref_squeeze %dma_start3A_222 : memref<1x128xi32, #tpu.memory_space<vmem>> -> memref<128xi32, #tpu.memory_space<vmem>>
    %dma_start3A_224 = arith.constant 0 : i32
    %dma_start3A_225 = arith.constant 0 : i32
    %dma_start3A_226 = tpu.memref_slice %arg9[%dma_start3A_224, %dma_start3A_225] : memref<10112x128xf32, #tpu.memory_space<vmem_shared>> -> memref<10112x128xf32, #tpu.memory_space<vmem_shared>>
    tpu.enqueue_indirect_dma source(%dma_start3A_220 : memref<128x128xf32, #tpu.memory_space<vmem>>) target(%dma_start3A_226 : memref<10112x128xf32, #tpu.memory_space<vmem_shared>>) offsets(%dma_start3A_223 : memref<128xi32, #tpu.memory_space<vmem>>) semaphore(%arg17 : memref<!tpu.dma_semaphore, #tpu.memory_space<semaphore_mem>>) {add = true}
    %dma_wait3A_227 = arith.constant 1 : i32
    %dma_wait3A_228 = arith.constant 1 : i32
    %dma_wait3A_229 = arith.constant 0 : i32
    %dma_wait3A_230 = arith.constant 0 : i32
    %dma_wait3A_231 = tpu.memref_slice %arg8[%dma_wait3A_227, %dma_wait3A_229, %dma_wait3A_230] : memref<2x128x128xf32, #tpu.memory_space<vmem>> -> memref<1x128x128xf32, #tpu.memory_space<vmem>>
    %dma_wait3A_232 = tpu.memref_squeeze %dma_wait3A_231 : memref<1x128x128xf32, #tpu.memory_space<vmem>> -> memref<128x128xf32, #tpu.memory_space<vmem>>
    %dma_wait3A_233 = arith.constant 0 : i32
    %dma_wait3A_234 = tpu.memref_slice %arg7[%dma_wait3A_228, %dma_wait3A_233] : memref<4x128xi32, #tpu.memory_space<vmem>> -> memref<1x128xi32, #tpu.memory_space<vmem>>
    %dma_wait3A_235 = tpu.memref_squeeze %dma_wait3A_234 : memref<1x128xi32, #tpu.memory_space<vmem>> -> memref<128xi32, #tpu.memory_space<vmem>>
    %dma_wait3A_236 = arith.constant 0 : i32
    %dma_wait3A_237 = arith.constant 0 : i32
    %dma_wait3A_238 = tpu.memref_slice %arg9[%dma_wait3A_236, %dma_wait3A_237] : memref<10112x128xf32, #tpu.memory_space<vmem_shared>> -> memref<10112x128xf32, #tpu.memory_space<vmem_shared>>
    tpu.wait_indirect_dma semaphore(%arg17 : memref<!tpu.dma_semaphore, #tpu.memory_space<semaphore_mem>>) src(%dma_wait3A_232 : memref<128x128xf32, #tpu.memory_space<vmem>>) dst(%dma_wait3A_238 : memref<10112x128xf32, #tpu.memory_space<vmem_shared>>)
    %add3A_239 = arith.constant 5 : i32
    %add3A_240 = arith.addi %mul3A_2, %add3A_239 : i32
    %mul3A_241 = arith.constant 128 : i32
    %mul3A_242 = arith.muli %add3A_240, %mul3A_241 : i32
    %dma_start3A_243 = arith.constant 1 : i32
    %dma_start3A_244 = arith.constant 0 : i32
    %dma_start3A_245 = tpu.memref_slice %arg7[%dma_start3A_243, %dma_start3A_244] : memref<4x128xi32, #tpu.memory_space<vmem>> -> memref<1x128xi32, #tpu.memory_space<vmem>>
    %dma_start3A_246 = tpu.memref_squeeze %dma_start3A_245 : memref<1x128xi32, #tpu.memory_space<vmem>> -> memref<128xi32, #tpu.memory_space<vmem>>
    %dma_start3A_247 = tpu.memref_slice %arg4[%mul3A_242] : memref<327680xi32, #tpu.memory_space<hbm>> -> memref<128xi32, #tpu.memory_space<hbm>>
    %dma_start3A_248 = arith.constant 0 : i32
    %dma_start3A_249 = tpu.memref_slice %arg7[%dma_start3A_243, %dma_start3A_248] : memref<4x128xi32, #tpu.memory_space<vmem>> -> memref<1x128xi32, #tpu.memory_space<vmem>>
    %dma_start3A_250 = tpu.memref_squeeze %dma_start3A_249 : memref<1x128xi32, #tpu.memory_space<vmem>> -> memref<128xi32, #tpu.memory_space<vmem>>
    %dma_start3A_251 = tpu.memref_slice %arg4[%mul3A_242] : memref<327680xi32, #tpu.memory_space<hbm>> -> memref<128xi32, #tpu.memory_space<hbm>>
    tpu.enqueue_dma source(%dma_start3A_251 : memref<128xi32, #tpu.memory_space<hbm>>) target(%dma_start3A_250 : memref<128xi32, #tpu.memory_space<vmem>>) target_semaphore(%arg13 : memref<!tpu.dma_semaphore, #tpu.memory_space<semaphore_mem>>)
    %dma_start3A_252 = arith.constant 3 : i32
    %dma_start3A_253 = arith.constant 1 : i32
    %dma_start3A_254 = arith.constant 0 : i32
    %dma_start3A_255 = arith.constant 0 : i32
    %dma_start3A_256 = tpu.memref_slice %arg8[%dma_start3A_253, %dma_start3A_254, %dma_start3A_255] : memref<2x128x128xf32, #tpu.memory_space<vmem>> -> memref<1x128x128xf32, #tpu.memory_space<vmem>>
    %dma_start3A_257 = tpu.memref_squeeze %dma_start3A_256 : memref<1x128x128xf32, #tpu.memory_space<vmem>> -> memref<128x128xf32, #tpu.memory_space<vmem>>
    %dma_start3A_258 = arith.constant 0 : i32
    %dma_start3A_259 = tpu.memref_slice %arg6[%dma_start3A_252, %dma_start3A_258] : memref<80x128xi32, #tpu.memory_space<vmem>> -> memref<1x128xi32, #tpu.memory_space<vmem>>
    %dma_start3A_260 = tpu.memref_squeeze %dma_start3A_259 : memref<1x128xi32, #tpu.memory_space<vmem>> -> memref<128xi32, #tpu.memory_space<vmem>>
    %dma_start3A_261 = arith.constant 0 : i32
    %dma_start3A_262 = arith.constant 0 : i32
    %dma_start3A_263 = tpu.memref_slice %arg2[%dma_start3A_261, %dma_start3A_262] : memref<10112x128xf32, #tpu.memory_space<hbm>> -> memref<10112x128xf32, #tpu.memory_space<hbm>>
    tpu.enqueue_indirect_dma source(%dma_start3A_263 : memref<10112x128xf32, #tpu.memory_space<hbm>>) target(%dma_start3A_257 : memref<128x128xf32, #tpu.memory_space<vmem>>) offsets(%dma_start3A_260 : memref<128xi32, #tpu.memory_space<vmem>>) semaphore(%arg11 : memref<!tpu.dma_semaphore, #tpu.memory_space<semaphore_mem>>)
    %dma_wait3A_264 = arith.constant 2 : i32
    %dma_wait3A_265 = arith.constant 0 : i32
    %dma_wait3A_266 = arith.constant 0 : i32
    %dma_wait3A_267 = arith.constant 0 : i32
    %dma_wait3A_268 = tpu.memref_slice %arg8[%dma_wait3A_265, %dma_wait3A_266, %dma_wait3A_267] : memref<2x128x128xf32, #tpu.memory_space<vmem>> -> memref<1x128x128xf32, #tpu.memory_space<vmem>>
    %dma_wait3A_269 = tpu.memref_squeeze %dma_wait3A_268 : memref<1x128x128xf32, #tpu.memory_space<vmem>> -> memref<128x128xf32, #tpu.memory_space<vmem>>
    %dma_wait3A_270 = arith.constant 0 : i32
    %dma_wait3A_271 = tpu.memref_slice %arg6[%dma_wait3A_264, %dma_wait3A_270] : memref<80x128xi32, #tpu.memory_space<vmem>> -> memref<1x128xi32, #tpu.memory_space<vmem>>
    %dma_wait3A_272 = tpu.memref_squeeze %dma_wait3A_271 : memref<1x128xi32, #tpu.memory_space<vmem>> -> memref<128xi32, #tpu.memory_space<vmem>>
    %dma_wait3A_273 = arith.constant 0 : i32
    %dma_wait3A_274 = arith.constant 0 : i32
    %dma_wait3A_275 = tpu.memref_slice %arg2[%dma_wait3A_273, %dma_wait3A_274] : memref<10112x128xf32, #tpu.memory_space<hbm>> -> memref<10112x128xf32, #tpu.memory_space<hbm>>
    tpu.wait_indirect_dma semaphore(%arg10 : memref<!tpu.dma_semaphore, #tpu.memory_space<semaphore_mem>>) src(%dma_wait3A_275 : memref<10112x128xf32, #tpu.memory_space<hbm>>) dst(%dma_wait3A_269 : memref<128x128xf32, #tpu.memory_space<vmem>>)
    %add3A_276 = arith.constant 2 : i32
    %add3A_277 = arith.addi %mul3A_2, %add3A_276 : i32
    %mul3A_278 = arith.constant 128 : i32
    %mul3A_279 = arith.muli %add3A_277, %mul3A_278 : i32
    %dma_wait3A_280 = arith.constant 2 : i32
    %dma_wait3A_281 = arith.constant 0 : i32
    %dma_wait3A_282 = tpu.memref_slice %arg7[%dma_wait3A_280, %dma_wait3A_281] : memref<4x128xi32, #tpu.memory_space<vmem>> -> memref<1x128xi32, #tpu.memory_space<vmem>>
    %dma_wait3A_283 = tpu.memref_squeeze %dma_wait3A_282 : memref<1x128xi32, #tpu.memory_space<vmem>> -> memref<128xi32, #tpu.memory_space<vmem>>
    %dma_wait3A_284 = tpu.memref_slice %arg4[%mul3A_279] : memref<327680xi32, #tpu.memory_space<hbm>> -> memref<128xi32, #tpu.memory_space<hbm>>
    %dma_wait3A_285 = arith.constant 0 : i32
    %dma_wait3A_286 = tpu.memref_slice %arg7[%dma_wait3A_280, %dma_wait3A_285] : memref<4x128xi32, #tpu.memory_space<vmem>> -> memref<1x128xi32, #tpu.memory_space<vmem>>
    %dma_wait3A_287 = tpu.memref_squeeze %dma_wait3A_286 : memref<1x128xi32, #tpu.memory_space<vmem>> -> memref<128xi32, #tpu.memory_space<vmem>>
    %dma_wait3A_288 = tpu.memref_slice %arg4[%mul3A_279] : memref<327680xi32, #tpu.memory_space<hbm>> -> memref<128xi32, #tpu.memory_space<hbm>>
    tpu.wait_dma2 semaphore(%arg14 : memref<!tpu.dma_semaphore, #tpu.memory_space<semaphore_mem>>) src(%dma_wait3A_288 : memref<128xi32, #tpu.memory_space<hbm>>) dst(%dma_wait3A_287 : memref<128xi32, #tpu.memory_space<vmem>>)
    %dma_start3A_289 = arith.constant 0 : i32
    %dma_start3A_290 = arith.constant 2 : i32
    %dma_start3A_291 = arith.constant 0 : i32
    %dma_start3A_292 = arith.constant 0 : i32
    %dma_start3A_293 = tpu.memref_slice %arg8[%dma_start3A_289, %dma_start3A_291, %dma_start3A_292] : memref<2x128x128xf32, #tpu.memory_space<vmem>> -> memref<1x128x128xf32, #tpu.memory_space<vmem>>
    %dma_start3A_294 = tpu.memref_squeeze %dma_start3A_293 : memref<1x128x128xf32, #tpu.memory_space<vmem>> -> memref<128x128xf32, #tpu.memory_space<vmem>>
    %dma_start3A_295 = arith.constant 0 : i32
    %dma_start3A_296 = tpu.memref_slice %arg7[%dma_start3A_290, %dma_start3A_295] : memref<4x128xi32, #tpu.memory_space<vmem>> -> memref<1x128xi32, #tpu.memory_space<vmem>>
    %dma_start3A_297 = tpu.memref_squeeze %dma_start3A_296 : memref<1x128xi32, #tpu.memory_space<vmem>> -> memref<128xi32, #tpu.memory_space<vmem>>
    %dma_start3A_298 = arith.constant 0 : i32
    %dma_start3A_299 = arith.constant 0 : i32
    %dma_start3A_300 = tpu.memref_slice %arg9[%dma_start3A_298, %dma_start3A_299] : memref<10112x128xf32, #tpu.memory_space<vmem_shared>> -> memref<10112x128xf32, #tpu.memory_space<vmem_shared>>
    tpu.enqueue_indirect_dma source(%dma_start3A_294 : memref<128x128xf32, #tpu.memory_space<vmem>>) target(%dma_start3A_300 : memref<10112x128xf32, #tpu.memory_space<vmem_shared>>) offsets(%dma_start3A_297 : memref<128xi32, #tpu.memory_space<vmem>>) semaphore(%arg16 : memref<!tpu.dma_semaphore, #tpu.memory_space<semaphore_mem>>) {add = true}
    %dma_wait3A_301 = arith.constant 0 : i32
    %dma_wait3A_302 = arith.constant 2 : i32
    %dma_wait3A_303 = arith.constant 0 : i32
    %dma_wait3A_304 = arith.constant 0 : i32
    %dma_wait3A_305 = tpu.memref_slice %arg8[%dma_wait3A_301, %dma_wait3A_303, %dma_wait3A_304] : memref<2x128x128xf32, #tpu.memory_space<vmem>> -> memref<1x128x128xf32, #tpu.memory_space<vmem>>
    %dma_wait3A_306 = tpu.memref_squeeze %dma_wait3A_305 : memref<1x128x128xf32, #tpu.memory_space<vmem>> -> memref<128x128xf32, #tpu.memory_space<vmem>>
    %dma_wait3A_307 = arith.constant 0 : i32
    %dma_wait3A_308 = tpu.memref_slice %arg7[%dma_wait3A_302, %dma_wait3A_307] : memref<4x128xi32, #tpu.memory_space<vmem>> -> memref<1x128xi32, #tpu.memory_space<vmem>>
    %dma_wait3A_309 = tpu.memref_squeeze %dma_wait3A_308 : memref<1x128xi32, #tpu.memory_space<vmem>> -> memref<128xi32, #tpu.memory_space<vmem>>
    %dma_wait3A_310 = arith.constant 0 : i32
    %dma_wait3A_311 = arith.constant 0 : i32
    %dma_wait3A_312 = tpu.memref_slice %arg9[%dma_wait3A_310, %dma_wait3A_311] : memref<10112x128xf32, #tpu.memory_space<vmem_shared>> -> memref<10112x128xf32, #tpu.memory_space<vmem_shared>>
    tpu.wait_indirect_dma semaphore(%arg16 : memref<!tpu.dma_semaphore, #tpu.memory_space<semaphore_mem>>) src(%dma_wait3A_306 : memref<128x128xf32, #tpu.memory_space<vmem>>) dst(%dma_wait3A_312 : memref<10112x128xf32, #tpu.memory_space<vmem_shared>>)
    %add3A_313 = arith.constant 6 : i32
    %add3A_314 = arith.addi %mul3A_2, %add3A_313 : i32
    %mul3A_315 = arith.constant 128 : i32
    %mul3A_316 = arith.muli %add3A_314, %mul3A_315 : i32
    %dma_start3A_317 = arith.constant 2 : i32
    %dma_start3A_318 = arith.constant 0 : i32
    %dma_start3A_319 = tpu.memref_slice %arg7[%dma_start3A_317, %dma_start3A_318] : memref<4x128xi32, #tpu.memory_space<vmem>> -> memref<1x128xi32, #tpu.memory_space<vmem>>
    %dma_start3A_320 = tpu.memref_squeeze %dma_start3A_319 : memref<1x128xi32, #tpu.memory_space<vmem>> -> memref<128xi32, #tpu.memory_space<vmem>>
    %dma_start3A_321 = tpu.memref_slice %arg4[%mul3A_316] : memref<327680xi32, #tpu.memory_space<hbm>> -> memref<128xi32, #tpu.memory_space<hbm>>
    %dma_start3A_322 = arith.constant 0 : i32
    %dma_start3A_323 = tpu.memref_slice %arg7[%dma_start3A_317, %dma_start3A_322] : memref<4x128xi32, #tpu.memory_space<vmem>> -> memref<1x128xi32, #tpu.memory_space<vmem>>
    %dma_start3A_324 = tpu.memref_squeeze %dma_start3A_323 : memref<1x128xi32, #tpu.memory_space<vmem>> -> memref<128xi32, #tpu.memory_space<vmem>>
    %dma_start3A_325 = tpu.memref_slice %arg4[%mul3A_316] : memref<327680xi32, #tpu.memory_space<hbm>> -> memref<128xi32, #tpu.memory_space<hbm>>
    tpu.enqueue_dma source(%dma_start3A_325 : memref<128xi32, #tpu.memory_space<hbm>>) target(%dma_start3A_324 : memref<128xi32, #tpu.memory_space<vmem>>) target_semaphore(%arg14 : memref<!tpu.dma_semaphore, #tpu.memory_space<semaphore_mem>>)
    %dma_start3A_326 = arith.constant 4 : i32
    %dma_start3A_327 = arith.constant 0 : i32
    %dma_start3A_328 = arith.constant 0 : i32
    %dma_start3A_329 = arith.constant 0 : i32
    %dma_start3A_330 = tpu.memref_slice %arg8[%dma_start3A_327, %dma_start3A_328, %dma_start3A_329] : memref<2x128x128xf32, #tpu.memory_space<vmem>> -> memref<1x128x128xf32, #tpu.memory_space<vmem>>
    %dma_start3A_331 = tpu.memref_squeeze %dma_start3A_330 : memref<1x128x128xf32, #tpu.memory_space<vmem>> -> memref<128x128xf32, #tpu.memory_space<vmem>>
    %dma_start3A_332 = arith.constant 0 : i32
    %dma_start3A_333 = tpu.memref_slice %arg6[%dma_start3A_326, %dma_start3A_332] : memref<80x128xi32, #tpu.memory_space<vmem>> -> memref<1x128xi32, #tpu.memory_space<vmem>>
    %dma_start3A_334 = tpu.memref_squeeze %dma_start3A_333 : memref<1x128xi32, #tpu.memory_space<vmem>> -> memref<128xi32, #tpu.memory_space<vmem>>
    %dma_start3A_335 = arith.constant 0 : i32
    %dma_start3A_336 = arith.constant 0 : i32
    %dma_start3A_337 = tpu.memref_slice %arg2[%dma_start3A_335, %dma_start3A_336] : memref<10112x128xf32, #tpu.memory_space<hbm>> -> memref<10112x128xf32, #tpu.memory_space<hbm>>
    tpu.enqueue_indirect_dma source(%dma_start3A_337 : memref<10112x128xf32, #tpu.memory_space<hbm>>) target(%dma_start3A_331 : memref<128x128xf32, #tpu.memory_space<vmem>>) offsets(%dma_start3A_334 : memref<128xi32, #tpu.memory_space<vmem>>) semaphore(%arg10 : memref<!tpu.dma_semaphore, #tpu.memory_space<semaphore_mem>>)
    %dma_wait3A_338 = arith.constant 3 : i32
    %dma_wait3A_339 = arith.constant 1 : i32
    %dma_wait3A_340 = arith.constant 0 : i32
    %dma_wait3A_341 = arith.constant 0 : i32
    %dma_wait3A_342 = tpu.memref_slice %arg8[%dma_wait3A_339, %dma_wait3A_340, %dma_wait3A_341] : memref<2x128x128xf32, #tpu.memory_space<vmem>> -> memref<1x128x128xf32, #tpu.memory_space<vmem>>
    %dma_wait3A_343 = tpu.memref_squeeze %dma_wait3A_342 : memref<1x128x128xf32, #tpu.memory_space<vmem>> -> memref<128x128xf32, #tpu.memory_space<vmem>>
    %dma_wait3A_344 = arith.constant 0 : i32
    %dma_wait3A_345 = tpu.memref_slice %arg6[%dma_wait3A_338, %dma_wait3A_344] : memref<80x128xi32, #tpu.memory_space<vmem>> -> memref<1x128xi32, #tpu.memory_space<vmem>>
    %dma_wait3A_346 = tpu.memref_squeeze %dma_wait3A_345 : memref<1x128xi32, #tpu.memory_space<vmem>> -> memref<128xi32, #tpu.memory_space<vmem>>
    %dma_wait3A_347 = arith.constant 0 : i32
    %dma_wait3A_348 = arith.constant 0 : i32
    %dma_wait3A_349 = tpu.memref_slice %arg2[%dma_wait3A_347, %dma_wait3A_348] : memref<10112x128xf32, #tpu.memory_space<hbm>> -> memref<10112x128xf32, #tpu.memory_space<hbm>>
    tpu.wait_indirect_dma semaphore(%arg11 : memref<!tpu.dma_semaphore, #tpu.memory_space<semaphore_mem>>) src(%dma_wait3A_349 : memref<10112x128xf32, #tpu.memory_space<hbm>>) dst(%dma_wait3A_343 : memref<128x128xf32, #tpu.memory_space<vmem>>)
    %add3A_350 = arith.constant 3 : i32
    %add3A_351 = arith.addi %mul3A_2, %add3A_350 : i32
    %mul3A_352 = arith.constant 128 : i32
    %mul3A_353 = arith.muli %add3A_351, %mul3A_352 : i32
    %dma_wait3A_354 = arith.constant 3 : i32
    %dma_wait3A_355 = arith.constant 0 : i32
    %dma_wait3A_356 = tpu.memref_slice %arg7[%dma_wait3A_354, %dma_wait3A_355] : memref<4x128xi32, #tpu.memory_space<vmem>> -> memref<1x128xi32, #tpu.memory_space<vmem>>
    %dma_wait3A_357 = tpu.memref_squeeze %dma_wait3A_356 : memref<1x128xi32, #tpu.memory_space<vmem>> -> memref<128xi32, #tpu.memory_space<vmem>>
    %dma_wait3A_358 = tpu.memref_slice %arg4[%mul3A_353] : memref<327680xi32, #tpu.memory_space<hbm>> -> memref<128xi32, #tpu.memory_space<hbm>>
    %dma_wait3A_359 = arith.constant 0 : i32
    %dma_wait3A_360 = tpu.memref_slice %arg7[%dma_wait3A_354, %dma_wait3A_359] : memref<4x128xi32, #tpu.memory_space<vmem>> -> memref<1x128xi32, #tpu.memory_space<vmem>>
    %dma_wait3A_361 = tpu.memref_squeeze %dma_wait3A_360 : memref<1x128xi32, #tpu.memory_space<vmem>> -> memref<128xi32, #tpu.memory_space<vmem>>
    %dma_wait3A_362 = tpu.memref_slice %arg4[%mul3A_353] : memref<327680xi32, #tpu.memory_space<hbm>> -> memref<128xi32, #tpu.memory_space<hbm>>
    tpu.wait_dma2 semaphore(%arg15 : memref<!tpu.dma_semaphore, #tpu.memory_space<semaphore_mem>>) src(%dma_wait3A_362 : memref<128xi32, #tpu.memory_space<hbm>>) dst(%dma_wait3A_361 : memref<128xi32, #tpu.memory_space<vmem>>)
    %dma_start3A_363 = arith.constant 1 : i32
    %dma_start3A_364 = arith.constant 3 : i32
    %dma_start3A_365 = arith.constant 0 : i32
    %dma_start3A_366 = arith.constant 0 : i32
    %dma_start3A_367 = tpu.memref_slice %arg8[%dma_start3A_363, %dma_start3A_365, %dma_start3A_366] : memref<2x128x128xf32, #tpu.memory_space<vmem>> -> memref<1x128x128xf32, #tpu.memory_space<vmem>>
    %dma_start3A_368 = tpu.memref_squeeze %dma_start3A_367 : memref<1x128x128xf32, #tpu.memory_space<vmem>> -> memref<128x128xf32, #tpu.memory_space<vmem>>
    %dma_start3A_369 = arith.constant 0 : i32
    %dma_start3A_370 = tpu.memref_slice %arg7[%dma_start3A_364, %dma_start3A_369] : memref<4x128xi32, #tpu.memory_space<vmem>> -> memref<1x128xi32, #tpu.memory_space<vmem>>
    %dma_start3A_371 = tpu.memref_squeeze %dma_start3A_370 : memref<1x128xi32, #tpu.memory_space<vmem>> -> memref<128xi32, #tpu.memory_space<vmem>>
    %dma_start3A_372 = arith.constant 0 : i32
    %dma_start3A_373 = arith.constant 0 : i32
    %dma_start3A_374 = tpu.memref_slice %arg9[%dma_start3A_372, %dma_start3A_373] : memref<10112x128xf32, #tpu.memory_space<vmem_shared>> -> memref<10112x128xf32, #tpu.memory_space<vmem_shared>>
    tpu.enqueue_indirect_dma source(%dma_start3A_368 : memref<128x128xf32, #tpu.memory_space<vmem>>) target(%dma_start3A_374 : memref<10112x128xf32, #tpu.memory_space<vmem_shared>>) offsets(%dma_start3A_371 : memref<128xi32, #tpu.memory_space<vmem>>) semaphore(%arg17 : memref<!tpu.dma_semaphore, #tpu.memory_space<semaphore_mem>>) {add = true}
    %scan3A_375 = arith.constant 0 : i32
    %scan3A_376 = arith.constant 1 : i32
    %scan3A_377 = arith.constant 19 : i32
    %scan3A_378 = arith.addi %scan3A_376, %scan3A_377 : i32
    %scan3A_379 = arith.constant 1 : i32
    %scan3A_380 = scf.for %scan3A_430 = %scan3A_376 to %scan3A_378 step %scan3A_379 iter_args(%scan3A_431 = %scan3A_375) -> (i32)  : i32 {
      %mul3A_432 = arith.constant 4 : i32
      %mul3A_433 = arith.muli %scan3A_430, %mul3A_432 : i32
      %add3A_434 = arith.constant 0 : i32
      %add3A_435 = arith.addi %mul3A_433, %add3A_434 : i32
      %dma_wait3A_436 = arith.constant 1 : i32
      %dma_wait3A_437 = arith.constant 3 : i32
      %dma_wait3A_438 = arith.constant 0 : i32
      %dma_wait3A_439 = arith.constant 0 : i32
      %dma_wait3A_440 = tpu.memref_slice %arg8[%dma_wait3A_436, %dma_wait3A_438, %dma_wait3A_439] : memref<2x128x128xf32, #tpu.memory_space<vmem>> -> memref<1x128x128xf32, #tpu.memory_space<vmem>>
      %dma_wait3A_441 = tpu.memref_squeeze %dma_wait3A_440 : memref<1x128x128xf32, #tpu.memory_space<vmem>> -> memref<128x128xf32, #tpu.memory_space<vmem>>
      %dma_wait3A_442 = arith.constant 0 : i32
      %dma_wait3A_443 = tpu.memref_slice %arg7[%dma_wait3A_437, %dma_wait3A_442] : memref<4x128xi32, #tpu.memory_space<vmem>> -> memref<1x128xi32, #tpu.memory_space<vmem>>
      %dma_wait3A_444 = tpu.memref_squeeze %dma_wait3A_443 : memref<1x128xi32, #tpu.memory_space<vmem>> -> memref<128xi32, #tpu.memory_space<vmem>>
      %dma_wait3A_445 = arith.constant 0 : i32
      %dma_wait3A_446 = arith.constant 0 : i32
      %dma_wait3A_447 = tpu.memref_slice %arg9[%dma_wait3A_445, %dma_wait3A_446] : memref<10112x128xf32, #tpu.memory_space<vmem_shared>> -> memref<10112x128xf32, #tpu.memory_space<vmem_shared>>
      tpu.wait_indirect_dma semaphore(%arg17 : memref<!tpu.dma_semaphore, #tpu.memory_space<semaphore_mem>>) src(%dma_wait3A_441 : memref<128x128xf32, #tpu.memory_space<vmem>>) dst(%dma_wait3A_447 : memref<10112x128xf32, #tpu.memory_space<vmem_shared>>)
      %add3A_448 = arith.constant 3 : i32
      %add3A_449 = arith.addi %add3A_435, %add3A_448 : i32
      %lt3A_450 = arith.constant 80 : i32
      %lt3A_451 = arith.cmpi slt, %add3A_449, %lt3A_450 : i32
      %convert_element_type3A_452 = arith.extui %lt3A_451 : i1 to i32
      %cond3A_453 = arith.constant 0 : i32
      %cond3A_454 = arith.cmpi ne, %convert_element_type3A_452, %cond3A_453 : i32
      scf.if %cond3A_454 {
        %add3A_693 = arith.constant 3 : i32
        %add3A_694 = arith.addi %add3A_435, %add3A_693 : i32
        %add3A_695 = arith.addi %mul3A_2, %add3A_694 : i32
        %mul3A_696 = arith.constant 128 : i32
        %mul3A_697 = arith.muli %add3A_695, %mul3A_696 : i32
        %dma_start3A_698 = arith.constant 3 : i32
        %dma_start3A_699 = arith.constant 0 : i32
        %dma_start3A_700 = tpu.memref_slice %arg7[%dma_start3A_698, %dma_start3A_699] : memref<4x128xi32, #tpu.memory_space<vmem>> -> memref<1x128xi32, #tpu.memory_space<vmem>>
        %dma_start3A_701 = tpu.memref_squeeze %dma_start3A_700 : memref<1x128xi32, #tpu.memory_space<vmem>> -> memref<128xi32, #tpu.memory_space<vmem>>
        %dma_start3A_702 = tpu.memref_slice %arg4[%mul3A_697] : memref<327680xi32, #tpu.memory_space<hbm>> -> memref<128xi32, #tpu.memory_space<hbm>>
        %dma_start3A_703 = arith.constant 0 : i32
        %dma_start3A_704 = tpu.memref_slice %arg7[%dma_start3A_698, %dma_start3A_703] : memref<4x128xi32, #tpu.memory_space<vmem>> -> memref<1x128xi32, #tpu.memory_space<vmem>>
        %dma_start3A_705 = tpu.memref_squeeze %dma_start3A_704 : memref<1x128xi32, #tpu.memory_space<vmem>> -> memref<128xi32, #tpu.memory_space<vmem>>
        %dma_start3A_706 = tpu.memref_slice %arg4[%mul3A_697] : memref<327680xi32, #tpu.memory_space<hbm>> -> memref<128xi32, #tpu.memory_space<hbm>>
        tpu.enqueue_dma source(%dma_start3A_706 : memref<128xi32, #tpu.memory_space<hbm>>) target(%dma_start3A_705 : memref<128xi32, #tpu.memory_space<vmem>>) target_semaphore(%arg15 : memref<!tpu.dma_semaphore, #tpu.memory_space<semaphore_mem>>)
      } else {
      }
      %add3A_455 = arith.constant 1 : i32
      %add3A_456 = arith.addi %add3A_435, %add3A_455 : i32
      %lt3A_457 = arith.constant 80 : i32
      %lt3A_458 = arith.cmpi slt, %add3A_456, %lt3A_457 : i32
      %convert_element_type3A_459 = arith.extui %lt3A_458 : i1 to i32
      %cond3A_460 = arith.constant 0 : i32
      %cond3A_461 = arith.cmpi ne, %convert_element_type3A_459, %cond3A_460 : i32
      scf.if %cond3A_461 {
        %add3A_693 = arith.constant 1 : i32
        %add3A_694 = arith.addi %add3A_435, %add3A_693 : i32
        %dma_start3A_695 = arith.constant 1 : i32
        %dma_start3A_696 = arith.constant 0 : i32
        %dma_start3A_697 = arith.constant 0 : i32
        %dma_start3A_698 = tpu.memref_slice %arg8[%dma_start3A_695, %dma_start3A_696, %dma_start3A_697] : memref<2x128x128xf32, #tpu.memory_space<vmem>> -> memref<1x128x128xf32, #tpu.memory_space<vmem>>
        %dma_start3A_699 = tpu.memref_squeeze %dma_start3A_698 : memref<1x128x128xf32, #tpu.memory_space<vmem>> -> memref<128x128xf32, #tpu.memory_space<vmem>>
        %dma_start3A_700 = arith.constant 0 : i32
        %dma_start3A_701 = tpu.memref_slice %arg6[%add3A_694, %dma_start3A_700] : memref<80x128xi32, #tpu.memory_space<vmem>> -> memref<1x128xi32, #tpu.memory_space<vmem>>
        %dma_start3A_702 = tpu.memref_squeeze %dma_start3A_701 : memref<1x128xi32, #tpu.memory_space<vmem>> -> memref<128xi32, #tpu.memory_space<vmem>>
        %dma_start3A_703 = arith.constant 0 : i32
        %dma_start3A_704 = arith.constant 0 : i32
        %dma_start3A_705 = tpu.memref_slice %arg2[%dma_start3A_703, %dma_start3A_704] : memref<10112x128xf32, #tpu.memory_space<hbm>> -> memref<10112x128xf32, #tpu.memory_space<hbm>>
        tpu.enqueue_indirect_dma source(%dma_start3A_705 : memref<10112x128xf32, #tpu.memory_space<hbm>>) target(%dma_start3A_699 : memref<128x128xf32, #tpu.memory_space<vmem>>) offsets(%dma_start3A_702 : memref<128xi32, #tpu.memory_space<vmem>>) semaphore(%arg11 : memref<!tpu.dma_semaphore, #tpu.memory_space<semaphore_mem>>)
      } else {
      }
      %dma_wait3A_462 = arith.constant 0 : i32
      %dma_wait3A_463 = arith.constant 0 : i32
      %dma_wait3A_464 = arith.constant 0 : i32
      %dma_wait3A_465 = tpu.memref_slice %arg8[%dma_wait3A_462, %dma_wait3A_463, %dma_wait3A_464] : memref<2x128x128xf32, #tpu.memory_space<vmem>> -> memref<1x128x128xf32, #tpu.memory_space<vmem>>
      %dma_wait3A_466 = tpu.memref_squeeze %dma_wait3A_465 : memref<1x128x128xf32, #tpu.memory_space<vmem>> -> memref<128x128xf32, #tpu.memory_space<vmem>>
      %dma_wait3A_467 = arith.constant 0 : i32
      %dma_wait3A_468 = tpu.memref_slice %arg6[%add3A_435, %dma_wait3A_467] : memref<80x128xi32, #tpu.memory_space<vmem>> -> memref<1x128xi32, #tpu.memory_space<vmem>>
      %dma_wait3A_469 = tpu.memref_squeeze %dma_wait3A_468 : memref<1x128xi32, #tpu.memory_space<vmem>> -> memref<128xi32, #tpu.memory_space<vmem>>
      %dma_wait3A_470 = arith.constant 0 : i32
      %dma_wait3A_471 = arith.constant 0 : i32
      %dma_wait3A_472 = tpu.memref_slice %arg2[%dma_wait3A_470, %dma_wait3A_471] : memref<10112x128xf32, #tpu.memory_space<hbm>> -> memref<10112x128xf32, #tpu.memory_space<hbm>>
      tpu.wait_indirect_dma semaphore(%arg10 : memref<!tpu.dma_semaphore, #tpu.memory_space<semaphore_mem>>) src(%dma_wait3A_472 : memref<10112x128xf32, #tpu.memory_space<hbm>>) dst(%dma_wait3A_466 : memref<128x128xf32, #tpu.memory_space<vmem>>)
      %add3A_473 = arith.addi %mul3A_2, %add3A_435 : i32
      %mul3A_474 = arith.constant 128 : i32
      %mul3A_475 = arith.muli %add3A_473, %mul3A_474 : i32
      %dma_wait3A_476 = arith.constant 0 : i32
      %dma_wait3A_477 = arith.constant 0 : i32
      %dma_wait3A_478 = tpu.memref_slice %arg7[%dma_wait3A_476, %dma_wait3A_477] : memref<4x128xi32, #tpu.memory_space<vmem>> -> memref<1x128xi32, #tpu.memory_space<vmem>>
      %dma_wait3A_479 = tpu.memref_squeeze %dma_wait3A_478 : memref<1x128xi32, #tpu.memory_space<vmem>> -> memref<128xi32, #tpu.memory_space<vmem>>
      %dma_wait3A_480 = tpu.memref_slice %arg4[%mul3A_475] : memref<327680xi32, #tpu.memory_space<hbm>> -> memref<128xi32, #tpu.memory_space<hbm>>
      %dma_wait3A_481 = arith.constant 0 : i32
      %dma_wait3A_482 = tpu.memref_slice %arg7[%dma_wait3A_476, %dma_wait3A_481] : memref<4x128xi32, #tpu.memory_space<vmem>> -> memref<1x128xi32, #tpu.memory_space<vmem>>
      %dma_wait3A_483 = tpu.memref_squeeze %dma_wait3A_482 : memref<1x128xi32, #tpu.memory_space<vmem>> -> memref<128xi32, #tpu.memory_space<vmem>>
      %dma_wait3A_484 = tpu.memref_slice %arg4[%mul3A_475] : memref<327680xi32, #tpu.memory_space<hbm>> -> memref<128xi32, #tpu.memory_space<hbm>>
      tpu.wait_dma2 semaphore(%arg12 : memref<!tpu.dma_semaphore, #tpu.memory_space<semaphore_mem>>) src(%dma_wait3A_484 : memref<128xi32, #tpu.memory_space<hbm>>) dst(%dma_wait3A_483 : memref<128xi32, #tpu.memory_space<vmem>>)
      %dma_start3A_485 = arith.constant 0 : i32
      %dma_start3A_486 = arith.constant 0 : i32
      %dma_start3A_487 = arith.constant 0 : i32
      %dma_start3A_488 = arith.constant 0 : i32
      %dma_start3A_489 = tpu.memref_slice %arg8[%dma_start3A_485, %dma_start3A_487, %dma_start3A_488] : memref<2x128x128xf32, #tpu.memory_space<vmem>> -> memref<1x128x128xf32, #tpu.memory_space<vmem>>
      %dma_start3A_490 = tpu.memref_squeeze %dma_start3A_489 : memref<1x128x128xf32, #tpu.memory_space<vmem>> -> memref<128x128xf32, #tpu.memory_space<vmem>>
      %dma_start3A_491 = arith.constant 0 : i32
      %dma_start3A_492 = tpu.memref_slice %arg7[%dma_start3A_486, %dma_start3A_491] : memref<4x128xi32, #tpu.memory_space<vmem>> -> memref<1x128xi32, #tpu.memory_space<vmem>>
      %dma_start3A_493 = tpu.memref_squeeze %dma_start3A_492 : memref<1x128xi32, #tpu.memory_space<vmem>> -> memref<128xi32, #tpu.memory_space<vmem>>
      %dma_start3A_494 = arith.constant 0 : i32
      %dma_start3A_495 = arith.constant 0 : i32
      %dma_start3A_496 = tpu.memref_slice %arg9[%dma_start3A_494, %dma_start3A_495] : memref<10112x128xf32, #tpu.memory_space<vmem_shared>> -> memref<10112x128xf32, #tpu.memory_space<vmem_shared>>
      tpu.enqueue_indirect_dma source(%dma_start3A_490 : memref<128x128xf32, #tpu.memory_space<vmem>>) target(%dma_start3A_496 : memref<10112x128xf32, #tpu.memory_space<vmem_shared>>) offsets(%dma_start3A_493 : memref<128xi32, #tpu.memory_space<vmem>>) semaphore(%arg16 : memref<!tpu.dma_semaphore, #tpu.memory_space<semaphore_mem>>) {add = true}
      %mul3A_497 = arith.constant 4 : i32
      %mul3A_498 = arith.muli %scan3A_430, %mul3A_497 : i32
      %add3A_499 = arith.constant 1 : i32
      %add3A_500 = arith.addi %mul3A_498, %add3A_499 : i32
      %dma_wait3A_501 = arith.constant 0 : i32
      %dma_wait3A_502 = arith.constant 0 : i32
      %dma_wait3A_503 = arith.constant 0 : i32
      %dma_wait3A_504 = arith.constant 0 : i32
      %dma_wait3A_505 = tpu.memref_slice %arg8[%dma_wait3A_501, %dma_wait3A_503, %dma_wait3A_504] : memref<2x128x128xf32, #tpu.memory_space<vmem>> -> memref<1x128x128xf32, #tpu.memory_space<vmem>>
      %dma_wait3A_506 = tpu.memref_squeeze %dma_wait3A_505 : memref<1x128x128xf32, #tpu.memory_space<vmem>> -> memref<128x128xf32, #tpu.memory_space<vmem>>
      %dma_wait3A_507 = arith.constant 0 : i32
      %dma_wait3A_508 = tpu.memref_slice %arg7[%dma_wait3A_502, %dma_wait3A_507] : memref<4x128xi32, #tpu.memory_space<vmem>> -> memref<1x128xi32, #tpu.memory_space<vmem>>
      %dma_wait3A_509 = tpu.memref_squeeze %dma_wait3A_508 : memref<1x128xi32, #tpu.memory_space<vmem>> -> memref<128xi32, #tpu.memory_space<vmem>>
      %dma_wait3A_510 = arith.constant 0 : i32
      %dma_wait3A_511 = arith.constant 0 : i32
      %dma_wait3A_512 = tpu.memref_slice %arg9[%dma_wait3A_510, %dma_wait3A_511] : memref<10112x128xf32, #tpu.memory_space<vmem_shared>> -> memref<10112x128xf32, #tpu.memory_space<vmem_shared>>
      tpu.wait_indirect_dma semaphore(%arg16 : memref<!tpu.dma_semaphore, #tpu.memory_space<semaphore_mem>>) src(%dma_wait3A_506 : memref<128x128xf32, #tpu.memory_space<vmem>>) dst(%dma_wait3A_512 : memref<10112x128xf32, #tpu.memory_space<vmem_shared>>)
      %add3A_513 = arith.constant 3 : i32
      %add3A_514 = arith.addi %add3A_500, %add3A_513 : i32
      %lt3A_515 = arith.constant 80 : i32
      %lt3A_516 = arith.cmpi slt, %add3A_514, %lt3A_515 : i32
      %convert_element_type3A_517 = arith.extui %lt3A_516 : i1 to i32
      %cond3A_518 = arith.constant 0 : i32
      %cond3A_519 = arith.cmpi ne, %convert_element_type3A_517, %cond3A_518 : i32
      scf.if %cond3A_519 {
        %add3A_693 = arith.constant 3 : i32
        %add3A_694 = arith.addi %add3A_500, %add3A_693 : i32
        %add3A_695 = arith.addi %mul3A_2, %add3A_694 : i32
        %mul3A_696 = arith.constant 128 : i32
        %mul3A_697 = arith.muli %add3A_695, %mul3A_696 : i32
        %dma_start3A_698 = arith.constant 0 : i32
        %dma_start3A_699 = arith.constant 0 : i32
        %dma_start3A_700 = tpu.memref_slice %arg7[%dma_start3A_698, %dma_start3A_699] : memref<4x128xi32, #tpu.memory_space<vmem>> -> memref<1x128xi32, #tpu.memory_space<vmem>>
        %dma_start3A_701 = tpu.memref_squeeze %dma_start3A_700 : memref<1x128xi32, #tpu.memory_space<vmem>> -> memref<128xi32, #tpu.memory_space<vmem>>
        %dma_start3A_702 = tpu.memref_slice %arg4[%mul3A_697] : memref<327680xi32, #tpu.memory_space<hbm>> -> memref<128xi32, #tpu.memory_space<hbm>>
        %dma_start3A_703 = arith.constant 0 : i32
        %dma_start3A_704 = tpu.memref_slice %arg7[%dma_start3A_698, %dma_start3A_703] : memref<4x128xi32, #tpu.memory_space<vmem>> -> memref<1x128xi32, #tpu.memory_space<vmem>>
        %dma_start3A_705 = tpu.memref_squeeze %dma_start3A_704 : memref<1x128xi32, #tpu.memory_space<vmem>> -> memref<128xi32, #tpu.memory_space<vmem>>
        %dma_start3A_706 = tpu.memref_slice %arg4[%mul3A_697] : memref<327680xi32, #tpu.memory_space<hbm>> -> memref<128xi32, #tpu.memory_space<hbm>>
        tpu.enqueue_dma source(%dma_start3A_706 : memref<128xi32, #tpu.memory_space<hbm>>) target(%dma_start3A_705 : memref<128xi32, #tpu.memory_space<vmem>>) target_semaphore(%arg12 : memref<!tpu.dma_semaphore, #tpu.memory_space<semaphore_mem>>)
      } else {
      }
      %add3A_520 = arith.constant 1 : i32
      %add3A_521 = arith.addi %add3A_500, %add3A_520 : i32
      %lt3A_522 = arith.constant 80 : i32
      %lt3A_523 = arith.cmpi slt, %add3A_521, %lt3A_522 : i32
      %convert_element_type3A_524 = arith.extui %lt3A_523 : i1 to i32
      %cond3A_525 = arith.constant 0 : i32
      %cond3A_526 = arith.cmpi ne, %convert_element_type3A_524, %cond3A_525 : i32
      scf.if %cond3A_526 {
        %add3A_693 = arith.constant 1 : i32
        %add3A_694 = arith.addi %add3A_500, %add3A_693 : i32
        %dma_start3A_695 = arith.constant 0 : i32
        %dma_start3A_696 = arith.constant 0 : i32
        %dma_start3A_697 = arith.constant 0 : i32
        %dma_start3A_698 = tpu.memref_slice %arg8[%dma_start3A_695, %dma_start3A_696, %dma_start3A_697] : memref<2x128x128xf32, #tpu.memory_space<vmem>> -> memref<1x128x128xf32, #tpu.memory_space<vmem>>
        %dma_start3A_699 = tpu.memref_squeeze %dma_start3A_698 : memref<1x128x128xf32, #tpu.memory_space<vmem>> -> memref<128x128xf32, #tpu.memory_space<vmem>>
        %dma_start3A_700 = arith.constant 0 : i32
        %dma_start3A_701 = tpu.memref_slice %arg6[%add3A_694, %dma_start3A_700] : memref<80x128xi32, #tpu.memory_space<vmem>> -> memref<1x128xi32, #tpu.memory_space<vmem>>
        %dma_start3A_702 = tpu.memref_squeeze %dma_start3A_701 : memref<1x128xi32, #tpu.memory_space<vmem>> -> memref<128xi32, #tpu.memory_space<vmem>>
        %dma_start3A_703 = arith.constant 0 : i32
        %dma_start3A_704 = arith.constant 0 : i32
        %dma_start3A_705 = tpu.memref_slice %arg2[%dma_start3A_703, %dma_start3A_704] : memref<10112x128xf32, #tpu.memory_space<hbm>> -> memref<10112x128xf32, #tpu.memory_space<hbm>>
        tpu.enqueue_indirect_dma source(%dma_start3A_705 : memref<10112x128xf32, #tpu.memory_space<hbm>>) target(%dma_start3A_699 : memref<128x128xf32, #tpu.memory_space<vmem>>) offsets(%dma_start3A_702 : memref<128xi32, #tpu.memory_space<vmem>>) semaphore(%arg10 : memref<!tpu.dma_semaphore, #tpu.memory_space<semaphore_mem>>)
      } else {
      }
      %dma_wait3A_527 = arith.constant 1 : i32
      %dma_wait3A_528 = arith.constant 0 : i32
      %dma_wait3A_529 = arith.constant 0 : i32
      %dma_wait3A_530 = tpu.memref_slice %arg8[%dma_wait3A_527, %dma_wait3A_528, %dma_wait3A_529] : memref<2x128x128xf32, #tpu.memory_space<vmem>> -> memref<1x128x128xf32, #tpu.memory_space<vmem>>
      %dma_wait3A_531 = tpu.memref_squeeze %dma_wait3A_530 : memref<1x128x128xf32, #tpu.memory_space<vmem>> -> memref<128x128xf32, #tpu.memory_space<vmem>>
      %dma_wait3A_532 = arith.constant 0 : i32
      %dma_wait3A_533 = tpu.memref_slice %arg6[%add3A_500, %dma_wait3A_532] : memref<80x128xi32, #tpu.memory_space<vmem>> -> memref<1x128xi32, #tpu.memory_space<vmem>>
      %dma_wait3A_534 = tpu.memref_squeeze %dma_wait3A_533 : memref<1x128xi32, #tpu.memory_space<vmem>> -> memref<128xi32, #tpu.memory_space<vmem>>
      %dma_wait3A_535 = arith.constant 0 : i32
      %dma_wait3A_536 = arith.constant 0 : i32
      %dma_wait3A_537 = tpu.memref_slice %arg2[%dma_wait3A_535, %dma_wait3A_536] : memref<10112x128xf32, #tpu.memory_space<hbm>> -> memref<10112x128xf32, #tpu.memory_space<hbm>>
      tpu.wait_indirect_dma semaphore(%arg11 : memref<!tpu.dma_semaphore, #tpu.memory_space<semaphore_mem>>) src(%dma_wait3A_537 : memref<10112x128xf32, #tpu.memory_space<hbm>>) dst(%dma_wait3A_531 : memref<128x128xf32, #tpu.memory_space<vmem>>)
      %add3A_538 = arith.addi %mul3A_2, %add3A_500 : i32
      %mul3A_539 = arith.constant 128 : i32
      %mul3A_540 = arith.muli %add3A_538, %mul3A_539 : i32
      %dma_wait3A_541 = arith.constant 1 : i32
      %dma_wait3A_542 = arith.constant 0 : i32
      %dma_wait3A_543 = tpu.memref_slice %arg7[%dma_wait3A_541, %dma_wait3A_542] : memref<4x128xi32, #tpu.memory_space<vmem>> -> memref<1x128xi32, #tpu.memory_space<vmem>>
      %dma_wait3A_544 = tpu.memref_squeeze %dma_wait3A_543 : memref<1x128xi32, #tpu.memory_space<vmem>> -> memref<128xi32, #tpu.memory_space<vmem>>
      %dma_wait3A_545 = tpu.memref_slice %arg4[%mul3A_540] : memref<327680xi32, #tpu.memory_space<hbm>> -> memref<128xi32, #tpu.memory_space<hbm>>
      %dma_wait3A_546 = arith.constant 0 : i32
      %dma_wait3A_547 = tpu.memref_slice %arg7[%dma_wait3A_541, %dma_wait3A_546] : memref<4x128xi32, #tpu.memory_space<vmem>> -> memref<1x128xi32, #tpu.memory_space<vmem>>
      %dma_wait3A_548 = tpu.memref_squeeze %dma_wait3A_547 : memref<1x128xi32, #tpu.memory_space<vmem>> -> memref<128xi32, #tpu.memory_space<vmem>>
      %dma_wait3A_549 = tpu.memref_slice %arg4[%mul3A_540] : memref<327680xi32, #tpu.memory_space<hbm>> -> memref<128xi32, #tpu.memory_space<hbm>>
      tpu.wait_dma2 semaphore(%arg13 : memref<!tpu.dma_semaphore, #tpu.memory_space<semaphore_mem>>) src(%dma_wait3A_549 : memref<128xi32, #tpu.memory_space<hbm>>) dst(%dma_wait3A_548 : memref<128xi32, #tpu.memory_space<vmem>>)
      %dma_start3A_550 = arith.constant 1 : i32
      %dma_start3A_551 = arith.constant 1 : i32
      %dma_start3A_552 = arith.constant 0 : i32
      %dma_start3A_553 = arith.constant 0 : i32
      %dma_start3A_554 = tpu.memref_slice %arg8[%dma_start3A_550, %dma_start3A_552, %dma_start3A_553] : memref<2x128x128xf32, #tpu.memory_space<vmem>> -> memref<1x128x128xf32, #tpu.memory_space<vmem>>
      %dma_start3A_555 = tpu.memref_squeeze %dma_start3A_554 : memref<1x128x128xf32, #tpu.memory_space<vmem>> -> memref<128x128xf32, #tpu.memory_space<vmem>>
      %dma_start3A_556 = arith.constant 0 : i32
      %dma_start3A_557 = tpu.memref_slice %arg7[%dma_start3A_551, %dma_start3A_556] : memref<4x128xi32, #tpu.memory_space<vmem>> -> memref<1x128xi32, #tpu.memory_space<vmem>>
      %dma_start3A_558 = tpu.memref_squeeze %dma_start3A_557 : memref<1x128xi32, #tpu.memory_space<vmem>> -> memref<128xi32, #tpu.memory_space<vmem>>
      %dma_start3A_559 = arith.constant 0 : i32
      %dma_start3A_560 = arith.constant 0 : i32
      %dma_start3A_561 = tpu.memref_slice %arg9[%dma_start3A_559, %dma_start3A_560] : memref<10112x128xf32, #tpu.memory_space<vmem_shared>> -> memref<10112x128xf32, #tpu.memory_space<vmem_shared>>
      tpu.enqueue_indirect_dma source(%dma_start3A_555 : memref<128x128xf32, #tpu.memory_space<vmem>>) target(%dma_start3A_561 : memref<10112x128xf32, #tpu.memory_space<vmem_shared>>) offsets(%dma_start3A_558 : memref<128xi32, #tpu.memory_space<vmem>>) semaphore(%arg17 : memref<!tpu.dma_semaphore, #tpu.memory_space<semaphore_mem>>) {add = true}
      %mul3A_562 = arith.constant 4 : i32
      %mul3A_563 = arith.muli %scan3A_430, %mul3A_562 : i32
      %add3A_564 = arith.constant 2 : i32
      %add3A_565 = arith.addi %mul3A_563, %add3A_564 : i32
      %dma_wait3A_566 = arith.constant 1 : i32
      %dma_wait3A_567 = arith.constant 1 : i32
      %dma_wait3A_568 = arith.constant 0 : i32
      %dma_wait3A_569 = arith.constant 0 : i32
      %dma_wait3A_570 = tpu.memref_slice %arg8[%dma_wait3A_566, %dma_wait3A_568, %dma_wait3A_569] : memref<2x128x128xf32, #tpu.memory_space<vmem>> -> memref<1x128x128xf32, #tpu.memory_space<vmem>>
      %dma_wait3A_571 = tpu.memref_squeeze %dma_wait3A_570 : memref<1x128x128xf32, #tpu.memory_space<vmem>> -> memref<128x128xf32, #tpu.memory_space<vmem>>
      %dma_wait3A_572 = arith.constant 0 : i32
      %dma_wait3A_573 = tpu.memref_slice %arg7[%dma_wait3A_567, %dma_wait3A_572] : memref<4x128xi32, #tpu.memory_space<vmem>> -> memref<1x128xi32, #tpu.memory_space<vmem>>
      %dma_wait3A_574 = tpu.memref_squeeze %dma_wait3A_573 : memref<1x128xi32, #tpu.memory_space<vmem>> -> memref<128xi32, #tpu.memory_space<vmem>>
      %dma_wait3A_575 = arith.constant 0 : i32
      %dma_wait3A_576 = arith.constant 0 : i32
      %dma_wait3A_577 = tpu.memref_slice %arg9[%dma_wait3A_575, %dma_wait3A_576] : memref<10112x128xf32, #tpu.memory_space<vmem_shared>> -> memref<10112x128xf32, #tpu.memory_space<vmem_shared>>
      tpu.wait_indirect_dma semaphore(%arg17 : memref<!tpu.dma_semaphore, #tpu.memory_space<semaphore_mem>>) src(%dma_wait3A_571 : memref<128x128xf32, #tpu.memory_space<vmem>>) dst(%dma_wait3A_577 : memref<10112x128xf32, #tpu.memory_space<vmem_shared>>)
      %add3A_578 = arith.constant 3 : i32
      %add3A_579 = arith.addi %add3A_565, %add3A_578 : i32
      %lt3A_580 = arith.constant 80 : i32
      %lt3A_581 = arith.cmpi slt, %add3A_579, %lt3A_580 : i32
      %convert_element_type3A_582 = arith.extui %lt3A_581 : i1 to i32
      %cond3A_583 = arith.constant 0 : i32
      %cond3A_584 = arith.cmpi ne, %convert_element_type3A_582, %cond3A_583 : i32
      scf.if %cond3A_584 {
        %add3A_693 = arith.constant 3 : i32
        %add3A_694 = arith.addi %add3A_565, %add3A_693 : i32
        %add3A_695 = arith.addi %mul3A_2, %add3A_694 : i32
        %mul3A_696 = arith.constant 128 : i32
        %mul3A_697 = arith.muli %add3A_695, %mul3A_696 : i32
        %dma_start3A_698 = arith.constant 1 : i32
        %dma_start3A_699 = arith.constant 0 : i32
        %dma_start3A_700 = tpu.memref_slice %arg7[%dma_start3A_698, %dma_start3A_699] : memref<4x128xi32, #tpu.memory_space<vmem>> -> memref<1x128xi32, #tpu.memory_space<vmem>>
        %dma_start3A_701 = tpu.memref_squeeze %dma_start3A_700 : memref<1x128xi32, #tpu.memory_space<vmem>> -> memref<128xi32, #tpu.memory_space<vmem>>
        %dma_start3A_702 = tpu.memref_slice %arg4[%mul3A_697] : memref<327680xi32, #tpu.memory_space<hbm>> -> memref<128xi32, #tpu.memory_space<hbm>>
        %dma_start3A_703 = arith.constant 0 : i32
        %dma_start3A_704 = tpu.memref_slice %arg7[%dma_start3A_698, %dma_start3A_703] : memref<4x128xi32, #tpu.memory_space<vmem>> -> memref<1x128xi32, #tpu.memory_space<vmem>>
        %dma_start3A_705 = tpu.memref_squeeze %dma_start3A_704 : memref<1x128xi32, #tpu.memory_space<vmem>> -> memref<128xi32, #tpu.memory_space<vmem>>
        %dma_start3A_706 = tpu.memref_slice %arg4[%mul3A_697] : memref<327680xi32, #tpu.memory_space<hbm>> -> memref<128xi32, #tpu.memory_space<hbm>>
        tpu.enqueue_dma source(%dma_start3A_706 : memref<128xi32, #tpu.memory_space<hbm>>) target(%dma_start3A_705 : memref<128xi32, #tpu.memory_space<vmem>>) target_semaphore(%arg13 : memref<!tpu.dma_semaphore, #tpu.memory_space<semaphore_mem>>)
      } else {
      }
      %add3A_585 = arith.constant 1 : i32
      %add3A_586 = arith.addi %add3A_565, %add3A_585 : i32
      %lt3A_587 = arith.constant 80 : i32
      %lt3A_588 = arith.cmpi slt, %add3A_586, %lt3A_587 : i32
      %convert_element_type3A_589 = arith.extui %lt3A_588 : i1 to i32
      %cond3A_590 = arith.constant 0 : i32
      %cond3A_591 = arith.cmpi ne, %convert_element_type3A_589, %cond3A_590 : i32
      scf.if %cond3A_591 {
        %add3A_693 = arith.constant 1 : i32
        %add3A_694 = arith.addi %add3A_565, %add3A_693 : i32
        %dma_start3A_695 = arith.constant 1 : i32
        %dma_start3A_696 = arith.constant 0 : i32
        %dma_start3A_697 = arith.constant 0 : i32
        %dma_start3A_698 = tpu.memref_slice %arg8[%dma_start3A_695, %dma_start3A_696, %dma_start3A_697] : memref<2x128x128xf32, #tpu.memory_space<vmem>> -> memref<1x128x128xf32, #tpu.memory_space<vmem>>
        %dma_start3A_699 = tpu.memref_squeeze %dma_start3A_698 : memref<1x128x128xf32, #tpu.memory_space<vmem>> -> memref<128x128xf32, #tpu.memory_space<vmem>>
        %dma_start3A_700 = arith.constant 0 : i32
        %dma_start3A_701 = tpu.memref_slice %arg6[%add3A_694, %dma_start3A_700] : memref<80x128xi32, #tpu.memory_space<vmem>> -> memref<1x128xi32, #tpu.memory_space<vmem>>
        %dma_start3A_702 = tpu.memref_squeeze %dma_start3A_701 : memref<1x128xi32, #tpu.memory_space<vmem>> -> memref<128xi32, #tpu.memory_space<vmem>>
        %dma_start3A_703 = arith.constant 0 : i32
        %dma_start3A_704 = arith.constant 0 : i32
        %dma_start3A_705 = tpu.memref_slice %arg2[%dma_start3A_703, %dma_start3A_704] : memref<10112x128xf32, #tpu.memory_space<hbm>> -> memref<10112x128xf32, #tpu.memory_space<hbm>>
        tpu.enqueue_indirect_dma source(%dma_start3A_705 : memref<10112x128xf32, #tpu.memory_space<hbm>>) target(%dma_start3A_699 : memref<128x128xf32, #tpu.memory_space<vmem>>) offsets(%dma_start3A_702 : memref<128xi32, #tpu.memory_space<vmem>>) semaphore(%arg11 : memref<!tpu.dma_semaphore, #tpu.memory_space<semaphore_mem>>)
      } else {
      }
      %dma_wait3A_592 = arith.constant 0 : i32
      %dma_wait3A_593 = arith.constant 0 : i32
      %dma_wait3A_594 = arith.constant 0 : i32
      %dma_wait3A_595 = tpu.memref_slice %arg8[%dma_wait3A_592, %dma_wait3A_593, %dma_wait3A_594] : memref<2x128x128xf32, #tpu.memory_space<vmem>> -> memref<1x128x128xf32, #tpu.memory_space<vmem>>
      %dma_wait3A_596 = tpu.memref_squeeze %dma_wait3A_595 : memref<1x128x128xf32, #tpu.memory_space<vmem>> -> memref<128x128xf32, #tpu.memory_space<vmem>>
      %dma_wait3A_597 = arith.constant 0 : i32
      %dma_wait3A_598 = tpu.memref_slice %arg6[%add3A_565, %dma_wait3A_597] : memref<80x128xi32, #tpu.memory_space<vmem>> -> memref<1x128xi32, #tpu.memory_space<vmem>>
      %dma_wait3A_599 = tpu.memref_squeeze %dma_wait3A_598 : memref<1x128xi32, #tpu.memory_space<vmem>> -> memref<128xi32, #tpu.memory_space<vmem>>
      %dma_wait3A_600 = arith.constant 0 : i32
      %dma_wait3A_601 = arith.constant 0 : i32
      %dma_wait3A_602 = tpu.memref_slice %arg2[%dma_wait3A_600, %dma_wait3A_601] : memref<10112x128xf32, #tpu.memory_space<hbm>> -> memref<10112x128xf32, #tpu.memory_space<hbm>>
      tpu.wait_indirect_dma semaphore(%arg10 : memref<!tpu.dma_semaphore, #tpu.memory_space<semaphore_mem>>) src(%dma_wait3A_602 : memref<10112x128xf32, #tpu.memory_space<hbm>>) dst(%dma_wait3A_596 : memref<128x128xf32, #tpu.memory_space<vmem>>)
      %add3A_603 = arith.addi %mul3A_2, %add3A_565 : i32
      %mul3A_604 = arith.constant 128 : i32
      %mul3A_605 = arith.muli %add3A_603, %mul3A_604 : i32
      %dma_wait3A_606 = arith.constant 2 : i32
      %dma_wait3A_607 = arith.constant 0 : i32
      %dma_wait3A_608 = tpu.memref_slice %arg7[%dma_wait3A_606, %dma_wait3A_607] : memref<4x128xi32, #tpu.memory_space<vmem>> -> memref<1x128xi32, #tpu.memory_space<vmem>>
      %dma_wait3A_609 = tpu.memref_squeeze %dma_wait3A_608 : memref<1x128xi32, #tpu.memory_space<vmem>> -> memref<128xi32, #tpu.memory_space<vmem>>
      %dma_wait3A_610 = tpu.memref_slice %arg4[%mul3A_605] : memref<327680xi32, #tpu.memory_space<hbm>> -> memref<128xi32, #tpu.memory_space<hbm>>
      %dma_wait3A_611 = arith.constant 0 : i32
      %dma_wait3A_612 = tpu.memref_slice %arg7[%dma_wait3A_606, %dma_wait3A_611] : memref<4x128xi32, #tpu.memory_space<vmem>> -> memref<1x128xi32, #tpu.memory_space<vmem>>
      %dma_wait3A_613 = tpu.memref_squeeze %dma_wait3A_612 : memref<1x128xi32, #tpu.memory_space<vmem>> -> memref<128xi32, #tpu.memory_space<vmem>>
      %dma_wait3A_614 = tpu.memref_slice %arg4[%mul3A_605] : memref<327680xi32, #tpu.memory_space<hbm>> -> memref<128xi32, #tpu.memory_space<hbm>>
      tpu.wait_dma2 semaphore(%arg14 : memref<!tpu.dma_semaphore, #tpu.memory_space<semaphore_mem>>) src(%dma_wait3A_614 : memref<128xi32, #tpu.memory_space<hbm>>) dst(%dma_wait3A_613 : memref<128xi32, #tpu.memory_space<vmem>>)
      %dma_start3A_615 = arith.constant 0 : i32
      %dma_start3A_616 = arith.constant 2 : i32
      %dma_start3A_617 = arith.constant 0 : i32
      %dma_start3A_618 = arith.constant 0 : i32
      %dma_start3A_619 = tpu.memref_slice %arg8[%dma_start3A_615, %dma_start3A_617, %dma_start3A_618] : memref<2x128x128xf32, #tpu.memory_space<vmem>> -> memref<1x128x128xf32, #tpu.memory_space<vmem>>
      %dma_start3A_620 = tpu.memref_squeeze %dma_start3A_619 : memref<1x128x128xf32, #tpu.memory_space<vmem>> -> memref<128x128xf32, #tpu.memory_space<vmem>>
      %dma_start3A_621 = arith.constant 0 : i32
      %dma_start3A_622 = tpu.memref_slice %arg7[%dma_start3A_616, %dma_start3A_621] : memref<4x128xi32, #tpu.memory_space<vmem>> -> memref<1x128xi32, #tpu.memory_space<vmem>>
      %dma_start3A_623 = tpu.memref_squeeze %dma_start3A_622 : memref<1x128xi32, #tpu.memory_space<vmem>> -> memref<128xi32, #tpu.memory_space<vmem>>
      %dma_start3A_624 = arith.constant 0 : i32
      %dma_start3A_625 = arith.constant 0 : i32
      %dma_start3A_626 = tpu.memref_slice %arg9[%dma_start3A_624, %dma_start3A_625] : memref<10112x128xf32, #tpu.memory_space<vmem_shared>> -> memref<10112x128xf32, #tpu.memory_space<vmem_shared>>
      tpu.enqueue_indirect_dma source(%dma_start3A_620 : memref<128x128xf32, #tpu.memory_space<vmem>>) target(%dma_start3A_626 : memref<10112x128xf32, #tpu.memory_space<vmem_shared>>) offsets(%dma_start3A_623 : memref<128xi32, #tpu.memory_space<vmem>>) semaphore(%arg16 : memref<!tpu.dma_semaphore, #tpu.memory_space<semaphore_mem>>) {add = true}
      %mul3A_627 = arith.constant 4 : i32
      %mul3A_628 = arith.muli %scan3A_430, %mul3A_627 : i32
      %add3A_629 = arith.constant 3 : i32
      %add3A_630 = arith.addi %mul3A_628, %add3A_629 : i32
      %dma_wait3A_631 = arith.constant 0 : i32
      %dma_wait3A_632 = arith.constant 2 : i32
      %dma_wait3A_633 = arith.constant 0 : i32
      %dma_wait3A_634 = arith.constant 0 : i32
      %dma_wait3A_635 = tpu.memref_slice %arg8[%dma_wait3A_631, %dma_wait3A_633, %dma_wait3A_634] : memref<2x128x128xf32, #tpu.memory_space<vmem>> -> memref<1x128x128xf32, #tpu.memory_space<vmem>>
      %dma_wait3A_636 = tpu.memref_squeeze %dma_wait3A_635 : memref<1x128x128xf32, #tpu.memory_space<vmem>> -> memref<128x128xf32, #tpu.memory_space<vmem>>
      %dma_wait3A_637 = arith.constant 0 : i32
      %dma_wait3A_638 = tpu.memref_slice %arg7[%dma_wait3A_632, %dma_wait3A_637] : memref<4x128xi32, #tpu.memory_space<vmem>> -> memref<1x128xi32, #tpu.memory_space<vmem>>
      %dma_wait3A_639 = tpu.memref_squeeze %dma_wait3A_638 : memref<1x128xi32, #tpu.memory_space<vmem>> -> memref<128xi32, #tpu.memory_space<vmem>>
      %dma_wait3A_640 = arith.constant 0 : i32
      %dma_wait3A_641 = arith.constant 0 : i32
      %dma_wait3A_642 = tpu.memref_slice %arg9[%dma_wait3A_640, %dma_wait3A_641] : memref<10112x128xf32, #tpu.memory_space<vmem_shared>> -> memref<10112x128xf32, #tpu.memory_space<vmem_shared>>
      tpu.wait_indirect_dma semaphore(%arg16 : memref<!tpu.dma_semaphore, #tpu.memory_space<semaphore_mem>>) src(%dma_wait3A_636 : memref<128x128xf32, #tpu.memory_space<vmem>>) dst(%dma_wait3A_642 : memref<10112x128xf32, #tpu.memory_space<vmem_shared>>)
      %add3A_643 = arith.constant 3 : i32
      %add3A_644 = arith.addi %add3A_630, %add3A_643 : i32
      %lt3A_645 = arith.constant 80 : i32
      %lt3A_646 = arith.cmpi slt, %add3A_644, %lt3A_645 : i32
      %convert_element_type3A_647 = arith.extui %lt3A_646 : i1 to i32
      %cond3A_648 = arith.constant 0 : i32
      %cond3A_649 = arith.cmpi ne, %convert_element_type3A_647, %cond3A_648 : i32
      scf.if %cond3A_649 {
        %add3A_693 = arith.constant 3 : i32
        %add3A_694 = arith.addi %add3A_630, %add3A_693 : i32
        %add3A_695 = arith.addi %mul3A_2, %add3A_694 : i32
        %mul3A_696 = arith.constant 128 : i32
        %mul3A_697 = arith.muli %add3A_695, %mul3A_696 : i32
        %dma_start3A_698 = arith.constant 2 : i32
        %dma_start3A_699 = arith.constant 0 : i32
        %dma_start3A_700 = tpu.memref_slice %arg7[%dma_start3A_698, %dma_start3A_699] : memref<4x128xi32, #tpu.memory_space<vmem>> -> memref<1x128xi32, #tpu.memory_space<vmem>>
        %dma_start3A_701 = tpu.memref_squeeze %dma_start3A_700 : memref<1x128xi32, #tpu.memory_space<vmem>> -> memref<128xi32, #tpu.memory_space<vmem>>
        %dma_start3A_702 = tpu.memref_slice %arg4[%mul3A_697] : memref<327680xi32, #tpu.memory_space<hbm>> -> memref<128xi32, #tpu.memory_space<hbm>>
        %dma_start3A_703 = arith.constant 0 : i32
        %dma_start3A_704 = tpu.memref_slice %arg7[%dma_start3A_698, %dma_start3A_703] : memref<4x128xi32, #tpu.memory_space<vmem>> -> memref<1x128xi32, #tpu.memory_space<vmem>>
        %dma_start3A_705 = tpu.memref_squeeze %dma_start3A_704 : memref<1x128xi32, #tpu.memory_space<vmem>> -> memref<128xi32, #tpu.memory_space<vmem>>
        %dma_start3A_706 = tpu.memref_slice %arg4[%mul3A_697] : memref<327680xi32, #tpu.memory_space<hbm>> -> memref<128xi32, #tpu.memory_space<hbm>>
        tpu.enqueue_dma source(%dma_start3A_706 : memref<128xi32, #tpu.memory_space<hbm>>) target(%dma_start3A_705 : memref<128xi32, #tpu.memory_space<vmem>>) target_semaphore(%arg14 : memref<!tpu.dma_semaphore, #tpu.memory_space<semaphore_mem>>)
      } else {
      }
      %add3A_650 = arith.constant 1 : i32
      %add3A_651 = arith.addi %add3A_630, %add3A_650 : i32
      %lt3A_652 = arith.constant 80 : i32
      %lt3A_653 = arith.cmpi slt, %add3A_651, %lt3A_652 : i32
      %convert_element_type3A_654 = arith.extui %lt3A_653 : i1 to i32
      %cond3A_655 = arith.constant 0 : i32
      %cond3A_656 = arith.cmpi ne, %convert_element_type3A_654, %cond3A_655 : i32
      scf.if %cond3A_656 {
        %add3A_693 = arith.constant 1 : i32
        %add3A_694 = arith.addi %add3A_630, %add3A_693 : i32
        %dma_start3A_695 = arith.constant 0 : i32
        %dma_start3A_696 = arith.constant 0 : i32
        %dma_start3A_697 = arith.constant 0 : i32
        %dma_start3A_698 = tpu.memref_slice %arg8[%dma_start3A_695, %dma_start3A_696, %dma_start3A_697] : memref<2x128x128xf32, #tpu.memory_space<vmem>> -> memref<1x128x128xf32, #tpu.memory_space<vmem>>
        %dma_start3A_699 = tpu.memref_squeeze %dma_start3A_698 : memref<1x128x128xf32, #tpu.memory_space<vmem>> -> memref<128x128xf32, #tpu.memory_space<vmem>>
        %dma_start3A_700 = arith.constant 0 : i32
        %dma_start3A_701 = tpu.memref_slice %arg6[%add3A_694, %dma_start3A_700] : memref<80x128xi32, #tpu.memory_space<vmem>> -> memref<1x128xi32, #tpu.memory_space<vmem>>
        %dma_start3A_702 = tpu.memref_squeeze %dma_start3A_701 : memref<1x128xi32, #tpu.memory_space<vmem>> -> memref<128xi32, #tpu.memory_space<vmem>>
        %dma_start3A_703 = arith.constant 0 : i32
        %dma_start3A_704 = arith.constant 0 : i32
        %dma_start3A_705 = tpu.memref_slice %arg2[%dma_start3A_703, %dma_start3A_704] : memref<10112x128xf32, #tpu.memory_space<hbm>> -> memref<10112x128xf32, #tpu.memory_space<hbm>>
        tpu.enqueue_indirect_dma source(%dma_start3A_705 : memref<10112x128xf32, #tpu.memory_space<hbm>>) target(%dma_start3A_699 : memref<128x128xf32, #tpu.memory_space<vmem>>) offsets(%dma_start3A_702 : memref<128xi32, #tpu.memory_space<vmem>>) semaphore(%arg10 : memref<!tpu.dma_semaphore, #tpu.memory_space<semaphore_mem>>)
      } else {
      }
      %dma_wait3A_657 = arith.constant 1 : i32
      %dma_wait3A_658 = arith.constant 0 : i32
      %dma_wait3A_659 = arith.constant 0 : i32
      %dma_wait3A_660 = tpu.memref_slice %arg8[%dma_wait3A_657, %dma_wait3A_658, %dma_wait3A_659] : memref<2x128x128xf32, #tpu.memory_space<vmem>> -> memref<1x128x128xf32, #tpu.memory_space<vmem>>
      %dma_wait3A_661 = tpu.memref_squeeze %dma_wait3A_660 : memref<1x128x128xf32, #tpu.memory_space<vmem>> -> memref<128x128xf32, #tpu.memory_space<vmem>>
      %dma_wait3A_662 = arith.constant 0 : i32
      %dma_wait3A_663 = tpu.memref_slice %arg6[%add3A_630, %dma_wait3A_662] : memref<80x128xi32, #tpu.memory_space<vmem>> -> memref<1x128xi32, #tpu.memory_space<vmem>>
      %dma_wait3A_664 = tpu.memref_squeeze %dma_wait3A_663 : memref<1x128xi32, #tpu.memory_space<vmem>> -> memref<128xi32, #tpu.memory_space<vmem>>
      %dma_wait3A_665 = arith.constant 0 : i32
      %dma_wait3A_666 = arith.constant 0 : i32
      %dma_wait3A_667 = tpu.memref_slice %arg2[%dma_wait3A_665, %dma_wait3A_666] : memref<10112x128xf32, #tpu.memory_space<hbm>> -> memref<10112x128xf32, #tpu.memory_space<hbm>>
      tpu.wait_indirect_dma semaphore(%arg11 : memref<!tpu.dma_semaphore, #tpu.memory_space<semaphore_mem>>) src(%dma_wait3A_667 : memref<10112x128xf32, #tpu.memory_space<hbm>>) dst(%dma_wait3A_661 : memref<128x128xf32, #tpu.memory_space<vmem>>)
      %add3A_668 = arith.addi %mul3A_2, %add3A_630 : i32
      %mul3A_669 = arith.constant 128 : i32
      %mul3A_670 = arith.muli %add3A_668, %mul3A_669 : i32
      %dma_wait3A_671 = arith.constant 3 : i32
      %dma_wait3A_672 = arith.constant 0 : i32
      %dma_wait3A_673 = tpu.memref_slice %arg7[%dma_wait3A_671, %dma_wait3A_672] : memref<4x128xi32, #tpu.memory_space<vmem>> -> memref<1x128xi32, #tpu.memory_space<vmem>>
      %dma_wait3A_674 = tpu.memref_squeeze %dma_wait3A_673 : memref<1x128xi32, #tpu.memory_space<vmem>> -> memref<128xi32, #tpu.memory_space<vmem>>
      %dma_wait3A_675 = tpu.memref_slice %arg4[%mul3A_670] : memref<327680xi32, #tpu.memory_space<hbm>> -> memref<128xi32, #tpu.memory_space<hbm>>
      %dma_wait3A_676 = arith.constant 0 : i32
      %dma_wait3A_677 = tpu.memref_slice %arg7[%dma_wait3A_671, %dma_wait3A_676] : memref<4x128xi32, #tpu.memory_space<vmem>> -> memref<1x128xi32, #tpu.memory_space<vmem>>
      %dma_wait3A_678 = tpu.memref_squeeze %dma_wait3A_677 : memref<1x128xi32, #tpu.memory_space<vmem>> -> memref<128xi32, #tpu.memory_space<vmem>>
      %dma_wait3A_679 = tpu.memref_slice %arg4[%mul3A_670] : memref<327680xi32, #tpu.memory_space<hbm>> -> memref<128xi32, #tpu.memory_space<hbm>>
      tpu.wait_dma2 semaphore(%arg15 : memref<!tpu.dma_semaphore, #tpu.memory_space<semaphore_mem>>) src(%dma_wait3A_679 : memref<128xi32, #tpu.memory_space<hbm>>) dst(%dma_wait3A_678 : memref<128xi32, #tpu.memory_space<vmem>>)
      %dma_start3A_680 = arith.constant 1 : i32
      %dma_start3A_681 = arith.constant 3 : i32
      %dma_start3A_682 = arith.constant 0 : i32
      %dma_start3A_683 = arith.constant 0 : i32
      %dma_start3A_684 = tpu.memref_slice %arg8[%dma_start3A_680, %dma_start3A_682, %dma_start3A_683] : memref<2x128x128xf32, #tpu.memory_space<vmem>> -> memref<1x128x128xf32, #tpu.memory_space<vmem>>
      %dma_start3A_685 = tpu.memref_squeeze %dma_start3A_684 : memref<1x128x128xf32, #tpu.memory_space<vmem>> -> memref<128x128xf32, #tpu.memory_space<vmem>>
      %dma_start3A_686 = arith.constant 0 : i32
      %dma_start3A_687 = tpu.memref_slice %arg7[%dma_start3A_681, %dma_start3A_686] : memref<4x128xi32, #tpu.memory_space<vmem>> -> memref<1x128xi32, #tpu.memory_space<vmem>>
      %dma_start3A_688 = tpu.memref_squeeze %dma_start3A_687 : memref<1x128xi32, #tpu.memory_space<vmem>> -> memref<128xi32, #tpu.memory_space<vmem>>
      %dma_start3A_689 = arith.constant 0 : i32
      %dma_start3A_690 = arith.constant 0 : i32
      %dma_start3A_691 = tpu.memref_slice %arg9[%dma_start3A_689, %dma_start3A_690] : memref<10112x128xf32, #tpu.memory_space<vmem_shared>> -> memref<10112x128xf32, #tpu.memory_space<vmem_shared>>
      tpu.enqueue_indirect_dma source(%dma_start3A_685 : memref<128x128xf32, #tpu.memory_space<vmem>>) target(%dma_start3A_691 : memref<10112x128xf32, #tpu.memory_space<vmem_shared>>) offsets(%dma_start3A_688 : memref<128xi32, #tpu.memory_space<vmem>>) semaphore(%arg17 : memref<!tpu.dma_semaphore, #tpu.memory_space<semaphore_mem>>) {add = true}
      %scan3A_692 = arith.constant 0 : i32
      scf.yield %scan3A_692 : i32
    }
    %scan3A_381 = arith.constant 19 : i32
    %dma_wait3A_382 = arith.constant 1 : i32
    %dma_wait3A_383 = arith.constant 3 : i32
    %dma_wait3A_384 = arith.constant 0 : i32
    %dma_wait3A_385 = arith.constant 0 : i32
    %dma_wait3A_386 = tpu.memref_slice %arg8[%dma_wait3A_382, %dma_wait3A_384, %dma_wait3A_385] : memref<2x128x128xf32, #tpu.memory_space<vmem>> -> memref<1x128x128xf32, #tpu.memory_space<vmem>>
    %dma_wait3A_387 = tpu.memref_squeeze %dma_wait3A_386 : memref<1x128x128xf32, #tpu.memory_space<vmem>> -> memref<128x128xf32, #tpu.memory_space<vmem>>
    %dma_wait3A_388 = arith.constant 0 : i32
    %dma_wait3A_389 = tpu.memref_slice %arg7[%dma_wait3A_383, %dma_wait3A_388] : memref<4x128xi32, #tpu.memory_space<vmem>> -> memref<1x128xi32, #tpu.memory_space<vmem>>
    %dma_wait3A_390 = tpu.memref_squeeze %dma_wait3A_389 : memref<1x128xi32, #tpu.memory_space<vmem>> -> memref<128xi32, #tpu.memory_space<vmem>>
    %dma_wait3A_391 = arith.constant 0 : i32
    %dma_wait3A_392 = arith.constant 0 : i32
    %dma_wait3A_393 = tpu.memref_slice %arg9[%dma_wait3A_391, %dma_wait3A_392] : memref<10112x128xf32, #tpu.memory_space<vmem_shared>> -> memref<10112x128xf32, #tpu.memory_space<vmem_shared>>
    tpu.wait_indirect_dma semaphore(%arg17 : memref<!tpu.dma_semaphore, #tpu.memory_space<semaphore_mem>>) src(%dma_wait3A_387 : memref<128x128xf32, #tpu.memory_space<vmem>>) dst(%dma_wait3A_393 : memref<10112x128xf32, #tpu.memory_space<vmem_shared>>)
    %barrier3A_394 = arith.constant 0 : index
    tpu.barrier barrier_id(%barrier3A_394)
    %add3A_395 = arith.constant 0 : i32
    %add3A_396 = arith.addi %arg1, %add3A_395 : i32
    %add3A_397 = arith.constant 16 : i32
    %add3A_398 = arith.addi %arg1, %add3A_397 : i32
    %add3A_399 = arith.constant 32 : i32
    %add3A_400 = arith.addi %arg1, %add3A_399 : i32
    %add3A_401 = arith.constant 48 : i32
    %add3A_402 = arith.addi %arg1, %add3A_401 : i32
    %add3A_403 = arith.constant 64 : i32
    %add3A_404 = arith.addi %arg1, %add3A_403 : i32
    %lt3A_405 = arith.constant 79 : i32
    %lt3A_406 = arith.cmpi slt, %add3A_396, %lt3A_405 : i32
    %convert_element_type3A_407 = arith.extui %lt3A_406 : i1 to i32
    %cond3A_408 = arith.constant 0 : i32
    %cond3A_409 = arith.cmpi ne, %convert_element_type3A_407, %cond3A_408 : i32
    scf.if %cond3A_409 {
      %mul3A_430 = arith.constant 128 : i32
      %mul3A_431 = arith.muli %add3A_396, %mul3A_430 : i32
      %mul3A_432 = arith.constant 128 : i32
      %mul3A_433 = arith.muli %add3A_396, %mul3A_432 : i32
      "tpu.region"() ({
        %run_scoped3A = tpu.sem_alloc : memref<!tpu.dma_semaphore, #tpu.memory_space<semaphore_mem>>
        %dma_start3A_434 = arith.constant 0 : i32
        %dma_start3A_435 = tpu.memref_slice %arg5[%arg0, %mul3A_433, %dma_start3A_434] : memref<2x10112x128xf32, #tpu.memory_space<hbm>> -> memref<1x128x128xf32, #tpu.memory_space<hbm>>
        %dma_start3A_436 = tpu.memref_squeeze %dma_start3A_435 : memref<1x128x128xf32, #tpu.memory_space<hbm>> -> memref<128x128xf32, #tpu.memory_space<hbm>>
        %dma_start3A_437 = arith.constant 0 : i32
        %dma_start3A_438 = tpu.memref_slice %arg9[%mul3A_431, %dma_start3A_437] : memref<10112x128xf32, #tpu.memory_space<vmem_shared>> -> memref<128x128xf32, #tpu.memory_space<vmem_shared>>
        tpu.enqueue_dma source(%dma_start3A_438 : memref<128x128xf32, #tpu.memory_space<vmem_shared>>) target(%dma_start3A_436 : memref<128x128xf32, #tpu.memory_space<hbm>>) target_semaphore(%run_scoped3A : memref<!tpu.dma_semaphore, #tpu.memory_space<semaphore_mem>>)
        %dma_wait3A_439 = arith.constant 0 : i32
        %dma_wait3A_440 = tpu.memref_slice %arg5[%arg0, %mul3A_433, %dma_wait3A_439] : memref<2x10112x128xf32, #tpu.memory_space<hbm>> -> memref<1x128x128xf32, #tpu.memory_space<hbm>>
        %dma_wait3A_441 = tpu.memref_squeeze %dma_wait3A_440 : memref<1x128x128xf32, #tpu.memory_space<hbm>> -> memref<128x128xf32, #tpu.memory_space<hbm>>
        %dma_wait3A_442 = arith.constant 0 : i32
        %dma_wait3A_443 = tpu.memref_slice %arg9[%mul3A_431, %dma_wait3A_442] : memref<10112x128xf32, #tpu.memory_space<vmem_shared>> -> memref<128x128xf32, #tpu.memory_space<vmem_shared>>
        tpu.wait_dma2 semaphore(%run_scoped3A : memref<!tpu.dma_semaphore, #tpu.memory_space<semaphore_mem>>) src(%dma_wait3A_443 : memref<128x128xf32, #tpu.memory_space<vmem_shared>>) dst(%dma_wait3A_441 : memref<128x128xf32, #tpu.memory_space<hbm>>)
        tpu.yield
      }) : () -> ()
    } else {
    }
    %lt3A_410 = arith.constant 79 : i32
    %lt3A_411 = arith.cmpi slt, %add3A_398, %lt3A_410 : i32
    %convert_element_type3A_412 = arith.extui %lt3A_411 : i1 to i32
    %cond3A_413 = arith.constant 0 : i32
    %cond3A_414 = arith.cmpi ne, %convert_element_type3A_412, %cond3A_413 : i32
    scf.if %cond3A_414 {
      %mul3A_430 = arith.constant 128 : i32
      %mul3A_431 = arith.muli %add3A_398, %mul3A_430 : i32
      %mul3A_432 = arith.constant 128 : i32
      %mul3A_433 = arith.muli %add3A_398, %mul3A_432 : i32
      "tpu.region"() ({
        %run_scoped3A = tpu.sem_alloc : memref<!tpu.dma_semaphore, #tpu.memory_space<semaphore_mem>>
        %dma_start3A_434 = arith.constant 0 : i32
        %dma_start3A_435 = tpu.memref_slice %arg5[%arg0, %mul3A_433, %dma_start3A_434] : memref<2x10112x128xf32, #tpu.memory_space<hbm>> -> memref<1x128x128xf32, #tpu.memory_space<hbm>>
        %dma_start3A_436 = tpu.memref_squeeze %dma_start3A_435 : memref<1x128x128xf32, #tpu.memory_space<hbm>> -> memref<128x128xf32, #tpu.memory_space<hbm>>
        %dma_start3A_437 = arith.constant 0 : i32
        %dma_start3A_438 = tpu.memref_slice %arg9[%mul3A_431, %dma_start3A_437] : memref<10112x128xf32, #tpu.memory_space<vmem_shared>> -> memref<128x128xf32, #tpu.memory_space<vmem_shared>>
        tpu.enqueue_dma source(%dma_start3A_438 : memref<128x128xf32, #tpu.memory_space<vmem_shared>>) target(%dma_start3A_436 : memref<128x128xf32, #tpu.memory_space<hbm>>) target_semaphore(%run_scoped3A : memref<!tpu.dma_semaphore, #tpu.memory_space<semaphore_mem>>)
        %dma_wait3A_439 = arith.constant 0 : i32
        %dma_wait3A_440 = tpu.memref_slice %arg5[%arg0, %mul3A_433, %dma_wait3A_439] : memref<2x10112x128xf32, #tpu.memory_space<hbm>> -> memref<1x128x128xf32, #tpu.memory_space<hbm>>
        %dma_wait3A_441 = tpu.memref_squeeze %dma_wait3A_440 : memref<1x128x128xf32, #tpu.memory_space<hbm>> -> memref<128x128xf32, #tpu.memory_space<hbm>>
        %dma_wait3A_442 = arith.constant 0 : i32
        %dma_wait3A_443 = tpu.memref_slice %arg9[%mul3A_431, %dma_wait3A_442] : memref<10112x128xf32, #tpu.memory_space<vmem_shared>> -> memref<128x128xf32, #tpu.memory_space<vmem_shared>>
        tpu.wait_dma2 semaphore(%run_scoped3A : memref<!tpu.dma_semaphore, #tpu.memory_space<semaphore_mem>>) src(%dma_wait3A_443 : memref<128x128xf32, #tpu.memory_space<vmem_shared>>) dst(%dma_wait3A_441 : memref<128x128xf32, #tpu.memory_space<hbm>>)
        tpu.yield
      }) : () -> ()
    } else {
    }
    %lt3A_415 = arith.constant 79 : i32
    %lt3A_416 = arith.cmpi slt, %add3A_400, %lt3A_415 : i32
    %convert_element_type3A_417 = arith.extui %lt3A_416 : i1 to i32
    %cond3A_418 = arith.constant 0 : i32
    %cond3A_419 = arith.cmpi ne, %convert_element_type3A_417, %cond3A_418 : i32
    scf.if %cond3A_419 {
      %mul3A_430 = arith.constant 128 : i32
      %mul3A_431 = arith.muli %add3A_400, %mul3A_430 : i32
      %mul3A_432 = arith.constant 128 : i32
      %mul3A_433 = arith.muli %add3A_400, %mul3A_432 : i32
      "tpu.region"() ({
        %run_scoped3A = tpu.sem_alloc : memref<!tpu.dma_semaphore, #tpu.memory_space<semaphore_mem>>
        %dma_start3A_434 = arith.constant 0 : i32
        %dma_start3A_435 = tpu.memref_slice %arg5[%arg0, %mul3A_433, %dma_start3A_434] : memref<2x10112x128xf32, #tpu.memory_space<hbm>> -> memref<1x128x128xf32, #tpu.memory_space<hbm>>
        %dma_start3A_436 = tpu.memref_squeeze %dma_start3A_435 : memref<1x128x128xf32, #tpu.memory_space<hbm>> -> memref<128x128xf32, #tpu.memory_space<hbm>>
        %dma_start3A_437 = arith.constant 0 : i32
        %dma_start3A_438 = tpu.memref_slice %arg9[%mul3A_431, %dma_start3A_437] : memref<10112x128xf32, #tpu.memory_space<vmem_shared>> -> memref<128x128xf32, #tpu.memory_space<vmem_shared>>
        tpu.enqueue_dma source(%dma_start3A_438 : memref<128x128xf32, #tpu.memory_space<vmem_shared>>) target(%dma_start3A_436 : memref<128x128xf32, #tpu.memory_space<hbm>>) target_semaphore(%run_scoped3A : memref<!tpu.dma_semaphore, #tpu.memory_space<semaphore_mem>>)
        %dma_wait3A_439 = arith.constant 0 : i32
        %dma_wait3A_440 = tpu.memref_slice %arg5[%arg0, %mul3A_433, %dma_wait3A_439] : memref<2x10112x128xf32, #tpu.memory_space<hbm>> -> memref<1x128x128xf32, #tpu.memory_space<hbm>>
        %dma_wait3A_441 = tpu.memref_squeeze %dma_wait3A_440 : memref<1x128x128xf32, #tpu.memory_space<hbm>> -> memref<128x128xf32, #tpu.memory_space<hbm>>
        %dma_wait3A_442 = arith.constant 0 : i32
        %dma_wait3A_443 = tpu.memref_slice %arg9[%mul3A_431, %dma_wait3A_442] : memref<10112x128xf32, #tpu.memory_space<vmem_shared>> -> memref<128x128xf32, #tpu.memory_space<vmem_shared>>
        tpu.wait_dma2 semaphore(%run_scoped3A : memref<!tpu.dma_semaphore, #tpu.memory_space<semaphore_mem>>) src(%dma_wait3A_443 : memref<128x128xf32, #tpu.memory_space<vmem_shared>>) dst(%dma_wait3A_441 : memref<128x128xf32, #tpu.memory_space<hbm>>)
        tpu.yield
      }) : () -> ()
    } else {
    }
    %lt3A_420 = arith.constant 79 : i32
    %lt3A_421 = arith.cmpi slt, %add3A_402, %lt3A_420 : i32
    %convert_element_type3A_422 = arith.extui %lt3A_421 : i1 to i32
    %cond3A_423 = arith.constant 0 : i32
    %cond3A_424 = arith.cmpi ne, %convert_element_type3A_422, %cond3A_423 : i32
    scf.if %cond3A_424 {
      %mul3A_430 = arith.constant 128 : i32
      %mul3A_431 = arith.muli %add3A_402, %mul3A_430 : i32
      %mul3A_432 = arith.constant 128 : i32
      %mul3A_433 = arith.muli %add3A_402, %mul3A_432 : i32
      "tpu.region"() ({
        %run_scoped3A = tpu.sem_alloc : memref<!tpu.dma_semaphore, #tpu.memory_space<semaphore_mem>>
        %dma_start3A_434 = arith.constant 0 : i32
        %dma_start3A_435 = tpu.memref_slice %arg5[%arg0, %mul3A_433, %dma_start3A_434] : memref<2x10112x128xf32, #tpu.memory_space<hbm>> -> memref<1x128x128xf32, #tpu.memory_space<hbm>>
        %dma_start3A_436 = tpu.memref_squeeze %dma_start3A_435 : memref<1x128x128xf32, #tpu.memory_space<hbm>> -> memref<128x128xf32, #tpu.memory_space<hbm>>
        %dma_start3A_437 = arith.constant 0 : i32
        %dma_start3A_438 = tpu.memref_slice %arg9[%mul3A_431, %dma_start3A_437] : memref<10112x128xf32, #tpu.memory_space<vmem_shared>> -> memref<128x128xf32, #tpu.memory_space<vmem_shared>>
        tpu.enqueue_dma source(%dma_start3A_438 : memref<128x128xf32, #tpu.memory_space<vmem_shared>>) target(%dma_start3A_436 : memref<128x128xf32, #tpu.memory_space<hbm>>) target_semaphore(%run_scoped3A : memref<!tpu.dma_semaphore, #tpu.memory_space<semaphore_mem>>)
        %dma_wait3A_439 = arith.constant 0 : i32
        %dma_wait3A_440 = tpu.memref_slice %arg5[%arg0, %mul3A_433, %dma_wait3A_439] : memref<2x10112x128xf32, #tpu.memory_space<hbm>> -> memref<1x128x128xf32, #tpu.memory_space<hbm>>
        %dma_wait3A_441 = tpu.memref_squeeze %dma_wait3A_440 : memref<1x128x128xf32, #tpu.memory_space<hbm>> -> memref<128x128xf32, #tpu.memory_space<hbm>>
        %dma_wait3A_442 = arith.constant 0 : i32
        %dma_wait3A_443 = tpu.memref_slice %arg9[%mul3A_431, %dma_wait3A_442] : memref<10112x128xf32, #tpu.memory_space<vmem_shared>> -> memref<128x128xf32, #tpu.memory_space<vmem_shared>>
        tpu.wait_dma2 semaphore(%run_scoped3A : memref<!tpu.dma_semaphore, #tpu.memory_space<semaphore_mem>>) src(%dma_wait3A_443 : memref<128x128xf32, #tpu.memory_space<vmem_shared>>) dst(%dma_wait3A_441 : memref<128x128xf32, #tpu.memory_space<hbm>>)
        tpu.yield
      }) : () -> ()
    } else {
    }
    %lt3A_425 = arith.constant 79 : i32
    %lt3A_426 = arith.cmpi slt, %add3A_404, %lt3A_425 : i32
    %convert_element_type3A_427 = arith.extui %lt3A_426 : i1 to i32
    %cond3A_428 = arith.constant 0 : i32
    %cond3A_429 = arith.cmpi ne, %convert_element_type3A_427, %cond3A_428 : i32
    scf.if %cond3A_429 {
      %mul3A_430 = arith.constant 128 : i32
      %mul3A_431 = arith.muli %add3A_404, %mul3A_430 : i32
      %mul3A_432 = arith.constant 128 : i32
      %mul3A_433 = arith.muli %add3A_404, %mul3A_432 : i32
      "tpu.region"() ({
        %run_scoped3A = tpu.sem_alloc : memref<!tpu.dma_semaphore, #tpu.memory_space<semaphore_mem>>
        %dma_start3A_434 = arith.constant 0 : i32
        %dma_start3A_435 = tpu.memref_slice %arg5[%arg0, %mul3A_433, %dma_start3A_434] : memref<2x10112x128xf32, #tpu.memory_space<hbm>> -> memref<1x128x128xf32, #tpu.memory_space<hbm>>
        %dma_start3A_436 = tpu.memref_squeeze %dma_start3A_435 : memref<1x128x128xf32, #tpu.memory_space<hbm>> -> memref<128x128xf32, #tpu.memory_space<hbm>>
        %dma_start3A_437 = arith.constant 0 : i32
        %dma_start3A_438 = tpu.memref_slice %arg9[%mul3A_431, %dma_start3A_437] : memref<10112x128xf32, #tpu.memory_space<vmem_shared>> -> memref<128x128xf32, #tpu.memory_space<vmem_shared>>
        tpu.enqueue_dma source(%dma_start3A_438 : memref<128x128xf32, #tpu.memory_space<vmem_shared>>) target(%dma_start3A_436 : memref<128x128xf32, #tpu.memory_space<hbm>>) target_semaphore(%run_scoped3A : memref<!tpu.dma_semaphore, #tpu.memory_space<semaphore_mem>>)
        %dma_wait3A_439 = arith.constant 0 : i32
        %dma_wait3A_440 = tpu.memref_slice %arg5[%arg0, %mul3A_433, %dma_wait3A_439] : memref<2x10112x128xf32, #tpu.memory_space<hbm>> -> memref<1x128x128xf32, #tpu.memory_space<hbm>>
        %dma_wait3A_441 = tpu.memref_squeeze %dma_wait3A_440 : memref<1x128x128xf32, #tpu.memory_space<hbm>> -> memref<128x128xf32, #tpu.memory_space<hbm>>
        %dma_wait3A_442 = arith.constant 0 : i32
        %dma_wait3A_443 = tpu.memref_slice %arg9[%mul3A_431, %dma_wait3A_442] : memref<10112x128xf32, #tpu.memory_space<vmem_shared>> -> memref<128x128xf32, #tpu.memory_space<vmem_shared>>
        tpu.wait_dma2 semaphore(%run_scoped3A : memref<!tpu.dma_semaphore, #tpu.memory_space<semaphore_mem>>) src(%dma_wait3A_443 : memref<128x128xf32, #tpu.memory_space<vmem_shared>>) dst(%dma_wait3A_441 : memref<128x128xf32, #tpu.memory_space<hbm>>)
        tpu.yield
      }) : () -> ()
    } else {
    }
    return
  }
}

#map = affine_map<(d0, d1) -> (0)>
#map1 = affine_map<(d0, d1) -> (0, 0)>
#map2 = affine_map<(d0, d1) -> (0, 0, 0)>
module attributes {stable_mosaic.version = 14 : i64} {
  func.func @k(%arg0: i32, %arg1: i32, %arg2: memref<327680xi32, #tpu.memory_space<hbm>>, %arg3: memref<128x128xf32, #tpu.memory_space<hbm>>, %arg4: memref<2x10112x128xf32, #tpu.memory_space<hbm>>, %arg5: memref<4x128xi32, #tpu.memory_space<vmem>>, %arg6: memref<128x128xf32, #tpu.memory_space<vmem>>, %arg7: memref<10112x128xf32, #tpu.memory_space<vmem_shared>>, %arg8: memref<!tpu.dma_semaphore, #tpu.memory_space<semaphore_mem>>, %arg9: memref<!tpu.dma_semaphore, #tpu.memory_space<semaphore_mem>>, %arg10: memref<!tpu.dma_semaphore, #tpu.memory_space<semaphore_mem>>, %arg11: memref<!tpu.dma_semaphore, #tpu.memory_space<semaphore_mem>>) attributes {dimension_semantics = [#tpu.dimension_semantics<core_parallel>, #tpu.dimension_semantics<subcore_parallel>], iteration_bounds = array<i64: 2, 16>, scalar_prefetch = 0 : i64, scratch_operands = 7 : i64, tpu.core_type = #tpu.core_type<sc_vector_subcore>, window_params = [{transform_indices = #map}, {transform_indices = #map1}, {transform_indices = #map2}]} {
    %mul3A = arith.constant 16 : i32
    %mul3A_0 = arith.muli %arg0, %mul3A : i32
    %add3A = arith.addi %mul3A_0, %arg1 : i32
    %mul3A_1 = arith.constant 80 : i32
    %mul3A_2 = arith.muli %add3A, %mul3A_1 : i32
    %scan3A = arith.constant 0 : i32
    %scan3A_3 = arith.constant 0 : i32
    %scan3A_4 = arith.constant 1024 : i32
    %scan3A_5 = arith.addi %scan3A_3, %scan3A_4 : i32
    %scan3A_6 = arith.constant 1 : i32
    %scan3A_7 = scf.for %scan3A_135 = %scan3A_3 to %scan3A_5 step %scan3A_6 iter_args(%scan3A_136 = %scan3A) -> (i32)  : i32 {
      %jit3A = arith.constant 8 : i32
      %div3A = arith.divsi %scan3A_135, %jit3A : i32
      %sign3A = arith.constant 0 : i32
      %sign3A_137 = arith.cmpi sgt, %scan3A_135, %sign3A : i32
      %sign3A_138 = arith.extui %sign3A_137 : i1 to i32
      %sign3A_139 = arith.constant 0 : i32
      %sign3A_140 = arith.cmpi slt, %scan3A_135, %sign3A_139 : i32
      %sign3A_141 = arith.extui %sign3A_140 : i1 to i32
      %sign3A_142 = arith.subi %sign3A_138, %sign3A_141 : i32
      %sign3A_143 = arith.constant 0 : i32
      %sign3A_144 = arith.cmpi sgt, %jit3A, %sign3A_143 : i32
      %sign3A_145 = arith.extui %sign3A_144 : i1 to i32
      %sign3A_146 = arith.constant 0 : i32
      %sign3A_147 = arith.cmpi slt, %jit3A, %sign3A_146 : i32
      %sign3A_148 = arith.extui %sign3A_147 : i1 to i32
      %sign3A_149 = arith.subi %sign3A_145, %sign3A_148 : i32
      %ne3A = arith.cmpi ne, %sign3A_142, %sign3A_149 : i32
      %rem3A = arith.remsi %scan3A_135, %jit3A : i32
      %ne3A_150 = arith.constant 0 : i32
      %ne3A_151 = arith.cmpi ne, %rem3A, %ne3A_150 : i32
      %and3A = arith.andi %ne3A, %ne3A_151 : i1
      %sub3A = arith.constant 1 : i32
      %sub3A_152 = arith.subi %div3A, %sub3A : i32
      %select_n3A = arith.select %and3A, %sub3A_152, %div3A : i32
      %jit3A_153 = arith.constant 8 : i32
      %eq3A = arith.constant 0 : i32
      %eq3A_154 = arith.cmpi eq, %jit3A_153, %eq3A : i32
      %jit3A_155 = arith.constant 1 : i32
      %select_n3A_156 = arith.select %eq3A_154, %jit3A_155, %jit3A_153 : i32
      %rem3A_157 = arith.remsi %scan3A_135, %select_n3A_156 : i32
      %ne3A_158 = arith.constant 0 : i32
      %ne3A_159 = arith.cmpi ne, %rem3A_157, %ne3A_158 : i32
      %lt3A_160 = arith.constant 0 : i32
      %lt3A_161 = arith.cmpi slt, %rem3A_157, %lt3A_160 : i32
      %lt3A_162 = arith.constant 0 : i32
      %lt3A_163 = arith.cmpi slt, %select_n3A_156, %lt3A_162 : i32
      %ne3A_164 = arith.xori %lt3A_161, %lt3A_163 : i1
      %and3A_165 = arith.andi %ne3A_164, %ne3A_159 : i1
      %add3A_166 = arith.addi %rem3A_157, %select_n3A_156 : i32
      %select_n3A_167 = arith.select %and3A_165, %add3A_166, %rem3A_157 : i32
      %mul3A_168 = arith.constant 16 : i32
      %mul3A_169 = arith.muli %select_n3A_167, %mul3A_168 : i32
      %broadcast_in_dim3A = arith.constant 0.000000e+00 : f32
      %broadcast_in_dim3A_170 = vector.broadcast %broadcast_in_dim3A : f32 to vector<16xf32>
      %swap3A = arith.index_cast %select_n3A : i32 to index
      %swap3A_171 = arith.index_cast %mul3A_169 : i32 to index
      %swap3A_172 = tpu.vector_load %arg6[%swap3A, %swap3A_171] {strides = array<i32>} : memref<128x128xf32, #tpu.memory_space<vmem>>, vector<1x16xf32>,
      %swap3A_173 = vector.shape_cast %swap3A_172 : vector<1x16xf32> to vector<16xf32>
      %swap3A_174 = vector.shape_cast %broadcast_in_dim3A_170 : vector<16xf32> to vector<1x16xf32>
      tpu.vector_store %arg6[%swap3A, %swap3A_171], %swap3A_174 {strides = array<i32>} : memref<128x128xf32, #tpu.memory_space<vmem>>, vector<1x16xf32>,
      %scan3A_175 = arith.constant 0 : i32
      scf.yield %scan3A_175 : i32
    }
    %scan3A_8 = arith.constant 1024 : i32
    %add3A_9 = arith.constant 0 : i32
    %add3A_10 = arith.addi %arg1, %add3A_9 : i32
    %add3A_11 = arith.constant 16 : i32
    %add3A_12 = arith.addi %arg1, %add3A_11 : i32
    %add3A_13 = arith.constant 32 : i32
    %add3A_14 = arith.addi %arg1, %add3A_13 : i32
    %add3A_15 = arith.constant 48 : i32
    %add3A_16 = arith.addi %arg1, %add3A_15 : i32
    %add3A_17 = arith.constant 64 : i32
    %add3A_18 = arith.addi %arg1, %add3A_17 : i32
    %lt3A = arith.constant 79 : i32
    %lt3A_19 = arith.cmpi slt, %add3A_10, %lt3A : i32
    %convert_element_type3A = arith.extui %lt3A_19 : i1 to i32
    %cond3A = arith.constant 0 : i32
    %cond3A_20 = arith.cmpi ne, %convert_element_type3A, %cond3A : i32
    scf.if %cond3A_20 {
      %mul3A_135 = arith.constant 128 : i32
      %mul3A_136 = arith.muli %add3A_10, %mul3A_135 : i32
      "tpu.region"() ({
        %run_scoped3A = tpu.sem_alloc : memref<!tpu.dma_semaphore, #tpu.memory_space<semaphore_mem>>
        %dma_start3A_137 = arith.constant 0 : i32
        %dma_start3A_138 = tpu.memref_slice %arg7[%mul3A_136, %dma_start3A_137] : memref<10112x128xf32, #tpu.memory_space<vmem_shared>> -> memref<128x128xf32, #tpu.memory_space<vmem_shared>>
        %dma_start3A_139 = arith.constant 0 : i32
        %dma_start3A_140 = tpu.memref_slice %arg7[%mul3A_136, %dma_start3A_139] : memref<10112x128xf32, #tpu.memory_space<vmem_shared>> -> memref<128x128xf32, #tpu.memory_space<vmem_shared>>
        tpu.enqueue_dma source(%arg6 : memref<128x128xf32, #tpu.memory_space<vmem>>) target(%dma_start3A_140 : memref<128x128xf32, #tpu.memory_space<vmem_shared>>) target_semaphore(%run_scoped3A : memref<!tpu.dma_semaphore, #tpu.memory_space<semaphore_mem>>)
        %dma_wait3A = arith.constant 0 : i32
        %dma_wait3A_141 = tpu.memref_slice %arg7[%mul3A_136, %dma_wait3A] : memref<10112x128xf32, #tpu.memory_space<vmem_shared>> -> memref<128x128xf32, #tpu.memory_space<vmem_shared>>
        %dma_wait3A_142 = arith.constant 0 : i32
        %dma_wait3A_143 = tpu.memref_slice %arg7[%mul3A_136, %dma_wait3A_142] : memref<10112x128xf32, #tpu.memory_space<vmem_shared>> -> memref<128x128xf32, #tpu.memory_space<vmem_shared>>
        tpu.wait_dma2 semaphore(%run_scoped3A : memref<!tpu.dma_semaphore, #tpu.memory_space<semaphore_mem>>) src(%arg6 : memref<128x128xf32, #tpu.memory_space<vmem>>) dst(%dma_wait3A_143 : memref<128x128xf32, #tpu.memory_space<vmem_shared>>)
        tpu.yield
      }) : () -> ()
    } else {
    }
    %lt3A_21 = arith.constant 79 : i32
    %lt3A_22 = arith.cmpi slt, %add3A_12, %lt3A_21 : i32
    %convert_element_type3A_23 = arith.extui %lt3A_22 : i1 to i32
    %cond3A_24 = arith.constant 0 : i32
    %cond3A_25 = arith.cmpi ne, %convert_element_type3A_23, %cond3A_24 : i32
    scf.if %cond3A_25 {
      %mul3A_135 = arith.constant 128 : i32
      %mul3A_136 = arith.muli %add3A_12, %mul3A_135 : i32
      "tpu.region"() ({
        %run_scoped3A = tpu.sem_alloc : memref<!tpu.dma_semaphore, #tpu.memory_space<semaphore_mem>>
        %dma_start3A_137 = arith.constant 0 : i32
        %dma_start3A_138 = tpu.memref_slice %arg7[%mul3A_136, %dma_start3A_137] : memref<10112x128xf32, #tpu.memory_space<vmem_shared>> -> memref<128x128xf32, #tpu.memory_space<vmem_shared>>
        %dma_start3A_139 = arith.constant 0 : i32
        %dma_start3A_140 = tpu.memref_slice %arg7[%mul3A_136, %dma_start3A_139] : memref<10112x128xf32, #tpu.memory_space<vmem_shared>> -> memref<128x128xf32, #tpu.memory_space<vmem_shared>>
        tpu.enqueue_dma source(%arg6 : memref<128x128xf32, #tpu.memory_space<vmem>>) target(%dma_start3A_140 : memref<128x128xf32, #tpu.memory_space<vmem_shared>>) target_semaphore(%run_scoped3A : memref<!tpu.dma_semaphore, #tpu.memory_space<semaphore_mem>>)
        %dma_wait3A = arith.constant 0 : i32
        %dma_wait3A_141 = tpu.memref_slice %arg7[%mul3A_136, %dma_wait3A] : memref<10112x128xf32, #tpu.memory_space<vmem_shared>> -> memref<128x128xf32, #tpu.memory_space<vmem_shared>>
        %dma_wait3A_142 = arith.constant 0 : i32
        %dma_wait3A_143 = tpu.memref_slice %arg7[%mul3A_136, %dma_wait3A_142] : memref<10112x128xf32, #tpu.memory_space<vmem_shared>> -> memref<128x128xf32, #tpu.memory_space<vmem_shared>>
        tpu.wait_dma2 semaphore(%run_scoped3A : memref<!tpu.dma_semaphore, #tpu.memory_space<semaphore_mem>>) src(%arg6 : memref<128x128xf32, #tpu.memory_space<vmem>>) dst(%dma_wait3A_143 : memref<128x128xf32, #tpu.memory_space<vmem_shared>>)
        tpu.yield
      }) : () -> ()
    } else {
    }
    %lt3A_26 = arith.constant 79 : i32
    %lt3A_27 = arith.cmpi slt, %add3A_14, %lt3A_26 : i32
    %convert_element_type3A_28 = arith.extui %lt3A_27 : i1 to i32
    %cond3A_29 = arith.constant 0 : i32
    %cond3A_30 = arith.cmpi ne, %convert_element_type3A_28, %cond3A_29 : i32
    scf.if %cond3A_30 {
      %mul3A_135 = arith.constant 128 : i32
      %mul3A_136 = arith.muli %add3A_14, %mul3A_135 : i32
      "tpu.region"() ({
        %run_scoped3A = tpu.sem_alloc : memref<!tpu.dma_semaphore, #tpu.memory_space<semaphore_mem>>
        %dma_start3A_137 = arith.constant 0 : i32
        %dma_start3A_138 = tpu.memref_slice %arg7[%mul3A_136, %dma_start3A_137] : memref<10112x128xf32, #tpu.memory_space<vmem_shared>> -> memref<128x128xf32, #tpu.memory_space<vmem_shared>>
        %dma_start3A_139 = arith.constant 0 : i32
        %dma_start3A_140 = tpu.memref_slice %arg7[%mul3A_136, %dma_start3A_139] : memref<10112x128xf32, #tpu.memory_space<vmem_shared>> -> memref<128x128xf32, #tpu.memory_space<vmem_shared>>
        tpu.enqueue_dma source(%arg6 : memref<128x128xf32, #tpu.memory_space<vmem>>) target(%dma_start3A_140 : memref<128x128xf32, #tpu.memory_space<vmem_shared>>) target_semaphore(%run_scoped3A : memref<!tpu.dma_semaphore, #tpu.memory_space<semaphore_mem>>)
        %dma_wait3A = arith.constant 0 : i32
        %dma_wait3A_141 = tpu.memref_slice %arg7[%mul3A_136, %dma_wait3A] : memref<10112x128xf32, #tpu.memory_space<vmem_shared>> -> memref<128x128xf32, #tpu.memory_space<vmem_shared>>
        %dma_wait3A_142 = arith.constant 0 : i32
        %dma_wait3A_143 = tpu.memref_slice %arg7[%mul3A_136, %dma_wait3A_142] : memref<10112x128xf32, #tpu.memory_space<vmem_shared>> -> memref<128x128xf32, #tpu.memory_space<vmem_shared>>
        tpu.wait_dma2 semaphore(%run_scoped3A : memref<!tpu.dma_semaphore, #tpu.memory_space<semaphore_mem>>) src(%arg6 : memref<128x128xf32, #tpu.memory_space<vmem>>) dst(%dma_wait3A_143 : memref<128x128xf32, #tpu.memory_space<vmem_shared>>)
        tpu.yield
      }) : () -> ()
    } else {
    }
    %lt3A_31 = arith.constant 79 : i32
    %lt3A_32 = arith.cmpi slt, %add3A_16, %lt3A_31 : i32
    %convert_element_type3A_33 = arith.extui %lt3A_32 : i1 to i32
    %cond3A_34 = arith.constant 0 : i32
    %cond3A_35 = arith.cmpi ne, %convert_element_type3A_33, %cond3A_34 : i32
    scf.if %cond3A_35 {
      %mul3A_135 = arith.constant 128 : i32
      %mul3A_136 = arith.muli %add3A_16, %mul3A_135 : i32
      "tpu.region"() ({
        %run_scoped3A = tpu.sem_alloc : memref<!tpu.dma_semaphore, #tpu.memory_space<semaphore_mem>>
        %dma_start3A_137 = arith.constant 0 : i32
        %dma_start3A_138 = tpu.memref_slice %arg7[%mul3A_136, %dma_start3A_137] : memref<10112x128xf32, #tpu.memory_space<vmem_shared>> -> memref<128x128xf32, #tpu.memory_space<vmem_shared>>
        %dma_start3A_139 = arith.constant 0 : i32
        %dma_start3A_140 = tpu.memref_slice %arg7[%mul3A_136, %dma_start3A_139] : memref<10112x128xf32, #tpu.memory_space<vmem_shared>> -> memref<128x128xf32, #tpu.memory_space<vmem_shared>>
        tpu.enqueue_dma source(%arg6 : memref<128x128xf32, #tpu.memory_space<vmem>>) target(%dma_start3A_140 : memref<128x128xf32, #tpu.memory_space<vmem_shared>>) target_semaphore(%run_scoped3A : memref<!tpu.dma_semaphore, #tpu.memory_space<semaphore_mem>>)
        %dma_wait3A = arith.constant 0 : i32
        %dma_wait3A_141 = tpu.memref_slice %arg7[%mul3A_136, %dma_wait3A] : memref<10112x128xf32, #tpu.memory_space<vmem_shared>> -> memref<128x128xf32, #tpu.memory_space<vmem_shared>>
        %dma_wait3A_142 = arith.constant 0 : i32
        %dma_wait3A_143 = tpu.memref_slice %arg7[%mul3A_136, %dma_wait3A_142] : memref<10112x128xf32, #tpu.memory_space<vmem_shared>> -> memref<128x128xf32, #tpu.memory_space<vmem_shared>>
        tpu.wait_dma2 semaphore(%run_scoped3A : memref<!tpu.dma_semaphore, #tpu.memory_space<semaphore_mem>>) src(%arg6 : memref<128x128xf32, #tpu.memory_space<vmem>>) dst(%dma_wait3A_143 : memref<128x128xf32, #tpu.memory_space<vmem_shared>>)
        tpu.yield
      }) : () -> ()
    } else {
    }
    %lt3A_36 = arith.constant 79 : i32
    %lt3A_37 = arith.cmpi slt, %add3A_18, %lt3A_36 : i32
    %convert_element_type3A_38 = arith.extui %lt3A_37 : i1 to i32
    %cond3A_39 = arith.constant 0 : i32
    %cond3A_40 = arith.cmpi ne, %convert_element_type3A_38, %cond3A_39 : i32
    scf.if %cond3A_40 {
      %mul3A_135 = arith.constant 128 : i32
      %mul3A_136 = arith.muli %add3A_18, %mul3A_135 : i32
      "tpu.region"() ({
        %run_scoped3A = tpu.sem_alloc : memref<!tpu.dma_semaphore, #tpu.memory_space<semaphore_mem>>
        %dma_start3A_137 = arith.constant 0 : i32
        %dma_start3A_138 = tpu.memref_slice %arg7[%mul3A_136, %dma_start3A_137] : memref<10112x128xf32, #tpu.memory_space<vmem_shared>> -> memref<128x128xf32, #tpu.memory_space<vmem_shared>>
        %dma_start3A_139 = arith.constant 0 : i32
        %dma_start3A_140 = tpu.memref_slice %arg7[%mul3A_136, %dma_start3A_139] : memref<10112x128xf32, #tpu.memory_space<vmem_shared>> -> memref<128x128xf32, #tpu.memory_space<vmem_shared>>
        tpu.enqueue_dma source(%arg6 : memref<128x128xf32, #tpu.memory_space<vmem>>) target(%dma_start3A_140 : memref<128x128xf32, #tpu.memory_space<vmem_shared>>) target_semaphore(%run_scoped3A : memref<!tpu.dma_semaphore, #tpu.memory_space<semaphore_mem>>)
        %dma_wait3A = arith.constant 0 : i32
        %dma_wait3A_141 = tpu.memref_slice %arg7[%mul3A_136, %dma_wait3A] : memref<10112x128xf32, #tpu.memory_space<vmem_shared>> -> memref<128x128xf32, #tpu.memory_space<vmem_shared>>
        %dma_wait3A_142 = arith.constant 0 : i32
        %dma_wait3A_143 = tpu.memref_slice %arg7[%mul3A_136, %dma_wait3A_142] : memref<10112x128xf32, #tpu.memory_space<vmem_shared>> -> memref<128x128xf32, #tpu.memory_space<vmem_shared>>
        tpu.wait_dma2 semaphore(%run_scoped3A : memref<!tpu.dma_semaphore, #tpu.memory_space<semaphore_mem>>) src(%arg6 : memref<128x128xf32, #tpu.memory_space<vmem>>) dst(%dma_wait3A_143 : memref<128x128xf32, #tpu.memory_space<vmem_shared>>)
        tpu.yield
      }) : () -> ()
    } else {
    }
    %barrier3A = arith.constant 0 : index
    tpu.barrier barrier_id(%barrier3A)
    "tpu.region"() ({
      %run_scoped3A = tpu.sem_alloc : memref<!tpu.dma_semaphore, #tpu.memory_space<semaphore_mem>>
      tpu.enqueue_dma source(%arg3 : memref<128x128xf32, #tpu.memory_space<hbm>>) target(%arg6 : memref<128x128xf32, #tpu.memory_space<vmem>>) target_semaphore(%run_scoped3A : memref<!tpu.dma_semaphore, #tpu.memory_space<semaphore_mem>>)
      tpu.wait_dma2 semaphore(%run_scoped3A : memref<!tpu.dma_semaphore, #tpu.memory_space<semaphore_mem>>) src(%arg3 : memref<128x128xf32, #tpu.memory_space<hbm>>) dst(%arg6 : memref<128x128xf32, #tpu.memory_space<vmem>>)
      tpu.yield
    }) : () -> ()
    %add3A_41 = arith.constant 0 : i32
    %add3A_42 = arith.addi %mul3A_2, %add3A_41 : i32
    %mul3A_43 = arith.constant 128 : i32
    %mul3A_44 = arith.muli %add3A_42, %mul3A_43 : i32
    %dma_start3A = arith.constant 0 : i32
    %dma_start3A_45 = arith.constant 0 : i32
    %dma_start3A_46 = tpu.memref_slice %arg5[%dma_start3A, %dma_start3A_45] : memref<4x128xi32, #tpu.memory_space<vmem>> -> memref<1x128xi32, #tpu.memory_space<vmem>>
    %dma_start3A_47 = tpu.memref_squeeze %dma_start3A_46 : memref<1x128xi32, #tpu.memory_space<vmem>> -> memref<128xi32, #tpu.memory_space<vmem>>
    %dma_start3A_48 = tpu.memref_slice %arg2[%mul3A_44] : memref<327680xi32, #tpu.memory_space<hbm>> -> memref<128xi32, #tpu.memory_space<hbm>>
    %dma_start3A_49 = arith.constant 0 : i32
    %dma_start3A_50 = tpu.memref_slice %arg5[%dma_start3A, %dma_start3A_49] : memref<4x128xi32, #tpu.memory_space<vmem>> -> memref<1x128xi32, #tpu.memory_space<vmem>>
    %dma_start3A_51 = tpu.memref_squeeze %dma_start3A_50 : memref<1x128xi32, #tpu.memory_space<vmem>> -> memref<128xi32, #tpu.memory_space<vmem>>
    %dma_start3A_52 = tpu.memref_slice %arg2[%mul3A_44] : memref<327680xi32, #tpu.memory_space<hbm>> -> memref<128xi32, #tpu.memory_space<hbm>>
    tpu.enqueue_dma source(%dma_start3A_52 : memref<128xi32, #tpu.memory_space<hbm>>) target(%dma_start3A_51 : memref<128xi32, #tpu.memory_space<vmem>>) target_semaphore(%arg8 : memref<!tpu.dma_semaphore, #tpu.memory_space<semaphore_mem>>)
    %add3A_53 = arith.constant 1 : i32
    %add3A_54 = arith.addi %mul3A_2, %add3A_53 : i32
    %mul3A_55 = arith.constant 128 : i32
    %mul3A_56 = arith.muli %add3A_54, %mul3A_55 : i32
    %dma_start3A_57 = arith.constant 1 : i32
    %dma_start3A_58 = arith.constant 0 : i32
    %dma_start3A_59 = tpu.memref_slice %arg5[%dma_start3A_57, %dma_start3A_58] : memref<4x128xi32, #tpu.memory_space<vmem>> -> memref<1x128xi32, #tpu.memory_space<vmem>>
    %dma_start3A_60 = tpu.memref_squeeze %dma_start3A_59 : memref<1x128xi32, #tpu.memory_space<vmem>> -> memref<128xi32, #tpu.memory_space<vmem>>
    %dma_start3A_61 = tpu.memref_slice %arg2[%mul3A_56] : memref<327680xi32, #tpu.memory_space<hbm>> -> memref<128xi32, #tpu.memory_space<hbm>>
    %dma_start3A_62 = arith.constant 0 : i32
    %dma_start3A_63 = tpu.memref_slice %arg5[%dma_start3A_57, %dma_start3A_62] : memref<4x128xi32, #tpu.memory_space<vmem>> -> memref<1x128xi32, #tpu.memory_space<vmem>>
    %dma_start3A_64 = tpu.memref_squeeze %dma_start3A_63 : memref<1x128xi32, #tpu.memory_space<vmem>> -> memref<128xi32, #tpu.memory_space<vmem>>
    %dma_start3A_65 = tpu.memref_slice %arg2[%mul3A_56] : memref<327680xi32, #tpu.memory_space<hbm>> -> memref<128xi32, #tpu.memory_space<hbm>>
    tpu.enqueue_dma source(%dma_start3A_65 : memref<128xi32, #tpu.memory_space<hbm>>) target(%dma_start3A_64 : memref<128xi32, #tpu.memory_space<vmem>>) target_semaphore(%arg9 : memref<!tpu.dma_semaphore, #tpu.memory_space<semaphore_mem>>)
    %add3A_66 = arith.constant 2 : i32
    %add3A_67 = arith.addi %mul3A_2, %add3A_66 : i32
    %mul3A_68 = arith.constant 128 : i32
    %mul3A_69 = arith.muli %add3A_67, %mul3A_68 : i32
    %dma_start3A_70 = arith.constant 2 : i32
    %dma_start3A_71 = arith.constant 0 : i32
    %dma_start3A_72 = tpu.memref_slice %arg5[%dma_start3A_70, %dma_start3A_71] : memref<4x128xi32, #tpu.memory_space<vmem>> -> memref<1x128xi32, #tpu.memory_space<vmem>>
    %dma_start3A_73 = tpu.memref_squeeze %dma_start3A_72 : memref<1x128xi32, #tpu.memory_space<vmem>> -> memref<128xi32, #tpu.memory_space<vmem>>
    %dma_start3A_74 = tpu.memref_slice %arg2[%mul3A_69] : memref<327680xi32, #tpu.memory_space<hbm>> -> memref<128xi32, #tpu.memory_space<hbm>>
    %dma_start3A_75 = arith.constant 0 : i32
    %dma_start3A_76 = tpu.memref_slice %arg5[%dma_start3A_70, %dma_start3A_75] : memref<4x128xi32, #tpu.memory_space<vmem>> -> memref<1x128xi32, #tpu.memory_space<vmem>>
    %dma_start3A_77 = tpu.memref_squeeze %dma_start3A_76 : memref<1x128xi32, #tpu.memory_space<vmem>> -> memref<128xi32, #tpu.memory_space<vmem>>
    %dma_start3A_78 = tpu.memref_slice %arg2[%mul3A_69] : memref<327680xi32, #tpu.memory_space<hbm>> -> memref<128xi32, #tpu.memory_space<hbm>>
    tpu.enqueue_dma source(%dma_start3A_78 : memref<128xi32, #tpu.memory_space<hbm>>) target(%dma_start3A_77 : memref<128xi32, #tpu.memory_space<vmem>>) target_semaphore(%arg10 : memref<!tpu.dma_semaphore, #tpu.memory_space<semaphore_mem>>)
    %add3A_79 = arith.constant 3 : i32
    %add3A_80 = arith.addi %mul3A_2, %add3A_79 : i32
    %mul3A_81 = arith.constant 128 : i32
    %mul3A_82 = arith.muli %add3A_80, %mul3A_81 : i32
    %dma_start3A_83 = arith.constant 3 : i32
    %dma_start3A_84 = arith.constant 0 : i32
    %dma_start3A_85 = tpu.memref_slice %arg5[%dma_start3A_83, %dma_start3A_84] : memref<4x128xi32, #tpu.memory_space<vmem>> -> memref<1x128xi32, #tpu.memory_space<vmem>>
    %dma_start3A_86 = tpu.memref_squeeze %dma_start3A_85 : memref<1x128xi32, #tpu.memory_space<vmem>> -> memref<128xi32, #tpu.memory_space<vmem>>
    %dma_start3A_87 = tpu.memref_slice %arg2[%mul3A_82] : memref<327680xi32, #tpu.memory_space<hbm>> -> memref<128xi32, #tpu.memory_space<hbm>>
    %dma_start3A_88 = arith.constant 0 : i32
    %dma_start3A_89 = tpu.memref_slice %arg5[%dma_start3A_83, %dma_start3A_88] : memref<4x128xi32, #tpu.memory_space<vmem>> -> memref<1x128xi32, #tpu.memory_space<vmem>>
    %dma_start3A_90 = tpu.memref_squeeze %dma_start3A_89 : memref<1x128xi32, #tpu.memory_space<vmem>> -> memref<128xi32, #tpu.memory_space<vmem>>
    %dma_start3A_91 = tpu.memref_slice %arg2[%mul3A_82] : memref<327680xi32, #tpu.memory_space<hbm>> -> memref<128xi32, #tpu.memory_space<hbm>>
    tpu.enqueue_dma source(%dma_start3A_91 : memref<128xi32, #tpu.memory_space<hbm>>) target(%dma_start3A_90 : memref<128xi32, #tpu.memory_space<vmem>>) target_semaphore(%arg11 : memref<!tpu.dma_semaphore, #tpu.memory_space<semaphore_mem>>)
    %scan3A_92 = arith.constant 0 : i32
    %scan3A_93 = arith.constant 0 : i32
    %scan3A_94 = arith.constant 20 : i32
    %scan3A_95 = arith.addi %scan3A_93, %scan3A_94 : i32
    %scan3A_96 = arith.constant 1 : i32
    %scan3A_97 = scf.for %scan3A_135 = %scan3A_93 to %scan3A_95 step %scan3A_96 iter_args(%scan3A_136 = %scan3A_92) -> (i32)  : i32 {
      %mul3A_137 = arith.constant 4 : i32
      %mul3A_138 = arith.muli %scan3A_135, %mul3A_137 : i32
      %add3A_139 = arith.constant 0 : i32
      %add3A_140 = arith.addi %mul3A_138, %add3A_139 : i32
      %add3A_141 = arith.addi %mul3A_2, %add3A_140 : i32
      %mul3A_142 = arith.constant 128 : i32
      %mul3A_143 = arith.muli %add3A_141, %mul3A_142 : i32
      %dma_wait3A = arith.constant 0 : i32
      %dma_wait3A_144 = arith.constant 0 : i32
      %dma_wait3A_145 = tpu.memref_slice %arg5[%dma_wait3A, %dma_wait3A_144] : memref<4x128xi32, #tpu.memory_space<vmem>> -> memref<1x128xi32, #tpu.memory_space<vmem>>
      %dma_wait3A_146 = tpu.memref_squeeze %dma_wait3A_145 : memref<1x128xi32, #tpu.memory_space<vmem>> -> memref<128xi32, #tpu.memory_space<vmem>>
      %dma_wait3A_147 = tpu.memref_slice %arg2[%mul3A_143] : memref<327680xi32, #tpu.memory_space<hbm>> -> memref<128xi32, #tpu.memory_space<hbm>>
      %dma_wait3A_148 = arith.constant 0 : i32
      %dma_wait3A_149 = tpu.memref_slice %arg5[%dma_wait3A, %dma_wait3A_148] : memref<4x128xi32, #tpu.memory_space<vmem>> -> memref<1x128xi32, #tpu.memory_space<vmem>>
      %dma_wait3A_150 = tpu.memref_squeeze %dma_wait3A_149 : memref<1x128xi32, #tpu.memory_space<vmem>> -> memref<128xi32, #tpu.memory_space<vmem>>
      %dma_wait3A_151 = tpu.memref_slice %arg2[%mul3A_143] : memref<327680xi32, #tpu.memory_space<hbm>> -> memref<128xi32, #tpu.memory_space<hbm>>
      tpu.wait_dma2 semaphore(%arg8 : memref<!tpu.dma_semaphore, #tpu.memory_space<semaphore_mem>>) src(%dma_wait3A_151 : memref<128xi32, #tpu.memory_space<hbm>>) dst(%dma_wait3A_150 : memref<128xi32, #tpu.memory_space<vmem>>)
      %run_scoped3A = arith.constant 0 : i32
      "tpu.region"() ({
        %run_scoped3A_232 = tpu.sem_alloc : memref<!tpu.dma_semaphore, #tpu.memory_space<semaphore_mem>>
        %dma_start3A_233 = arith.constant 0 : i32
        %dma_start3A_234 = tpu.memref_slice %arg5[%run_scoped3A, %dma_start3A_233] : memref<4x128xi32, #tpu.memory_space<vmem>> -> memref<1x128xi32, #tpu.memory_space<vmem>>
        %dma_start3A_235 = tpu.memref_squeeze %dma_start3A_234 : memref<1x128xi32, #tpu.memory_space<vmem>> -> memref<128xi32, #tpu.memory_space<vmem>>
        %dma_start3A_236 = arith.constant 0 : i32
        %dma_start3A_237 = arith.constant 0 : i32
        %dma_start3A_238 = tpu.memref_slice %arg7[%dma_start3A_236, %dma_start3A_237] : memref<10112x128xf32, #tpu.memory_space<vmem_shared>> -> memref<10112x128xf32, #tpu.memory_space<vmem_shared>>
        tpu.enqueue_indirect_dma source(%arg6 : memref<128x128xf32, #tpu.memory_space<vmem>>) target(%dma_start3A_238 : memref<10112x128xf32, #tpu.memory_space<vmem_shared>>) offsets(%dma_start3A_235 : memref<128xi32, #tpu.memory_space<vmem>>) semaphore(%run_scoped3A_232 : memref<!tpu.dma_semaphore, #tpu.memory_space<semaphore_mem>>) {add = true}
        %dma_wait3A_239 = arith.constant 0 : i32
        %dma_wait3A_240 = tpu.memref_slice %arg5[%run_scoped3A, %dma_wait3A_239] : memref<4x128xi32, #tpu.memory_space<vmem>> -> memref<1x128xi32, #tpu.memory_space<vmem>>
        %dma_wait3A_241 = tpu.memref_squeeze %dma_wait3A_240 : memref<1x128xi32, #tpu.memory_space<vmem>> -> memref<128xi32, #tpu.memory_space<vmem>>
        %dma_wait3A_242 = arith.constant 0 : i32
        %dma_wait3A_243 = arith.constant 0 : i32
        %dma_wait3A_244 = tpu.memref_slice %arg7[%dma_wait3A_242, %dma_wait3A_243] : memref<10112x128xf32, #tpu.memory_space<vmem_shared>> -> memref<10112x128xf32, #tpu.memory_space<vmem_shared>>
        tpu.wait_indirect_dma semaphore(%run_scoped3A_232 : memref<!tpu.dma_semaphore, #tpu.memory_space<semaphore_mem>>) src(%arg6 : memref<128x128xf32, #tpu.memory_space<vmem>>) dst(%dma_wait3A_244 : memref<10112x128xf32, #tpu.memory_space<vmem_shared>>)
        tpu.yield
      }) : () -> ()
      %add3A_152 = arith.constant 4 : i32
      %add3A_153 = arith.addi %add3A_140, %add3A_152 : i32
      %lt3A_154 = arith.constant 80 : i32
      %lt3A_155 = arith.cmpi slt, %add3A_153, %lt3A_154 : i32
      %convert_element_type3A_156 = arith.extui %lt3A_155 : i1 to i32
      %cond3A_157 = arith.constant 0 : i32
      %cond3A_158 = arith.cmpi ne, %convert_element_type3A_156, %cond3A_157 : i32
      scf.if %cond3A_158 {
        %add3A_232 = arith.constant 4 : i32
        %add3A_233 = arith.addi %add3A_140, %add3A_232 : i32
        %add3A_234 = arith.addi %mul3A_2, %add3A_233 : i32
        %mul3A_235 = arith.constant 128 : i32
        %mul3A_236 = arith.muli %add3A_234, %mul3A_235 : i32
        %dma_start3A_237 = arith.constant 0 : i32
        %dma_start3A_238 = arith.constant 0 : i32
        %dma_start3A_239 = tpu.memref_slice %arg5[%dma_start3A_237, %dma_start3A_238] : memref<4x128xi32, #tpu.memory_space<vmem>> -> memref<1x128xi32, #tpu.memory_space<vmem>>
        %dma_start3A_240 = tpu.memref_squeeze %dma_start3A_239 : memref<1x128xi32, #tpu.memory_space<vmem>> -> memref<128xi32, #tpu.memory_space<vmem>>
        %dma_start3A_241 = tpu.memref_slice %arg2[%mul3A_236] : memref<327680xi32, #tpu.memory_space<hbm>> -> memref<128xi32, #tpu.memory_space<hbm>>
        %dma_start3A_242 = arith.constant 0 : i32
        %dma_start3A_243 = tpu.memref_slice %arg5[%dma_start3A_237, %dma_start3A_242] : memref<4x128xi32, #tpu.memory_space<vmem>> -> memref<1x128xi32, #tpu.memory_space<vmem>>
        %dma_start3A_244 = tpu.memref_squeeze %dma_start3A_243 : memref<1x128xi32, #tpu.memory_space<vmem>> -> memref<128xi32, #tpu.memory_space<vmem>>
        %dma_start3A_245 = tpu.memref_slice %arg2[%mul3A_236] : memref<327680xi32, #tpu.memory_space<hbm>> -> memref<128xi32, #tpu.memory_space<hbm>>
        tpu.enqueue_dma source(%dma_start3A_245 : memref<128xi32, #tpu.memory_space<hbm>>) target(%dma_start3A_244 : memref<128xi32, #tpu.memory_space<vmem>>) target_semaphore(%arg8 : memref<!tpu.dma_semaphore, #tpu.memory_space<semaphore_mem>>)
      } else {
      }
      %mul3A_159 = arith.constant 4 : i32
      %mul3A_160 = arith.muli %scan3A_135, %mul3A_159 : i32
      %add3A_161 = arith.constant 1 : i32
      %add3A_162 = arith.addi %mul3A_160, %add3A_161 : i32
      %add3A_163 = arith.addi %mul3A_2, %add3A_162 : i32
      %mul3A_164 = arith.constant 128 : i32
      %mul3A_165 = arith.muli %add3A_163, %mul3A_164 : i32
      %dma_wait3A_166 = arith.constant 1 : i32
      %dma_wait3A_167 = arith.constant 0 : i32
      %dma_wait3A_168 = tpu.memref_slice %arg5[%dma_wait3A_166, %dma_wait3A_167] : memref<4x128xi32, #tpu.memory_space<vmem>> -> memref<1x128xi32, #tpu.memory_space<vmem>>
      %dma_wait3A_169 = tpu.memref_squeeze %dma_wait3A_168 : memref<1x128xi32, #tpu.memory_space<vmem>> -> memref<128xi32, #tpu.memory_space<vmem>>
      %dma_wait3A_170 = tpu.memref_slice %arg2[%mul3A_165] : memref<327680xi32, #tpu.memory_space<hbm>> -> memref<128xi32, #tpu.memory_space<hbm>>
      %dma_wait3A_171 = arith.constant 0 : i32
      %dma_wait3A_172 = tpu.memref_slice %arg5[%dma_wait3A_166, %dma_wait3A_171] : memref<4x128xi32, #tpu.memory_space<vmem>> -> memref<1x128xi32, #tpu.memory_space<vmem>>
      %dma_wait3A_173 = tpu.memref_squeeze %dma_wait3A_172 : memref<1x128xi32, #tpu.memory_space<vmem>> -> memref<128xi32, #tpu.memory_space<vmem>>
      %dma_wait3A_174 = tpu.memref_slice %arg2[%mul3A_165] : memref<327680xi32, #tpu.memory_space<hbm>> -> memref<128xi32, #tpu.memory_space<hbm>>
      tpu.wait_dma2 semaphore(%arg9 : memref<!tpu.dma_semaphore, #tpu.memory_space<semaphore_mem>>) src(%dma_wait3A_174 : memref<128xi32, #tpu.memory_space<hbm>>) dst(%dma_wait3A_173 : memref<128xi32, #tpu.memory_space<vmem>>)
      %run_scoped3A_175 = arith.constant 1 : i32
      "tpu.region"() ({
        %run_scoped3A_232 = tpu.sem_alloc : memref<!tpu.dma_semaphore, #tpu.memory_space<semaphore_mem>>
        %dma_start3A_233 = arith.constant 0 : i32
        %dma_start3A_234 = tpu.memref_slice %arg5[%run_scoped3A_175, %dma_start3A_233] : memref<4x128xi32, #tpu.memory_space<vmem>> -> memref<1x128xi32, #tpu.memory_space<vmem>>
        %dma_start3A_235 = tpu.memref_squeeze %dma_start3A_234 : memref<1x128xi32, #tpu.memory_space<vmem>> -> memref<128xi32, #tpu.memory_space<vmem>>
        %dma_start3A_236 = arith.constant 0 : i32
        %dma_start3A_237 = arith.constant 0 : i32
        %dma_start3A_238 = tpu.memref_slice %arg7[%dma_start3A_236, %dma_start3A_237] : memref<10112x128xf32, #tpu.memory_space<vmem_shared>> -> memref<10112x128xf32, #tpu.memory_space<vmem_shared>>
        tpu.enqueue_indirect_dma source(%arg6 : memref<128x128xf32, #tpu.memory_space<vmem>>) target(%dma_start3A_238 : memref<10112x128xf32, #tpu.memory_space<vmem_shared>>) offsets(%dma_start3A_235 : memref<128xi32, #tpu.memory_space<vmem>>) semaphore(%run_scoped3A_232 : memref<!tpu.dma_semaphore, #tpu.memory_space<semaphore_mem>>) {add = true}
        %dma_wait3A_239 = arith.constant 0 : i32
        %dma_wait3A_240 = tpu.memref_slice %arg5[%run_scoped3A_175, %dma_wait3A_239] : memref<4x128xi32, #tpu.memory_space<vmem>> -> memref<1x128xi32, #tpu.memory_space<vmem>>
        %dma_wait3A_241 = tpu.memref_squeeze %dma_wait3A_240 : memref<1x128xi32, #tpu.memory_space<vmem>> -> memref<128xi32, #tpu.memory_space<vmem>>
        %dma_wait3A_242 = arith.constant 0 : i32
        %dma_wait3A_243 = arith.constant 0 : i32
        %dma_wait3A_244 = tpu.memref_slice %arg7[%dma_wait3A_242, %dma_wait3A_243] : memref<10112x128xf32, #tpu.memory_space<vmem_shared>> -> memref<10112x128xf32, #tpu.memory_space<vmem_shared>>
        tpu.wait_indirect_dma semaphore(%run_scoped3A_232 : memref<!tpu.dma_semaphore, #tpu.memory_space<semaphore_mem>>) src(%arg6 : memref<128x128xf32, #tpu.memory_space<vmem>>) dst(%dma_wait3A_244 : memref<10112x128xf32, #tpu.memory_space<vmem_shared>>)
        tpu.yield
      }) : () -> ()
      %add3A_176 = arith.constant 4 : i32
      %add3A_177 = arith.addi %add3A_162, %add3A_176 : i32
      %lt3A_178 = arith.constant 80 : i32
      %lt3A_179 = arith.cmpi slt, %add3A_177, %lt3A_178 : i32
      %convert_element_type3A_180 = arith.extui %lt3A_179 : i1 to i32
      %cond3A_181 = arith.constant 0 : i32
      %cond3A_182 = arith.cmpi ne, %convert_element_type3A_180, %cond3A_181 : i32
      scf.if %cond3A_182 {
        %add3A_232 = arith.constant 4 : i32
        %add3A_233 = arith.addi %add3A_162, %add3A_232 : i32
        %add3A_234 = arith.addi %mul3A_2, %add3A_233 : i32
        %mul3A_235 = arith.constant 128 : i32
        %mul3A_236 = arith.muli %add3A_234, %mul3A_235 : i32
        %dma_start3A_237 = arith.constant 1 : i32
        %dma_start3A_238 = arith.constant 0 : i32
        %dma_start3A_239 = tpu.memref_slice %arg5[%dma_start3A_237, %dma_start3A_238] : memref<4x128xi32, #tpu.memory_space<vmem>> -> memref<1x128xi32, #tpu.memory_space<vmem>>
        %dma_start3A_240 = tpu.memref_squeeze %dma_start3A_239 : memref<1x128xi32, #tpu.memory_space<vmem>> -> memref<128xi32, #tpu.memory_space<vmem>>
        %dma_start3A_241 = tpu.memref_slice %arg2[%mul3A_236] : memref<327680xi32, #tpu.memory_space<hbm>> -> memref<128xi32, #tpu.memory_space<hbm>>
        %dma_start3A_242 = arith.constant 0 : i32
        %dma_start3A_243 = tpu.memref_slice %arg5[%dma_start3A_237, %dma_start3A_242] : memref<4x128xi32, #tpu.memory_space<vmem>> -> memref<1x128xi32, #tpu.memory_space<vmem>>
        %dma_start3A_244 = tpu.memref_squeeze %dma_start3A_243 : memref<1x128xi32, #tpu.memory_space<vmem>> -> memref<128xi32, #tpu.memory_space<vmem>>
        %dma_start3A_245 = tpu.memref_slice %arg2[%mul3A_236] : memref<327680xi32, #tpu.memory_space<hbm>> -> memref<128xi32, #tpu.memory_space<hbm>>
        tpu.enqueue_dma source(%dma_start3A_245 : memref<128xi32, #tpu.memory_space<hbm>>) target(%dma_start3A_244 : memref<128xi32, #tpu.memory_space<vmem>>) target_semaphore(%arg9 : memref<!tpu.dma_semaphore, #tpu.memory_space<semaphore_mem>>)
      } else {
      }
      %mul3A_183 = arith.constant 4 : i32
      %mul3A_184 = arith.muli %scan3A_135, %mul3A_183 : i32
      %add3A_185 = arith.constant 2 : i32
      %add3A_186 = arith.addi %mul3A_184, %add3A_185 : i32
      %add3A_187 = arith.addi %mul3A_2, %add3A_186 : i32
      %mul3A_188 = arith.constant 128 : i32
      %mul3A_189 = arith.muli %add3A_187, %mul3A_188 : i32
      %dma_wait3A_190 = arith.constant 2 : i32
      %dma_wait3A_191 = arith.constant 0 : i32
      %dma_wait3A_192 = tpu.memref_slice %arg5[%dma_wait3A_190, %dma_wait3A_191] : memref<4x128xi32, #tpu.memory_space<vmem>> -> memref<1x128xi32, #tpu.memory_space<vmem>>
      %dma_wait3A_193 = tpu.memref_squeeze %dma_wait3A_192 : memref<1x128xi32, #tpu.memory_space<vmem>> -> memref<128xi32, #tpu.memory_space<vmem>>
      %dma_wait3A_194 = tpu.memref_slice %arg2[%mul3A_189] : memref<327680xi32, #tpu.memory_space<hbm>> -> memref<128xi32, #tpu.memory_space<hbm>>
      %dma_wait3A_195 = arith.constant 0 : i32
      %dma_wait3A_196 = tpu.memref_slice %arg5[%dma_wait3A_190, %dma_wait3A_195] : memref<4x128xi32, #tpu.memory_space<vmem>> -> memref<1x128xi32, #tpu.memory_space<vmem>>
      %dma_wait3A_197 = tpu.memref_squeeze %dma_wait3A_196 : memref<1x128xi32, #tpu.memory_space<vmem>> -> memref<128xi32, #tpu.memory_space<vmem>>
      %dma_wait3A_198 = tpu.memref_slice %arg2[%mul3A_189] : memref<327680xi32, #tpu.memory_space<hbm>> -> memref<128xi32, #tpu.memory_space<hbm>>
      tpu.wait_dma2 semaphore(%arg10 : memref<!tpu.dma_semaphore, #tpu.memory_space<semaphore_mem>>) src(%dma_wait3A_198 : memref<128xi32, #tpu.memory_space<hbm>>) dst(%dma_wait3A_197 : memref<128xi32, #tpu.memory_space<vmem>>)
      %run_scoped3A_199 = arith.constant 2 : i32
      "tpu.region"() ({
        %run_scoped3A_232 = tpu.sem_alloc : memref<!tpu.dma_semaphore, #tpu.memory_space<semaphore_mem>>
        %dma_start3A_233 = arith.constant 0 : i32
        %dma_start3A_234 = tpu.memref_slice %arg5[%run_scoped3A_199, %dma_start3A_233] : memref<4x128xi32, #tpu.memory_space<vmem>> -> memref<1x128xi32, #tpu.memory_space<vmem>>
        %dma_start3A_235 = tpu.memref_squeeze %dma_start3A_234 : memref<1x128xi32, #tpu.memory_space<vmem>> -> memref<128xi32, #tpu.memory_space<vmem>>
        %dma_start3A_236 = arith.constant 0 : i32
        %dma_start3A_237 = arith.constant 0 : i32
        %dma_start3A_238 = tpu.memref_slice %arg7[%dma_start3A_236, %dma_start3A_237] : memref<10112x128xf32, #tpu.memory_space<vmem_shared>> -> memref<10112x128xf32, #tpu.memory_space<vmem_shared>>
        tpu.enqueue_indirect_dma source(%arg6 : memref<128x128xf32, #tpu.memory_space<vmem>>) target(%dma_start3A_238 : memref<10112x128xf32, #tpu.memory_space<vmem_shared>>) offsets(%dma_start3A_235 : memref<128xi32, #tpu.memory_space<vmem>>) semaphore(%run_scoped3A_232 : memref<!tpu.dma_semaphore, #tpu.memory_space<semaphore_mem>>) {add = true}
        %dma_wait3A_239 = arith.constant 0 : i32
        %dma_wait3A_240 = tpu.memref_slice %arg5[%run_scoped3A_199, %dma_wait3A_239] : memref<4x128xi32, #tpu.memory_space<vmem>> -> memref<1x128xi32, #tpu.memory_space<vmem>>
        %dma_wait3A_241 = tpu.memref_squeeze %dma_wait3A_240 : memref<1x128xi32, #tpu.memory_space<vmem>> -> memref<128xi32, #tpu.memory_space<vmem>>
        %dma_wait3A_242 = arith.constant 0 : i32
        %dma_wait3A_243 = arith.constant 0 : i32
        %dma_wait3A_244 = tpu.memref_slice %arg7[%dma_wait3A_242, %dma_wait3A_243] : memref<10112x128xf32, #tpu.memory_space<vmem_shared>> -> memref<10112x128xf32, #tpu.memory_space<vmem_shared>>
        tpu.wait_indirect_dma semaphore(%run_scoped3A_232 : memref<!tpu.dma_semaphore, #tpu.memory_space<semaphore_mem>>) src(%arg6 : memref<128x128xf32, #tpu.memory_space<vmem>>) dst(%dma_wait3A_244 : memref<10112x128xf32, #tpu.memory_space<vmem_shared>>)
        tpu.yield
      }) : () -> ()
      %add3A_200 = arith.constant 4 : i32
      %add3A_201 = arith.addi %add3A_186, %add3A_200 : i32
      %lt3A_202 = arith.constant 80 : i32
      %lt3A_203 = arith.cmpi slt, %add3A_201, %lt3A_202 : i32
      %convert_element_type3A_204 = arith.extui %lt3A_203 : i1 to i32
      %cond3A_205 = arith.constant 0 : i32
      %cond3A_206 = arith.cmpi ne, %convert_element_type3A_204, %cond3A_205 : i32
      scf.if %cond3A_206 {
        %add3A_232 = arith.constant 4 : i32
        %add3A_233 = arith.addi %add3A_186, %add3A_232 : i32
        %add3A_234 = arith.addi %mul3A_2, %add3A_233 : i32
        %mul3A_235 = arith.constant 128 : i32
        %mul3A_236 = arith.muli %add3A_234, %mul3A_235 : i32
        %dma_start3A_237 = arith.constant 2 : i32
        %dma_start3A_238 = arith.constant 0 : i32
        %dma_start3A_239 = tpu.memref_slice %arg5[%dma_start3A_237, %dma_start3A_238] : memref<4x128xi32, #tpu.memory_space<vmem>> -> memref<1x128xi32, #tpu.memory_space<vmem>>
        %dma_start3A_240 = tpu.memref_squeeze %dma_start3A_239 : memref<1x128xi32, #tpu.memory_space<vmem>> -> memref<128xi32, #tpu.memory_space<vmem>>
        %dma_start3A_241 = tpu.memref_slice %arg2[%mul3A_236] : memref<327680xi32, #tpu.memory_space<hbm>> -> memref<128xi32, #tpu.memory_space<hbm>>
        %dma_start3A_242 = arith.constant 0 : i32
        %dma_start3A_243 = tpu.memref_slice %arg5[%dma_start3A_237, %dma_start3A_242] : memref<4x128xi32, #tpu.memory_space<vmem>> -> memref<1x128xi32, #tpu.memory_space<vmem>>
        %dma_start3A_244 = tpu.memref_squeeze %dma_start3A_243 : memref<1x128xi32, #tpu.memory_space<vmem>> -> memref<128xi32, #tpu.memory_space<vmem>>
        %dma_start3A_245 = tpu.memref_slice %arg2[%mul3A_236] : memref<327680xi32, #tpu.memory_space<hbm>> -> memref<128xi32, #tpu.memory_space<hbm>>
        tpu.enqueue_dma source(%dma_start3A_245 : memref<128xi32, #tpu.memory_space<hbm>>) target(%dma_start3A_244 : memref<128xi32, #tpu.memory_space<vmem>>) target_semaphore(%arg10 : memref<!tpu.dma_semaphore, #tpu.memory_space<semaphore_mem>>)
      } else {
      }
      %mul3A_207 = arith.constant 4 : i32
      %mul3A_208 = arith.muli %scan3A_135, %mul3A_207 : i32
      %add3A_209 = arith.constant 3 : i32
      %add3A_210 = arith.addi %mul3A_208, %add3A_209 : i32
      %add3A_211 = arith.addi %mul3A_2, %add3A_210 : i32
      %mul3A_212 = arith.constant 128 : i32
      %mul3A_213 = arith.muli %add3A_211, %mul3A_212 : i32
      %dma_wait3A_214 = arith.constant 3 : i32
      %dma_wait3A_215 = arith.constant 0 : i32
      %dma_wait3A_216 = tpu.memref_slice %arg5[%dma_wait3A_214, %dma_wait3A_215] : memref<4x128xi32, #tpu.memory_space<vmem>> -> memref<1x128xi32, #tpu.memory_space<vmem>>
      %dma_wait3A_217 = tpu.memref_squeeze %dma_wait3A_216 : memref<1x128xi32, #tpu.memory_space<vmem>> -> memref<128xi32, #tpu.memory_space<vmem>>
      %dma_wait3A_218 = tpu.memref_slice %arg2[%mul3A_213] : memref<327680xi32, #tpu.memory_space<hbm>> -> memref<128xi32, #tpu.memory_space<hbm>>
      %dma_wait3A_219 = arith.constant 0 : i32
      %dma_wait3A_220 = tpu.memref_slice %arg5[%dma_wait3A_214, %dma_wait3A_219] : memref<4x128xi32, #tpu.memory_space<vmem>> -> memref<1x128xi32, #tpu.memory_space<vmem>>
      %dma_wait3A_221 = tpu.memref_squeeze %dma_wait3A_220 : memref<1x128xi32, #tpu.memory_space<vmem>> -> memref<128xi32, #tpu.memory_space<vmem>>
      %dma_wait3A_222 = tpu.memref_slice %arg2[%mul3A_213] : memref<327680xi32, #tpu.memory_space<hbm>> -> memref<128xi32, #tpu.memory_space<hbm>>
      tpu.wait_dma2 semaphore(%arg11 : memref<!tpu.dma_semaphore, #tpu.memory_space<semaphore_mem>>) src(%dma_wait3A_222 : memref<128xi32, #tpu.memory_space<hbm>>) dst(%dma_wait3A_221 : memref<128xi32, #tpu.memory_space<vmem>>)
      %run_scoped3A_223 = arith.constant 3 : i32
      "tpu.region"() ({
        %run_scoped3A_232 = tpu.sem_alloc : memref<!tpu.dma_semaphore, #tpu.memory_space<semaphore_mem>>
        %dma_start3A_233 = arith.constant 0 : i32
        %dma_start3A_234 = tpu.memref_slice %arg5[%run_scoped3A_223, %dma_start3A_233] : memref<4x128xi32, #tpu.memory_space<vmem>> -> memref<1x128xi32, #tpu.memory_space<vmem>>
        %dma_start3A_235 = tpu.memref_squeeze %dma_start3A_234 : memref<1x128xi32, #tpu.memory_space<vmem>> -> memref<128xi32, #tpu.memory_space<vmem>>
        %dma_start3A_236 = arith.constant 0 : i32
        %dma_start3A_237 = arith.constant 0 : i32
        %dma_start3A_238 = tpu.memref_slice %arg7[%dma_start3A_236, %dma_start3A_237] : memref<10112x128xf32, #tpu.memory_space<vmem_shared>> -> memref<10112x128xf32, #tpu.memory_space<vmem_shared>>
        tpu.enqueue_indirect_dma source(%arg6 : memref<128x128xf32, #tpu.memory_space<vmem>>) target(%dma_start3A_238 : memref<10112x128xf32, #tpu.memory_space<vmem_shared>>) offsets(%dma_start3A_235 : memref<128xi32, #tpu.memory_space<vmem>>) semaphore(%run_scoped3A_232 : memref<!tpu.dma_semaphore, #tpu.memory_space<semaphore_mem>>) {add = true}
        %dma_wait3A_239 = arith.constant 0 : i32
        %dma_wait3A_240 = tpu.memref_slice %arg5[%run_scoped3A_223, %dma_wait3A_239] : memref<4x128xi32, #tpu.memory_space<vmem>> -> memref<1x128xi32, #tpu.memory_space<vmem>>
        %dma_wait3A_241 = tpu.memref_squeeze %dma_wait3A_240 : memref<1x128xi32, #tpu.memory_space<vmem>> -> memref<128xi32, #tpu.memory_space<vmem>>
        %dma_wait3A_242 = arith.constant 0 : i32
        %dma_wait3A_243 = arith.constant 0 : i32
        %dma_wait3A_244 = tpu.memref_slice %arg7[%dma_wait3A_242, %dma_wait3A_243] : memref<10112x128xf32, #tpu.memory_space<vmem_shared>> -> memref<10112x128xf32, #tpu.memory_space<vmem_shared>>
        tpu.wait_indirect_dma semaphore(%run_scoped3A_232 : memref<!tpu.dma_semaphore, #tpu.memory_space<semaphore_mem>>) src(%arg6 : memref<128x128xf32, #tpu.memory_space<vmem>>) dst(%dma_wait3A_244 : memref<10112x128xf32, #tpu.memory_space<vmem_shared>>)
        tpu.yield
      }) : () -> ()
      %add3A_224 = arith.constant 4 : i32
      %add3A_225 = arith.addi %add3A_210, %add3A_224 : i32
      %lt3A_226 = arith.constant 80 : i32
      %lt3A_227 = arith.cmpi slt, %add3A_225, %lt3A_226 : i32
      %convert_element_type3A_228 = arith.extui %lt3A_227 : i1 to i32
      %cond3A_229 = arith.constant 0 : i32
      %cond3A_230 = arith.cmpi ne, %convert_element_type3A_228, %cond3A_229 : i32
      scf.if %cond3A_230 {
        %add3A_232 = arith.constant 4 : i32
        %add3A_233 = arith.addi %add3A_210, %add3A_232 : i32
        %add3A_234 = arith.addi %mul3A_2, %add3A_233 : i32
        %mul3A_235 = arith.constant 128 : i32
        %mul3A_236 = arith.muli %add3A_234, %mul3A_235 : i32
        %dma_start3A_237 = arith.constant 3 : i32
        %dma_start3A_238 = arith.constant 0 : i32
        %dma_start3A_239 = tpu.memref_slice %arg5[%dma_start3A_237, %dma_start3A_238] : memref<4x128xi32, #tpu.memory_space<vmem>> -> memref<1x128xi32, #tpu.memory_space<vmem>>
        %dma_start3A_240 = tpu.memref_squeeze %dma_start3A_239 : memref<1x128xi32, #tpu.memory_space<vmem>> -> memref<128xi32, #tpu.memory_space<vmem>>
        %dma_start3A_241 = tpu.memref_slice %arg2[%mul3A_236] : memref<327680xi32, #tpu.memory_space<hbm>> -> memref<128xi32, #tpu.memory_space<hbm>>
        %dma_start3A_242 = arith.constant 0 : i32
        %dma_start3A_243 = tpu.memref_slice %arg5[%dma_start3A_237, %dma_start3A_242] : memref<4x128xi32, #tpu.memory_space<vmem>> -> memref<1x128xi32, #tpu.memory_space<vmem>>
        %dma_start3A_244 = tpu.memref_squeeze %dma_start3A_243 : memref<1x128xi32, #tpu.memory_space<vmem>> -> memref<128xi32, #tpu.memory_space<vmem>>
        %dma_start3A_245 = tpu.memref_slice %arg2[%mul3A_236] : memref<327680xi32, #tpu.memory_space<hbm>> -> memref<128xi32, #tpu.memory_space<hbm>>
        tpu.enqueue_dma source(%dma_start3A_245 : memref<128xi32, #tpu.memory_space<hbm>>) target(%dma_start3A_244 : memref<128xi32, #tpu.memory_space<vmem>>) target_semaphore(%arg11 : memref<!tpu.dma_semaphore, #tpu.memory_space<semaphore_mem>>)
      } else {
      }
      %scan3A_231 = arith.constant 0 : i32
      scf.yield %scan3A_231 : i32
    }
    %scan3A_98 = arith.constant 20 : i32
    %barrier3A_99 = arith.constant 0 : index
    tpu.barrier barrier_id(%barrier3A_99)
    %add3A_100 = arith.constant 0 : i32
    %add3A_101 = arith.addi %arg1, %add3A_100 : i32
    %add3A_102 = arith.constant 16 : i32
    %add3A_103 = arith.addi %arg1, %add3A_102 : i32
    %add3A_104 = arith.constant 32 : i32
    %add3A_105 = arith.addi %arg1, %add3A_104 : i32
    %add3A_106 = arith.constant 48 : i32
    %add3A_107 = arith.addi %arg1, %add3A_106 : i32
    %add3A_108 = arith.constant 64 : i32
    %add3A_109 = arith.addi %arg1, %add3A_108 : i32
    %lt3A_110 = arith.constant 79 : i32
    %lt3A_111 = arith.cmpi slt, %add3A_101, %lt3A_110 : i32
    %convert_element_type3A_112 = arith.extui %lt3A_111 : i1 to i32
    %cond3A_113 = arith.constant 0 : i32
    %cond3A_114 = arith.cmpi ne, %convert_element_type3A_112, %cond3A_113 : i32
    scf.if %cond3A_114 {
      %mul3A_135 = arith.constant 128 : i32
      %mul3A_136 = arith.muli %add3A_101, %mul3A_135 : i32
      %mul3A_137 = arith.constant 128 : i32
      %mul3A_138 = arith.muli %add3A_101, %mul3A_137 : i32
      "tpu.region"() ({
        %run_scoped3A = tpu.sem_alloc : memref<!tpu.dma_semaphore, #tpu.memory_space<semaphore_mem>>
        %dma_start3A_139 = arith.constant 0 : i32
        %dma_start3A_140 = tpu.memref_slice %arg4[%arg0, %mul3A_138, %dma_start3A_139] : memref<2x10112x128xf32, #tpu.memory_space<hbm>> -> memref<1x128x128xf32, #tpu.memory_space<hbm>>
        %dma_start3A_141 = tpu.memref_squeeze %dma_start3A_140 : memref<1x128x128xf32, #tpu.memory_space<hbm>> -> memref<128x128xf32, #tpu.memory_space<hbm>>
        %dma_start3A_142 = arith.constant 0 : i32
        %dma_start3A_143 = tpu.memref_slice %arg7[%mul3A_136, %dma_start3A_142] : memref<10112x128xf32, #tpu.memory_space<vmem_shared>> -> memref<128x128xf32, #tpu.memory_space<vmem_shared>>
        tpu.enqueue_dma source(%dma_start3A_143 : memref<128x128xf32, #tpu.memory_space<vmem_shared>>) target(%dma_start3A_141 : memref<128x128xf32, #tpu.memory_space<hbm>>) target_semaphore(%run_scoped3A : memref<!tpu.dma_semaphore, #tpu.memory_space<semaphore_mem>>)
        %dma_wait3A = arith.constant 0 : i32
        %dma_wait3A_144 = tpu.memref_slice %arg4[%arg0, %mul3A_138, %dma_wait3A] : memref<2x10112x128xf32, #tpu.memory_space<hbm>> -> memref<1x128x128xf32, #tpu.memory_space<hbm>>
        %dma_wait3A_145 = tpu.memref_squeeze %dma_wait3A_144 : memref<1x128x128xf32, #tpu.memory_space<hbm>> -> memref<128x128xf32, #tpu.memory_space<hbm>>
        %dma_wait3A_146 = arith.constant 0 : i32
        %dma_wait3A_147 = tpu.memref_slice %arg7[%mul3A_136, %dma_wait3A_146] : memref<10112x128xf32, #tpu.memory_space<vmem_shared>> -> memref<128x128xf32, #tpu.memory_space<vmem_shared>>
        tpu.wait_dma2 semaphore(%run_scoped3A : memref<!tpu.dma_semaphore, #tpu.memory_space<semaphore_mem>>) src(%dma_wait3A_147 : memref<128x128xf32, #tpu.memory_space<vmem_shared>>) dst(%dma_wait3A_145 : memref<128x128xf32, #tpu.memory_space<hbm>>)
        tpu.yield
      }) : () -> ()
    } else {
    }
    %lt3A_115 = arith.constant 79 : i32
    %lt3A_116 = arith.cmpi slt, %add3A_103, %lt3A_115 : i32
    %convert_element_type3A_117 = arith.extui %lt3A_116 : i1 to i32
    %cond3A_118 = arith.constant 0 : i32
    %cond3A_119 = arith.cmpi ne, %convert_element_type3A_117, %cond3A_118 : i32
    scf.if %cond3A_119 {
      %mul3A_135 = arith.constant 128 : i32
      %mul3A_136 = arith.muli %add3A_103, %mul3A_135 : i32
      %mul3A_137 = arith.constant 128 : i32
      %mul3A_138 = arith.muli %add3A_103, %mul3A_137 : i32
      "tpu.region"() ({
        %run_scoped3A = tpu.sem_alloc : memref<!tpu.dma_semaphore, #tpu.memory_space<semaphore_mem>>
        %dma_start3A_139 = arith.constant 0 : i32
        %dma_start3A_140 = tpu.memref_slice %arg4[%arg0, %mul3A_138, %dma_start3A_139] : memref<2x10112x128xf32, #tpu.memory_space<hbm>> -> memref<1x128x128xf32, #tpu.memory_space<hbm>>
        %dma_start3A_141 = tpu.memref_squeeze %dma_start3A_140 : memref<1x128x128xf32, #tpu.memory_space<hbm>> -> memref<128x128xf32, #tpu.memory_space<hbm>>
        %dma_start3A_142 = arith.constant 0 : i32
        %dma_start3A_143 = tpu.memref_slice %arg7[%mul3A_136, %dma_start3A_142] : memref<10112x128xf32, #tpu.memory_space<vmem_shared>> -> memref<128x128xf32, #tpu.memory_space<vmem_shared>>
        tpu.enqueue_dma source(%dma_start3A_143 : memref<128x128xf32, #tpu.memory_space<vmem_shared>>) target(%dma_start3A_141 : memref<128x128xf32, #tpu.memory_space<hbm>>) target_semaphore(%run_scoped3A : memref<!tpu.dma_semaphore, #tpu.memory_space<semaphore_mem>>)
        %dma_wait3A = arith.constant 0 : i32
        %dma_wait3A_144 = tpu.memref_slice %arg4[%arg0, %mul3A_138, %dma_wait3A] : memref<2x10112x128xf32, #tpu.memory_space<hbm>> -> memref<1x128x128xf32, #tpu.memory_space<hbm>>
        %dma_wait3A_145 = tpu.memref_squeeze %dma_wait3A_144 : memref<1x128x128xf32, #tpu.memory_space<hbm>> -> memref<128x128xf32, #tpu.memory_space<hbm>>
        %dma_wait3A_146 = arith.constant 0 : i32
        %dma_wait3A_147 = tpu.memref_slice %arg7[%mul3A_136, %dma_wait3A_146] : memref<10112x128xf32, #tpu.memory_space<vmem_shared>> -> memref<128x128xf32, #tpu.memory_space<vmem_shared>>
        tpu.wait_dma2 semaphore(%run_scoped3A : memref<!tpu.dma_semaphore, #tpu.memory_space<semaphore_mem>>) src(%dma_wait3A_147 : memref<128x128xf32, #tpu.memory_space<vmem_shared>>) dst(%dma_wait3A_145 : memref<128x128xf32, #tpu.memory_space<hbm>>)
        tpu.yield
      }) : () -> ()
    } else {
    }
    %lt3A_120 = arith.constant 79 : i32
    %lt3A_121 = arith.cmpi slt, %add3A_105, %lt3A_120 : i32
    %convert_element_type3A_122 = arith.extui %lt3A_121 : i1 to i32
    %cond3A_123 = arith.constant 0 : i32
    %cond3A_124 = arith.cmpi ne, %convert_element_type3A_122, %cond3A_123 : i32
    scf.if %cond3A_124 {
      %mul3A_135 = arith.constant 128 : i32
      %mul3A_136 = arith.muli %add3A_105, %mul3A_135 : i32
      %mul3A_137 = arith.constant 128 : i32
      %mul3A_138 = arith.muli %add3A_105, %mul3A_137 : i32
      "tpu.region"() ({
        %run_scoped3A = tpu.sem_alloc : memref<!tpu.dma_semaphore, #tpu.memory_space<semaphore_mem>>
        %dma_start3A_139 = arith.constant 0 : i32
        %dma_start3A_140 = tpu.memref_slice %arg4[%arg0, %mul3A_138, %dma_start3A_139] : memref<2x10112x128xf32, #tpu.memory_space<hbm>> -> memref<1x128x128xf32, #tpu.memory_space<hbm>>
        %dma_start3A_141 = tpu.memref_squeeze %dma_start3A_140 : memref<1x128x128xf32, #tpu.memory_space<hbm>> -> memref<128x128xf32, #tpu.memory_space<hbm>>
        %dma_start3A_142 = arith.constant 0 : i32
        %dma_start3A_143 = tpu.memref_slice %arg7[%mul3A_136, %dma_start3A_142] : memref<10112x128xf32, #tpu.memory_space<vmem_shared>> -> memref<128x128xf32, #tpu.memory_space<vmem_shared>>
        tpu.enqueue_dma source(%dma_start3A_143 : memref<128x128xf32, #tpu.memory_space<vmem_shared>>) target(%dma_start3A_141 : memref<128x128xf32, #tpu.memory_space<hbm>>) target_semaphore(%run_scoped3A : memref<!tpu.dma_semaphore, #tpu.memory_space<semaphore_mem>>)
        %dma_wait3A = arith.constant 0 : i32
        %dma_wait3A_144 = tpu.memref_slice %arg4[%arg0, %mul3A_138, %dma_wait3A] : memref<2x10112x128xf32, #tpu.memory_space<hbm>> -> memref<1x128x128xf32, #tpu.memory_space<hbm>>
        %dma_wait3A_145 = tpu.memref_squeeze %dma_wait3A_144 : memref<1x128x128xf32, #tpu.memory_space<hbm>> -> memref<128x128xf32, #tpu.memory_space<hbm>>
        %dma_wait3A_146 = arith.constant 0 : i32
        %dma_wait3A_147 = tpu.memref_slice %arg7[%mul3A_136, %dma_wait3A_146] : memref<10112x128xf32, #tpu.memory_space<vmem_shared>> -> memref<128x128xf32, #tpu.memory_space<vmem_shared>>
        tpu.wait_dma2 semaphore(%run_scoped3A : memref<!tpu.dma_semaphore, #tpu.memory_space<semaphore_mem>>) src(%dma_wait3A_147 : memref<128x128xf32, #tpu.memory_space<vmem_shared>>) dst(%dma_wait3A_145 : memref<128x128xf32, #tpu.memory_space<hbm>>)
        tpu.yield
      }) : () -> ()
    } else {
    }
    %lt3A_125 = arith.constant 79 : i32
    %lt3A_126 = arith.cmpi slt, %add3A_107, %lt3A_125 : i32
    %convert_element_type3A_127 = arith.extui %lt3A_126 : i1 to i32
    %cond3A_128 = arith.constant 0 : i32
    %cond3A_129 = arith.cmpi ne, %convert_element_type3A_127, %cond3A_128 : i32
    scf.if %cond3A_129 {
      %mul3A_135 = arith.constant 128 : i32
      %mul3A_136 = arith.muli %add3A_107, %mul3A_135 : i32
      %mul3A_137 = arith.constant 128 : i32
      %mul3A_138 = arith.muli %add3A_107, %mul3A_137 : i32
      "tpu.region"() ({
        %run_scoped3A = tpu.sem_alloc : memref<!tpu.dma_semaphore, #tpu.memory_space<semaphore_mem>>
        %dma_start3A_139 = arith.constant 0 : i32
        %dma_start3A_140 = tpu.memref_slice %arg4[%arg0, %mul3A_138, %dma_start3A_139] : memref<2x10112x128xf32, #tpu.memory_space<hbm>> -> memref<1x128x128xf32, #tpu.memory_space<hbm>>
        %dma_start3A_141 = tpu.memref_squeeze %dma_start3A_140 : memref<1x128x128xf32, #tpu.memory_space<hbm>> -> memref<128x128xf32, #tpu.memory_space<hbm>>
        %dma_start3A_142 = arith.constant 0 : i32
        %dma_start3A_143 = tpu.memref_slice %arg7[%mul3A_136, %dma_start3A_142] : memref<10112x128xf32, #tpu.memory_space<vmem_shared>> -> memref<128x128xf32, #tpu.memory_space<vmem_shared>>
        tpu.enqueue_dma source(%dma_start3A_143 : memref<128x128xf32, #tpu.memory_space<vmem_shared>>) target(%dma_start3A_141 : memref<128x128xf32, #tpu.memory_space<hbm>>) target_semaphore(%run_scoped3A : memref<!tpu.dma_semaphore, #tpu.memory_space<semaphore_mem>>)
        %dma_wait3A = arith.constant 0 : i32
        %dma_wait3A_144 = tpu.memref_slice %arg4[%arg0, %mul3A_138, %dma_wait3A] : memref<2x10112x128xf32, #tpu.memory_space<hbm>> -> memref<1x128x128xf32, #tpu.memory_space<hbm>>
        %dma_wait3A_145 = tpu.memref_squeeze %dma_wait3A_144 : memref<1x128x128xf32, #tpu.memory_space<hbm>> -> memref<128x128xf32, #tpu.memory_space<hbm>>
        %dma_wait3A_146 = arith.constant 0 : i32
        %dma_wait3A_147 = tpu.memref_slice %arg7[%mul3A_136, %dma_wait3A_146] : memref<10112x128xf32, #tpu.memory_space<vmem_shared>> -> memref<128x128xf32, #tpu.memory_space<vmem_shared>>
        tpu.wait_dma2 semaphore(%run_scoped3A : memref<!tpu.dma_semaphore, #tpu.memory_space<semaphore_mem>>) src(%dma_wait3A_147 : memref<128x128xf32, #tpu.memory_space<vmem_shared>>) dst(%dma_wait3A_145 : memref<128x128xf32, #tpu.memory_space<hbm>>)
        tpu.yield
      }) : () -> ()
    } else {
    }
    %lt3A_130 = arith.constant 79 : i32
    %lt3A_131 = arith.cmpi slt, %add3A_109, %lt3A_130 : i32
    %convert_element_type3A_132 = arith.extui %lt3A_131 : i1 to i32
    %cond3A_133 = arith.constant 0 : i32
    %cond3A_134 = arith.cmpi ne, %convert_element_type3A_132, %cond3A_133 : i32
    scf.if %cond3A_134 {
      %mul3A_135 = arith.constant 128 : i32
      %mul3A_136 = arith.muli %add3A_109, %mul3A_135 : i32
      %mul3A_137 = arith.constant 128 : i32
      %mul3A_138 = arith.muli %add3A_109, %mul3A_137 : i32
      "tpu.region"() ({
        %run_scoped3A = tpu.sem_alloc : memref<!tpu.dma_semaphore, #tpu.memory_space<semaphore_mem>>
        %dma_start3A_139 = arith.constant 0 : i32
        %dma_start3A_140 = tpu.memref_slice %arg4[%arg0, %mul3A_138, %dma_start3A_139] : memref<2x10112x128xf32, #tpu.memory_space<hbm>> -> memref<1x128x128xf32, #tpu.memory_space<hbm>>
        %dma_start3A_141 = tpu.memref_squeeze %dma_start3A_140 : memref<1x128x128xf32, #tpu.memory_space<hbm>> -> memref<128x128xf32, #tpu.memory_space<hbm>>
        %dma_start3A_142 = arith.constant 0 : i32
        %dma_start3A_143 = tpu.memref_slice %arg7[%mul3A_136, %dma_start3A_142] : memref<10112x128xf32, #tpu.memory_space<vmem_shared>> -> memref<128x128xf32, #tpu.memory_space<vmem_shared>>
        tpu.enqueue_dma source(%dma_start3A_143 : memref<128x128xf32, #tpu.memory_space<vmem_shared>>) target(%dma_start3A_141 : memref<128x128xf32, #tpu.memory_space<hbm>>) target_semaphore(%run_scoped3A : memref<!tpu.dma_semaphore, #tpu.memory_space<semaphore_mem>>)
        %dma_wait3A = arith.constant 0 : i32
        %dma_wait3A_144 = tpu.memref_slice %arg4[%arg0, %mul3A_138, %dma_wait3A] : memref<2x10112x128xf32, #tpu.memory_space<hbm>> -> memref<1x128x128xf32, #tpu.memory_space<hbm>>
        %dma_wait3A_145 = tpu.memref_squeeze %dma_wait3A_144 : memref<1x128x128xf32, #tpu.memory_space<hbm>> -> memref<128x128xf32, #tpu.memory_space<hbm>>
        %dma_wait3A_146 = arith.constant 0 : i32
        %dma_wait3A_147 = tpu.memref_slice %arg7[%mul3A_136, %dma_wait3A_146] : memref<10112x128xf32, #tpu.memory_space<vmem_shared>> -> memref<128x128xf32, #tpu.memory_space<vmem_shared>>
        tpu.wait_dma2 semaphore(%run_scoped3A : memref<!tpu.dma_semaphore, #tpu.memory_space<semaphore_mem>>) src(%dma_wait3A_147 : memref<128x128xf32, #tpu.memory_space<vmem_shared>>) dst(%dma_wait3A_145 : memref<128x128xf32, #tpu.memory_space<hbm>>)
        tpu.yield
      }) : () -> ()
    } else {
    }
    return
  }
}

#map = affine_map<(d0, d1) -> (0, 0)>
#map1 = affine_map<(d0, d1) -> (0)>
#map2 = affine_map<(d0, d1) -> (0, 0, 0)>
module attributes {stable_mosaic.version = 14 : i64} {
  func.func @k(%arg0: i32, %arg1: i32, %arg2: memref<10112x128xf32, #tpu.memory_space<hbm>>, %arg3: memref<2560x128xi32, #tpu.memory_space<hbm>>, %arg4: memref<327680xi32, #tpu.memory_space<hbm>>, %arg5: memref<2x10112x128xf32, #tpu.memory_space<hbm>>, %arg6: memref<80x128xi32, #tpu.memory_space<vmem>>, %arg7: memref<4x128xi32, #tpu.memory_space<vmem>>, %arg8: memref<2x128x128xf32, #tpu.memory_space<vmem>>, %arg9: memref<10112x128xf32, #tpu.memory_space<vmem_shared>>, %arg10: memref<!tpu.dma_semaphore, #tpu.memory_space<semaphore_mem>>, %arg11: memref<!tpu.dma_semaphore, #tpu.memory_space<semaphore_mem>>, %arg12: memref<!tpu.dma_semaphore, #tpu.memory_space<semaphore_mem>>, %arg13: memref<!tpu.dma_semaphore, #tpu.memory_space<semaphore_mem>>, %arg14: memref<!tpu.dma_semaphore, #tpu.memory_space<semaphore_mem>>, %arg15: memref<!tpu.dma_semaphore, #tpu.memory_space<semaphore_mem>>, %arg16: memref<!tpu.dma_semaphore, #tpu.memory_space<semaphore_mem>>, %arg17: memref<!tpu.dma_semaphore, #tpu.memory_space<semaphore_mem>>) attributes {dimension_semantics = [#tpu.dimension_semantics<core_parallel>, #tpu.dimension_semantics<subcore_parallel>], iteration_bounds = array<i64: 2, 16>, scalar_prefetch = 0 : i64, scratch_operands = 12 : i64, tpu.core_type = #tpu.core_type<sc_vector_subcore>, window_params = [{transform_indices = #map}, {transform_indices = #map}, {transform_indices = #map1}, {transform_indices = #map2}]} {
    %mul3A = arith.constant 16 : i32
    %mul3A_0 = arith.muli %arg0, %mul3A : i32
    %add3A = arith.addi %mul3A_0, %arg1 : i32
    %mul3A_1 = arith.constant 80 : i32
    %mul3A_2 = arith.muli %add3A, %mul3A_1 : i32
    %scan3A = arith.constant 0 : i32
    %scan3A_3 = arith.constant 0 : i32
    %scan3A_4 = arith.constant 0 : i32
    %scan3A_5 = arith.constant 1024 : i32
    %scan3A_6 = arith.addi %scan3A_4, %scan3A_5 : i32
    %scan3A_7 = arith.constant 1 : i32
    %scan3A_8 = scf.for %scan3A_430 = %scan3A_4 to %scan3A_6 step %scan3A_7 iter_args(%scan3A_431 = %scan3A_3) -> (i32)  : i32 {
      %jit3A = arith.constant 8 : i32
      %div3A = arith.divsi %scan3A_430, %jit3A : i32
      %sign3A = arith.constant 0 : i32
      %sign3A_432 = arith.cmpi sgt, %scan3A_430, %sign3A : i32
      %sign3A_433 = arith.extui %sign3A_432 : i1 to i32
      %sign3A_434 = arith.constant 0 : i32
      %sign3A_435 = arith.cmpi slt, %scan3A_430, %sign3A_434 : i32
      %sign3A_436 = arith.extui %sign3A_435 : i1 to i32
      %sign3A_437 = arith.subi %sign3A_433, %sign3A_436 : i32
      %sign3A_438 = arith.constant 0 : i32
      %sign3A_439 = arith.cmpi sgt, %jit3A, %sign3A_438 : i32
      %sign3A_440 = arith.extui %sign3A_439 : i1 to i32
      %sign3A_441 = arith.constant 0 : i32
      %sign3A_442 = arith.cmpi slt, %jit3A, %sign3A_441 : i32
      %sign3A_443 = arith.extui %sign3A_442 : i1 to i32
      %sign3A_444 = arith.subi %sign3A_440, %sign3A_443 : i32
      %ne3A = arith.cmpi ne, %sign3A_437, %sign3A_444 : i32
      %rem3A = arith.remsi %scan3A_430, %jit3A : i32
      %ne3A_445 = arith.constant 0 : i32
      %ne3A_446 = arith.cmpi ne, %rem3A, %ne3A_445 : i32
      %and3A = arith.andi %ne3A, %ne3A_446 : i1
      %sub3A = arith.constant 1 : i32
      %sub3A_447 = arith.subi %div3A, %sub3A : i32
      %select_n3A = arith.select %and3A, %sub3A_447, %div3A : i32
      %jit3A_448 = arith.constant 8 : i32
      %eq3A = arith.constant 0 : i32
      %eq3A_449 = arith.cmpi eq, %jit3A_448, %eq3A : i32
      %jit3A_450 = arith.constant 1 : i32
      %select_n3A_451 = arith.select %eq3A_449, %jit3A_450, %jit3A_448 : i32
      %rem3A_452 = arith.remsi %scan3A_430, %select_n3A_451 : i32
      %ne3A_453 = arith.constant 0 : i32
      %ne3A_454 = arith.cmpi ne, %rem3A_452, %ne3A_453 : i32
      %lt3A_455 = arith.constant 0 : i32
      %lt3A_456 = arith.cmpi slt, %rem3A_452, %lt3A_455 : i32
      %lt3A_457 = arith.constant 0 : i32
      %lt3A_458 = arith.cmpi slt, %select_n3A_451, %lt3A_457 : i32
      %ne3A_459 = arith.xori %lt3A_456, %lt3A_458 : i1
      %and3A_460 = arith.andi %ne3A_459, %ne3A_454 : i1
      %add3A_461 = arith.addi %rem3A_452, %select_n3A_451 : i32
      %select_n3A_462 = arith.select %and3A_460, %add3A_461, %rem3A_452 : i32
      %mul3A_463 = arith.constant 16 : i32
      %mul3A_464 = arith.muli %select_n3A_462, %mul3A_463 : i32
      %broadcast_in_dim3A = arith.constant 0.000000e+00 : f32
      %broadcast_in_dim3A_465 = vector.broadcast %broadcast_in_dim3A : f32 to vector<16xf32>
      %swap3A = arith.constant 0 : i32
      %swap3A_466 = arith.constant 0 : i32
      %swap3A_467 = tpu.memref_slice %arg8[%scan3A, %swap3A, %swap3A_466] : memref<2x128x128xf32, #tpu.memory_space<vmem>> -> memref<1x128x128xf32, #tpu.memory_space<vmem>>
      %swap3A_468 = tpu.memref_squeeze %swap3A_467 : memref<1x128x128xf32, #tpu.memory_space<vmem>> -> memref<128x128xf32, #tpu.memory_space<vmem>>
      %swap3A_469 = arith.index_cast %select_n3A : i32 to index
      %swap3A_470 = arith.index_cast %mul3A_464 : i32 to index
      %swap3A_471 = tpu.vector_load %swap3A_468[%swap3A_469, %swap3A_470] {strides = array<i32>} : memref<128x128xf32, #tpu.memory_space<vmem>>, vector<1x16xf32>,
      %swap3A_472 = vector.shape_cast %swap3A_471 : vector<1x16xf32> to vector<16xf32>
      %swap3A_473 = vector.shape_cast %broadcast_in_dim3A_465 : vector<16xf32> to vector<1x16xf32>
      tpu.vector_store %swap3A_468[%swap3A_469, %swap3A_470], %swap3A_473 {strides = array<i32>} : memref<128x128xf32, #tpu.memory_space<vmem>>, vector<1x16xf32>,
      %scan3A_474 = arith.constant 0 : i32
      scf.yield %scan3A_474 : i32
    }
    %scan3A_9 = arith.constant 1024 : i32
    %add3A_10 = arith.constant 0 : i32
    %add3A_11 = arith.addi %arg1, %add3A_10 : i32
    %add3A_12 = arith.constant 16 : i32
    %add3A_13 = arith.addi %arg1, %add3A_12 : i32
    %add3A_14 = arith.constant 32 : i32
    %add3A_15 = arith.addi %arg1, %add3A_14 : i32
    %add3A_16 = arith.constant 48 : i32
    %add3A_17 = arith.addi %arg1, %add3A_16 : i32
    %add3A_18 = arith.constant 64 : i32
    %add3A_19 = arith.addi %arg1, %add3A_18 : i32
    %lt3A = arith.constant 79 : i32
    %lt3A_20 = arith.cmpi slt, %add3A_11, %lt3A : i32
    %convert_element_type3A = arith.extui %lt3A_20 : i1 to i32
    %cond3A = arith.constant 0 : i32
    %cond3A_21 = arith.cmpi ne, %convert_element_type3A, %cond3A : i32
    scf.if %cond3A_21 {
      %mul3A_430 = arith.constant 128 : i32
      %mul3A_431 = arith.muli %add3A_11, %mul3A_430 : i32
      %run_scoped3A = arith.constant 0 : i32
      "tpu.region"() ({
        %run_scoped3A_432 = tpu.sem_alloc : memref<!tpu.dma_semaphore, #tpu.memory_space<semaphore_mem>>
        %dma_start3A_433 = arith.constant 0 : i32
        %dma_start3A_434 = arith.constant 0 : i32
        %dma_start3A_435 = tpu.memref_slice %arg8[%run_scoped3A, %dma_start3A_433, %dma_start3A_434] : memref<2x128x128xf32, #tpu.memory_space<vmem>> -> memref<1x128x128xf32, #tpu.memory_space<vmem>>
        %dma_start3A_436 = tpu.memref_squeeze %dma_start3A_435 : memref<1x128x128xf32, #tpu.memory_space<vmem>> -> memref<128x128xf32, #tpu.memory_space<vmem>>
        %dma_start3A_437 = arith.constant 0 : i32
        %dma_start3A_438 = tpu.memref_slice %arg9[%mul3A_431, %dma_start3A_437] : memref<10112x128xf32, #tpu.memory_space<vmem_shared>> -> memref<128x128xf32, #tpu.memory_space<vmem_shared>>
        %dma_start3A_439 = arith.constant 0 : i32
        %dma_start3A_440 = tpu.memref_slice %arg9[%mul3A_431, %dma_start3A_439] : memref<10112x128xf32, #tpu.memory_space<vmem_shared>> -> memref<128x128xf32, #tpu.memory_space<vmem_shared>>
        %dma_start3A_441 = arith.constant 0 : i32
        %dma_start3A_442 = arith.constant 0 : i32
        %dma_start3A_443 = tpu.memref_slice %arg8[%run_scoped3A, %dma_start3A_441, %dma_start3A_442] : memref<2x128x128xf32, #tpu.memory_space<vmem>> -> memref<1x128x128xf32, #tpu.memory_space<vmem>>
        %dma_start3A_444 = tpu.memref_squeeze %dma_start3A_443 : memref<1x128x128xf32, #tpu.memory_space<vmem>> -> memref<128x128xf32, #tpu.memory_space<vmem>>
        tpu.enqueue_dma source(%dma_start3A_444 : memref<128x128xf32, #tpu.memory_space<vmem>>) target(%dma_start3A_440 : memref<128x128xf32, #tpu.memory_space<vmem_shared>>) target_semaphore(%run_scoped3A_432 : memref<!tpu.dma_semaphore, #tpu.memory_space<semaphore_mem>>)
        %dma_wait3A_445 = arith.constant 0 : i32
        %dma_wait3A_446 = arith.constant 0 : i32
        %dma_wait3A_447 = tpu.memref_slice %arg8[%run_scoped3A, %dma_wait3A_445, %dma_wait3A_446] : memref<2x128x128xf32, #tpu.memory_space<vmem>> -> memref<1x128x128xf32, #tpu.memory_space<vmem>>
        %dma_wait3A_448 = tpu.memref_squeeze %dma_wait3A_447 : memref<1x128x128xf32, #tpu.memory_space<vmem>> -> memref<128x128xf32, #tpu.memory_space<vmem>>
        %dma_wait3A_449 = arith.constant 0 : i32
        %dma_wait3A_450 = tpu.memref_slice %arg9[%mul3A_431, %dma_wait3A_449] : memref<10112x128xf32, #tpu.memory_space<vmem_shared>> -> memref<128x128xf32, #tpu.memory_space<vmem_shared>>
        %dma_wait3A_451 = arith.constant 0 : i32
        %dma_wait3A_452 = tpu.memref_slice %arg9[%mul3A_431, %dma_wait3A_451] : memref<10112x128xf32, #tpu.memory_space<vmem_shared>> -> memref<128x128xf32, #tpu.memory_space<vmem_shared>>
        %dma_wait3A_453 = arith.constant 0 : i32
        %dma_wait3A_454 = arith.constant 0 : i32
        %dma_wait3A_455 = tpu.memref_slice %arg8[%run_scoped3A, %dma_wait3A_453, %dma_wait3A_454] : memref<2x128x128xf32, #tpu.memory_space<vmem>> -> memref<1x128x128xf32, #tpu.memory_space<vmem>>
        %dma_wait3A_456 = tpu.memref_squeeze %dma_wait3A_455 : memref<1x128x128xf32, #tpu.memory_space<vmem>> -> memref<128x128xf32, #tpu.memory_space<vmem>>
        tpu.wait_dma2 semaphore(%run_scoped3A_432 : memref<!tpu.dma_semaphore, #tpu.memory_space<semaphore_mem>>) src(%dma_wait3A_456 : memref<128x128xf32, #tpu.memory_space<vmem>>) dst(%dma_wait3A_452 : memref<128x128xf32, #tpu.memory_space<vmem_shared>>)
        tpu.yield
      }) : () -> ()
    } else {
    }
    %lt3A_22 = arith.constant 79 : i32
    %lt3A_23 = arith.cmpi slt, %add3A_13, %lt3A_22 : i32
    %convert_element_type3A_24 = arith.extui %lt3A_23 : i1 to i32
    %cond3A_25 = arith.constant 0 : i32
    %cond3A_26 = arith.cmpi ne, %convert_element_type3A_24, %cond3A_25 : i32
    scf.if %cond3A_26 {
      %mul3A_430 = arith.constant 128 : i32
      %mul3A_431 = arith.muli %add3A_13, %mul3A_430 : i32
      %run_scoped3A = arith.constant 0 : i32
      "tpu.region"() ({
        %run_scoped3A_432 = tpu.sem_alloc : memref<!tpu.dma_semaphore, #tpu.memory_space<semaphore_mem>>
        %dma_start3A_433 = arith.constant 0 : i32
        %dma_start3A_434 = arith.constant 0 : i32
        %dma_start3A_435 = tpu.memref_slice %arg8[%run_scoped3A, %dma_start3A_433, %dma_start3A_434] : memref<2x128x128xf32, #tpu.memory_space<vmem>> -> memref<1x128x128xf32, #tpu.memory_space<vmem>>
        %dma_start3A_436 = tpu.memref_squeeze %dma_start3A_435 : memref<1x128x128xf32, #tpu.memory_space<vmem>> -> memref<128x128xf32, #tpu.memory_space<vmem>>
        %dma_start3A_437 = arith.constant 0 : i32
        %dma_start3A_438 = tpu.memref_slice %arg9[%mul3A_431, %dma_start3A_437] : memref<10112x128xf32, #tpu.memory_space<vmem_shared>> -> memref<128x128xf32, #tpu.memory_space<vmem_shared>>
        %dma_start3A_439 = arith.constant 0 : i32
        %dma_start3A_440 = tpu.memref_slice %arg9[%mul3A_431, %dma_start3A_439] : memref<10112x128xf32, #tpu.memory_space<vmem_shared>> -> memref<128x128xf32, #tpu.memory_space<vmem_shared>>
        %dma_start3A_441 = arith.constant 0 : i32
        %dma_start3A_442 = arith.constant 0 : i32
        %dma_start3A_443 = tpu.memref_slice %arg8[%run_scoped3A, %dma_start3A_441, %dma_start3A_442] : memref<2x128x128xf32, #tpu.memory_space<vmem>> -> memref<1x128x128xf32, #tpu.memory_space<vmem>>
        %dma_start3A_444 = tpu.memref_squeeze %dma_start3A_443 : memref<1x128x128xf32, #tpu.memory_space<vmem>> -> memref<128x128xf32, #tpu.memory_space<vmem>>
        tpu.enqueue_dma source(%dma_start3A_444 : memref<128x128xf32, #tpu.memory_space<vmem>>) target(%dma_start3A_440 : memref<128x128xf32, #tpu.memory_space<vmem_shared>>) target_semaphore(%run_scoped3A_432 : memref<!tpu.dma_semaphore, #tpu.memory_space<semaphore_mem>>)
        %dma_wait3A_445 = arith.constant 0 : i32
        %dma_wait3A_446 = arith.constant 0 : i32
        %dma_wait3A_447 = tpu.memref_slice %arg8[%run_scoped3A, %dma_wait3A_445, %dma_wait3A_446] : memref<2x128x128xf32, #tpu.memory_space<vmem>> -> memref<1x128x128xf32, #tpu.memory_space<vmem>>
        %dma_wait3A_448 = tpu.memref_squeeze %dma_wait3A_447 : memref<1x128x128xf32, #tpu.memory_space<vmem>> -> memref<128x128xf32, #tpu.memory_space<vmem>>
        %dma_wait3A_449 = arith.constant 0 : i32
        %dma_wait3A_450 = tpu.memref_slice %arg9[%mul3A_431, %dma_wait3A_449] : memref<10112x128xf32, #tpu.memory_space<vmem_shared>> -> memref<128x128xf32, #tpu.memory_space<vmem_shared>>
        %dma_wait3A_451 = arith.constant 0 : i32
        %dma_wait3A_452 = tpu.memref_slice %arg9[%mul3A_431, %dma_wait3A_451] : memref<10112x128xf32, #tpu.memory_space<vmem_shared>> -> memref<128x128xf32, #tpu.memory_space<vmem_shared>>
        %dma_wait3A_453 = arith.constant 0 : i32
        %dma_wait3A_454 = arith.constant 0 : i32
        %dma_wait3A_455 = tpu.memref_slice %arg8[%run_scoped3A, %dma_wait3A_453, %dma_wait3A_454] : memref<2x128x128xf32, #tpu.memory_space<vmem>> -> memref<1x128x128xf32, #tpu.memory_space<vmem>>
        %dma_wait3A_456 = tpu.memref_squeeze %dma_wait3A_455 : memref<1x128x128xf32, #tpu.memory_space<vmem>> -> memref<128x128xf32, #tpu.memory_space<vmem>>
        tpu.wait_dma2 semaphore(%run_scoped3A_432 : memref<!tpu.dma_semaphore, #tpu.memory_space<semaphore_mem>>) src(%dma_wait3A_456 : memref<128x128xf32, #tpu.memory_space<vmem>>) dst(%dma_wait3A_452 : memref<128x128xf32, #tpu.memory_space<vmem_shared>>)
        tpu.yield
      }) : () -> ()
    } else {
    }
    %lt3A_27 = arith.constant 79 : i32
    %lt3A_28 = arith.cmpi slt, %add3A_15, %lt3A_27 : i32
    %convert_element_type3A_29 = arith.extui %lt3A_28 : i1 to i32
    %cond3A_30 = arith.constant 0 : i32
    %cond3A_31 = arith.cmpi ne, %convert_element_type3A_29, %cond3A_30 : i32
    scf.if %cond3A_31 {
      %mul3A_430 = arith.constant 128 : i32
      %mul3A_431 = arith.muli %add3A_15, %mul3A_430 : i32
      %run_scoped3A = arith.constant 0 : i32
      "tpu.region"() ({
        %run_scoped3A_432 = tpu.sem_alloc : memref<!tpu.dma_semaphore, #tpu.memory_space<semaphore_mem>>
        %dma_start3A_433 = arith.constant 0 : i32
        %dma_start3A_434 = arith.constant 0 : i32
        %dma_start3A_435 = tpu.memref_slice %arg8[%run_scoped3A, %dma_start3A_433, %dma_start3A_434] : memref<2x128x128xf32, #tpu.memory_space<vmem>> -> memref<1x128x128xf32, #tpu.memory_space<vmem>>
        %dma_start3A_436 = tpu.memref_squeeze %dma_start3A_435 : memref<1x128x128xf32, #tpu.memory_space<vmem>> -> memref<128x128xf32, #tpu.memory_space<vmem>>
        %dma_start3A_437 = arith.constant 0 : i32
        %dma_start3A_438 = tpu.memref_slice %arg9[%mul3A_431, %dma_start3A_437] : memref<10112x128xf32, #tpu.memory_space<vmem_shared>> -> memref<128x128xf32, #tpu.memory_space<vmem_shared>>
        %dma_start3A_439 = arith.constant 0 : i32
        %dma_start3A_440 = tpu.memref_slice %arg9[%mul3A_431, %dma_start3A_439] : memref<10112x128xf32, #tpu.memory_space<vmem_shared>> -> memref<128x128xf32, #tpu.memory_space<vmem_shared>>
        %dma_start3A_441 = arith.constant 0 : i32
        %dma_start3A_442 = arith.constant 0 : i32
        %dma_start3A_443 = tpu.memref_slice %arg8[%run_scoped3A, %dma_start3A_441, %dma_start3A_442] : memref<2x128x128xf32, #tpu.memory_space<vmem>> -> memref<1x128x128xf32, #tpu.memory_space<vmem>>
        %dma_start3A_444 = tpu.memref_squeeze %dma_start3A_443 : memref<1x128x128xf32, #tpu.memory_space<vmem>> -> memref<128x128xf32, #tpu.memory_space<vmem>>
        tpu.enqueue_dma source(%dma_start3A_444 : memref<128x128xf32, #tpu.memory_space<vmem>>) target(%dma_start3A_440 : memref<128x128xf32, #tpu.memory_space<vmem_shared>>) target_semaphore(%run_scoped3A_432 : memref<!tpu.dma_semaphore, #tpu.memory_space<semaphore_mem>>)
        %dma_wait3A_445 = arith.constant 0 : i32
        %dma_wait3A_446 = arith.constant 0 : i32
        %dma_wait3A_447 = tpu.memref_slice %arg8[%run_scoped3A, %dma_wait3A_445, %dma_wait3A_446] : memref<2x128x128xf32, #tpu.memory_space<vmem>> -> memref<1x128x128xf32, #tpu.memory_space<vmem>>
        %dma_wait3A_448 = tpu.memref_squeeze %dma_wait3A_447 : memref<1x128x128xf32, #tpu.memory_space<vmem>> -> memref<128x128xf32, #tpu.memory_space<vmem>>
        %dma_wait3A_449 = arith.constant 0 : i32
        %dma_wait3A_450 = tpu.memref_slice %arg9[%mul3A_431, %dma_wait3A_449] : memref<10112x128xf32, #tpu.memory_space<vmem_shared>> -> memref<128x128xf32, #tpu.memory_space<vmem_shared>>
        %dma_wait3A_451 = arith.constant 0 : i32
        %dma_wait3A_452 = tpu.memref_slice %arg9[%mul3A_431, %dma_wait3A_451] : memref<10112x128xf32, #tpu.memory_space<vmem_shared>> -> memref<128x128xf32, #tpu.memory_space<vmem_shared>>
        %dma_wait3A_453 = arith.constant 0 : i32
        %dma_wait3A_454 = arith.constant 0 : i32
        %dma_wait3A_455 = tpu.memref_slice %arg8[%run_scoped3A, %dma_wait3A_453, %dma_wait3A_454] : memref<2x128x128xf32, #tpu.memory_space<vmem>> -> memref<1x128x128xf32, #tpu.memory_space<vmem>>
        %dma_wait3A_456 = tpu.memref_squeeze %dma_wait3A_455 : memref<1x128x128xf32, #tpu.memory_space<vmem>> -> memref<128x128xf32, #tpu.memory_space<vmem>>
        tpu.wait_dma2 semaphore(%run_scoped3A_432 : memref<!tpu.dma_semaphore, #tpu.memory_space<semaphore_mem>>) src(%dma_wait3A_456 : memref<128x128xf32, #tpu.memory_space<vmem>>) dst(%dma_wait3A_452 : memref<128x128xf32, #tpu.memory_space<vmem_shared>>)
        tpu.yield
      }) : () -> ()
    } else {
    }
    %lt3A_32 = arith.constant 79 : i32
    %lt3A_33 = arith.cmpi slt, %add3A_17, %lt3A_32 : i32
    %convert_element_type3A_34 = arith.extui %lt3A_33 : i1 to i32
    %cond3A_35 = arith.constant 0 : i32
    %cond3A_36 = arith.cmpi ne, %convert_element_type3A_34, %cond3A_35 : i32
    scf.if %cond3A_36 {
      %mul3A_430 = arith.constant 128 : i32
      %mul3A_431 = arith.muli %add3A_17, %mul3A_430 : i32
      %run_scoped3A = arith.constant 0 : i32
      "tpu.region"() ({
        %run_scoped3A_432 = tpu.sem_alloc : memref<!tpu.dma_semaphore, #tpu.memory_space<semaphore_mem>>
        %dma_start3A_433 = arith.constant 0 : i32
        %dma_start3A_434 = arith.constant 0 : i32
        %dma_start3A_435 = tpu.memref_slice %arg8[%run_scoped3A, %dma_start3A_433, %dma_start3A_434] : memref<2x128x128xf32, #tpu.memory_space<vmem>> -> memref<1x128x128xf32, #tpu.memory_space<vmem>>
        %dma_start3A_436 = tpu.memref_squeeze %dma_start3A_435 : memref<1x128x128xf32, #tpu.memory_space<vmem>> -> memref<128x128xf32, #tpu.memory_space<vmem>>
        %dma_start3A_437 = arith.constant 0 : i32
        %dma_start3A_438 = tpu.memref_slice %arg9[%mul3A_431, %dma_start3A_437] : memref<10112x128xf32, #tpu.memory_space<vmem_shared>> -> memref<128x128xf32, #tpu.memory_space<vmem_shared>>
        %dma_start3A_439 = arith.constant 0 : i32
        %dma_start3A_440 = tpu.memref_slice %arg9[%mul3A_431, %dma_start3A_439] : memref<10112x128xf32, #tpu.memory_space<vmem_shared>> -> memref<128x128xf32, #tpu.memory_space<vmem_shared>>
        %dma_start3A_441 = arith.constant 0 : i32
        %dma_start3A_442 = arith.constant 0 : i32
        %dma_start3A_443 = tpu.memref_slice %arg8[%run_scoped3A, %dma_start3A_441, %dma_start3A_442] : memref<2x128x128xf32, #tpu.memory_space<vmem>> -> memref<1x128x128xf32, #tpu.memory_space<vmem>>
        %dma_start3A_444 = tpu.memref_squeeze %dma_start3A_443 : memref<1x128x128xf32, #tpu.memory_space<vmem>> -> memref<128x128xf32, #tpu.memory_space<vmem>>
        tpu.enqueue_dma source(%dma_start3A_444 : memref<128x128xf32, #tpu.memory_space<vmem>>) target(%dma_start3A_440 : memref<128x128xf32, #tpu.memory_space<vmem_shared>>) target_semaphore(%run_scoped3A_432 : memref<!tpu.dma_semaphore, #tpu.memory_space<semaphore_mem>>)
        %dma_wait3A_445 = arith.constant 0 : i32
        %dma_wait3A_446 = arith.constant 0 : i32
        %dma_wait3A_447 = tpu.memref_slice %arg8[%run_scoped3A, %dma_wait3A_445, %dma_wait3A_446] : memref<2x128x128xf32, #tpu.memory_space<vmem>> -> memref<1x128x128xf32, #tpu.memory_space<vmem>>
        %dma_wait3A_448 = tpu.memref_squeeze %dma_wait3A_447 : memref<1x128x128xf32, #tpu.memory_space<vmem>> -> memref<128x128xf32, #tpu.memory_space<vmem>>
        %dma_wait3A_449 = arith.constant 0 : i32
        %dma_wait3A_450 = tpu.memref_slice %arg9[%mul3A_431, %dma_wait3A_449] : memref<10112x128xf32, #tpu.memory_space<vmem_shared>> -> memref<128x128xf32, #tpu.memory_space<vmem_shared>>
        %dma_wait3A_451 = arith.constant 0 : i32
        %dma_wait3A_452 = tpu.memref_slice %arg9[%mul3A_431, %dma_wait3A_451] : memref<10112x128xf32, #tpu.memory_space<vmem_shared>> -> memref<128x128xf32, #tpu.memory_space<vmem_shared>>
        %dma_wait3A_453 = arith.constant 0 : i32
        %dma_wait3A_454 = arith.constant 0 : i32
        %dma_wait3A_455 = tpu.memref_slice %arg8[%run_scoped3A, %dma_wait3A_453, %dma_wait3A_454] : memref<2x128x128xf32, #tpu.memory_space<vmem>> -> memref<1x128x128xf32, #tpu.memory_space<vmem>>
        %dma_wait3A_456 = tpu.memref_squeeze %dma_wait3A_455 : memref<1x128x128xf32, #tpu.memory_space<vmem>> -> memref<128x128xf32, #tpu.memory_space<vmem>>
        tpu.wait_dma2 semaphore(%run_scoped3A_432 : memref<!tpu.dma_semaphore, #tpu.memory_space<semaphore_mem>>) src(%dma_wait3A_456 : memref<128x128xf32, #tpu.memory_space<vmem>>) dst(%dma_wait3A_452 : memref<128x128xf32, #tpu.memory_space<vmem_shared>>)
        tpu.yield
      }) : () -> ()
    } else {
    }
    %lt3A_37 = arith.constant 79 : i32
    %lt3A_38 = arith.cmpi slt, %add3A_19, %lt3A_37 : i32
    %convert_element_type3A_39 = arith.extui %lt3A_38 : i1 to i32
    %cond3A_40 = arith.constant 0 : i32
    %cond3A_41 = arith.cmpi ne, %convert_element_type3A_39, %cond3A_40 : i32
    scf.if %cond3A_41 {
      %mul3A_430 = arith.constant 128 : i32
      %mul3A_431 = arith.muli %add3A_19, %mul3A_430 : i32
      %run_scoped3A = arith.constant 0 : i32
      "tpu.region"() ({
        %run_scoped3A_432 = tpu.sem_alloc : memref<!tpu.dma_semaphore, #tpu.memory_space<semaphore_mem>>
        %dma_start3A_433 = arith.constant 0 : i32
        %dma_start3A_434 = arith.constant 0 : i32
        %dma_start3A_435 = tpu.memref_slice %arg8[%run_scoped3A, %dma_start3A_433, %dma_start3A_434] : memref<2x128x128xf32, #tpu.memory_space<vmem>> -> memref<1x128x128xf32, #tpu.memory_space<vmem>>
        %dma_start3A_436 = tpu.memref_squeeze %dma_start3A_435 : memref<1x128x128xf32, #tpu.memory_space<vmem>> -> memref<128x128xf32, #tpu.memory_space<vmem>>
        %dma_start3A_437 = arith.constant 0 : i32
        %dma_start3A_438 = tpu.memref_slice %arg9[%mul3A_431, %dma_start3A_437] : memref<10112x128xf32, #tpu.memory_space<vmem_shared>> -> memref<128x128xf32, #tpu.memory_space<vmem_shared>>
        %dma_start3A_439 = arith.constant 0 : i32
        %dma_start3A_440 = tpu.memref_slice %arg9[%mul3A_431, %dma_start3A_439] : memref<10112x128xf32, #tpu.memory_space<vmem_shared>> -> memref<128x128xf32, #tpu.memory_space<vmem_shared>>
        %dma_start3A_441 = arith.constant 0 : i32
        %dma_start3A_442 = arith.constant 0 : i32
        %dma_start3A_443 = tpu.memref_slice %arg8[%run_scoped3A, %dma_start3A_441, %dma_start3A_442] : memref<2x128x128xf32, #tpu.memory_space<vmem>> -> memref<1x128x128xf32, #tpu.memory_space<vmem>>
        %dma_start3A_444 = tpu.memref_squeeze %dma_start3A_443 : memref<1x128x128xf32, #tpu.memory_space<vmem>> -> memref<128x128xf32, #tpu.memory_space<vmem>>
        tpu.enqueue_dma source(%dma_start3A_444 : memref<128x128xf32, #tpu.memory_space<vmem>>) target(%dma_start3A_440 : memref<128x128xf32, #tpu.memory_space<vmem_shared>>) target_semaphore(%run_scoped3A_432 : memref<!tpu.dma_semaphore, #tpu.memory_space<semaphore_mem>>)
        %dma_wait3A_445 = arith.constant 0 : i32
        %dma_wait3A_446 = arith.constant 0 : i32
        %dma_wait3A_447 = tpu.memref_slice %arg8[%run_scoped3A, %dma_wait3A_445, %dma_wait3A_446] : memref<2x128x128xf32, #tpu.memory_space<vmem>> -> memref<1x128x128xf32, #tpu.memory_space<vmem>>
        %dma_wait3A_448 = tpu.memref_squeeze %dma_wait3A_447 : memref<1x128x128xf32, #tpu.memory_space<vmem>> -> memref<128x128xf32, #tpu.memory_space<vmem>>
        %dma_wait3A_449 = arith.constant 0 : i32
        %dma_wait3A_450 = tpu.memref_slice %arg9[%mul3A_431, %dma_wait3A_449] : memref<10112x128xf32, #tpu.memory_space<vmem_shared>> -> memref<128x128xf32, #tpu.memory_space<vmem_shared>>
        %dma_wait3A_451 = arith.constant 0 : i32
        %dma_wait3A_452 = tpu.memref_slice %arg9[%mul3A_431, %dma_wait3A_451] : memref<10112x128xf32, #tpu.memory_space<vmem_shared>> -> memref<128x128xf32, #tpu.memory_space<vmem_shared>>
        %dma_wait3A_453 = arith.constant 0 : i32
        %dma_wait3A_454 = arith.constant 0 : i32
        %dma_wait3A_455 = tpu.memref_slice %arg8[%run_scoped3A, %dma_wait3A_453, %dma_wait3A_454] : memref<2x128x128xf32, #tpu.memory_space<vmem>> -> memref<1x128x128xf32, #tpu.memory_space<vmem>>
        %dma_wait3A_456 = tpu.memref_squeeze %dma_wait3A_455 : memref<1x128x128xf32, #tpu.memory_space<vmem>> -> memref<128x128xf32, #tpu.memory_space<vmem>>
        tpu.wait_dma2 semaphore(%run_scoped3A_432 : memref<!tpu.dma_semaphore, #tpu.memory_space<semaphore_mem>>) src(%dma_wait3A_456 : memref<128x128xf32, #tpu.memory_space<vmem>>) dst(%dma_wait3A_452 : memref<128x128xf32, #tpu.memory_space<vmem_shared>>)
        tpu.yield
      }) : () -> ()
    } else {
    }
    %barrier3A = arith.constant 0 : index
    tpu.barrier barrier_id(%barrier3A)
    "tpu.region"() ({
      %run_scoped3A = tpu.sem_alloc : memref<!tpu.dma_semaphore, #tpu.memory_space<semaphore_mem>>
      %dma_start3A_430 = arith.constant 0 : i32
      %dma_start3A_431 = tpu.memref_slice %arg3[%mul3A_2, %dma_start3A_430] : memref<2560x128xi32, #tpu.memory_space<hbm>> -> memref<80x128xi32, #tpu.memory_space<hbm>>
      %dma_start3A_432 = arith.constant 0 : i32
      %dma_start3A_433 = tpu.memref_slice %arg3[%mul3A_2, %dma_start3A_432] : memref<2560x128xi32, #tpu.memory_space<hbm>> -> memref<80x128xi32, #tpu.memory_space<hbm>>
      tpu.enqueue_dma source(%dma_start3A_433 : memref<80x128xi32, #tpu.memory_space<hbm>>) target(%arg6 : memref<80x128xi32, #tpu.memory_space<vmem>>) target_semaphore(%run_scoped3A : memref<!tpu.dma_semaphore, #tpu.memory_space<semaphore_mem>>)
      %dma_wait3A_434 = arith.constant 0 : i32
      %dma_wait3A_435 = tpu.memref_slice %arg3[%mul3A_2, %dma_wait3A_434] : memref<2560x128xi32, #tpu.memory_space<hbm>> -> memref<80x128xi32, #tpu.memory_space<hbm>>
      %dma_wait3A_436 = arith.constant 0 : i32
      %dma_wait3A_437 = tpu.memref_slice %arg3[%mul3A_2, %dma_wait3A_436] : memref<2560x128xi32, #tpu.memory_space<hbm>> -> memref<80x128xi32, #tpu.memory_space<hbm>>
      tpu.wait_dma2 semaphore(%run_scoped3A : memref<!tpu.dma_semaphore, #tpu.memory_space<semaphore_mem>>) src(%dma_wait3A_437 : memref<80x128xi32, #tpu.memory_space<hbm>>) dst(%arg6 : memref<80x128xi32, #tpu.memory_space<vmem>>)
      tpu.yield
    }) : () -> ()
    %add3A_42 = arith.constant 0 : i32
    %add3A_43 = arith.addi %mul3A_2, %add3A_42 : i32
    %mul3A_44 = arith.constant 128 : i32
    %mul3A_45 = arith.muli %add3A_43, %mul3A_44 : i32
    %dma_start3A = arith.constant 0 : i32
    %dma_start3A_46 = arith.constant 0 : i32
    %dma_start3A_47 = tpu.memref_slice %arg7[%dma_start3A, %dma_start3A_46] : memref<4x128xi32, #tpu.memory_space<vmem>> -> memref<1x128xi32, #tpu.memory_space<vmem>>
    %dma_start3A_48 = tpu.memref_squeeze %dma_start3A_47 : memref<1x128xi32, #tpu.memory_space<vmem>> -> memref<128xi32, #tpu.memory_space<vmem>>
    %dma_start3A_49 = tpu.memref_slice %arg4[%mul3A_45] : memref<327680xi32, #tpu.memory_space<hbm>> -> memref<128xi32, #tpu.memory_space<hbm>>
    %dma_start3A_50 = arith.constant 0 : i32
    %dma_start3A_51 = tpu.memref_slice %arg7[%dma_start3A, %dma_start3A_50] : memref<4x128xi32, #tpu.memory_space<vmem>> -> memref<1x128xi32, #tpu.memory_space<vmem>>
    %dma_start3A_52 = tpu.memref_squeeze %dma_start3A_51 : memref<1x128xi32, #tpu.memory_space<vmem>> -> memref<128xi32, #tpu.memory_space<vmem>>
    %dma_start3A_53 = tpu.memref_slice %arg4[%mul3A_45] : memref<327680xi32, #tpu.memory_space<hbm>> -> memref<128xi32, #tpu.memory_space<hbm>>
    tpu.enqueue_dma source(%dma_start3A_53 : memref<128xi32, #tpu.memory_space<hbm>>) target(%dma_start3A_52 : memref<128xi32, #tpu.memory_space<vmem>>) target_semaphore(%arg12 : memref<!tpu.dma_semaphore, #tpu.memory_space<semaphore_mem>>)
    %add3A_54 = arith.constant 1 : i32
    %add3A_55 = arith.addi %mul3A_2, %add3A_54 : i32
    %mul3A_56 = arith.constant 128 : i32
    %mul3A_57 = arith.muli %add3A_55, %mul3A_56 : i32
    %dma_start3A_58 = arith.constant 1 : i32
    %dma_start3A_59 = arith.constant 0 : i32
    %dma_start3A_60 = tpu.memref_slice %arg7[%dma_start3A_58, %dma_start3A_59] : memref<4x128xi32, #tpu.memory_space<vmem>> -> memref<1x128xi32, #tpu.memory_space<vmem>>
    %dma_start3A_61 = tpu.memref_squeeze %dma_start3A_60 : memref<1x128xi32, #tpu.memory_space<vmem>> -> memref<128xi32, #tpu.memory_space<vmem>>
    %dma_start3A_62 = tpu.memref_slice %arg4[%mul3A_57] : memref<327680xi32, #tpu.memory_space<hbm>> -> memref<128xi32, #tpu.memory_space<hbm>>
    %dma_start3A_63 = arith.constant 0 : i32
    %dma_start3A_64 = tpu.memref_slice %arg7[%dma_start3A_58, %dma_start3A_63] : memref<4x128xi32, #tpu.memory_space<vmem>> -> memref<1x128xi32, #tpu.memory_space<vmem>>
    %dma_start3A_65 = tpu.memref_squeeze %dma_start3A_64 : memref<1x128xi32, #tpu.memory_space<vmem>> -> memref<128xi32, #tpu.memory_space<vmem>>
    %dma_start3A_66 = tpu.memref_slice %arg4[%mul3A_57] : memref<327680xi32, #tpu.memory_space<hbm>> -> memref<128xi32, #tpu.memory_space<hbm>>
    tpu.enqueue_dma source(%dma_start3A_66 : memref<128xi32, #tpu.memory_space<hbm>>) target(%dma_start3A_65 : memref<128xi32, #tpu.memory_space<vmem>>) target_semaphore(%arg13 : memref<!tpu.dma_semaphore, #tpu.memory_space<semaphore_mem>>)
    %add3A_67 = arith.constant 2 : i32
    %add3A_68 = arith.addi %mul3A_2, %add3A_67 : i32
    %mul3A_69 = arith.constant 128 : i32
    %mul3A_70 = arith.muli %add3A_68, %mul3A_69 : i32
    %dma_start3A_71 = arith.constant 2 : i32
    %dma_start3A_72 = arith.constant 0 : i32
    %dma_start3A_73 = tpu.memref_slice %arg7[%dma_start3A_71, %dma_start3A_72] : memref<4x128xi32, #tpu.memory_space<vmem>> -> memref<1x128xi32, #tpu.memory_space<vmem>>
    %dma_start3A_74 = tpu.memref_squeeze %dma_start3A_73 : memref<1x128xi32, #tpu.memory_space<vmem>> -> memref<128xi32, #tpu.memory_space<vmem>>
    %dma_start3A_75 = tpu.memref_slice %arg4[%mul3A_70] : memref<327680xi32, #tpu.memory_space<hbm>> -> memref<128xi32, #tpu.memory_space<hbm>>
    %dma_start3A_76 = arith.constant 0 : i32
    %dma_start3A_77 = tpu.memref_slice %arg7[%dma_start3A_71, %dma_start3A_76] : memref<4x128xi32, #tpu.memory_space<vmem>> -> memref<1x128xi32, #tpu.memory_space<vmem>>
    %dma_start3A_78 = tpu.memref_squeeze %dma_start3A_77 : memref<1x128xi32, #tpu.memory_space<vmem>> -> memref<128xi32, #tpu.memory_space<vmem>>
    %dma_start3A_79 = tpu.memref_slice %arg4[%mul3A_70] : memref<327680xi32, #tpu.memory_space<hbm>> -> memref<128xi32, #tpu.memory_space<hbm>>
    tpu.enqueue_dma source(%dma_start3A_79 : memref<128xi32, #tpu.memory_space<hbm>>) target(%dma_start3A_78 : memref<128xi32, #tpu.memory_space<vmem>>) target_semaphore(%arg14 : memref<!tpu.dma_semaphore, #tpu.memory_space<semaphore_mem>>)
    %add3A_80 = arith.constant 3 : i32
    %add3A_81 = arith.addi %mul3A_2, %add3A_80 : i32
    %mul3A_82 = arith.constant 128 : i32
    %mul3A_83 = arith.muli %add3A_81, %mul3A_82 : i32
    %dma_start3A_84 = arith.constant 3 : i32
    %dma_start3A_85 = arith.constant 0 : i32
    %dma_start3A_86 = tpu.memref_slice %arg7[%dma_start3A_84, %dma_start3A_85] : memref<4x128xi32, #tpu.memory_space<vmem>> -> memref<1x128xi32, #tpu.memory_space<vmem>>
    %dma_start3A_87 = tpu.memref_squeeze %dma_start3A_86 : memref<1x128xi32, #tpu.memory_space<vmem>> -> memref<128xi32, #tpu.memory_space<vmem>>
    %dma_start3A_88 = tpu.memref_slice %arg4[%mul3A_83] : memref<327680xi32, #tpu.memory_space<hbm>> -> memref<128xi32, #tpu.memory_space<hbm>>
    %dma_start3A_89 = arith.constant 0 : i32
    %dma_start3A_90 = tpu.memref_slice %arg7[%dma_start3A_84, %dma_start3A_89] : memref<4x128xi32, #tpu.memory_space<vmem>> -> memref<1x128xi32, #tpu.memory_space<vmem>>
    %dma_start3A_91 = tpu.memref_squeeze %dma_start3A_90 : memref<1x128xi32, #tpu.memory_space<vmem>> -> memref<128xi32, #tpu.memory_space<vmem>>
    %dma_start3A_92 = tpu.memref_slice %arg4[%mul3A_83] : memref<327680xi32, #tpu.memory_space<hbm>> -> memref<128xi32, #tpu.memory_space<hbm>>
    tpu.enqueue_dma source(%dma_start3A_92 : memref<128xi32, #tpu.memory_space<hbm>>) target(%dma_start3A_91 : memref<128xi32, #tpu.memory_space<vmem>>) target_semaphore(%arg15 : memref<!tpu.dma_semaphore, #tpu.memory_space<semaphore_mem>>)
    %dma_start3A_93 = arith.constant 0 : i32
    %dma_start3A_94 = arith.constant 0 : i32
    %dma_start3A_95 = arith.constant 0 : i32
    %dma_start3A_96 = arith.constant 0 : i32
    %dma_start3A_97 = tpu.memref_slice %arg8[%dma_start3A_94, %dma_start3A_95, %dma_start3A_96] : memref<2x128x128xf32, #tpu.memory_space<vmem>> -> memref<1x128x128xf32, #tpu.memory_space<vmem>>
    %dma_start3A_98 = tpu.memref_squeeze %dma_start3A_97 : memref<1x128x128xf32, #tpu.memory_space<vmem>> -> memref<128x128xf32, #tpu.memory_space<vmem>>
    %dma_start3A_99 = arith.constant 0 : i32
    %dma_start3A_100 = tpu.memref_slice %arg6[%dma_start3A_93, %dma_start3A_99] : memref<80x128xi32, #tpu.memory_space<vmem>> -> memref<1x128xi32, #tpu.memory_space<vmem>>
    %dma_start3A_101 = tpu.memref_squeeze %dma_start3A_100 : memref<1x128xi32, #tpu.memory_space<vmem>> -> memref<128xi32, #tpu.memory_space<vmem>>
    %dma_start3A_102 = arith.constant 0 : i32
    %dma_start3A_103 = arith.constant 0 : i32
    %dma_start3A_104 = tpu.memref_slice %arg2[%dma_start3A_102, %dma_start3A_103] : memref<10112x128xf32, #tpu.memory_space<hbm>> -> memref<10112x128xf32, #tpu.memory_space<hbm>>
    tpu.enqueue_indirect_dma source(%dma_start3A_104 : memref<10112x128xf32, #tpu.memory_space<hbm>>) target(%dma_start3A_98 : memref<128x128xf32, #tpu.memory_space<vmem>>) offsets(%dma_start3A_101 : memref<128xi32, #tpu.memory_space<vmem>>) semaphore(%arg10 : memref<!tpu.dma_semaphore, #tpu.memory_space<semaphore_mem>>)
    %dma_start3A_105 = arith.constant 1 : i32
    %dma_start3A_106 = arith.constant 1 : i32
    %dma_start3A_107 = arith.constant 0 : i32
    %dma_start3A_108 = arith.constant 0 : i32
    %dma_start3A_109 = tpu.memref_slice %arg8[%dma_start3A_106, %dma_start3A_107, %dma_start3A_108] : memref<2x128x128xf32, #tpu.memory_space<vmem>> -> memref<1x128x128xf32, #tpu.memory_space<vmem>>
    %dma_start3A_110 = tpu.memref_squeeze %dma_start3A_109 : memref<1x128x128xf32, #tpu.memory_space<vmem>> -> memref<128x128xf32, #tpu.memory_space<vmem>>
    %dma_start3A_111 = arith.constant 0 : i32
    %dma_start3A_112 = tpu.memref_slice %arg6[%dma_start3A_105, %dma_start3A_111] : memref<80x128xi32, #tpu.memory_space<vmem>> -> memref<1x128xi32, #tpu.memory_space<vmem>>
    %dma_start3A_113 = tpu.memref_squeeze %dma_start3A_112 : memref<1x128xi32, #tpu.memory_space<vmem>> -> memref<128xi32, #tpu.memory_space<vmem>>
    %dma_start3A_114 = arith.constant 0 : i32
    %dma_start3A_115 = arith.constant 0 : i32
    %dma_start3A_116 = tpu.memref_slice %arg2[%dma_start3A_114, %dma_start3A_115] : memref<10112x128xf32, #tpu.memory_space<hbm>> -> memref<10112x128xf32, #tpu.memory_space<hbm>>
    tpu.enqueue_indirect_dma source(%dma_start3A_116 : memref<10112x128xf32, #tpu.memory_space<hbm>>) target(%dma_start3A_110 : memref<128x128xf32, #tpu.memory_space<vmem>>) offsets(%dma_start3A_113 : memref<128xi32, #tpu.memory_space<vmem>>) semaphore(%arg11 : memref<!tpu.dma_semaphore, #tpu.memory_space<semaphore_mem>>)
    %dma_wait3A = arith.constant 0 : i32
    %dma_wait3A_117 = arith.constant 0 : i32
    %dma_wait3A_118 = arith.constant 0 : i32
    %dma_wait3A_119 = arith.constant 0 : i32
    %dma_wait3A_120 = tpu.memref_slice %arg8[%dma_wait3A_117, %dma_wait3A_118, %dma_wait3A_119] : memref<2x128x128xf32, #tpu.memory_space<vmem>> -> memref<1x128x128xf32, #tpu.memory_space<vmem>>
    %dma_wait3A_121 = tpu.memref_squeeze %dma_wait3A_120 : memref<1x128x128xf32, #tpu.memory_space<vmem>> -> memref<128x128xf32, #tpu.memory_space<vmem>>
    %dma_wait3A_122 = arith.constant 0 : i32
    %dma_wait3A_123 = tpu.memref_slice %arg6[%dma_wait3A, %dma_wait3A_122] : memref<80x128xi32, #tpu.memory_space<vmem>> -> memref<1x128xi32, #tpu.memory_space<vmem>>
    %dma_wait3A_124 = tpu.memref_squeeze %dma_wait3A_123 : memref<1x128xi32, #tpu.memory_space<vmem>> -> memref<128xi32, #tpu.memory_space<vmem>>
    %dma_wait3A_125 = arith.constant 0 : i32
    %dma_wait3A_126 = arith.constant 0 : i32
    %dma_wait3A_127 = tpu.memref_slice %arg2[%dma_wait3A_125, %dma_wait3A_126] : memref<10112x128xf32, #tpu.memory_space<hbm>> -> memref<10112x128xf32, #tpu.memory_space<hbm>>
    tpu.wait_indirect_dma semaphore(%arg10 : memref<!tpu.dma_semaphore, #tpu.memory_space<semaphore_mem>>) src(%dma_wait3A_127 : memref<10112x128xf32, #tpu.memory_space<hbm>>) dst(%dma_wait3A_121 : memref<128x128xf32, #tpu.memory_space<vmem>>)
    %add3A_128 = arith.constant 0 : i32
    %add3A_129 = arith.addi %mul3A_2, %add3A_128 : i32
    %mul3A_130 = arith.constant 128 : i32
    %mul3A_131 = arith.muli %add3A_129, %mul3A_130 : i32
    %dma_wait3A_132 = arith.constant 0 : i32
    %dma_wait3A_133 = arith.constant 0 : i32
    %dma_wait3A_134 = tpu.memref_slice %arg7[%dma_wait3A_132, %dma_wait3A_133] : memref<4x128xi32, #tpu.memory_space<vmem>> -> memref<1x128xi32, #tpu.memory_space<vmem>>
    %dma_wait3A_135 = tpu.memref_squeeze %dma_wait3A_134 : memref<1x128xi32, #tpu.memory_space<vmem>> -> memref<128xi32, #tpu.memory_space<vmem>>
    %dma_wait3A_136 = tpu.memref_slice %arg4[%mul3A_131] : memref<327680xi32, #tpu.memory_space<hbm>> -> memref<128xi32, #tpu.memory_space<hbm>>
    %dma_wait3A_137 = arith.constant 0 : i32
    %dma_wait3A_138 = tpu.memref_slice %arg7[%dma_wait3A_132, %dma_wait3A_137] : memref<4x128xi32, #tpu.memory_space<vmem>> -> memref<1x128xi32, #tpu.memory_space<vmem>>
    %dma_wait3A_139 = tpu.memref_squeeze %dma_wait3A_138 : memref<1x128xi32, #tpu.memory_space<vmem>> -> memref<128xi32, #tpu.memory_space<vmem>>
    %dma_wait3A_140 = tpu.memref_slice %arg4[%mul3A_131] : memref<327680xi32, #tpu.memory_space<hbm>> -> memref<128xi32, #tpu.memory_space<hbm>>
    tpu.wait_dma2 semaphore(%arg12 : memref<!tpu.dma_semaphore, #tpu.memory_space<semaphore_mem>>) src(%dma_wait3A_140 : memref<128xi32, #tpu.memory_space<hbm>>) dst(%dma_wait3A_139 : memref<128xi32, #tpu.memory_space<vmem>>)
    %dma_start3A_141 = arith.constant 0 : i32
    %dma_start3A_142 = arith.constant 0 : i32
    %dma_start3A_143 = arith.constant 0 : i32
    %dma_start3A_144 = arith.constant 0 : i32
    %dma_start3A_145 = tpu.memref_slice %arg8[%dma_start3A_141, %dma_start3A_143, %dma_start3A_144] : memref<2x128x128xf32, #tpu.memory_space<vmem>> -> memref<1x128x128xf32, #tpu.memory_space<vmem>>
    %dma_start3A_146 = tpu.memref_squeeze %dma_start3A_145 : memref<1x128x128xf32, #tpu.memory_space<vmem>> -> memref<128x128xf32, #tpu.memory_space<vmem>>
    %dma_start3A_147 = arith.constant 0 : i32
    %dma_start3A_148 = tpu.memref_slice %arg7[%dma_start3A_142, %dma_start3A_147] : memref<4x128xi32, #tpu.memory_space<vmem>> -> memref<1x128xi32, #tpu.memory_space<vmem>>
    %dma_start3A_149 = tpu.memref_squeeze %dma_start3A_148 : memref<1x128xi32, #tpu.memory_space<vmem>> -> memref<128xi32, #tpu.memory_space<vmem>>
    %dma_start3A_150 = arith.constant 0 : i32
    %dma_start3A_151 = arith.constant 0 : i32
    %dma_start3A_152 = tpu.memref_slice %arg9[%dma_start3A_150, %dma_start3A_151] : memref<10112x128xf32, #tpu.memory_space<vmem_shared>> -> memref<10112x128xf32, #tpu.memory_space<vmem_shared>>
    tpu.enqueue_indirect_dma source(%dma_start3A_146 : memref<128x128xf32, #tpu.memory_space<vmem>>) target(%dma_start3A_152 : memref<10112x128xf32, #tpu.memory_space<vmem_shared>>) offsets(%dma_start3A_149 : memref<128xi32, #tpu.memory_space<vmem>>) semaphore(%arg16 : memref<!tpu.dma_semaphore, #tpu.memory_space<semaphore_mem>>) {add = true}
    %dma_wait3A_153 = arith.constant 0 : i32
    %dma_wait3A_154 = arith.constant 0 : i32
    %dma_wait3A_155 = arith.constant 0 : i32
    %dma_wait3A_156 = arith.constant 0 : i32
    %dma_wait3A_157 = tpu.memref_slice %arg8[%dma_wait3A_153, %dma_wait3A_155, %dma_wait3A_156] : memref<2x128x128xf32, #tpu.memory_space<vmem>> -> memref<1x128x128xf32, #tpu.memory_space<vmem>>
    %dma_wait3A_158 = tpu.memref_squeeze %dma_wait3A_157 : memref<1x128x128xf32, #tpu.memory_space<vmem>> -> memref<128x128xf32, #tpu.memory_space<vmem>>
    %dma_wait3A_159 = arith.constant 0 : i32
    %dma_wait3A_160 = tpu.memref_slice %arg7[%dma_wait3A_154, %dma_wait3A_159] : memref<4x128xi32, #tpu.memory_space<vmem>> -> memref<1x128xi32, #tpu.memory_space<vmem>>
    %dma_wait3A_161 = tpu.memref_squeeze %dma_wait3A_160 : memref<1x128xi32, #tpu.memory_space<vmem>> -> memref<128xi32, #tpu.memory_space<vmem>>
    %dma_wait3A_162 = arith.constant 0 : i32
    %dma_wait3A_163 = arith.constant 0 : i32
    %dma_wait3A_164 = tpu.memref_slice %arg9[%dma_wait3A_162, %dma_wait3A_163] : memref<10112x128xf32, #tpu.memory_space<vmem_shared>> -> memref<10112x128xf32, #tpu.memory_space<vmem_shared>>
    tpu.wait_indirect_dma semaphore(%arg16 : memref<!tpu.dma_semaphore, #tpu.memory_space<semaphore_mem>>) src(%dma_wait3A_158 : memref<128x128xf32, #tpu.memory_space<vmem>>) dst(%dma_wait3A_164 : memref<10112x128xf32, #tpu.memory_space<vmem_shared>>)
    %add3A_165 = arith.constant 4 : i32
    %add3A_166 = arith.addi %mul3A_2, %add3A_165 : i32
    %mul3A_167 = arith.constant 128 : i32
    %mul3A_168 = arith.muli %add3A_166, %mul3A_167 : i32
    %dma_start3A_169 = arith.constant 0 : i32
    %dma_start3A_170 = arith.constant 0 : i32
    %dma_start3A_171 = tpu.memref_slice %arg7[%dma_start3A_169, %dma_start3A_170] : memref<4x128xi32, #tpu.memory_space<vmem>> -> memref<1x128xi32, #tpu.memory_space<vmem>>
    %dma_start3A_172 = tpu.memref_squeeze %dma_start3A_171 : memref<1x128xi32, #tpu.memory_space<vmem>> -> memref<128xi32, #tpu.memory_space<vmem>>
    %dma_start3A_173 = tpu.memref_slice %arg4[%mul3A_168] : memref<327680xi32, #tpu.memory_space<hbm>> -> memref<128xi32, #tpu.memory_space<hbm>>
    %dma_start3A_174 = arith.constant 0 : i32
    %dma_start3A_175 = tpu.memref_slice %arg7[%dma_start3A_169, %dma_start3A_174] : memref<4x128xi32, #tpu.memory_space<vmem>> -> memref<1x128xi32, #tpu.memory_space<vmem>>
    %dma_start3A_176 = tpu.memref_squeeze %dma_start3A_175 : memref<1x128xi32, #tpu.memory_space<vmem>> -> memref<128xi32, #tpu.memory_space<vmem>>
    %dma_start3A_177 = tpu.memref_slice %arg4[%mul3A_168] : memref<327680xi32, #tpu.memory_space<hbm>> -> memref<128xi32, #tpu.memory_space<hbm>>
    tpu.enqueue_dma source(%dma_start3A_177 : memref<128xi32, #tpu.memory_space<hbm>>) target(%dma_start3A_176 : memref<128xi32, #tpu.memory_space<vmem>>) target_semaphore(%arg12 : memref<!tpu.dma_semaphore, #tpu.memory_space<semaphore_mem>>)
    %dma_start3A_178 = arith.constant 2 : i32
    %dma_start3A_179 = arith.constant 0 : i32
    %dma_start3A_180 = arith.constant 0 : i32
    %dma_start3A_181 = arith.constant 0 : i32
    %dma_start3A_182 = tpu.memref_slice %arg8[%dma_start3A_179, %dma_start3A_180, %dma_start3A_181] : memref<2x128x128xf32, #tpu.memory_space<vmem>> -> memref<1x128x128xf32, #tpu.memory_space<vmem>>
    %dma_start3A_183 = tpu.memref_squeeze %dma_start3A_182 : memref<1x128x128xf32, #tpu.memory_space<vmem>> -> memref<128x128xf32, #tpu.memory_space<vmem>>
    %dma_start3A_184 = arith.constant 0 : i32
    %dma_start3A_185 = tpu.memref_slice %arg6[%dma_start3A_178, %dma_start3A_184] : memref<80x128xi32, #tpu.memory_space<vmem>> -> memref<1x128xi32, #tpu.memory_space<vmem>>
    %dma_start3A_186 = tpu.memref_squeeze %dma_start3A_185 : memref<1x128xi32, #tpu.memory_space<vmem>> -> memref<128xi32, #tpu.memory_space<vmem>>
    %dma_start3A_187 = arith.constant 0 : i32
    %dma_start3A_188 = arith.constant 0 : i32
    %dma_start3A_189 = tpu.memref_slice %arg2[%dma_start3A_187, %dma_start3A_188] : memref<10112x128xf32, #tpu.memory_space<hbm>> -> memref<10112x128xf32, #tpu.memory_space<hbm>>
    tpu.enqueue_indirect_dma source(%dma_start3A_189 : memref<10112x128xf32, #tpu.memory_space<hbm>>) target(%dma_start3A_183 : memref<128x128xf32, #tpu.memory_space<vmem>>) offsets(%dma_start3A_186 : memref<128xi32, #tpu.memory_space<vmem>>) semaphore(%arg10 : memref<!tpu.dma_semaphore, #tpu.memory_space<semaphore_mem>>)
    %dma_wait3A_190 = arith.constant 1 : i32
    %dma_wait3A_191 = arith.constant 1 : i32
    %dma_wait3A_192 = arith.constant 0 : i32
    %dma_wait3A_193 = arith.constant 0 : i32
    %dma_wait3A_194 = tpu.memref_slice %arg8[%dma_wait3A_191, %dma_wait3A_192, %dma_wait3A_193] : memref<2x128x128xf32, #tpu.memory_space<vmem>> -> memref<1x128x128xf32, #tpu.memory_space<vmem>>
    %dma_wait3A_195 = tpu.memref_squeeze %dma_wait3A_194 : memref<1x128x128xf32, #tpu.memory_space<vmem>> -> memref<128x128xf32, #tpu.memory_space<vmem>>
    %dma_wait3A_196 = arith.constant 0 : i32
    %dma_wait3A_197 = tpu.memref_slice %arg6[%dma_wait3A_190, %dma_wait3A_196] : memref<80x128xi32, #tpu.memory_space<vmem>> -> memref<1x128xi32, #tpu.memory_space<vmem>>
    %dma_wait3A_198 = tpu.memref_squeeze %dma_wait3A_197 : memref<1x128xi32, #tpu.memory_space<vmem>> -> memref<128xi32, #tpu.memory_space<vmem>>
    %dma_wait3A_199 = arith.constant 0 : i32
    %dma_wait3A_200 = arith.constant 0 : i32
    %dma_wait3A_201 = tpu.memref_slice %arg2[%dma_wait3A_199, %dma_wait3A_200] : memref<10112x128xf32, #tpu.memory_space<hbm>> -> memref<10112x128xf32, #tpu.memory_space<hbm>>
    tpu.wait_indirect_dma semaphore(%arg11 : memref<!tpu.dma_semaphore, #tpu.memory_space<semaphore_mem>>) src(%dma_wait3A_201 : memref<10112x128xf32, #tpu.memory_space<hbm>>) dst(%dma_wait3A_195 : memref<128x128xf32, #tpu.memory_space<vmem>>)
    %add3A_202 = arith.constant 1 : i32
    %add3A_203 = arith.addi %mul3A_2, %add3A_202 : i32
    %mul3A_204 = arith.constant 128 : i32
    %mul3A_205 = arith.muli %add3A_203, %mul3A_204 : i32
    %dma_wait3A_206 = arith.constant 1 : i32
    %dma_wait3A_207 = arith.constant 0 : i32
    %dma_wait3A_208 = tpu.memref_slice %arg7[%dma_wait3A_206, %dma_wait3A_207] : memref<4x128xi32, #tpu.memory_space<vmem>> -> memref<1x128xi32, #tpu.memory_space<vmem>>
    %dma_wait3A_209 = tpu.memref_squeeze %dma_wait3A_208 : memref<1x128xi32, #tpu.memory_space<vmem>> -> memref<128xi32, #tpu.memory_space<vmem>>
    %dma_wait3A_210 = tpu.memref_slice %arg4[%mul3A_205] : memref<327680xi32, #tpu.memory_space<hbm>> -> memref<128xi32, #tpu.memory_space<hbm>>
    %dma_wait3A_211 = arith.constant 0 : i32
    %dma_wait3A_212 = tpu.memref_slice %arg7[%dma_wait3A_206, %dma_wait3A_211] : memref<4x128xi32, #tpu.memory_space<vmem>> -> memref<1x128xi32, #tpu.memory_space<vmem>>
    %dma_wait3A_213 = tpu.memref_squeeze %dma_wait3A_212 : memref<1x128xi32, #tpu.memory_space<vmem>> -> memref<128xi32, #tpu.memory_space<vmem>>
    %dma_wait3A_214 = tpu.memref_slice %arg4[%mul3A_205] : memref<327680xi32, #tpu.memory_space<hbm>> -> memref<128xi32, #tpu.memory_space<hbm>>
    tpu.wait_dma2 semaphore(%arg13 : memref<!tpu.dma_semaphore, #tpu.memory_space<semaphore_mem>>) src(%dma_wait3A_214 : memref<128xi32, #tpu.memory_space<hbm>>) dst(%dma_wait3A_213 : memref<128xi32, #tpu.memory_space<vmem>>)
    %dma_start3A_215 = arith.constant 1 : i32
    %dma_start3A_216 = arith.constant 1 : i32
    %dma_start3A_217 = arith.constant 0 : i32
    %dma_start3A_218 = arith.constant 0 : i32
    %dma_start3A_219 = tpu.memref_slice %arg8[%dma_start3A_215, %dma_start3A_217, %dma_start3A_218] : memref<2x128x128xf32, #tpu.memory_space<vmem>> -> memref<1x128x128xf32, #tpu.memory_space<vmem>>
    %dma_start3A_220 = tpu.memref_squeeze %dma_start3A_219 : memref<1x128x128xf32, #tpu.memory_space<vmem>> -> memref<128x128xf32, #tpu.memory_space<vmem>>
    %dma_start3A_221 = arith.constant 0 : i32
    %dma_start3A_222 = tpu.memref_slice %arg7[%dma_start3A_216, %dma_start3A_221] : memref<4x128xi32, #tpu.memory_space<vmem>> -> memref<1x128xi32, #tpu.memory_space<vmem>>
    %dma_start3A_223 = tpu.memref_squeeze %dma_start3A_222 : memref<1x128xi32, #tpu.memory_space<vmem>> -> memref<128xi32, #tpu.memory_space<vmem>>
    %dma_start3A_224 = arith.constant 0 : i32
    %dma_start3A_225 = arith.constant 0 : i32
    %dma_start3A_226 = tpu.memref_slice %arg9[%dma_start3A_224, %dma_start3A_225] : memref<10112x128xf32, #tpu.memory_space<vmem_shared>> -> memref<10112x128xf32, #tpu.memory_space<vmem_shared>>
    tpu.enqueue_indirect_dma source(%dma_start3A_220 : memref<128x128xf32, #tpu.memory_space<vmem>>) target(%dma_start3A_226 : memref<10112x128xf32, #tpu.memory_space<vmem_shared>>) offsets(%dma_start3A_223 : memref<128xi32, #tpu.memory_space<vmem>>) semaphore(%arg17 : memref<!tpu.dma_semaphore, #tpu.memory_space<semaphore_mem>>) {add = true}
    %dma_wait3A_227 = arith.constant 1 : i32
    %dma_wait3A_228 = arith.constant 1 : i32
    %dma_wait3A_229 = arith.constant 0 : i32
    %dma_wait3A_230 = arith.constant 0 : i32
    %dma_wait3A_231 = tpu.memref_slice %arg8[%dma_wait3A_227, %dma_wait3A_229, %dma_wait3A_230] : memref<2x128x128xf32, #tpu.memory_space<vmem>> -> memref<1x128x128xf32, #tpu.memory_space<vmem>>
    %dma_wait3A_232 = tpu.memref_squeeze %dma_wait3A_231 : memref<1x128x128xf32, #tpu.memory_space<vmem>> -> memref<128x128xf32, #tpu.memory_space<vmem>>
    %dma_wait3A_233 = arith.constant 0 : i32
    %dma_wait3A_234 = tpu.memref_slice %arg7[%dma_wait3A_228, %dma_wait3A_233] : memref<4x128xi32, #tpu.memory_space<vmem>> -> memref<1x128xi32, #tpu.memory_space<vmem>>
    %dma_wait3A_235 = tpu.memref_squeeze %dma_wait3A_234 : memref<1x128xi32, #tpu.memory_space<vmem>> -> memref<128xi32, #tpu.memory_space<vmem>>
    %dma_wait3A_236 = arith.constant 0 : i32
    %dma_wait3A_237 = arith.constant 0 : i32
    %dma_wait3A_238 = tpu.memref_slice %arg9[%dma_wait3A_236, %dma_wait3A_237] : memref<10112x128xf32, #tpu.memory_space<vmem_shared>> -> memref<10112x128xf32, #tpu.memory_space<vmem_shared>>
    tpu.wait_indirect_dma semaphore(%arg17 : memref<!tpu.dma_semaphore, #tpu.memory_space<semaphore_mem>>) src(%dma_wait3A_232 : memref<128x128xf32, #tpu.memory_space<vmem>>) dst(%dma_wait3A_238 : memref<10112x128xf32, #tpu.memory_space<vmem_shared>>)
    %add3A_239 = arith.constant 5 : i32
    %add3A_240 = arith.addi %mul3A_2, %add3A_239 : i32
    %mul3A_241 = arith.constant 128 : i32
    %mul3A_242 = arith.muli %add3A_240, %mul3A_241 : i32
    %dma_start3A_243 = arith.constant 1 : i32
    %dma_start3A_244 = arith.constant 0 : i32
    %dma_start3A_245 = tpu.memref_slice %arg7[%dma_start3A_243, %dma_start3A_244] : memref<4x128xi32, #tpu.memory_space<vmem>> -> memref<1x128xi32, #tpu.memory_space<vmem>>
    %dma_start3A_246 = tpu.memref_squeeze %dma_start3A_245 : memref<1x128xi32, #tpu.memory_space<vmem>> -> memref<128xi32, #tpu.memory_space<vmem>>
    %dma_start3A_247 = tpu.memref_slice %arg4[%mul3A_242] : memref<327680xi32, #tpu.memory_space<hbm>> -> memref<128xi32, #tpu.memory_space<hbm>>
    %dma_start3A_248 = arith.constant 0 : i32
    %dma_start3A_249 = tpu.memref_slice %arg7[%dma_start3A_243, %dma_start3A_248] : memref<4x128xi32, #tpu.memory_space<vmem>> -> memref<1x128xi32, #tpu.memory_space<vmem>>
    %dma_start3A_250 = tpu.memref_squeeze %dma_start3A_249 : memref<1x128xi32, #tpu.memory_space<vmem>> -> memref<128xi32, #tpu.memory_space<vmem>>
    %dma_start3A_251 = tpu.memref_slice %arg4[%mul3A_242] : memref<327680xi32, #tpu.memory_space<hbm>> -> memref<128xi32, #tpu.memory_space<hbm>>
    tpu.enqueue_dma source(%dma_start3A_251 : memref<128xi32, #tpu.memory_space<hbm>>) target(%dma_start3A_250 : memref<128xi32, #tpu.memory_space<vmem>>) target_semaphore(%arg13 : memref<!tpu.dma_semaphore, #tpu.memory_space<semaphore_mem>>)
    %dma_start3A_252 = arith.constant 3 : i32
    %dma_start3A_253 = arith.constant 1 : i32
    %dma_start3A_254 = arith.constant 0 : i32
    %dma_start3A_255 = arith.constant 0 : i32
    %dma_start3A_256 = tpu.memref_slice %arg8[%dma_start3A_253, %dma_start3A_254, %dma_start3A_255] : memref<2x128x128xf32, #tpu.memory_space<vmem>> -> memref<1x128x128xf32, #tpu.memory_space<vmem>>
    %dma_start3A_257 = tpu.memref_squeeze %dma_start3A_256 : memref<1x128x128xf32, #tpu.memory_space<vmem>> -> memref<128x128xf32, #tpu.memory_space<vmem>>
    %dma_start3A_258 = arith.constant 0 : i32
    %dma_start3A_259 = tpu.memref_slice %arg6[%dma_start3A_252, %dma_start3A_258] : memref<80x128xi32, #tpu.memory_space<vmem>> -> memref<1x128xi32, #tpu.memory_space<vmem>>
    %dma_start3A_260 = tpu.memref_squeeze %dma_start3A_259 : memref<1x128xi32, #tpu.memory_space<vmem>> -> memref<128xi32, #tpu.memory_space<vmem>>
    %dma_start3A_261 = arith.constant 0 : i32
    %dma_start3A_262 = arith.constant 0 : i32
    %dma_start3A_263 = tpu.memref_slice %arg2[%dma_start3A_261, %dma_start3A_262] : memref<10112x128xf32, #tpu.memory_space<hbm>> -> memref<10112x128xf32, #tpu.memory_space<hbm>>
    tpu.enqueue_indirect_dma source(%dma_start3A_263 : memref<10112x128xf32, #tpu.memory_space<hbm>>) target(%dma_start3A_257 : memref<128x128xf32, #tpu.memory_space<vmem>>) offsets(%dma_start3A_260 : memref<128xi32, #tpu.memory_space<vmem>>) semaphore(%arg11 : memref<!tpu.dma_semaphore, #tpu.memory_space<semaphore_mem>>)
    %dma_wait3A_264 = arith.constant 2 : i32
    %dma_wait3A_265 = arith.constant 0 : i32
    %dma_wait3A_266 = arith.constant 0 : i32
    %dma_wait3A_267 = arith.constant 0 : i32
    %dma_wait3A_268 = tpu.memref_slice %arg8[%dma_wait3A_265, %dma_wait3A_266, %dma_wait3A_267] : memref<2x128x128xf32, #tpu.memory_space<vmem>> -> memref<1x128x128xf32, #tpu.memory_space<vmem>>
    %dma_wait3A_269 = tpu.memref_squeeze %dma_wait3A_268 : memref<1x128x128xf32, #tpu.memory_space<vmem>> -> memref<128x128xf32, #tpu.memory_space<vmem>>
    %dma_wait3A_270 = arith.constant 0 : i32
    %dma_wait3A_271 = tpu.memref_slice %arg6[%dma_wait3A_264, %dma_wait3A_270] : memref<80x128xi32, #tpu.memory_space<vmem>> -> memref<1x128xi32, #tpu.memory_space<vmem>>
    %dma_wait3A_272 = tpu.memref_squeeze %dma_wait3A_271 : memref<1x128xi32, #tpu.memory_space<vmem>> -> memref<128xi32, #tpu.memory_space<vmem>>
    %dma_wait3A_273 = arith.constant 0 : i32
    %dma_wait3A_274 = arith.constant 0 : i32
    %dma_wait3A_275 = tpu.memref_slice %arg2[%dma_wait3A_273, %dma_wait3A_274] : memref<10112x128xf32, #tpu.memory_space<hbm>> -> memref<10112x128xf32, #tpu.memory_space<hbm>>
    tpu.wait_indirect_dma semaphore(%arg10 : memref<!tpu.dma_semaphore, #tpu.memory_space<semaphore_mem>>) src(%dma_wait3A_275 : memref<10112x128xf32, #tpu.memory_space<hbm>>) dst(%dma_wait3A_269 : memref<128x128xf32, #tpu.memory_space<vmem>>)
    %add3A_276 = arith.constant 2 : i32
    %add3A_277 = arith.addi %mul3A_2, %add3A_276 : i32
    %mul3A_278 = arith.constant 128 : i32
    %mul3A_279 = arith.muli %add3A_277, %mul3A_278 : i32
    %dma_wait3A_280 = arith.constant 2 : i32
    %dma_wait3A_281 = arith.constant 0 : i32
    %dma_wait3A_282 = tpu.memref_slice %arg7[%dma_wait3A_280, %dma_wait3A_281] : memref<4x128xi32, #tpu.memory_space<vmem>> -> memref<1x128xi32, #tpu.memory_space<vmem>>
    %dma_wait3A_283 = tpu.memref_squeeze %dma_wait3A_282 : memref<1x128xi32, #tpu.memory_space<vmem>> -> memref<128xi32, #tpu.memory_space<vmem>>
    %dma_wait3A_284 = tpu.memref_slice %arg4[%mul3A_279] : memref<327680xi32, #tpu.memory_space<hbm>> -> memref<128xi32, #tpu.memory_space<hbm>>
    %dma_wait3A_285 = arith.constant 0 : i32
    %dma_wait3A_286 = tpu.memref_slice %arg7[%dma_wait3A_280, %dma_wait3A_285] : memref<4x128xi32, #tpu.memory_space<vmem>> -> memref<1x128xi32, #tpu.memory_space<vmem>>
    %dma_wait3A_287 = tpu.memref_squeeze %dma_wait3A_286 : memref<1x128xi32, #tpu.memory_space<vmem>> -> memref<128xi32, #tpu.memory_space<vmem>>
    %dma_wait3A_288 = tpu.memref_slice %arg4[%mul3A_279] : memref<327680xi32, #tpu.memory_space<hbm>> -> memref<128xi32, #tpu.memory_space<hbm>>
    tpu.wait_dma2 semaphore(%arg14 : memref<!tpu.dma_semaphore, #tpu.memory_space<semaphore_mem>>) src(%dma_wait3A_288 : memref<128xi32, #tpu.memory_space<hbm>>) dst(%dma_wait3A_287 : memref<128xi32, #tpu.memory_space<vmem>>)
    %dma_start3A_289 = arith.constant 0 : i32
    %dma_start3A_290 = arith.constant 2 : i32
    %dma_start3A_291 = arith.constant 0 : i32
    %dma_start3A_292 = arith.constant 0 : i32
    %dma_start3A_293 = tpu.memref_slice %arg8[%dma_start3A_289, %dma_start3A_291, %dma_start3A_292] : memref<2x128x128xf32, #tpu.memory_space<vmem>> -> memref<1x128x128xf32, #tpu.memory_space<vmem>>
    %dma_start3A_294 = tpu.memref_squeeze %dma_start3A_293 : memref<1x128x128xf32, #tpu.memory_space<vmem>> -> memref<128x128xf32, #tpu.memory_space<vmem>>
    %dma_start3A_295 = arith.constant 0 : i32
    %dma_start3A_296 = tpu.memref_slice %arg7[%dma_start3A_290, %dma_start3A_295] : memref<4x128xi32, #tpu.memory_space<vmem>> -> memref<1x128xi32, #tpu.memory_space<vmem>>
    %dma_start3A_297 = tpu.memref_squeeze %dma_start3A_296 : memref<1x128xi32, #tpu.memory_space<vmem>> -> memref<128xi32, #tpu.memory_space<vmem>>
    %dma_start3A_298 = arith.constant 0 : i32
    %dma_start3A_299 = arith.constant 0 : i32
    %dma_start3A_300 = tpu.memref_slice %arg9[%dma_start3A_298, %dma_start3A_299] : memref<10112x128xf32, #tpu.memory_space<vmem_shared>> -> memref<10112x128xf32, #tpu.memory_space<vmem_shared>>
    tpu.enqueue_indirect_dma source(%dma_start3A_294 : memref<128x128xf32, #tpu.memory_space<vmem>>) target(%dma_start3A_300 : memref<10112x128xf32, #tpu.memory_space<vmem_shared>>) offsets(%dma_start3A_297 : memref<128xi32, #tpu.memory_space<vmem>>) semaphore(%arg16 : memref<!tpu.dma_semaphore, #tpu.memory_space<semaphore_mem>>) {add = true}
    %dma_wait3A_301 = arith.constant 0 : i32
    %dma_wait3A_302 = arith.constant 2 : i32
    %dma_wait3A_303 = arith.constant 0 : i32
    %dma_wait3A_304 = arith.constant 0 : i32
    %dma_wait3A_305 = tpu.memref_slice %arg8[%dma_wait3A_301, %dma_wait3A_303, %dma_wait3A_304] : memref<2x128x128xf32, #tpu.memory_space<vmem>> -> memref<1x128x128xf32, #tpu.memory_space<vmem>>
    %dma_wait3A_306 = tpu.memref_squeeze %dma_wait3A_305 : memref<1x128x128xf32, #tpu.memory_space<vmem>> -> memref<128x128xf32, #tpu.memory_space<vmem>>
    %dma_wait3A_307 = arith.constant 0 : i32
    %dma_wait3A_308 = tpu.memref_slice %arg7[%dma_wait3A_302, %dma_wait3A_307] : memref<4x128xi32, #tpu.memory_space<vmem>> -> memref<1x128xi32, #tpu.memory_space<vmem>>
    %dma_wait3A_309 = tpu.memref_squeeze %dma_wait3A_308 : memref<1x128xi32, #tpu.memory_space<vmem>> -> memref<128xi32, #tpu.memory_space<vmem>>
    %dma_wait3A_310 = arith.constant 0 : i32
    %dma_wait3A_311 = arith.constant 0 : i32
    %dma_wait3A_312 = tpu.memref_slice %arg9[%dma_wait3A_310, %dma_wait3A_311] : memref<10112x128xf32, #tpu.memory_space<vmem_shared>> -> memref<10112x128xf32, #tpu.memory_space<vmem_shared>>
    tpu.wait_indirect_dma semaphore(%arg16 : memref<!tpu.dma_semaphore, #tpu.memory_space<semaphore_mem>>) src(%dma_wait3A_306 : memref<128x128xf32, #tpu.memory_space<vmem>>) dst(%dma_wait3A_312 : memref<10112x128xf32, #tpu.memory_space<vmem_shared>>)
    %add3A_313 = arith.constant 6 : i32
    %add3A_314 = arith.addi %mul3A_2, %add3A_313 : i32
    %mul3A_315 = arith.constant 128 : i32
    %mul3A_316 = arith.muli %add3A_314, %mul3A_315 : i32
    %dma_start3A_317 = arith.constant 2 : i32
    %dma_start3A_318 = arith.constant 0 : i32
    %dma_start3A_319 = tpu.memref_slice %arg7[%dma_start3A_317, %dma_start3A_318] : memref<4x128xi32, #tpu.memory_space<vmem>> -> memref<1x128xi32, #tpu.memory_space<vmem>>
    %dma_start3A_320 = tpu.memref_squeeze %dma_start3A_319 : memref<1x128xi32, #tpu.memory_space<vmem>> -> memref<128xi32, #tpu.memory_space<vmem>>
    %dma_start3A_321 = tpu.memref_slice %arg4[%mul3A_316] : memref<327680xi32, #tpu.memory_space<hbm>> -> memref<128xi32, #tpu.memory_space<hbm>>
    %dma_start3A_322 = arith.constant 0 : i32
    %dma_start3A_323 = tpu.memref_slice %arg7[%dma_start3A_317, %dma_start3A_322] : memref<4x128xi32, #tpu.memory_space<vmem>> -> memref<1x128xi32, #tpu.memory_space<vmem>>
    %dma_start3A_324 = tpu.memref_squeeze %dma_start3A_323 : memref<1x128xi32, #tpu.memory_space<vmem>> -> memref<128xi32, #tpu.memory_space<vmem>>
    %dma_start3A_325 = tpu.memref_slice %arg4[%mul3A_316] : memref<327680xi32, #tpu.memory_space<hbm>> -> memref<128xi32, #tpu.memory_space<hbm>>
    tpu.enqueue_dma source(%dma_start3A_325 : memref<128xi32, #tpu.memory_space<hbm>>) target(%dma_start3A_324 : memref<128xi32, #tpu.memory_space<vmem>>) target_semaphore(%arg14 : memref<!tpu.dma_semaphore, #tpu.memory_space<semaphore_mem>>)
    %dma_start3A_326 = arith.constant 4 : i32
    %dma_start3A_327 = arith.constant 0 : i32
    %dma_start3A_328 = arith.constant 0 : i32
    %dma_start3A_329 = arith.constant 0 : i32
    %dma_start3A_330 = tpu.memref_slice %arg8[%dma_start3A_327, %dma_start3A_328, %dma_start3A_329] : memref<2x128x128xf32, #tpu.memory_space<vmem>> -> memref<1x128x128xf32, #tpu.memory_space<vmem>>
    %dma_start3A_331 = tpu.memref_squeeze %dma_start3A_330 : memref<1x128x128xf32, #tpu.memory_space<vmem>> -> memref<128x128xf32, #tpu.memory_space<vmem>>
    %dma_start3A_332 = arith.constant 0 : i32
    %dma_start3A_333 = tpu.memref_slice %arg6[%dma_start3A_326, %dma_start3A_332] : memref<80x128xi32, #tpu.memory_space<vmem>> -> memref<1x128xi32, #tpu.memory_space<vmem>>
    %dma_start3A_334 = tpu.memref_squeeze %dma_start3A_333 : memref<1x128xi32, #tpu.memory_space<vmem>> -> memref<128xi32, #tpu.memory_space<vmem>>
    %dma_start3A_335 = arith.constant 0 : i32
    %dma_start3A_336 = arith.constant 0 : i32
    %dma_start3A_337 = tpu.memref_slice %arg2[%dma_start3A_335, %dma_start3A_336] : memref<10112x128xf32, #tpu.memory_space<hbm>> -> memref<10112x128xf32, #tpu.memory_space<hbm>>
    tpu.enqueue_indirect_dma source(%dma_start3A_337 : memref<10112x128xf32, #tpu.memory_space<hbm>>) target(%dma_start3A_331 : memref<128x128xf32, #tpu.memory_space<vmem>>) offsets(%dma_start3A_334 : memref<128xi32, #tpu.memory_space<vmem>>) semaphore(%arg10 : memref<!tpu.dma_semaphore, #tpu.memory_space<semaphore_mem>>)
    %dma_wait3A_338 = arith.constant 3 : i32
    %dma_wait3A_339 = arith.constant 1 : i32
    %dma_wait3A_340 = arith.constant 0 : i32
    %dma_wait3A_341 = arith.constant 0 : i32
    %dma_wait3A_342 = tpu.memref_slice %arg8[%dma_wait3A_339, %dma_wait3A_340, %dma_wait3A_341] : memref<2x128x128xf32, #tpu.memory_space<vmem>> -> memref<1x128x128xf32, #tpu.memory_space<vmem>>
    %dma_wait3A_343 = tpu.memref_squeeze %dma_wait3A_342 : memref<1x128x128xf32, #tpu.memory_space<vmem>> -> memref<128x128xf32, #tpu.memory_space<vmem>>
    %dma_wait3A_344 = arith.constant 0 : i32
    %dma_wait3A_345 = tpu.memref_slice %arg6[%dma_wait3A_338, %dma_wait3A_344] : memref<80x128xi32, #tpu.memory_space<vmem>> -> memref<1x128xi32, #tpu.memory_space<vmem>>
    %dma_wait3A_346 = tpu.memref_squeeze %dma_wait3A_345 : memref<1x128xi32, #tpu.memory_space<vmem>> -> memref<128xi32, #tpu.memory_space<vmem>>
    %dma_wait3A_347 = arith.constant 0 : i32
    %dma_wait3A_348 = arith.constant 0 : i32
    %dma_wait3A_349 = tpu.memref_slice %arg2[%dma_wait3A_347, %dma_wait3A_348] : memref<10112x128xf32, #tpu.memory_space<hbm>> -> memref<10112x128xf32, #tpu.memory_space<hbm>>
    tpu.wait_indirect_dma semaphore(%arg11 : memref<!tpu.dma_semaphore, #tpu.memory_space<semaphore_mem>>) src(%dma_wait3A_349 : memref<10112x128xf32, #tpu.memory_space<hbm>>) dst(%dma_wait3A_343 : memref<128x128xf32, #tpu.memory_space<vmem>>)
    %add3A_350 = arith.constant 3 : i32
    %add3A_351 = arith.addi %mul3A_2, %add3A_350 : i32
    %mul3A_352 = arith.constant 128 : i32
    %mul3A_353 = arith.muli %add3A_351, %mul3A_352 : i32
    %dma_wait3A_354 = arith.constant 3 : i32
    %dma_wait3A_355 = arith.constant 0 : i32
    %dma_wait3A_356 = tpu.memref_slice %arg7[%dma_wait3A_354, %dma_wait3A_355] : memref<4x128xi32, #tpu.memory_space<vmem>> -> memref<1x128xi32, #tpu.memory_space<vmem>>
    %dma_wait3A_357 = tpu.memref_squeeze %dma_wait3A_356 : memref<1x128xi32, #tpu.memory_space<vmem>> -> memref<128xi32, #tpu.memory_space<vmem>>
    %dma_wait3A_358 = tpu.memref_slice %arg4[%mul3A_353] : memref<327680xi32, #tpu.memory_space<hbm>> -> memref<128xi32, #tpu.memory_space<hbm>>
    %dma_wait3A_359 = arith.constant 0 : i32
    %dma_wait3A_360 = tpu.memref_slice %arg7[%dma_wait3A_354, %dma_wait3A_359] : memref<4x128xi32, #tpu.memory_space<vmem>> -> memref<1x128xi32, #tpu.memory_space<vmem>>
    %dma_wait3A_361 = tpu.memref_squeeze %dma_wait3A_360 : memref<1x128xi32, #tpu.memory_space<vmem>> -> memref<128xi32, #tpu.memory_space<vmem>>
    %dma_wait3A_362 = tpu.memref_slice %arg4[%mul3A_353] : memref<327680xi32, #tpu.memory_space<hbm>> -> memref<128xi32, #tpu.memory_space<hbm>>
    tpu.wait_dma2 semaphore(%arg15 : memref<!tpu.dma_semaphore, #tpu.memory_space<semaphore_mem>>) src(%dma_wait3A_362 : memref<128xi32, #tpu.memory_space<hbm>>) dst(%dma_wait3A_361 : memref<128xi32, #tpu.memory_space<vmem>>)
    %dma_start3A_363 = arith.constant 1 : i32
    %dma_start3A_364 = arith.constant 3 : i32
    %dma_start3A_365 = arith.constant 0 : i32
    %dma_start3A_366 = arith.constant 0 : i32
    %dma_start3A_367 = tpu.memref_slice %arg8[%dma_start3A_363, %dma_start3A_365, %dma_start3A_366] : memref<2x128x128xf32, #tpu.memory_space<vmem>> -> memref<1x128x128xf32, #tpu.memory_space<vmem>>
    %dma_start3A_368 = tpu.memref_squeeze %dma_start3A_367 : memref<1x128x128xf32, #tpu.memory_space<vmem>> -> memref<128x128xf32, #tpu.memory_space<vmem>>
    %dma_start3A_369 = arith.constant 0 : i32
    %dma_start3A_370 = tpu.memref_slice %arg7[%dma_start3A_364, %dma_start3A_369] : memref<4x128xi32, #tpu.memory_space<vmem>> -> memref<1x128xi32, #tpu.memory_space<vmem>>
    %dma_start3A_371 = tpu.memref_squeeze %dma_start3A_370 : memref<1x128xi32, #tpu.memory_space<vmem>> -> memref<128xi32, #tpu.memory_space<vmem>>
    %dma_start3A_372 = arith.constant 0 : i32
    %dma_start3A_373 = arith.constant 0 : i32
    %dma_start3A_374 = tpu.memref_slice %arg9[%dma_start3A_372, %dma_start3A_373] : memref<10112x128xf32, #tpu.memory_space<vmem_shared>> -> memref<10112x128xf32, #tpu.memory_space<vmem_shared>>
    tpu.enqueue_indirect_dma source(%dma_start3A_368 : memref<128x128xf32, #tpu.memory_space<vmem>>) target(%dma_start3A_374 : memref<10112x128xf32, #tpu.memory_space<vmem_shared>>) offsets(%dma_start3A_371 : memref<128xi32, #tpu.memory_space<vmem>>) semaphore(%arg17 : memref<!tpu.dma_semaphore, #tpu.memory_space<semaphore_mem>>) {add = true}
    %scan3A_375 = arith.constant 0 : i32
    %scan3A_376 = arith.constant 1 : i32
    %scan3A_377 = arith.constant 19 : i32
    %scan3A_378 = arith.addi %scan3A_376, %scan3A_377 : i32
    %scan3A_379 = arith.constant 1 : i32
    %scan3A_380 = scf.for %scan3A_430 = %scan3A_376 to %scan3A_378 step %scan3A_379 iter_args(%scan3A_431 = %scan3A_375) -> (i32)  : i32 {
      %mul3A_432 = arith.constant 4 : i32
      %mul3A_433 = arith.muli %scan3A_430, %mul3A_432 : i32
      %add3A_434 = arith.constant 0 : i32
      %add3A_435 = arith.addi %mul3A_433, %add3A_434 : i32
      %dma_wait3A_436 = arith.constant 1 : i32
      %dma_wait3A_437 = arith.constant 3 : i32
      %dma_wait3A_438 = arith.constant 0 : i32
      %dma_wait3A_439 = arith.constant 0 : i32
      %dma_wait3A_440 = tpu.memref_slice %arg8[%dma_wait3A_436, %dma_wait3A_438, %dma_wait3A_439] : memref<2x128x128xf32, #tpu.memory_space<vmem>> -> memref<1x128x128xf32, #tpu.memory_space<vmem>>
      %dma_wait3A_441 = tpu.memref_squeeze %dma_wait3A_440 : memref<1x128x128xf32, #tpu.memory_space<vmem>> -> memref<128x128xf32, #tpu.memory_space<vmem>>
      %dma_wait3A_442 = arith.constant 0 : i32
      %dma_wait3A_443 = tpu.memref_slice %arg7[%dma_wait3A_437, %dma_wait3A_442] : memref<4x128xi32, #tpu.memory_space<vmem>> -> memref<1x128xi32, #tpu.memory_space<vmem>>
      %dma_wait3A_444 = tpu.memref_squeeze %dma_wait3A_443 : memref<1x128xi32, #tpu.memory_space<vmem>> -> memref<128xi32, #tpu.memory_space<vmem>>
      %dma_wait3A_445 = arith.constant 0 : i32
      %dma_wait3A_446 = arith.constant 0 : i32
      %dma_wait3A_447 = tpu.memref_slice %arg9[%dma_wait3A_445, %dma_wait3A_446] : memref<10112x128xf32, #tpu.memory_space<vmem_shared>> -> memref<10112x128xf32, #tpu.memory_space<vmem_shared>>
      tpu.wait_indirect_dma semaphore(%arg17 : memref<!tpu.dma_semaphore, #tpu.memory_space<semaphore_mem>>) src(%dma_wait3A_441 : memref<128x128xf32, #tpu.memory_space<vmem>>) dst(%dma_wait3A_447 : memref<10112x128xf32, #tpu.memory_space<vmem_shared>>)
      %add3A_448 = arith.constant 3 : i32
      %add3A_449 = arith.addi %add3A_435, %add3A_448 : i32
      %lt3A_450 = arith.constant 80 : i32
      %lt3A_451 = arith.cmpi slt, %add3A_449, %lt3A_450 : i32
      %convert_element_type3A_452 = arith.extui %lt3A_451 : i1 to i32
      %cond3A_453 = arith.constant 0 : i32
      %cond3A_454 = arith.cmpi ne, %convert_element_type3A_452, %cond3A_453 : i32
      scf.if %cond3A_454 {
        %add3A_693 = arith.constant 3 : i32
        %add3A_694 = arith.addi %add3A_435, %add3A_693 : i32
        %add3A_695 = arith.addi %mul3A_2, %add3A_694 : i32
        %mul3A_696 = arith.constant 128 : i32
        %mul3A_697 = arith.muli %add3A_695, %mul3A_696 : i32
        %dma_start3A_698 = arith.constant 3 : i32
        %dma_start3A_699 = arith.constant 0 : i32
        %dma_start3A_700 = tpu.memref_slice %arg7[%dma_start3A_698, %dma_start3A_699] : memref<4x128xi32, #tpu.memory_space<vmem>> -> memref<1x128xi32, #tpu.memory_space<vmem>>
        %dma_start3A_701 = tpu.memref_squeeze %dma_start3A_700 : memref<1x128xi32, #tpu.memory_space<vmem>> -> memref<128xi32, #tpu.memory_space<vmem>>
        %dma_start3A_702 = tpu.memref_slice %arg4[%mul3A_697] : memref<327680xi32, #tpu.memory_space<hbm>> -> memref<128xi32, #tpu.memory_space<hbm>>
        %dma_start3A_703 = arith.constant 0 : i32
        %dma_start3A_704 = tpu.memref_slice %arg7[%dma_start3A_698, %dma_start3A_703] : memref<4x128xi32, #tpu.memory_space<vmem>> -> memref<1x128xi32, #tpu.memory_space<vmem>>
        %dma_start3A_705 = tpu.memref_squeeze %dma_start3A_704 : memref<1x128xi32, #tpu.memory_space<vmem>> -> memref<128xi32, #tpu.memory_space<vmem>>
        %dma_start3A_706 = tpu.memref_slice %arg4[%mul3A_697] : memref<327680xi32, #tpu.memory_space<hbm>> -> memref<128xi32, #tpu.memory_space<hbm>>
        tpu.enqueue_dma source(%dma_start3A_706 : memref<128xi32, #tpu.memory_space<hbm>>) target(%dma_start3A_705 : memref<128xi32, #tpu.memory_space<vmem>>) target_semaphore(%arg15 : memref<!tpu.dma_semaphore, #tpu.memory_space<semaphore_mem>>)
      } else {
      }
      %add3A_455 = arith.constant 1 : i32
      %add3A_456 = arith.addi %add3A_435, %add3A_455 : i32
      %lt3A_457 = arith.constant 80 : i32
      %lt3A_458 = arith.cmpi slt, %add3A_456, %lt3A_457 : i32
      %convert_element_type3A_459 = arith.extui %lt3A_458 : i1 to i32
      %cond3A_460 = arith.constant 0 : i32
      %cond3A_461 = arith.cmpi ne, %convert_element_type3A_459, %cond3A_460 : i32
      scf.if %cond3A_461 {
        %add3A_693 = arith.constant 1 : i32
        %add3A_694 = arith.addi %add3A_435, %add3A_693 : i32
        %dma_start3A_695 = arith.constant 1 : i32
        %dma_start3A_696 = arith.constant 0 : i32
        %dma_start3A_697 = arith.constant 0 : i32
        %dma_start3A_698 = tpu.memref_slice %arg8[%dma_start3A_695, %dma_start3A_696, %dma_start3A_697] : memref<2x128x128xf32, #tpu.memory_space<vmem>> -> memref<1x128x128xf32, #tpu.memory_space<vmem>>
        %dma_start3A_699 = tpu.memref_squeeze %dma_start3A_698 : memref<1x128x128xf32, #tpu.memory_space<vmem>> -> memref<128x128xf32, #tpu.memory_space<vmem>>
        %dma_start3A_700 = arith.constant 0 : i32
        %dma_start3A_701 = tpu.memref_slice %arg6[%add3A_694, %dma_start3A_700] : memref<80x128xi32, #tpu.memory_space<vmem>> -> memref<1x128xi32, #tpu.memory_space<vmem>>
        %dma_start3A_702 = tpu.memref_squeeze %dma_start3A_701 : memref<1x128xi32, #tpu.memory_space<vmem>> -> memref<128xi32, #tpu.memory_space<vmem>>
        %dma_start3A_703 = arith.constant 0 : i32
        %dma_start3A_704 = arith.constant 0 : i32
        %dma_start3A_705 = tpu.memref_slice %arg2[%dma_start3A_703, %dma_start3A_704] : memref<10112x128xf32, #tpu.memory_space<hbm>> -> memref<10112x128xf32, #tpu.memory_space<hbm>>
        tpu.enqueue_indirect_dma source(%dma_start3A_705 : memref<10112x128xf32, #tpu.memory_space<hbm>>) target(%dma_start3A_699 : memref<128x128xf32, #tpu.memory_space<vmem>>) offsets(%dma_start3A_702 : memref<128xi32, #tpu.memory_space<vmem>>) semaphore(%arg11 : memref<!tpu.dma_semaphore, #tpu.memory_space<semaphore_mem>>)
      } else {
      }
      %dma_wait3A_462 = arith.constant 0 : i32
      %dma_wait3A_463 = arith.constant 0 : i32
      %dma_wait3A_464 = arith.constant 0 : i32
      %dma_wait3A_465 = tpu.memref_slice %arg8[%dma_wait3A_462, %dma_wait3A_463, %dma_wait3A_464] : memref<2x128x128xf32, #tpu.memory_space<vmem>> -> memref<1x128x128xf32, #tpu.memory_space<vmem>>
      %dma_wait3A_466 = tpu.memref_squeeze %dma_wait3A_465 : memref<1x128x128xf32, #tpu.memory_space<vmem>> -> memref<128x128xf32, #tpu.memory_space<vmem>>
      %dma_wait3A_467 = arith.constant 0 : i32
      %dma_wait3A_468 = tpu.memref_slice %arg6[%add3A_435, %dma_wait3A_467] : memref<80x128xi32, #tpu.memory_space<vmem>> -> memref<1x128xi32, #tpu.memory_space<vmem>>
      %dma_wait3A_469 = tpu.memref_squeeze %dma_wait3A_468 : memref<1x128xi32, #tpu.memory_space<vmem>> -> memref<128xi32, #tpu.memory_space<vmem>>
      %dma_wait3A_470 = arith.constant 0 : i32
      %dma_wait3A_471 = arith.constant 0 : i32
      %dma_wait3A_472 = tpu.memref_slice %arg2[%dma_wait3A_470, %dma_wait3A_471] : memref<10112x128xf32, #tpu.memory_space<hbm>> -> memref<10112x128xf32, #tpu.memory_space<hbm>>
      tpu.wait_indirect_dma semaphore(%arg10 : memref<!tpu.dma_semaphore, #tpu.memory_space<semaphore_mem>>) src(%dma_wait3A_472 : memref<10112x128xf32, #tpu.memory_space<hbm>>) dst(%dma_wait3A_466 : memref<128x128xf32, #tpu.memory_space<vmem>>)
      %add3A_473 = arith.addi %mul3A_2, %add3A_435 : i32
      %mul3A_474 = arith.constant 128 : i32
      %mul3A_475 = arith.muli %add3A_473, %mul3A_474 : i32
      %dma_wait3A_476 = arith.constant 0 : i32
      %dma_wait3A_477 = arith.constant 0 : i32
      %dma_wait3A_478 = tpu.memref_slice %arg7[%dma_wait3A_476, %dma_wait3A_477] : memref<4x128xi32, #tpu.memory_space<vmem>> -> memref<1x128xi32, #tpu.memory_space<vmem>>
      %dma_wait3A_479 = tpu.memref_squeeze %dma_wait3A_478 : memref<1x128xi32, #tpu.memory_space<vmem>> -> memref<128xi32, #tpu.memory_space<vmem>>
      %dma_wait3A_480 = tpu.memref_slice %arg4[%mul3A_475] : memref<327680xi32, #tpu.memory_space<hbm>> -> memref<128xi32, #tpu.memory_space<hbm>>
      %dma_wait3A_481 = arith.constant 0 : i32
      %dma_wait3A_482 = tpu.memref_slice %arg7[%dma_wait3A_476, %dma_wait3A_481] : memref<4x128xi32, #tpu.memory_space<vmem>> -> memref<1x128xi32, #tpu.memory_space<vmem>>
      %dma_wait3A_483 = tpu.memref_squeeze %dma_wait3A_482 : memref<1x128xi32, #tpu.memory_space<vmem>> -> memref<128xi32, #tpu.memory_space<vmem>>
      %dma_wait3A_484 = tpu.memref_slice %arg4[%mul3A_475] : memref<327680xi32, #tpu.memory_space<hbm>> -> memref<128xi32, #tpu.memory_space<hbm>>
      tpu.wait_dma2 semaphore(%arg12 : memref<!tpu.dma_semaphore, #tpu.memory_space<semaphore_mem>>) src(%dma_wait3A_484 : memref<128xi32, #tpu.memory_space<hbm>>) dst(%dma_wait3A_483 : memref<128xi32, #tpu.memory_space<vmem>>)
      %dma_start3A_485 = arith.constant 0 : i32
      %dma_start3A_486 = arith.constant 0 : i32
      %dma_start3A_487 = arith.constant 0 : i32
      %dma_start3A_488 = arith.constant 0 : i32
      %dma_start3A_489 = tpu.memref_slice %arg8[%dma_start3A_485, %dma_start3A_487, %dma_start3A_488] : memref<2x128x128xf32, #tpu.memory_space<vmem>> -> memref<1x128x128xf32, #tpu.memory_space<vmem>>
      %dma_start3A_490 = tpu.memref_squeeze %dma_start3A_489 : memref<1x128x128xf32, #tpu.memory_space<vmem>> -> memref<128x128xf32, #tpu.memory_space<vmem>>
      %dma_start3A_491 = arith.constant 0 : i32
      %dma_start3A_492 = tpu.memref_slice %arg7[%dma_start3A_486, %dma_start3A_491] : memref<4x128xi32, #tpu.memory_space<vmem>> -> memref<1x128xi32, #tpu.memory_space<vmem>>
      %dma_start3A_493 = tpu.memref_squeeze %dma_start3A_492 : memref<1x128xi32, #tpu.memory_space<vmem>> -> memref<128xi32, #tpu.memory_space<vmem>>
      %dma_start3A_494 = arith.constant 0 : i32
      %dma_start3A_495 = arith.constant 0 : i32
      %dma_start3A_496 = tpu.memref_slice %arg9[%dma_start3A_494, %dma_start3A_495] : memref<10112x128xf32, #tpu.memory_space<vmem_shared>> -> memref<10112x128xf32, #tpu.memory_space<vmem_shared>>
      tpu.enqueue_indirect_dma source(%dma_start3A_490 : memref<128x128xf32, #tpu.memory_space<vmem>>) target(%dma_start3A_496 : memref<10112x128xf32, #tpu.memory_space<vmem_shared>>) offsets(%dma_start3A_493 : memref<128xi32, #tpu.memory_space<vmem>>) semaphore(%arg16 : memref<!tpu.dma_semaphore, #tpu.memory_space<semaphore_mem>>) {add = true}
      %mul3A_497 = arith.constant 4 : i32
      %mul3A_498 = arith.muli %scan3A_430, %mul3A_497 : i32
      %add3A_499 = arith.constant 1 : i32
      %add3A_500 = arith.addi %mul3A_498, %add3A_499 : i32
      %dma_wait3A_501 = arith.constant 0 : i32
      %dma_wait3A_502 = arith.constant 0 : i32
      %dma_wait3A_503 = arith.constant 0 : i32
      %dma_wait3A_504 = arith.constant 0 : i32
      %dma_wait3A_505 = tpu.memref_slice %arg8[%dma_wait3A_501, %dma_wait3A_503, %dma_wait3A_504] : memref<2x128x128xf32, #tpu.memory_space<vmem>> -> memref<1x128x128xf32, #tpu.memory_space<vmem>>
      %dma_wait3A_506 = tpu.memref_squeeze %dma_wait3A_505 : memref<1x128x128xf32, #tpu.memory_space<vmem>> -> memref<128x128xf32, #tpu.memory_space<vmem>>
      %dma_wait3A_507 = arith.constant 0 : i32
      %dma_wait3A_508 = tpu.memref_slice %arg7[%dma_wait3A_502, %dma_wait3A_507] : memref<4x128xi32, #tpu.memory_space<vmem>> -> memref<1x128xi32, #tpu.memory_space<vmem>>
      %dma_wait3A_509 = tpu.memref_squeeze %dma_wait3A_508 : memref<1x128xi32, #tpu.memory_space<vmem>> -> memref<128xi32, #tpu.memory_space<vmem>>
      %dma_wait3A_510 = arith.constant 0 : i32
      %dma_wait3A_511 = arith.constant 0 : i32
      %dma_wait3A_512 = tpu.memref_slice %arg9[%dma_wait3A_510, %dma_wait3A_511] : memref<10112x128xf32, #tpu.memory_space<vmem_shared>> -> memref<10112x128xf32, #tpu.memory_space<vmem_shared>>
      tpu.wait_indirect_dma semaphore(%arg16 : memref<!tpu.dma_semaphore, #tpu.memory_space<semaphore_mem>>) src(%dma_wait3A_506 : memref<128x128xf32, #tpu.memory_space<vmem>>) dst(%dma_wait3A_512 : memref<10112x128xf32, #tpu.memory_space<vmem_shared>>)
      %add3A_513 = arith.constant 3 : i32
      %add3A_514 = arith.addi %add3A_500, %add3A_513 : i32
      %lt3A_515 = arith.constant 80 : i32
      %lt3A_516 = arith.cmpi slt, %add3A_514, %lt3A_515 : i32
      %convert_element_type3A_517 = arith.extui %lt3A_516 : i1 to i32
      %cond3A_518 = arith.constant 0 : i32
      %cond3A_519 = arith.cmpi ne, %convert_element_type3A_517, %cond3A_518 : i32
      scf.if %cond3A_519 {
        %add3A_693 = arith.constant 3 : i32
        %add3A_694 = arith.addi %add3A_500, %add3A_693 : i32
        %add3A_695 = arith.addi %mul3A_2, %add3A_694 : i32
        %mul3A_696 = arith.constant 128 : i32
        %mul3A_697 = arith.muli %add3A_695, %mul3A_696 : i32
        %dma_start3A_698 = arith.constant 0 : i32
        %dma_start3A_699 = arith.constant 0 : i32
        %dma_start3A_700 = tpu.memref_slice %arg7[%dma_start3A_698, %dma_start3A_699] : memref<4x128xi32, #tpu.memory_space<vmem>> -> memref<1x128xi32, #tpu.memory_space<vmem>>
        %dma_start3A_701 = tpu.memref_squeeze %dma_start3A_700 : memref<1x128xi32, #tpu.memory_space<vmem>> -> memref<128xi32, #tpu.memory_space<vmem>>
        %dma_start3A_702 = tpu.memref_slice %arg4[%mul3A_697] : memref<327680xi32, #tpu.memory_space<hbm>> -> memref<128xi32, #tpu.memory_space<hbm>>
        %dma_start3A_703 = arith.constant 0 : i32
        %dma_start3A_704 = tpu.memref_slice %arg7[%dma_start3A_698, %dma_start3A_703] : memref<4x128xi32, #tpu.memory_space<vmem>> -> memref<1x128xi32, #tpu.memory_space<vmem>>
        %dma_start3A_705 = tpu.memref_squeeze %dma_start3A_704 : memref<1x128xi32, #tpu.memory_space<vmem>> -> memref<128xi32, #tpu.memory_space<vmem>>
        %dma_start3A_706 = tpu.memref_slice %arg4[%mul3A_697] : memref<327680xi32, #tpu.memory_space<hbm>> -> memref<128xi32, #tpu.memory_space<hbm>>
        tpu.enqueue_dma source(%dma_start3A_706 : memref<128xi32, #tpu.memory_space<hbm>>) target(%dma_start3A_705 : memref<128xi32, #tpu.memory_space<vmem>>) target_semaphore(%arg12 : memref<!tpu.dma_semaphore, #tpu.memory_space<semaphore_mem>>)
      } else {
      }
      %add3A_520 = arith.constant 1 : i32
      %add3A_521 = arith.addi %add3A_500, %add3A_520 : i32
      %lt3A_522 = arith.constant 80 : i32
      %lt3A_523 = arith.cmpi slt, %add3A_521, %lt3A_522 : i32
      %convert_element_type3A_524 = arith.extui %lt3A_523 : i1 to i32
      %cond3A_525 = arith.constant 0 : i32
      %cond3A_526 = arith.cmpi ne, %convert_element_type3A_524, %cond3A_525 : i32
      scf.if %cond3A_526 {
        %add3A_693 = arith.constant 1 : i32
        %add3A_694 = arith.addi %add3A_500, %add3A_693 : i32
        %dma_start3A_695 = arith.constant 0 : i32
        %dma_start3A_696 = arith.constant 0 : i32
        %dma_start3A_697 = arith.constant 0 : i32
        %dma_start3A_698 = tpu.memref_slice %arg8[%dma_start3A_695, %dma_start3A_696, %dma_start3A_697] : memref<2x128x128xf32, #tpu.memory_space<vmem>> -> memref<1x128x128xf32, #tpu.memory_space<vmem>>
        %dma_start3A_699 = tpu.memref_squeeze %dma_start3A_698 : memref<1x128x128xf32, #tpu.memory_space<vmem>> -> memref<128x128xf32, #tpu.memory_space<vmem>>
        %dma_start3A_700 = arith.constant 0 : i32
        %dma_start3A_701 = tpu.memref_slice %arg6[%add3A_694, %dma_start3A_700] : memref<80x128xi32, #tpu.memory_space<vmem>> -> memref<1x128xi32, #tpu.memory_space<vmem>>
        %dma_start3A_702 = tpu.memref_squeeze %dma_start3A_701 : memref<1x128xi32, #tpu.memory_space<vmem>> -> memref<128xi32, #tpu.memory_space<vmem>>
        %dma_start3A_703 = arith.constant 0 : i32
        %dma_start3A_704 = arith.constant 0 : i32
        %dma_start3A_705 = tpu.memref_slice %arg2[%dma_start3A_703, %dma_start3A_704] : memref<10112x128xf32, #tpu.memory_space<hbm>> -> memref<10112x128xf32, #tpu.memory_space<hbm>>
        tpu.enqueue_indirect_dma source(%dma_start3A_705 : memref<10112x128xf32, #tpu.memory_space<hbm>>) target(%dma_start3A_699 : memref<128x128xf32, #tpu.memory_space<vmem>>) offsets(%dma_start3A_702 : memref<128xi32, #tpu.memory_space<vmem>>) semaphore(%arg10 : memref<!tpu.dma_semaphore, #tpu.memory_space<semaphore_mem>>)
      } else {
      }
      %dma_wait3A_527 = arith.constant 1 : i32
      %dma_wait3A_528 = arith.constant 0 : i32
      %dma_wait3A_529 = arith.constant 0 : i32
      %dma_wait3A_530 = tpu.memref_slice %arg8[%dma_wait3A_527, %dma_wait3A_528, %dma_wait3A_529] : memref<2x128x128xf32, #tpu.memory_space<vmem>> -> memref<1x128x128xf32, #tpu.memory_space<vmem>>
      %dma_wait3A_531 = tpu.memref_squeeze %dma_wait3A_530 : memref<1x128x128xf32, #tpu.memory_space<vmem>> -> memref<128x128xf32, #tpu.memory_space<vmem>>
      %dma_wait3A_532 = arith.constant 0 : i32
      %dma_wait3A_533 = tpu.memref_slice %arg6[%add3A_500, %dma_wait3A_532] : memref<80x128xi32, #tpu.memory_space<vmem>> -> memref<1x128xi32, #tpu.memory_space<vmem>>
      %dma_wait3A_534 = tpu.memref_squeeze %dma_wait3A_533 : memref<1x128xi32, #tpu.memory_space<vmem>> -> memref<128xi32, #tpu.memory_space<vmem>>
      %dma_wait3A_535 = arith.constant 0 : i32
      %dma_wait3A_536 = arith.constant 0 : i32
      %dma_wait3A_537 = tpu.memref_slice %arg2[%dma_wait3A_535, %dma_wait3A_536] : memref<10112x128xf32, #tpu.memory_space<hbm>> -> memref<10112x128xf32, #tpu.memory_space<hbm>>
      tpu.wait_indirect_dma semaphore(%arg11 : memref<!tpu.dma_semaphore, #tpu.memory_space<semaphore_mem>>) src(%dma_wait3A_537 : memref<10112x128xf32, #tpu.memory_space<hbm>>) dst(%dma_wait3A_531 : memref<128x128xf32, #tpu.memory_space<vmem>>)
      %add3A_538 = arith.addi %mul3A_2, %add3A_500 : i32
      %mul3A_539 = arith.constant 128 : i32
      %mul3A_540 = arith.muli %add3A_538, %mul3A_539 : i32
      %dma_wait3A_541 = arith.constant 1 : i32
      %dma_wait3A_542 = arith.constant 0 : i32
      %dma_wait3A_543 = tpu.memref_slice %arg7[%dma_wait3A_541, %dma_wait3A_542] : memref<4x128xi32, #tpu.memory_space<vmem>> -> memref<1x128xi32, #tpu.memory_space<vmem>>
      %dma_wait3A_544 = tpu.memref_squeeze %dma_wait3A_543 : memref<1x128xi32, #tpu.memory_space<vmem>> -> memref<128xi32, #tpu.memory_space<vmem>>
      %dma_wait3A_545 = tpu.memref_slice %arg4[%mul3A_540] : memref<327680xi32, #tpu.memory_space<hbm>> -> memref<128xi32, #tpu.memory_space<hbm>>
      %dma_wait3A_546 = arith.constant 0 : i32
      %dma_wait3A_547 = tpu.memref_slice %arg7[%dma_wait3A_541, %dma_wait3A_546] : memref<4x128xi32, #tpu.memory_space<vmem>> -> memref<1x128xi32, #tpu.memory_space<vmem>>
      %dma_wait3A_548 = tpu.memref_squeeze %dma_wait3A_547 : memref<1x128xi32, #tpu.memory_space<vmem>> -> memref<128xi32, #tpu.memory_space<vmem>>
      %dma_wait3A_549 = tpu.memref_slice %arg4[%mul3A_540] : memref<327680xi32, #tpu.memory_space<hbm>> -> memref<128xi32, #tpu.memory_space<hbm>>
      tpu.wait_dma2 semaphore(%arg13 : memref<!tpu.dma_semaphore, #tpu.memory_space<semaphore_mem>>) src(%dma_wait3A_549 : memref<128xi32, #tpu.memory_space<hbm>>) dst(%dma_wait3A_548 : memref<128xi32, #tpu.memory_space<vmem>>)
      %dma_start3A_550 = arith.constant 1 : i32
      %dma_start3A_551 = arith.constant 1 : i32
      %dma_start3A_552 = arith.constant 0 : i32
      %dma_start3A_553 = arith.constant 0 : i32
      %dma_start3A_554 = tpu.memref_slice %arg8[%dma_start3A_550, %dma_start3A_552, %dma_start3A_553] : memref<2x128x128xf32, #tpu.memory_space<vmem>> -> memref<1x128x128xf32, #tpu.memory_space<vmem>>
      %dma_start3A_555 = tpu.memref_squeeze %dma_start3A_554 : memref<1x128x128xf32, #tpu.memory_space<vmem>> -> memref<128x128xf32, #tpu.memory_space<vmem>>
      %dma_start3A_556 = arith.constant 0 : i32
      %dma_start3A_557 = tpu.memref_slice %arg7[%dma_start3A_551, %dma_start3A_556] : memref<4x128xi32, #tpu.memory_space<vmem>> -> memref<1x128xi32, #tpu.memory_space<vmem>>
      %dma_start3A_558 = tpu.memref_squeeze %dma_start3A_557 : memref<1x128xi32, #tpu.memory_space<vmem>> -> memref<128xi32, #tpu.memory_space<vmem>>
      %dma_start3A_559 = arith.constant 0 : i32
      %dma_start3A_560 = arith.constant 0 : i32
      %dma_start3A_561 = tpu.memref_slice %arg9[%dma_start3A_559, %dma_start3A_560] : memref<10112x128xf32, #tpu.memory_space<vmem_shared>> -> memref<10112x128xf32, #tpu.memory_space<vmem_shared>>
      tpu.enqueue_indirect_dma source(%dma_start3A_555 : memref<128x128xf32, #tpu.memory_space<vmem>>) target(%dma_start3A_561 : memref<10112x128xf32, #tpu.memory_space<vmem_shared>>) offsets(%dma_start3A_558 : memref<128xi32, #tpu.memory_space<vmem>>) semaphore(%arg17 : memref<!tpu.dma_semaphore, #tpu.memory_space<semaphore_mem>>) {add = true}
      %mul3A_562 = arith.constant 4 : i32
      %mul3A_563 = arith.muli %scan3A_430, %mul3A_562 : i32
      %add3A_564 = arith.constant 2 : i32
      %add3A_565 = arith.addi %mul3A_563, %add3A_564 : i32
      %dma_wait3A_566 = arith.constant 1 : i32
      %dma_wait3A_567 = arith.constant 1 : i32
      %dma_wait3A_568 = arith.constant 0 : i32
      %dma_wait3A_569 = arith.constant 0 : i32
      %dma_wait3A_570 = tpu.memref_slice %arg8[%dma_wait3A_566, %dma_wait3A_568, %dma_wait3A_569] : memref<2x128x128xf32, #tpu.memory_space<vmem>> -> memref<1x128x128xf32, #tpu.memory_space<vmem>>
      %dma_wait3A_571 = tpu.memref_squeeze %dma_wait3A_570 : memref<1x128x128xf32, #tpu.memory_space<vmem>> -> memref<128x128xf32, #tpu.memory_space<vmem>>
      %dma_wait3A_572 = arith.constant 0 : i32
      %dma_wait3A_573 = tpu.memref_slice %arg7[%dma_wait3A_567, %dma_wait3A_572] : memref<4x128xi32, #tpu.memory_space<vmem>> -> memref<1x128xi32, #tpu.memory_space<vmem>>
      %dma_wait3A_574 = tpu.memref_squeeze %dma_wait3A_573 : memref<1x128xi32, #tpu.memory_space<vmem>> -> memref<128xi32, #tpu.memory_space<vmem>>
      %dma_wait3A_575 = arith.constant 0 : i32
      %dma_wait3A_576 = arith.constant 0 : i32
      %dma_wait3A_577 = tpu.memref_slice %arg9[%dma_wait3A_575, %dma_wait3A_576] : memref<10112x128xf32, #tpu.memory_space<vmem_shared>> -> memref<10112x128xf32, #tpu.memory_space<vmem_shared>>
      tpu.wait_indirect_dma semaphore(%arg17 : memref<!tpu.dma_semaphore, #tpu.memory_space<semaphore_mem>>) src(%dma_wait3A_571 : memref<128x128xf32, #tpu.memory_space<vmem>>) dst(%dma_wait3A_577 : memref<10112x128xf32, #tpu.memory_space<vmem_shared>>)
      %add3A_578 = arith.constant 3 : i32
      %add3A_579 = arith.addi %add3A_565, %add3A_578 : i32
      %lt3A_580 = arith.constant 80 : i32
      %lt3A_581 = arith.cmpi slt, %add3A_579, %lt3A_580 : i32
      %convert_element_type3A_582 = arith.extui %lt3A_581 : i1 to i32
      %cond3A_583 = arith.constant 0 : i32
      %cond3A_584 = arith.cmpi ne, %convert_element_type3A_582, %cond3A_583 : i32
      scf.if %cond3A_584 {
        %add3A_693 = arith.constant 3 : i32
        %add3A_694 = arith.addi %add3A_565, %add3A_693 : i32
        %add3A_695 = arith.addi %mul3A_2, %add3A_694 : i32
        %mul3A_696 = arith.constant 128 : i32
        %mul3A_697 = arith.muli %add3A_695, %mul3A_696 : i32
        %dma_start3A_698 = arith.constant 1 : i32
        %dma_start3A_699 = arith.constant 0 : i32
        %dma_start3A_700 = tpu.memref_slice %arg7[%dma_start3A_698, %dma_start3A_699] : memref<4x128xi32, #tpu.memory_space<vmem>> -> memref<1x128xi32, #tpu.memory_space<vmem>>
        %dma_start3A_701 = tpu.memref_squeeze %dma_start3A_700 : memref<1x128xi32, #tpu.memory_space<vmem>> -> memref<128xi32, #tpu.memory_space<vmem>>
        %dma_start3A_702 = tpu.memref_slice %arg4[%mul3A_697] : memref<327680xi32, #tpu.memory_space<hbm>> -> memref<128xi32, #tpu.memory_space<hbm>>
        %dma_start3A_703 = arith.constant 0 : i32
        %dma_start3A_704 = tpu.memref_slice %arg7[%dma_start3A_698, %dma_start3A_703] : memref<4x128xi32, #tpu.memory_space<vmem>> -> memref<1x128xi32, #tpu.memory_space<vmem>>
        %dma_start3A_705 = tpu.memref_squeeze %dma_start3A_704 : memref<1x128xi32, #tpu.memory_space<vmem>> -> memref<128xi32, #tpu.memory_space<vmem>>
        %dma_start3A_706 = tpu.memref_slice %arg4[%mul3A_697] : memref<327680xi32, #tpu.memory_space<hbm>> -> memref<128xi32, #tpu.memory_space<hbm>>
        tpu.enqueue_dma source(%dma_start3A_706 : memref<128xi32, #tpu.memory_space<hbm>>) target(%dma_start3A_705 : memref<128xi32, #tpu.memory_space<vmem>>) target_semaphore(%arg13 : memref<!tpu.dma_semaphore, #tpu.memory_space<semaphore_mem>>)
      } else {
      }
      %add3A_585 = arith.constant 1 : i32
      %add3A_586 = arith.addi %add3A_565, %add3A_585 : i32
      %lt3A_587 = arith.constant 80 : i32
      %lt3A_588 = arith.cmpi slt, %add3A_586, %lt3A_587 : i32
      %convert_element_type3A_589 = arith.extui %lt3A_588 : i1 to i32
      %cond3A_590 = arith.constant 0 : i32
      %cond3A_591 = arith.cmpi ne, %convert_element_type3A_589, %cond3A_590 : i32
      scf.if %cond3A_591 {
        %add3A_693 = arith.constant 1 : i32
        %add3A_694 = arith.addi %add3A_565, %add3A_693 : i32
        %dma_start3A_695 = arith.constant 1 : i32
        %dma_start3A_696 = arith.constant 0 : i32
        %dma_start3A_697 = arith.constant 0 : i32
        %dma_start3A_698 = tpu.memref_slice %arg8[%dma_start3A_695, %dma_start3A_696, %dma_start3A_697] : memref<2x128x128xf32, #tpu.memory_space<vmem>> -> memref<1x128x128xf32, #tpu.memory_space<vmem>>
        %dma_start3A_699 = tpu.memref_squeeze %dma_start3A_698 : memref<1x128x128xf32, #tpu.memory_space<vmem>> -> memref<128x128xf32, #tpu.memory_space<vmem>>
        %dma_start3A_700 = arith.constant 0 : i32
        %dma_start3A_701 = tpu.memref_slice %arg6[%add3A_694, %dma_start3A_700] : memref<80x128xi32, #tpu.memory_space<vmem>> -> memref<1x128xi32, #tpu.memory_space<vmem>>
        %dma_start3A_702 = tpu.memref_squeeze %dma_start3A_701 : memref<1x128xi32, #tpu.memory_space<vmem>> -> memref<128xi32, #tpu.memory_space<vmem>>
        %dma_start3A_703 = arith.constant 0 : i32
        %dma_start3A_704 = arith.constant 0 : i32
        %dma_start3A_705 = tpu.memref_slice %arg2[%dma_start3A_703, %dma_start3A_704] : memref<10112x128xf32, #tpu.memory_space<hbm>> -> memref<10112x128xf32, #tpu.memory_space<hbm>>
        tpu.enqueue_indirect_dma source(%dma_start3A_705 : memref<10112x128xf32, #tpu.memory_space<hbm>>) target(%dma_start3A_699 : memref<128x128xf32, #tpu.memory_space<vmem>>) offsets(%dma_start3A_702 : memref<128xi32, #tpu.memory_space<vmem>>) semaphore(%arg11 : memref<!tpu.dma_semaphore, #tpu.memory_space<semaphore_mem>>)
      } else {
      }
      %dma_wait3A_592 = arith.constant 0 : i32
      %dma_wait3A_593 = arith.constant 0 : i32
      %dma_wait3A_594 = arith.constant 0 : i32
      %dma_wait3A_595 = tpu.memref_slice %arg8[%dma_wait3A_592, %dma_wait3A_593, %dma_wait3A_594] : memref<2x128x128xf32, #tpu.memory_space<vmem>> -> memref<1x128x128xf32, #tpu.memory_space<vmem>>
      %dma_wait3A_596 = tpu.memref_squeeze %dma_wait3A_595 : memref<1x128x128xf32, #tpu.memory_space<vmem>> -> memref<128x128xf32, #tpu.memory_space<vmem>>
      %dma_wait3A_597 = arith.constant 0 : i32
      %dma_wait3A_598 = tpu.memref_slice %arg6[%add3A_565, %dma_wait3A_597] : memref<80x128xi32, #tpu.memory_space<vmem>> -> memref<1x128xi32, #tpu.memory_space<vmem>>
      %dma_wait3A_599 = tpu.memref_squeeze %dma_wait3A_598 : memref<1x128xi32, #tpu.memory_space<vmem>> -> memref<128xi32, #tpu.memory_space<vmem>>
      %dma_wait3A_600 = arith.constant 0 : i32
      %dma_wait3A_601 = arith.constant 0 : i32
      %dma_wait3A_602 = tpu.memref_slice %arg2[%dma_wait3A_600, %dma_wait3A_601] : memref<10112x128xf32, #tpu.memory_space<hbm>> -> memref<10112x128xf32, #tpu.memory_space<hbm>>
      tpu.wait_indirect_dma semaphore(%arg10 : memref<!tpu.dma_semaphore, #tpu.memory_space<semaphore_mem>>) src(%dma_wait3A_602 : memref<10112x128xf32, #tpu.memory_space<hbm>>) dst(%dma_wait3A_596 : memref<128x128xf32, #tpu.memory_space<vmem>>)
      %add3A_603 = arith.addi %mul3A_2, %add3A_565 : i32
      %mul3A_604 = arith.constant 128 : i32
      %mul3A_605 = arith.muli %add3A_603, %mul3A_604 : i32
      %dma_wait3A_606 = arith.constant 2 : i32
      %dma_wait3A_607 = arith.constant 0 : i32
      %dma_wait3A_608 = tpu.memref_slice %arg7[%dma_wait3A_606, %dma_wait3A_607] : memref<4x128xi32, #tpu.memory_space<vmem>> -> memref<1x128xi32, #tpu.memory_space<vmem>>
      %dma_wait3A_609 = tpu.memref_squeeze %dma_wait3A_608 : memref<1x128xi32, #tpu.memory_space<vmem>> -> memref<128xi32, #tpu.memory_space<vmem>>
      %dma_wait3A_610 = tpu.memref_slice %arg4[%mul3A_605] : memref<327680xi32, #tpu.memory_space<hbm>> -> memref<128xi32, #tpu.memory_space<hbm>>
      %dma_wait3A_611 = arith.constant 0 : i32
      %dma_wait3A_612 = tpu.memref_slice %arg7[%dma_wait3A_606, %dma_wait3A_611] : memref<4x128xi32, #tpu.memory_space<vmem>> -> memref<1x128xi32, #tpu.memory_space<vmem>>
      %dma_wait3A_613 = tpu.memref_squeeze %dma_wait3A_612 : memref<1x128xi32, #tpu.memory_space<vmem>> -> memref<128xi32, #tpu.memory_space<vmem>>
      %dma_wait3A_614 = tpu.memref_slice %arg4[%mul3A_605] : memref<327680xi32, #tpu.memory_space<hbm>> -> memref<128xi32, #tpu.memory_space<hbm>>
      tpu.wait_dma2 semaphore(%arg14 : memref<!tpu.dma_semaphore, #tpu.memory_space<semaphore_mem>>) src(%dma_wait3A_614 : memref<128xi32, #tpu.memory_space<hbm>>) dst(%dma_wait3A_613 : memref<128xi32, #tpu.memory_space<vmem>>)
      %dma_start3A_615 = arith.constant 0 : i32
      %dma_start3A_616 = arith.constant 2 : i32
      %dma_start3A_617 = arith.constant 0 : i32
      %dma_start3A_618 = arith.constant 0 : i32
      %dma_start3A_619 = tpu.memref_slice %arg8[%dma_start3A_615, %dma_start3A_617, %dma_start3A_618] : memref<2x128x128xf32, #tpu.memory_space<vmem>> -> memref<1x128x128xf32, #tpu.memory_space<vmem>>
      %dma_start3A_620 = tpu.memref_squeeze %dma_start3A_619 : memref<1x128x128xf32, #tpu.memory_space<vmem>> -> memref<128x128xf32, #tpu.memory_space<vmem>>
      %dma_start3A_621 = arith.constant 0 : i32
      %dma_start3A_622 = tpu.memref_slice %arg7[%dma_start3A_616, %dma_start3A_621] : memref<4x128xi32, #tpu.memory_space<vmem>> -> memref<1x128xi32, #tpu.memory_space<vmem>>
      %dma_start3A_623 = tpu.memref_squeeze %dma_start3A_622 : memref<1x128xi32, #tpu.memory_space<vmem>> -> memref<128xi32, #tpu.memory_space<vmem>>
      %dma_start3A_624 = arith.constant 0 : i32
      %dma_start3A_625 = arith.constant 0 : i32
      %dma_start3A_626 = tpu.memref_slice %arg9[%dma_start3A_624, %dma_start3A_625] : memref<10112x128xf32, #tpu.memory_space<vmem_shared>> -> memref<10112x128xf32, #tpu.memory_space<vmem_shared>>
      tpu.enqueue_indirect_dma source(%dma_start3A_620 : memref<128x128xf32, #tpu.memory_space<vmem>>) target(%dma_start3A_626 : memref<10112x128xf32, #tpu.memory_space<vmem_shared>>) offsets(%dma_start3A_623 : memref<128xi32, #tpu.memory_space<vmem>>) semaphore(%arg16 : memref<!tpu.dma_semaphore, #tpu.memory_space<semaphore_mem>>) {add = true}
      %mul3A_627 = arith.constant 4 : i32
      %mul3A_628 = arith.muli %scan3A_430, %mul3A_627 : i32
      %add3A_629 = arith.constant 3 : i32
      %add3A_630 = arith.addi %mul3A_628, %add3A_629 : i32
      %dma_wait3A_631 = arith.constant 0 : i32
      %dma_wait3A_632 = arith.constant 2 : i32
      %dma_wait3A_633 = arith.constant 0 : i32
      %dma_wait3A_634 = arith.constant 0 : i32
      %dma_wait3A_635 = tpu.memref_slice %arg8[%dma_wait3A_631, %dma_wait3A_633, %dma_wait3A_634] : memref<2x128x128xf32, #tpu.memory_space<vmem>> -> memref<1x128x128xf32, #tpu.memory_space<vmem>>
      %dma_wait3A_636 = tpu.memref_squeeze %dma_wait3A_635 : memref<1x128x128xf32, #tpu.memory_space<vmem>> -> memref<128x128xf32, #tpu.memory_space<vmem>>
      %dma_wait3A_637 = arith.constant 0 : i32
      %dma_wait3A_638 = tpu.memref_slice %arg7[%dma_wait3A_632, %dma_wait3A_637] : memref<4x128xi32, #tpu.memory_space<vmem>> -> memref<1x128xi32, #tpu.memory_space<vmem>>
      %dma_wait3A_639 = tpu.memref_squeeze %dma_wait3A_638 : memref<1x128xi32, #tpu.memory_space<vmem>> -> memref<128xi32, #tpu.memory_space<vmem>>
      %dma_wait3A_640 = arith.constant 0 : i32
      %dma_wait3A_641 = arith.constant 0 : i32
      %dma_wait3A_642 = tpu.memref_slice %arg9[%dma_wait3A_640, %dma_wait3A_641] : memref<10112x128xf32, #tpu.memory_space<vmem_shared>> -> memref<10112x128xf32, #tpu.memory_space<vmem_shared>>
      tpu.wait_indirect_dma semaphore(%arg16 : memref<!tpu.dma_semaphore, #tpu.memory_space<semaphore_mem>>) src(%dma_wait3A_636 : memref<128x128xf32, #tpu.memory_space<vmem>>) dst(%dma_wait3A_642 : memref<10112x128xf32, #tpu.memory_space<vmem_shared>>)
      %add3A_643 = arith.constant 3 : i32
      %add3A_644 = arith.addi %add3A_630, %add3A_643 : i32
      %lt3A_645 = arith.constant 80 : i32
      %lt3A_646 = arith.cmpi slt, %add3A_644, %lt3A_645 : i32
      %convert_element_type3A_647 = arith.extui %lt3A_646 : i1 to i32
      %cond3A_648 = arith.constant 0 : i32
      %cond3A_649 = arith.cmpi ne, %convert_element_type3A_647, %cond3A_648 : i32
      scf.if %cond3A_649 {
        %add3A_693 = arith.constant 3 : i32
        %add3A_694 = arith.addi %add3A_630, %add3A_693 : i32
        %add3A_695 = arith.addi %mul3A_2, %add3A_694 : i32
        %mul3A_696 = arith.constant 128 : i32
        %mul3A_697 = arith.muli %add3A_695, %mul3A_696 : i32
        %dma_start3A_698 = arith.constant 2 : i32
        %dma_start3A_699 = arith.constant 0 : i32
        %dma_start3A_700 = tpu.memref_slice %arg7[%dma_start3A_698, %dma_start3A_699] : memref<4x128xi32, #tpu.memory_space<vmem>> -> memref<1x128xi32, #tpu.memory_space<vmem>>
        %dma_start3A_701 = tpu.memref_squeeze %dma_start3A_700 : memref<1x128xi32, #tpu.memory_space<vmem>> -> memref<128xi32, #tpu.memory_space<vmem>>
        %dma_start3A_702 = tpu.memref_slice %arg4[%mul3A_697] : memref<327680xi32, #tpu.memory_space<hbm>> -> memref<128xi32, #tpu.memory_space<hbm>>
        %dma_start3A_703 = arith.constant 0 : i32
        %dma_start3A_704 = tpu.memref_slice %arg7[%dma_start3A_698, %dma_start3A_703] : memref<4x128xi32, #tpu.memory_space<vmem>> -> memref<1x128xi32, #tpu.memory_space<vmem>>
        %dma_start3A_705 = tpu.memref_squeeze %dma_start3A_704 : memref<1x128xi32, #tpu.memory_space<vmem>> -> memref<128xi32, #tpu.memory_space<vmem>>
        %dma_start3A_706 = tpu.memref_slice %arg4[%mul3A_697] : memref<327680xi32, #tpu.memory_space<hbm>> -> memref<128xi32, #tpu.memory_space<hbm>>
        tpu.enqueue_dma source(%dma_start3A_706 : memref<128xi32, #tpu.memory_space<hbm>>) target(%dma_start3A_705 : memref<128xi32, #tpu.memory_space<vmem>>) target_semaphore(%arg14 : memref<!tpu.dma_semaphore, #tpu.memory_space<semaphore_mem>>)
      } else {
      }
      %add3A_650 = arith.constant 1 : i32
      %add3A_651 = arith.addi %add3A_630, %add3A_650 : i32
      %lt3A_652 = arith.constant 80 : i32
      %lt3A_653 = arith.cmpi slt, %add3A_651, %lt3A_652 : i32
      %convert_element_type3A_654 = arith.extui %lt3A_653 : i1 to i32
      %cond3A_655 = arith.constant 0 : i32
      %cond3A_656 = arith.cmpi ne, %convert_element_type3A_654, %cond3A_655 : i32
      scf.if %cond3A_656 {
        %add3A_693 = arith.constant 1 : i32
        %add3A_694 = arith.addi %add3A_630, %add3A_693 : i32
        %dma_start3A_695 = arith.constant 0 : i32
        %dma_start3A_696 = arith.constant 0 : i32
        %dma_start3A_697 = arith.constant 0 : i32
        %dma_start3A_698 = tpu.memref_slice %arg8[%dma_start3A_695, %dma_start3A_696, %dma_start3A_697] : memref<2x128x128xf32, #tpu.memory_space<vmem>> -> memref<1x128x128xf32, #tpu.memory_space<vmem>>
        %dma_start3A_699 = tpu.memref_squeeze %dma_start3A_698 : memref<1x128x128xf32, #tpu.memory_space<vmem>> -> memref<128x128xf32, #tpu.memory_space<vmem>>
        %dma_start3A_700 = arith.constant 0 : i32
        %dma_start3A_701 = tpu.memref_slice %arg6[%add3A_694, %dma_start3A_700] : memref<80x128xi32, #tpu.memory_space<vmem>> -> memref<1x128xi32, #tpu.memory_space<vmem>>
        %dma_start3A_702 = tpu.memref_squeeze %dma_start3A_701 : memref<1x128xi32, #tpu.memory_space<vmem>> -> memref<128xi32, #tpu.memory_space<vmem>>
        %dma_start3A_703 = arith.constant 0 : i32
        %dma_start3A_704 = arith.constant 0 : i32
        %dma_start3A_705 = tpu.memref_slice %arg2[%dma_start3A_703, %dma_start3A_704] : memref<10112x128xf32, #tpu.memory_space<hbm>> -> memref<10112x128xf32, #tpu.memory_space<hbm>>
        tpu.enqueue_indirect_dma source(%dma_start3A_705 : memref<10112x128xf32, #tpu.memory_space<hbm>>) target(%dma_start3A_699 : memref<128x128xf32, #tpu.memory_space<vmem>>) offsets(%dma_start3A_702 : memref<128xi32, #tpu.memory_space<vmem>>) semaphore(%arg10 : memref<!tpu.dma_semaphore, #tpu.memory_space<semaphore_mem>>)
      } else {
      }
      %dma_wait3A_657 = arith.constant 1 : i32
      %dma_wait3A_658 = arith.constant 0 : i32
      %dma_wait3A_659 = arith.constant 0 : i32
      %dma_wait3A_660 = tpu.memref_slice %arg8[%dma_wait3A_657, %dma_wait3A_658, %dma_wait3A_659] : memref<2x128x128xf32, #tpu.memory_space<vmem>> -> memref<1x128x128xf32, #tpu.memory_space<vmem>>
      %dma_wait3A_661 = tpu.memref_squeeze %dma_wait3A_660 : memref<1x128x128xf32, #tpu.memory_space<vmem>> -> memref<128x128xf32, #tpu.memory_space<vmem>>
      %dma_wait3A_662 = arith.constant 0 : i32
      %dma_wait3A_663 = tpu.memref_slice %arg6[%add3A_630, %dma_wait3A_662] : memref<80x128xi32, #tpu.memory_space<vmem>> -> memref<1x128xi32, #tpu.memory_space<vmem>>
      %dma_wait3A_664 = tpu.memref_squeeze %dma_wait3A_663 : memref<1x128xi32, #tpu.memory_space<vmem>> -> memref<128xi32, #tpu.memory_space<vmem>>
      %dma_wait3A_665 = arith.constant 0 : i32
      %dma_wait3A_666 = arith.constant 0 : i32
      %dma_wait3A_667 = tpu.memref_slice %arg2[%dma_wait3A_665, %dma_wait3A_666] : memref<10112x128xf32, #tpu.memory_space<hbm>> -> memref<10112x128xf32, #tpu.memory_space<hbm>>
      tpu.wait_indirect_dma semaphore(%arg11 : memref<!tpu.dma_semaphore, #tpu.memory_space<semaphore_mem>>) src(%dma_wait3A_667 : memref<10112x128xf32, #tpu.memory_space<hbm>>) dst(%dma_wait3A_661 : memref<128x128xf32, #tpu.memory_space<vmem>>)
      %add3A_668 = arith.addi %mul3A_2, %add3A_630 : i32
      %mul3A_669 = arith.constant 128 : i32
      %mul3A_670 = arith.muli %add3A_668, %mul3A_669 : i32
      %dma_wait3A_671 = arith.constant 3 : i32
      %dma_wait3A_672 = arith.constant 0 : i32
      %dma_wait3A_673 = tpu.memref_slice %arg7[%dma_wait3A_671, %dma_wait3A_672] : memref<4x128xi32, #tpu.memory_space<vmem>> -> memref<1x128xi32, #tpu.memory_space<vmem>>
      %dma_wait3A_674 = tpu.memref_squeeze %dma_wait3A_673 : memref<1x128xi32, #tpu.memory_space<vmem>> -> memref<128xi32, #tpu.memory_space<vmem>>
      %dma_wait3A_675 = tpu.memref_slice %arg4[%mul3A_670] : memref<327680xi32, #tpu.memory_space<hbm>> -> memref<128xi32, #tpu.memory_space<hbm>>
      %dma_wait3A_676 = arith.constant 0 : i32
      %dma_wait3A_677 = tpu.memref_slice %arg7[%dma_wait3A_671, %dma_wait3A_676] : memref<4x128xi32, #tpu.memory_space<vmem>> -> memref<1x128xi32, #tpu.memory_space<vmem>>
      %dma_wait3A_678 = tpu.memref_squeeze %dma_wait3A_677 : memref<1x128xi32, #tpu.memory_space<vmem>> -> memref<128xi32, #tpu.memory_space<vmem>>
      %dma_wait3A_679 = tpu.memref_slice %arg4[%mul3A_670] : memref<327680xi32, #tpu.memory_space<hbm>> -> memref<128xi32, #tpu.memory_space<hbm>>
      tpu.wait_dma2 semaphore(%arg15 : memref<!tpu.dma_semaphore, #tpu.memory_space<semaphore_mem>>) src(%dma_wait3A_679 : memref<128xi32, #tpu.memory_space<hbm>>) dst(%dma_wait3A_678 : memref<128xi32, #tpu.memory_space<vmem>>)
      %dma_start3A_680 = arith.constant 1 : i32
      %dma_start3A_681 = arith.constant 3 : i32
      %dma_start3A_682 = arith.constant 0 : i32
      %dma_start3A_683 = arith.constant 0 : i32
      %dma_start3A_684 = tpu.memref_slice %arg8[%dma_start3A_680, %dma_start3A_682, %dma_start3A_683] : memref<2x128x128xf32, #tpu.memory_space<vmem>> -> memref<1x128x128xf32, #tpu.memory_space<vmem>>
      %dma_start3A_685 = tpu.memref_squeeze %dma_start3A_684 : memref<1x128x128xf32, #tpu.memory_space<vmem>> -> memref<128x128xf32, #tpu.memory_space<vmem>>
      %dma_start3A_686 = arith.constant 0 : i32
      %dma_start3A_687 = tpu.memref_slice %arg7[%dma_start3A_681, %dma_start3A_686] : memref<4x128xi32, #tpu.memory_space<vmem>> -> memref<1x128xi32, #tpu.memory_space<vmem>>
      %dma_start3A_688 = tpu.memref_squeeze %dma_start3A_687 : memref<1x128xi32, #tpu.memory_space<vmem>> -> memref<128xi32, #tpu.memory_space<vmem>>
      %dma_start3A_689 = arith.constant 0 : i32
      %dma_start3A_690 = arith.constant 0 : i32
      %dma_start3A_691 = tpu.memref_slice %arg9[%dma_start3A_689, %dma_start3A_690] : memref<10112x128xf32, #tpu.memory_space<vmem_shared>> -> memref<10112x128xf32, #tpu.memory_space<vmem_shared>>
      tpu.enqueue_indirect_dma source(%dma_start3A_685 : memref<128x128xf32, #tpu.memory_space<vmem>>) target(%dma_start3A_691 : memref<10112x128xf32, #tpu.memory_space<vmem_shared>>) offsets(%dma_start3A_688 : memref<128xi32, #tpu.memory_space<vmem>>) semaphore(%arg17 : memref<!tpu.dma_semaphore, #tpu.memory_space<semaphore_mem>>) {add = true}
      %scan3A_692 = arith.constant 0 : i32
      scf.yield %scan3A_692 : i32
    }
    %scan3A_381 = arith.constant 19 : i32
    %dma_wait3A_382 = arith.constant 1 : i32
    %dma_wait3A_383 = arith.constant 3 : i32
    %dma_wait3A_384 = arith.constant 0 : i32
    %dma_wait3A_385 = arith.constant 0 : i32
    %dma_wait3A_386 = tpu.memref_slice %arg8[%dma_wait3A_382, %dma_wait3A_384, %dma_wait3A_385] : memref<2x128x128xf32, #tpu.memory_space<vmem>> -> memref<1x128x128xf32, #tpu.memory_space<vmem>>
    %dma_wait3A_387 = tpu.memref_squeeze %dma_wait3A_386 : memref<1x128x128xf32, #tpu.memory_space<vmem>> -> memref<128x128xf32, #tpu.memory_space<vmem>>
    %dma_wait3A_388 = arith.constant 0 : i32
    %dma_wait3A_389 = tpu.memref_slice %arg7[%dma_wait3A_383, %dma_wait3A_388] : memref<4x128xi32, #tpu.memory_space<vmem>> -> memref<1x128xi32, #tpu.memory_space<vmem>>
    %dma_wait3A_390 = tpu.memref_squeeze %dma_wait3A_389 : memref<1x128xi32, #tpu.memory_space<vmem>> -> memref<128xi32, #tpu.memory_space<vmem>>
    %dma_wait3A_391 = arith.constant 0 : i32
    %dma_wait3A_392 = arith.constant 0 : i32
    %dma_wait3A_393 = tpu.memref_slice %arg9[%dma_wait3A_391, %dma_wait3A_392] : memref<10112x128xf32, #tpu.memory_space<vmem_shared>> -> memref<10112x128xf32, #tpu.memory_space<vmem_shared>>
    tpu.wait_indirect_dma semaphore(%arg17 : memref<!tpu.dma_semaphore, #tpu.memory_space<semaphore_mem>>) src(%dma_wait3A_387 : memref<128x128xf32, #tpu.memory_space<vmem>>) dst(%dma_wait3A_393 : memref<10112x128xf32, #tpu.memory_space<vmem_shared>>)
    %barrier3A_394 = arith.constant 0 : index
    tpu.barrier barrier_id(%barrier3A_394)
    %add3A_395 = arith.constant 0 : i32
    %add3A_396 = arith.addi %arg1, %add3A_395 : i32
    %add3A_397 = arith.constant 16 : i32
    %add3A_398 = arith.addi %arg1, %add3A_397 : i32
    %add3A_399 = arith.constant 32 : i32
    %add3A_400 = arith.addi %arg1, %add3A_399 : i32
    %add3A_401 = arith.constant 48 : i32
    %add3A_402 = arith.addi %arg1, %add3A_401 : i32
    %add3A_403 = arith.constant 64 : i32
    %add3A_404 = arith.addi %arg1, %add3A_403 : i32
    %lt3A_405 = arith.constant 79 : i32
    %lt3A_406 = arith.cmpi slt, %add3A_396, %lt3A_405 : i32
    %convert_element_type3A_407 = arith.extui %lt3A_406 : i1 to i32
    %cond3A_408 = arith.constant 0 : i32
    %cond3A_409 = arith.cmpi ne, %convert_element_type3A_407, %cond3A_408 : i32
    scf.if %cond3A_409 {
      %mul3A_430 = arith.constant 128 : i32
      %mul3A_431 = arith.muli %add3A_396, %mul3A_430 : i32
      %mul3A_432 = arith.constant 128 : i32
      %mul3A_433 = arith.muli %add3A_396, %mul3A_432 : i32
      "tpu.region"() ({
        %run_scoped3A = tpu.sem_alloc : memref<!tpu.dma_semaphore, #tpu.memory_space<semaphore_mem>>
        %dma_start3A_434 = arith.constant 0 : i32
        %dma_start3A_435 = tpu.memref_slice %arg5[%arg0, %mul3A_433, %dma_start3A_434] : memref<2x10112x128xf32, #tpu.memory_space<hbm>> -> memref<1x128x128xf32, #tpu.memory_space<hbm>>
        %dma_start3A_436 = tpu.memref_squeeze %dma_start3A_435 : memref<1x128x128xf32, #tpu.memory_space<hbm>> -> memref<128x128xf32, #tpu.memory_space<hbm>>
        %dma_start3A_437 = arith.constant 0 : i32
        %dma_start3A_438 = tpu.memref_slice %arg9[%mul3A_431, %dma_start3A_437] : memref<10112x128xf32, #tpu.memory_space<vmem_shared>> -> memref<128x128xf32, #tpu.memory_space<vmem_shared>>
        tpu.enqueue_dma source(%dma_start3A_438 : memref<128x128xf32, #tpu.memory_space<vmem_shared>>) target(%dma_start3A_436 : memref<128x128xf32, #tpu.memory_space<hbm>>) target_semaphore(%run_scoped3A : memref<!tpu.dma_semaphore, #tpu.memory_space<semaphore_mem>>)
        %dma_wait3A_439 = arith.constant 0 : i32
        %dma_wait3A_440 = tpu.memref_slice %arg5[%arg0, %mul3A_433, %dma_wait3A_439] : memref<2x10112x128xf32, #tpu.memory_space<hbm>> -> memref<1x128x128xf32, #tpu.memory_space<hbm>>
        %dma_wait3A_441 = tpu.memref_squeeze %dma_wait3A_440 : memref<1x128x128xf32, #tpu.memory_space<hbm>> -> memref<128x128xf32, #tpu.memory_space<hbm>>
        %dma_wait3A_442 = arith.constant 0 : i32
        %dma_wait3A_443 = tpu.memref_slice %arg9[%mul3A_431, %dma_wait3A_442] : memref<10112x128xf32, #tpu.memory_space<vmem_shared>> -> memref<128x128xf32, #tpu.memory_space<vmem_shared>>
        tpu.wait_dma2 semaphore(%run_scoped3A : memref<!tpu.dma_semaphore, #tpu.memory_space<semaphore_mem>>) src(%dma_wait3A_443 : memref<128x128xf32, #tpu.memory_space<vmem_shared>>) dst(%dma_wait3A_441 : memref<128x128xf32, #tpu.memory_space<hbm>>)
        tpu.yield
      }) : () -> ()
    } else {
    }
    %lt3A_410 = arith.constant 79 : i32
    %lt3A_411 = arith.cmpi slt, %add3A_398, %lt3A_410 : i32
    %convert_element_type3A_412 = arith.extui %lt3A_411 : i1 to i32
    %cond3A_413 = arith.constant 0 : i32
    %cond3A_414 = arith.cmpi ne, %convert_element_type3A_412, %cond3A_413 : i32
    scf.if %cond3A_414 {
      %mul3A_430 = arith.constant 128 : i32
      %mul3A_431 = arith.muli %add3A_398, %mul3A_430 : i32
      %mul3A_432 = arith.constant 128 : i32
      %mul3A_433 = arith.muli %add3A_398, %mul3A_432 : i32
      "tpu.region"() ({
        %run_scoped3A = tpu.sem_alloc : memref<!tpu.dma_semaphore, #tpu.memory_space<semaphore_mem>>
        %dma_start3A_434 = arith.constant 0 : i32
        %dma_start3A_435 = tpu.memref_slice %arg5[%arg0, %mul3A_433, %dma_start3A_434] : memref<2x10112x128xf32, #tpu.memory_space<hbm>> -> memref<1x128x128xf32, #tpu.memory_space<hbm>>
        %dma_start3A_436 = tpu.memref_squeeze %dma_start3A_435 : memref<1x128x128xf32, #tpu.memory_space<hbm>> -> memref<128x128xf32, #tpu.memory_space<hbm>>
        %dma_start3A_437 = arith.constant 0 : i32
        %dma_start3A_438 = tpu.memref_slice %arg9[%mul3A_431, %dma_start3A_437] : memref<10112x128xf32, #tpu.memory_space<vmem_shared>> -> memref<128x128xf32, #tpu.memory_space<vmem_shared>>
        tpu.enqueue_dma source(%dma_start3A_438 : memref<128x128xf32, #tpu.memory_space<vmem_shared>>) target(%dma_start3A_436 : memref<128x128xf32, #tpu.memory_space<hbm>>) target_semaphore(%run_scoped3A : memref<!tpu.dma_semaphore, #tpu.memory_space<semaphore_mem>>)
        %dma_wait3A_439 = arith.constant 0 : i32
        %dma_wait3A_440 = tpu.memref_slice %arg5[%arg0, %mul3A_433, %dma_wait3A_439] : memref<2x10112x128xf32, #tpu.memory_space<hbm>> -> memref<1x128x128xf32, #tpu.memory_space<hbm>>
        %dma_wait3A_441 = tpu.memref_squeeze %dma_wait3A_440 : memref<1x128x128xf32, #tpu.memory_space<hbm>> -> memref<128x128xf32, #tpu.memory_space<hbm>>
        %dma_wait3A_442 = arith.constant 0 : i32
        %dma_wait3A_443 = tpu.memref_slice %arg9[%mul3A_431, %dma_wait3A_442] : memref<10112x128xf32, #tpu.memory_space<vmem_shared>> -> memref<128x128xf32, #tpu.memory_space<vmem_shared>>
        tpu.wait_dma2 semaphore(%run_scoped3A : memref<!tpu.dma_semaphore, #tpu.memory_space<semaphore_mem>>) src(%dma_wait3A_443 : memref<128x128xf32, #tpu.memory_space<vmem_shared>>) dst(%dma_wait3A_441 : memref<128x128xf32, #tpu.memory_space<hbm>>)
        tpu.yield
      }) : () -> ()
    } else {
    }
    %lt3A_415 = arith.constant 79 : i32
    %lt3A_416 = arith.cmpi slt, %add3A_400, %lt3A_415 : i32
    %convert_element_type3A_417 = arith.extui %lt3A_416 : i1 to i32
    %cond3A_418 = arith.constant 0 : i32
    %cond3A_419 = arith.cmpi ne, %convert_element_type3A_417, %cond3A_418 : i32
    scf.if %cond3A_419 {
      %mul3A_430 = arith.constant 128 : i32
      %mul3A_431 = arith.muli %add3A_400, %mul3A_430 : i32
      %mul3A_432 = arith.constant 128 : i32
      %mul3A_433 = arith.muli %add3A_400, %mul3A_432 : i32
      "tpu.region"() ({
        %run_scoped3A = tpu.sem_alloc : memref<!tpu.dma_semaphore, #tpu.memory_space<semaphore_mem>>
        %dma_start3A_434 = arith.constant 0 : i32
        %dma_start3A_435 = tpu.memref_slice %arg5[%arg0, %mul3A_433, %dma_start3A_434] : memref<2x10112x128xf32, #tpu.memory_space<hbm>> -> memref<1x128x128xf32, #tpu.memory_space<hbm>>
        %dma_start3A_436 = tpu.memref_squeeze %dma_start3A_435 : memref<1x128x128xf32, #tpu.memory_space<hbm>> -> memref<128x128xf32, #tpu.memory_space<hbm>>
        %dma_start3A_437 = arith.constant 0 : i32
        %dma_start3A_438 = tpu.memref_slice %arg9[%mul3A_431, %dma_start3A_437] : memref<10112x128xf32, #tpu.memory_space<vmem_shared>> -> memref<128x128xf32, #tpu.memory_space<vmem_shared>>
        tpu.enqueue_dma source(%dma_start3A_438 : memref<128x128xf32, #tpu.memory_space<vmem_shared>>) target(%dma_start3A_436 : memref<128x128xf32, #tpu.memory_space<hbm>>) target_semaphore(%run_scoped3A : memref<!tpu.dma_semaphore, #tpu.memory_space<semaphore_mem>>)
        %dma_wait3A_439 = arith.constant 0 : i32
        %dma_wait3A_440 = tpu.memref_slice %arg5[%arg0, %mul3A_433, %dma_wait3A_439] : memref<2x10112x128xf32, #tpu.memory_space<hbm>> -> memref<1x128x128xf32, #tpu.memory_space<hbm>>
        %dma_wait3A_441 = tpu.memref_squeeze %dma_wait3A_440 : memref<1x128x128xf32, #tpu.memory_space<hbm>> -> memref<128x128xf32, #tpu.memory_space<hbm>>
        %dma_wait3A_442 = arith.constant 0 : i32
        %dma_wait3A_443 = tpu.memref_slice %arg9[%mul3A_431, %dma_wait3A_442] : memref<10112x128xf32, #tpu.memory_space<vmem_shared>> -> memref<128x128xf32, #tpu.memory_space<vmem_shared>>
        tpu.wait_dma2 semaphore(%run_scoped3A : memref<!tpu.dma_semaphore, #tpu.memory_space<semaphore_mem>>) src(%dma_wait3A_443 : memref<128x128xf32, #tpu.memory_space<vmem_shared>>) dst(%dma_wait3A_441 : memref<128x128xf32, #tpu.memory_space<hbm>>)
        tpu.yield
      }) : () -> ()
    } else {
    }
    %lt3A_420 = arith.constant 79 : i32
    %lt3A_421 = arith.cmpi slt, %add3A_402, %lt3A_420 : i32
    %convert_element_type3A_422 = arith.extui %lt3A_421 : i1 to i32
    %cond3A_423 = arith.constant 0 : i32
    %cond3A_424 = arith.cmpi ne, %convert_element_type3A_422, %cond3A_423 : i32
    scf.if %cond3A_424 {
      %mul3A_430 = arith.constant 128 : i32
      %mul3A_431 = arith.muli %add3A_402, %mul3A_430 : i32
      %mul3A_432 = arith.constant 128 : i32
      %mul3A_433 = arith.muli %add3A_402, %mul3A_432 : i32
      "tpu.region"() ({
        %run_scoped3A = tpu.sem_alloc : memref<!tpu.dma_semaphore, #tpu.memory_space<semaphore_mem>>
        %dma_start3A_434 = arith.constant 0 : i32
        %dma_start3A_435 = tpu.memref_slice %arg5[%arg0, %mul3A_433, %dma_start3A_434] : memref<2x10112x128xf32, #tpu.memory_space<hbm>> -> memref<1x128x128xf32, #tpu.memory_space<hbm>>
        %dma_start3A_436 = tpu.memref_squeeze %dma_start3A_435 : memref<1x128x128xf32, #tpu.memory_space<hbm>> -> memref<128x128xf32, #tpu.memory_space<hbm>>
        %dma_start3A_437 = arith.constant 0 : i32
        %dma_start3A_438 = tpu.memref_slice %arg9[%mul3A_431, %dma_start3A_437] : memref<10112x128xf32, #tpu.memory_space<vmem_shared>> -> memref<128x128xf32, #tpu.memory_space<vmem_shared>>
        tpu.enqueue_dma source(%dma_start3A_438 : memref<128x128xf32, #tpu.memory_space<vmem_shared>>) target(%dma_start3A_436 : memref<128x128xf32, #tpu.memory_space<hbm>>) target_semaphore(%run_scoped3A : memref<!tpu.dma_semaphore, #tpu.memory_space<semaphore_mem>>)
        %dma_wait3A_439 = arith.constant 0 : i32
        %dma_wait3A_440 = tpu.memref_slice %arg5[%arg0, %mul3A_433, %dma_wait3A_439] : memref<2x10112x128xf32, #tpu.memory_space<hbm>> -> memref<1x128x128xf32, #tpu.memory_space<hbm>>
        %dma_wait3A_441 = tpu.memref_squeeze %dma_wait3A_440 : memref<1x128x128xf32, #tpu.memory_space<hbm>> -> memref<128x128xf32, #tpu.memory_space<hbm>>
        %dma_wait3A_442 = arith.constant 0 : i32
        %dma_wait3A_443 = tpu.memref_slice %arg9[%mul3A_431, %dma_wait3A_442] : memref<10112x128xf32, #tpu.memory_space<vmem_shared>> -> memref<128x128xf32, #tpu.memory_space<vmem_shared>>
        tpu.wait_dma2 semaphore(%run_scoped3A : memref<!tpu.dma_semaphore, #tpu.memory_space<semaphore_mem>>) src(%dma_wait3A_443 : memref<128x128xf32, #tpu.memory_space<vmem_shared>>) dst(%dma_wait3A_441 : memref<128x128xf32, #tpu.memory_space<hbm>>)
        tpu.yield
      }) : () -> ()
    } else {
    }
    %lt3A_425 = arith.constant 79 : i32
    %lt3A_426 = arith.cmpi slt, %add3A_404, %lt3A_425 : i32
    %convert_element_type3A_427 = arith.extui %lt3A_426 : i1 to i32
    %cond3A_428 = arith.constant 0 : i32
    %cond3A_429 = arith.cmpi ne, %convert_element_type3A_427, %cond3A_428 : i32
    scf.if %cond3A_429 {
      %mul3A_430 = arith.constant 128 : i32
      %mul3A_431 = arith.muli %add3A_404, %mul3A_430 : i32
      %mul3A_432 = arith.constant 128 : i32
      %mul3A_433 = arith.muli %add3A_404, %mul3A_432 : i32
      "tpu.region"() ({
        %run_scoped3A = tpu.sem_alloc : memref<!tpu.dma_semaphore, #tpu.memory_space<semaphore_mem>>
        %dma_start3A_434 = arith.constant 0 : i32
        %dma_start3A_435 = tpu.memref_slice %arg5[%arg0, %mul3A_433, %dma_start3A_434] : memref<2x10112x128xf32, #tpu.memory_space<hbm>> -> memref<1x128x128xf32, #tpu.memory_space<hbm>>
        %dma_start3A_436 = tpu.memref_squeeze %dma_start3A_435 : memref<1x128x128xf32, #tpu.memory_space<hbm>> -> memref<128x128xf32, #tpu.memory_space<hbm>>
        %dma_start3A_437 = arith.constant 0 : i32
        %dma_start3A_438 = tpu.memref_slice %arg9[%mul3A_431, %dma_start3A_437] : memref<10112x128xf32, #tpu.memory_space<vmem_shared>> -> memref<128x128xf32, #tpu.memory_space<vmem_shared>>
        tpu.enqueue_dma source(%dma_start3A_438 : memref<128x128xf32, #tpu.memory_space<vmem_shared>>) target(%dma_start3A_436 : memref<128x128xf32, #tpu.memory_space<hbm>>) target_semaphore(%run_scoped3A : memref<!tpu.dma_semaphore, #tpu.memory_space<semaphore_mem>>)
        %dma_wait3A_439 = arith.constant 0 : i32
        %dma_wait3A_440 = tpu.memref_slice %arg5[%arg0, %mul3A_433, %dma_wait3A_439] : memref<2x10112x128xf32, #tpu.memory_space<hbm>> -> memref<1x128x128xf32, #tpu.memory_space<hbm>>
        %dma_wait3A_441 = tpu.memref_squeeze %dma_wait3A_440 : memref<1x128x128xf32, #tpu.memory_space<hbm>> -> memref<128x128xf32, #tpu.memory_space<hbm>>
        %dma_wait3A_442 = arith.constant 0 : i32
        %dma_wait3A_443 = tpu.memref_slice %arg9[%mul3A_431, %dma_wait3A_442] : memref<10112x128xf32, #tpu.memory_space<vmem_shared>> -> memref<128x128xf32, #tpu.memory_space<vmem_shared>>
        tpu.wait_dma2 semaphore(%run_scoped3A : memref<!tpu.dma_semaphore, #tpu.memory_space<semaphore_mem>>) src(%dma_wait3A_443 : memref<128x128xf32, #tpu.memory_space<vmem_shared>>) dst(%dma_wait3A_441 : memref<128x128xf32, #tpu.memory_space<hbm>>)
        tpu.yield
      }) : () -> ()
    } else {
    }
    return
  }
}

module attributes {stable_mosaic.version = 14 : i64} {
  func.func @body(%arg0: i32, %arg1: memref<128x128xf32, #tpu.memory_space<vmem>>, %arg2: memref<2x128x128xf32, #tpu.memory_space<vmem>>, %arg3: memref<128x128xf32, #tpu.memory_space<vmem>>, %arg4: memref<128x128xf32, #tpu.memory_space<vmem>>) attributes {dimension_semantics = [#tpu.dimension_semantics<arbitrary>], iteration_bounds = array<i64: 79>, scalar_prefetch = 0 : i64, scratch_operands = 0 : i64, tpu.core_type = #tpu.core_type<tc>, window_params = [{transform_indices = @transform_0, window_bounds = array<i64: 128, 128>}, {transform_indices = @transform_1, window_bounds = array<i64: 2, 128, 128>}, {pipeline_mode = #tpu.pipeline_mode<synchronous>, transform_indices = @transform_2, window_bounds = array<i64: 128, 128>}, {transform_indices = @transform_3, window_bounds = array<i64: 128, 128>}]} {
    %get3A = arith.constant 0 : index
    %get3A_0 = arith.constant 0 : index
    %get3A_1 = arith.constant 0 : index
    %get3A_2 = vector.load %arg2[%get3A, %get3A_0, %get3A_1] : memref<2x128x128xf32, #tpu.memory_space<vmem>>, vector<1x128x1xf32>
    %get3A_3 = vector.shape_cast %get3A_2 : vector<1x128x1xf32> to vector<128x1xf32>
    %get3A_4 = arith.constant 1 : index
    %get3A_5 = arith.constant 0 : index
    %get3A_6 = arith.constant 0 : index
    %get3A_7 = vector.load %arg2[%get3A_4, %get3A_5, %get3A_6] : memref<2x128x128xf32, #tpu.memory_space<vmem>>, vector<1x128x1xf32>
    %get3A_8 = vector.shape_cast %get3A_7 : vector<1x128x1xf32> to vector<128x1xf32>
    %add3A = arith.addf %get3A_3, %get3A_8 : vector<128x1xf32>
    %gt3A = arith.constant 0.000000e+00 : f32
    %gt3A_9 = vector.broadcast %gt3A : f32 to vector<128x1xf32>
    %gt3A_10 = arith.cmpf ogt, %add3A, %gt3A_9 : vector<128x1xf32>
    %rsqrt3A = math.rsqrt %add3A : vector<128x1xf32>
    %jit3A = arith.constant 0.000000e+00 : f32
    %broadcast_in_dim3A = vector.broadcast %jit3A : f32 to vector<128x1xf32>
    %select_n3A = arith.select %gt3A_10, %rsqrt3A, %broadcast_in_dim3A : vector<128x1xi1>, vector<128x1xf32>
    %get3A_11 = arith.constant 0 : index
    %get3A_12 = arith.constant 0 : index
    %get3A_13 = vector.load %arg1[%get3A_11, %get3A_12] : memref<128x128xf32, #tpu.memory_space<vmem>>, vector<128x128xf32>
    %get3A_14 = arith.constant 0 : index
    %get3A_15 = arith.constant 0 : index
    %get3A_16 = vector.load %arg3[%get3A_14, %get3A_15] : memref<128x128xf32, #tpu.memory_space<vmem>>, vector<128x128xf32>
    %dot_general3A = arith.constant dense<0.000000e+00> : vector<128x128xf32>
    %dot_general3A_17 = tpu.matmul %get3A_13, %get3A_16, %dot_general3A {dimension_numbers = #tpu.dot_dimension_numbers<[1], [0], [0], [1], [0, 0, 1, 1], [], []>, transpose_lhs_hint = false} : vector<128x128xf32>, vector<128x128xf32>, vector<128x128xf32> -> vector<128x128xf32>
    %mul3A = vector.broadcast %select_n3A : vector<128x1xf32> to vector<128x128xf32>
    %mul3A_18 = arith.mulf %mul3A, %dot_general3A_17 : vector<128x128xf32>
    %swap3A = arith.constant 0 : index
    %swap3A_19 = arith.constant 0 : index
    %swap3A_20 = vector.load %arg4[%swap3A, %swap3A_19] : memref<128x128xf32, #tpu.memory_space<vmem>>, vector<128x128xf32>
    tpu.vector_store %arg4[%swap3A, %swap3A_19], %mul3A_18 {strides = array<i32>} : memref<128x128xf32, #tpu.memory_space<vmem>>, vector<128x128xf32>,
    return
  }
  func.func @transform_0(%arg0: i32) -> (i32, i32) {
    %c0_i32 = arith.constant 0 : i32
    %c0_i32_0 = arith.constant 0 : i32
    return %arg0, %c0_i32 : i32, i32
  }
  func.func @transform_1(%arg0: i32) -> (i32, i32, i32) {
    %c0_i32 = arith.constant 0 : i32
    %c0_i32_0 = arith.constant 0 : i32
    %c0_i32_1 = arith.constant 0 : i32
    return %c0_i32, %arg0, %c0_i32_0 : i32, i32, i32
  }
  func.func @transform_2(%arg0: i32) -> (i32, i32) {
    %c0_i32 = arith.constant 0 : i32
    %c0_i32_0 = arith.constant 0 : i32
    %c0_i32_1 = arith.constant 0 : i32
    return %c0_i32, %c0_i32_0 : i32, i32
  }
  func.func @transform_3(%arg0: i32) -> (i32, i32) {
    %c0_i32 = arith.constant 0 : i32
    %c0_i32_0 = arith.constant 0 : i32
    return %arg0, %c0_i32 : i32, i32
  }
}

module attributes {stable_mosaic.version = 14 : i64} {
  func.func @body(%arg0: i32, %arg1: memref<2x128x128xf32, #tpu.memory_space<vmem>>, %arg2: memref<2x128x128xf32, #tpu.memory_space<vmem>>, %arg3: memref<1x128xf32, #tpu.memory_space<vmem>>, %arg4: memref<128x128xf32, #tpu.memory_space<vmem>>, %arg5: memref<128x128xf32, #tpu.memory_space<vmem>>) attributes {dimension_semantics = [#tpu.dimension_semantics<arbitrary>], iteration_bounds = array<i64: 79>, scalar_prefetch = 0 : i64, scratch_operands = 0 : i64, tpu.core_type = #tpu.core_type<tc>, window_params = [{transform_indices = @transform_0, window_bounds = array<i64: 2, 128, 128>}, {transform_indices = @transform_1, window_bounds = array<i64: 2, 128, 128>}, {pipeline_mode = #tpu.pipeline_mode<synchronous>, transform_indices = @transform_2, window_bounds = array<i64: 1, 128>}, {pipeline_mode = #tpu.pipeline_mode<synchronous>, transform_indices = @transform_3, window_bounds = array<i64: 128, 128>}, {transform_indices = @transform_4, window_bounds = array<i64: 128, 128>}]} {
    %get3A = arith.constant 0 : index
    %get3A_0 = arith.constant 0 : index
    %get3A_1 = arith.constant 0 : index
    %get3A_2 = vector.load %arg2[%get3A, %get3A_0, %get3A_1] : memref<2x128x128xf32, #tpu.memory_space<vmem>>, vector<1x128x1xf32>
    %get3A_3 = vector.shape_cast %get3A_2 : vector<1x128x1xf32> to vector<128x1xf32>
    %get3A_4 = arith.constant 1 : index
    %get3A_5 = arith.constant 0 : index
    %get3A_6 = arith.constant 0 : index
    %get3A_7 = vector.load %arg2[%get3A_4, %get3A_5, %get3A_6] : memref<2x128x128xf32, #tpu.memory_space<vmem>>, vector<1x128x1xf32>
    %get3A_8 = vector.shape_cast %get3A_7 : vector<1x128x1xf32> to vector<128x1xf32>
    %add3A = arith.addf %get3A_3, %get3A_8 : vector<128x1xf32>
    %gt3A = arith.constant 0.000000e+00 : f32
    %gt3A_9 = vector.broadcast %gt3A : f32 to vector<128x1xf32>
    %gt3A_10 = arith.cmpf ogt, %add3A, %gt3A_9 : vector<128x1xf32>
    %rsqrt3A = math.rsqrt %add3A : vector<128x1xf32>
    %jit3A = arith.constant 0.000000e+00 : f32
    %broadcast_in_dim3A = vector.broadcast %jit3A : f32 to vector<128x1xf32>
    %select_n3A = arith.select %gt3A_10, %rsqrt3A, %broadcast_in_dim3A : vector<128x1xi1>, vector<128x1xf32>
    %get3A_11 = arith.constant 0 : index
    %get3A_12 = arith.constant 0 : index
    %get3A_13 = arith.constant 0 : index
    %get3A_14 = vector.load %arg1[%get3A_11, %get3A_12, %get3A_13] : memref<2x128x128xf32, #tpu.memory_space<vmem>>, vector<1x128x128xf32>
    %get3A_15 = vector.shape_cast %get3A_14 : vector<1x128x128xf32> to vector<128x128xf32>
    %get3A_16 = arith.constant 1 : index
    %get3A_17 = arith.constant 0 : index
    %get3A_18 = arith.constant 0 : index
    %get3A_19 = vector.load %arg1[%get3A_16, %get3A_17, %get3A_18] : memref<2x128x128xf32, #tpu.memory_space<vmem>>, vector<1x128x128xf32>
    %get3A_20 = vector.shape_cast %get3A_19 : vector<1x128x128xf32> to vector<128x128xf32>
    %add3A_21 = arith.addf %get3A_15, %get3A_20 : vector<128x128xf32>
    %mul3A = vector.broadcast %select_n3A : vector<128x1xf32> to vector<128x128xf32>
    %mul3A_22 = arith.mulf %mul3A, %add3A_21 : vector<128x128xf32>
    %get3A_23 = arith.constant 0 : index
    %get3A_24 = arith.constant 0 : index
    %get3A_25 = vector.load %arg3[%get3A_23, %get3A_24] : memref<1x128xf32, #tpu.memory_space<vmem>>, vector<1x128xf32>
    %add3A_26 = vector.broadcast %get3A_25 : vector<1x128xf32> to vector<128x128xf32>
    %add3A_27 = arith.addf %mul3A_22, %add3A_26 : vector<128x128xf32>
    %max3A = arith.constant 0.000000e+00 : f32
    %max3A_28 = vector.broadcast %max3A : f32 to vector<128x128xf32>
    %max3A_29 = arith.maximumf %add3A_27, %max3A_28 : vector<128x128xf32>
    %get3A_30 = arith.constant 0 : index
    %get3A_31 = arith.constant 0 : index
    %get3A_32 = vector.load %arg4[%get3A_30, %get3A_31] : memref<128x128xf32, #tpu.memory_space<vmem>>, vector<128x128xf32>
    %dot_general3A = arith.constant dense<0.000000e+00> : vector<128x128xf32>
    %dot_general3A_33 = tpu.matmul %max3A_29, %get3A_32, %dot_general3A {dimension_numbers = #tpu.dot_dimension_numbers<[1], [0], [0], [1], [0, 0, 1, 1], [], []>, transpose_lhs_hint = false} : vector<128x128xf32>, vector<128x128xf32>, vector<128x128xf32> -> vector<128x128xf32>
    %mul3A_34 = vector.broadcast %select_n3A : vector<128x1xf32> to vector<128x128xf32>
    %mul3A_35 = arith.mulf %mul3A_34, %dot_general3A_33 : vector<128x128xf32>
    %swap3A = arith.constant 0 : index
    %swap3A_36 = arith.constant 0 : index
    %swap3A_37 = vector.load %arg5[%swap3A, %swap3A_36] : memref<128x128xf32, #tpu.memory_space<vmem>>, vector<128x128xf32>
    tpu.vector_store %arg5[%swap3A, %swap3A_36], %mul3A_35 {strides = array<i32>} : memref<128x128xf32, #tpu.memory_space<vmem>>, vector<128x128xf32>,
    return
  }
  func.func @transform_0(%arg0: i32) -> (i32, i32, i32) {
    %c0_i32 = arith.constant 0 : i32
    %c0_i32_0 = arith.constant 0 : i32
    %c0_i32_1 = arith.constant 0 : i32
    return %c0_i32, %arg0, %c0_i32_0 : i32, i32, i32
  }
  func.func @transform_1(%arg0: i32) -> (i32, i32, i32) {
    %c0_i32 = arith.constant 0 : i32
    %c0_i32_0 = arith.constant 0 : i32
    %c0_i32_1 = arith.constant 0 : i32
    return %c0_i32, %arg0, %c0_i32_0 : i32, i32, i32
  }
  func.func @transform_2(%arg0: i32) -> (i32, i32) {
    %c0_i32 = arith.constant 0 : i32
    %c0_i32_0 = arith.constant 0 : i32
    %c0_i32_1 = arith.constant 0 : i32
    return %c0_i32, %c0_i32_0 : i32, i32
  }
  func.func @transform_3(%arg0: i32) -> (i32, i32) {
    %c0_i32 = arith.constant 0 : i32
    %c0_i32_0 = arith.constant 0 : i32
    %c0_i32_1 = arith.constant 0 : i32
    return %c0_i32, %c0_i32_0 : i32, i32
  }
  func.func @transform_4(%arg0: i32) -> (i32, i32) {
    %c0_i32 = arith.constant 0 : i32
    %c0_i32_0 = arith.constant 0 : i32
    return %arg0, %c0_i32 : i32, i32
  }
}

module attributes {stable_mosaic.version = 14 : i64} {
  func.func @body(%arg0: i32, %arg1: memref<2x128x128xf32, #tpu.memory_space<vmem>>, %arg2: memref<2x128x128xf32, #tpu.memory_space<vmem>>, %arg3: memref<1x128xf32, #tpu.memory_space<vmem>>, %arg4: memref<128x128xf32, #tpu.memory_space<vmem>>) attributes {dimension_semantics = [#tpu.dimension_semantics<arbitrary>], iteration_bounds = array<i64: 79>, scalar_prefetch = 0 : i64, scratch_operands = 0 : i64, tpu.core_type = #tpu.core_type<tc>, window_params = [{transform_indices = @transform_0, window_bounds = array<i64: 2, 128, 128>}, {transform_indices = @transform_1, window_bounds = array<i64: 2, 128, 128>}, {pipeline_mode = #tpu.pipeline_mode<synchronous>, transform_indices = @transform_2, window_bounds = array<i64: 1, 128>}, {transform_indices = @transform_3, window_bounds = array<i64: 128, 128>}]} {
    %get3A = arith.constant 0 : index
    %get3A_0 = arith.constant 0 : index
    %get3A_1 = arith.constant 0 : index
    %get3A_2 = vector.load %arg2[%get3A, %get3A_0, %get3A_1] : memref<2x128x128xf32, #tpu.memory_space<vmem>>, vector<1x128x1xf32>
    %get3A_3 = vector.shape_cast %get3A_2 : vector<1x128x1xf32> to vector<128x1xf32>
    %get3A_4 = arith.constant 1 : index
    %get3A_5 = arith.constant 0 : index
    %get3A_6 = arith.constant 0 : index
    %get3A_7 = vector.load %arg2[%get3A_4, %get3A_5, %get3A_6] : memref<2x128x128xf32, #tpu.memory_space<vmem>>, vector<1x128x1xf32>
    %get3A_8 = vector.shape_cast %get3A_7 : vector<1x128x1xf32> to vector<128x1xf32>
    %add3A = arith.addf %get3A_3, %get3A_8 : vector<128x1xf32>
    %gt3A = arith.constant 0.000000e+00 : f32
    %gt3A_9 = vector.broadcast %gt3A : f32 to vector<128x1xf32>
    %gt3A_10 = arith.cmpf ogt, %add3A, %gt3A_9 : vector<128x1xf32>
    %rsqrt3A = math.rsqrt %add3A : vector<128x1xf32>
    %jit3A = arith.constant 0.000000e+00 : f32
    %broadcast_in_dim3A = vector.broadcast %jit3A : f32 to vector<128x1xf32>
    %select_n3A = arith.select %gt3A_10, %rsqrt3A, %broadcast_in_dim3A : vector<128x1xi1>, vector<128x1xf32>
    %get3A_11 = arith.constant 0 : index
    %get3A_12 = arith.constant 0 : index
    %get3A_13 = arith.constant 0 : index
    %get3A_14 = vector.load %arg1[%get3A_11, %get3A_12, %get3A_13] : memref<2x128x128xf32, #tpu.memory_space<vmem>>, vector<1x128x128xf32>
    %get3A_15 = vector.shape_cast %get3A_14 : vector<1x128x128xf32> to vector<128x128xf32>
    %get3A_16 = arith.constant 1 : index
    %get3A_17 = arith.constant 0 : index
    %get3A_18 = arith.constant 0 : index
    %get3A_19 = vector.load %arg1[%get3A_16, %get3A_17, %get3A_18] : memref<2x128x128xf32, #tpu.memory_space<vmem>>, vector<1x128x128xf32>
    %get3A_20 = vector.shape_cast %get3A_19 : vector<1x128x128xf32> to vector<128x128xf32>
    %add3A_21 = arith.addf %get3A_15, %get3A_20 : vector<128x128xf32>
    %mul3A = vector.broadcast %select_n3A : vector<128x1xf32> to vector<128x128xf32>
    %mul3A_22 = arith.mulf %mul3A, %add3A_21 : vector<128x128xf32>
    %get3A_23 = arith.constant 0 : index
    %get3A_24 = arith.constant 0 : index
    %get3A_25 = vector.load %arg3[%get3A_23, %get3A_24] : memref<1x128xf32, #tpu.memory_space<vmem>>, vector<1x128xf32>
    %add3A_26 = vector.broadcast %get3A_25 : vector<1x128xf32> to vector<128x128xf32>
    %add3A_27 = arith.addf %mul3A_22, %add3A_26 : vector<128x128xf32>
    %max3A = arith.constant 0.000000e+00 : f32
    %max3A_28 = vector.broadcast %max3A : f32 to vector<128x128xf32>
    %max3A_29 = arith.maximumf %add3A_27, %max3A_28 : vector<128x128xf32>
    %swap3A = arith.constant 0 : index
    %swap3A_30 = arith.constant 0 : index
    %swap3A_31 = vector.load %arg4[%swap3A, %swap3A_30] : memref<128x128xf32, #tpu.memory_space<vmem>>, vector<128x128xf32>
    tpu.vector_store %arg4[%swap3A, %swap3A_30], %max3A_29 {strides = array<i32>} : memref<128x128xf32, #tpu.memory_space<vmem>>, vector<128x128xf32>,
    return
  }
  func.func @transform_0(%arg0: i32) -> (i32, i32, i32) {
    %c0_i32 = arith.constant 0 : i32
    %c0_i32_0 = arith.constant 0 : i32
    %c0_i32_1 = arith.constant 0 : i32
    return %c0_i32, %arg0, %c0_i32_0 : i32, i32, i32
  }
  func.func @transform_1(%arg0: i32) -> (i32, i32, i32) {
    %c0_i32 = arith.constant 0 : i32
    %c0_i32_0 = arith.constant 0 : i32
    %c0_i32_1 = arith.constant 0 : i32
    return %c0_i32, %arg0, %c0_i32_0 : i32, i32, i32
  }
  func.func @transform_2(%arg0: i32) -> (i32, i32) {
    %c0_i32 = arith.constant 0 : i32
    %c0_i32_0 = arith.constant 0 : i32
    %c0_i32_1 = arith.constant 0 : i32
    return %c0_i32, %c0_i32_0 : i32, i32
  }
  func.func @transform_3(%arg0: i32) -> (i32, i32) {
    %c0_i32 = arith.constant 0 : i32
    %c0_i32_0 = arith.constant 0 : i32
    return %arg0, %c0_i32 : i32, i32
  }
}

</mosaic_0001>

<sc_bundles>
// kernel: kernel.11.cloned.1.call-start
scs
__scs_entry_jumppad:
0x0: {  	(pc) =	sbr.rel $0x88, $3  }
0x1: {  	(tag) =	ssettag $0x0;
	lr =	simm.s32 $0x1  }
0x2: {  	[smem:$0x3F9B] =	sst lr;
	_ =	strace $0xD0000000  }
0x3: {  	_ = 	snop  }
0x4: {  	_ = 	snop  }
0x5: {  	_ = 	snop  }
0x6: {  	_ = 	snop  }
0x7: {  	_ = 	snop  }
__scs_overlays_trampoline_lowered:
0x8: {  	[smem:$0x3FAA] =	sst s0  }
0x9: {  	[smem:$0x3FAB] =	sst s1  }
0xa: {  	[smem:$0x3FAC] =	sst s2  }
0xb: {  	[smem:$0x3FAD] =	sst s3  }
0xc: {  	[smem:$0x3FAE] =	sst s4  }
0xd: {  	[smem:$0x3FAF] =	sst s5  }
0xe: {  	[smem:$0x3FB0] =	sst s6  }
0xf: {  	[smem:$0x3FB1] =	sst s7  }
0x10: {  	[smem:$0x3FB2] =	sst s8  }
0x11: {  	[smem:$0x3FB3] =	sst s9;
	s0 =	simm.s32 @!p0 $0x0  }
0x12: {  	s1 =	sld [smem:$0x3F99];
	s0 =	simm.s32 @p0 $0x1  }
0x13: {  	[smem:$0x3FB4] =	sst s0;
	s0 =	simm.s32 @!p1 $0x0  }
0x14: {  	s2 =	sld [smem:$0x3F98];
	s0 =	simm.s32 @p1 $0x1  }
0x15: {  	[smem:$0x3FB5] =	sst s0;
	s0 =	simm.s32 @!p2 $0x0  }
0x16: {  	s3 =	sld [smem:$0x3FDB];
	s0 =	simm.s32 @p2 $0x1  }
0x17: {  	s4 =	simm.s32 $0x1BF5;
	[smem:$0x3FB7] =	sst s0  }
0x18: {  	s0 =	sld [smem:$0x3F9A];
	_ =	swait.ge [sflag:s4], $0x0  }
0x19: {  	s7 =	sld [smem:$0x3F9B]  }
0x1a: {  	s8 =	sadd.s32 $0xFFFFE003, lr  }
0x1b: {  	s9 =	sadd.s32 $0xFFFFFEF7, lr;
	s5 =	simm.s32 $0xFFFFFFFF;
	p2 =	slt.u32 s8, $0xFFFFF086  }
0x1c: {  	p1 =	slt.u32 s9, $0xF7A;
	s5 =	simm.s32 @!p2 $0x0  }
0x1d: {  	s5 =	simm.s32 @p1 $0x1;
	p0 =	seq.s32 s7, s2  }
0x1e: {  	s7 =	smul.u32 @!p0 $0xF7A, s2;
	p2 =	seq.s32 @!p0 s5, $0x0  }
0x1f: {  	s9 =	smul.u32 $0xF7A, s1;
	s8 =	simm.s32 @!p0 $0x1BF5;
	p2 =	por !p2, p0  }
0x20: {  	[sflag:s8] =	ssyncset.s32 @!p0 $0xFFFFF086;
	s6 =	sadd.s32 @!p0 s3, s7;
	s7 =	simm.s32 @!p0 $0x108  }
0x21: {  	s3 =	sadd.s32 s3, s9;
	s6 =	sadd.s32 @!p0 $0x88, s6;
	s7 =	simm.s32 @p2 $0x1082  }
0x22: {  	[simem:s7], [sflag:s8] =	dma.local @!p0 [hbm:s6], $0xF7A  }
0x23: {  	s9 =	sor.u32 $0xD0000000, s2;
	s6 =	simm.s32 $0x108;
	_ =	swait.ge @!p0 [sflag:s8], $0x0  }
0x24: {  	s3 =	sadd.s32 $0x88, s3;
	s6 =	simm.s32 @!p1 $0x1082;
	[sflag:s4] =	ssyncset.s32 $0xFFFFF086  }
0x25: {  	[simem:s6], [sflag:s4] =	dma.local [hbm:s3], $0xF7A  }
0x26: {  	[smem:$0x3F9B] =	sst s1;
	(tag) =	ssettag s2;
	_ =	strace s9  }
0x27: {  	s1 =	sld [smem:$0x3FAB]  }
0x28: {  	s2 =	sld [smem:$0x3FAC]  }
0x29: {  	s4 =	sld [smem:$0x3FAE]  }
0x2a: {  	p0 =	seq.s32 s5, $0x0;
	s5 =	sld [smem:$0x3FAF]  }
0x2b: {  	s6 =	sld [smem:$0x3FB0]  }
0x2c: {  	s7 =	sld [smem:$0x3FB1]  }
0x2d: {  	s3 =	simm.s32 $0x108;
	s8 =	sld [smem:$0x3FB2]  }
0x2e: {  	s3 =	simm.s32 @!p0 $0x1082;
	s9 =	sld [smem:$0x3FB3]  }
0x2f: {  	lr =	sadd.s32 s0, s3;
	s0 =	sld [smem:$0x3FAA]  }
0x30: {  	s3 =	sld [smem:$0x3FAD]  }
0x31: {  	[smem:$0x3FB6] =	sst s10  }
0x32: {  	s10 =	sld [smem:$0x3FB4];
	_ =	sdelay $0x3  }
0x33: {  	p0 =	seq.s32 s10, $0x1;
	s10 =	sld [smem:$0x3FB6];
	_ =	sdelay $0x3  }
0x34: {  	[smem:$0x3FB6] =	sst s10  }
0x35: {  	s10 =	sld [smem:$0x3FB5];
	_ =	sdelay $0x3  }
0x36: {  	p1 =	seq.s32 s10, $0x1;
	s10 =	sld [smem:$0x3FB6];
	_ =	sdelay $0x3  }
0x37: {  	[smem:$0x3FB6] =	sst s10  }
0x38: {  	s10 =	sld [smem:$0x3FB7]  }
0x39: {  	_ = 	snop;
	(pc) =	sbr.ind lr, $3  }
0x3a: {  	_ = 	snop  }
0x3b: {  	_ = 	snop  }
0x3c: {  	p2 =	seq.s32 s10, $0x1;
	s10 =	sld [smem:$0x3FB6]  }
0x3d: {  	_ =	shalt  }
0x3e: {  	_ =	shalt  }
0x3f: {  	_ =	shalt  }
0x40: {  	_ =	shalt  }
0x41: {  	_ =	shalt  }
0x42: {  	_ =	shalt  }
0x43: {  	_ =	shalt  }
0x44: {  	_ =	shalt  }
0x45: {  	_ =	shalt  }
0x46: {  	_ =	shalt  }
0x47: {  	_ =	shalt  }
0x48: {  	_ =	shalt  }
0x49: {  	_ =	shalt  }
0x4a: {  	_ =	shalt  }
0x4b: {  	_ =	shalt  }
0x4c: {  	_ =	shalt  }
0x4d: {  	_ =	shalt  }
0x4e: {  	_ =	shalt  }
0x4f: {  	_ =	shalt  }
0x50: {  	_ =	shalt  }
0x51: {  	_ =	shalt  }
0x52: {  	_ =	shalt  }
0x53: {  	_ =	shalt  }
0x54: {  	_ =	shalt  }
0x55: {  	_ =	shalt  }
0x56: {  	_ =	shalt  }
0x57: {  	_ =	shalt  }
0x58: {  	_ =	shalt  }
0x59: {  	_ =	shalt  }
0x5a: {  	_ =	shalt  }
0x5b: {  	_ =	shalt  }
0x5c: {  	_ =	shalt  }
0x5d: {  	_ =	shalt  }
0x5e: {  	_ =	shalt  }
0x5f: {  	_ =	shalt  }
0x60: {  	_ =	shalt  }
0x61: {  	_ =	shalt  }
0x62: {  	_ =	shalt  }
0x63: {  	_ =	shalt  }
0x64: {  	_ =	shalt  }
0x65: {  	_ =	shalt  }
0x66: {  	_ =	shalt  }
0x67: {  	_ =	shalt  }
0x68: {  	_ =	shalt  }
0x69: {  	_ =	shalt  }
0x6a: {  	_ =	shalt  }
0x6b: {  	_ =	shalt  }
0x6c: {  	_ =	shalt  }
0x6d: {  	_ =	shalt  }
0x6e: {  	_ =	shalt  }
0x6f: {  	_ =	shalt  }
0x70: {  	_ =	shalt  }
0x71: {  	_ =	shalt  }
0x72: {  	_ =	shalt  }
0x73: {  	_ =	shalt  }
0x74: {  	_ =	shalt  }
0x75: {  	_ =	shalt  }
0x76: {  	_ =	shalt  }
0x77: {  	_ =	shalt  }
0x78: {  	_ =	shalt  }
0x79: {  	_ =	shalt  }
0x7a: {  	_ =	shalt  }
0x7b: {  	_ =	shalt  }
0x7c: {  	_ =	shalt  }
0x7d: {  	_ =	shalt  }
0x7e: {  	_ =	shalt  }
0x7f: {  	_ =	shalt  }
0x80: {  	_ =	shalt  }
0x81: {  	_ =	shalt  }
0x82: {  	_ =	shalt  }
0x83: {  	_ =	shalt  }
0x84: {  	_ =	shalt  }
0x85: {  	_ =	shalt  }
0x86: {  	_ =	shalt  }
0x87: {  	_ =	shalt  }
.Lfunc_end0:
.L_simem_size_0:
called_computation.1_lowered:
.L_overlay_start_0:
0x88: {  	s2 =	sld [smem:$0x3FD9]  }
0x89: {  	s3 =	sld [smem:$0x3FFE];
	_ =	sdelay $0x1  }
0x8a: {  	s1 =	srdreg.scid  }
0x8b: {  	s0 =	sand.u32 $0x1, s1  }
0x8c: {  	s17 =	sshll.u32 s0, $0xA;
	s2 =	sadd.s32 s3, s2  }
0x8d: {  	s2 =	sadd.s32 s2, s17  }
0x8e: {  	[smem:$0x3FC2] =	sst s2  }
0x8f: {  	_ = 	snop  }
0x90: {  	s2 =	sld [smem:$0x3FD0];
	(tm) =	ssettm $0x1  }
0x91: {  	s18 =	sld [smem:$0x3FFB];
	_ =	sdelay $0x3  }
0x92: {  	_ =	strace s18  }
0x93: {  	s3 =	sld [smem:$0x3FFC];
	_ =	sdelay $0x3  }
0x94: {  	_ =	strace s3  }
0x95: {  	s3 =	sld [smem:$0x3FFD];
	_ =	sdelay $0x3  }
0x96: {  	_ =	strace s3  }
0x97: {  	_ =	strace $0x8FFFFFFF  }
0x98: {  	s19 =	sld [smem:$0x3FDB];
	_ =	sdelay $0x1  }
0x99: {  	s4 =	simm.s32 $_scs_section_size  }
0x9a: {  	s5 =	simm.s32 $_size__tile_overlayer_lowered;
	s6 =	simm.s32 $_tile_overlayer_lowered  }
0x9b: {  	s22 =	simm.s32 $0x1BFF;
	s21 =	sshll.u32 s6, $0x1;
	s3 =	sadd.s32 s4, s19  }
0x9c: {  	s7 =	simm.s32 $0x0;
	s20 =	sshll.u32 s5, $0x1;
	s5 =	sadd.s32 s21, s3  }
0x9d: {  	[timem:s7], [sflag:s22] =	dma.local [hbm:s5], s20  }
0x9e: {  	_ =	swait.ge [sflag:s22], s20  }
0x9f: {  	s4 =	ssub.s32 $0x0, s20;
	[sflag:s22] =	ssyncset.done $0x0  }
0xa0: {  	[sflag:s22] =	ssyncadd.s32 s4;
	_ =	sdelay $0x1  }
0xa1: {  	s23 =	simm.s32 $0x1B8B  }
0xa2: {  	_ =	swait.ge [sflag:s23], $0x1  }
0xa3: {  	[sflag:s23] =	ssyncset.done $0x0  }
0xa4: {  	s25 =	simm.s32 $0x1B8E;
	s24 =	sld [smem:$0x3FFE];
	[sflag:s23] =	ssyncadd.s32 $0xFFFFFFFF  }
0xa5: {  	s26 =	simm.s32 $execute0_lowered;
	[smem:$0x3FD2] =	sst s25  }
0xa6: {  	s5 =	sshll.u32 s26, $0x1;
	_ =	strace $0x80000049;
	[dreg:$0x1] =	wrdreg $0xFFFFFFFF  }
0xa7: {  	s28 =	simm.s32 $_size_execute0_lowered;
	s3 =	sadd.s32 s3, s5;
	[dreg:$0x0] =	wrdreg $0x0  }
0xa8: {  	s5 =	sshll.u32 s28, $0x1;
	[dreg:$0x2] =	wrdreg s3  }
0xa9: {  	[dreg:$0x3] =	wrdreg s5  }
0xaa: {  	[dreg:$0x4] =	wrdreg $0xC0  }
0xab: {  	_ =	task [dreg:s7], $0x5FFFF  }
0xac: {  	[dreg:$0x1] =	wrdreg $0xFFFFFFFF  }
0xad: {  	[dreg:$0x0] =	wrdreg $0x60  }
0xae: {  	[dreg:$0x2] =	wrdreg s24  }
0xaf: {  	[dreg:$0x3] =	wrdreg s2  }
0xb0: {  	[dreg:$0x4] =	wrdreg $0xAA000  }
0xb1: {  	[dreg:$0x5] =	wrdreg $0x9  }
0xb2: {  	_ =	task.clear_ibuf [dreg:s7], $0x6FFFF;
	_ =	strace $0x90000049  }
0xb3: {  	s29 =	simm.s32 $0x9;
	_ =	strace $0x8000004B  }
0xb4: {  	_ =	swait.ge [sflag:s29], $0x1  }
0xb5: {  	[sflag:s29] =	ssyncadd.s32 $0xFFFFFFFF  }
0xb6: {  	_ =	strace $0x9000004B  }
0xb7: {  	_ =	sfence  }
0xb8: {  	s30 =	sld [smem:$0x0];
	_ =	sdelay $0x2  }
0xb9: {  	s31 =	sshll.u32 s1, $0xD;
	s1 =	sshrl.u32 s1, $0x2  }
0xba: {  	s3 =	sand.u32 $0x4000, s31;
	s1 =	sadd.s32 s1, s30  }
0xbb: {  	s0 =	sor.u32 s3, s0;
	s1 =	sshll.u32 s1, $0x11  }
0xbc: {  	s0 =	sor.u32 s1, s0  }
0xbd: {  	s0 =	sadd.s32 $0x8F2B, s0  }
0xbe: {  	[sflag:s0] =	ssyncadd.remote.s32 $0x1  }
0xbf: {  	_ =	sfence.sel $0xFFFF  }
0xc0: {  	[dreg:$0x0] =	wrdreg $0xFFFFFFFF;
	(pc) =	sbr.abs _section_cstart, $3  }
0xc1: {  	[dreg:$0x1] =	wrdreg $0xFFFFFFFF  }
0xc2: {  	_ =	task.clear_ibuf [dreg:s7], $0x2FFFF;
	_ =	strace $0x9FFFFFFF  }
0xc3: {  	(tm) =	ssettm $0x7FFFFFFF  }
tec
execute0_lowered:
.L_overlay_start_1:
0x0: {  	(tag) =	ssettag $0x1  }
0x1: {  	s0 =	rddreg [dreg:$0x0]  }
0x2: {  	s11 =	rddreg [dreg:$0x1]  }
0x3: {  	s1 =	srdreg.scid;
	s2 =	rddreg [dreg:$0x2]  }
0x4: {  	s7 =	stileid.u32;
	s3 =	simm.s32 $0x0;
	s28 =	simm.s32 $0x2800  }
0x5: {  	s29 =	simm.s32 $0x2880;
	s30 =	simm.s32 $0x2900;
	s31 =	simm.s32 $0x2980  }
0x6: {  	s1 =	sand.u32 $0x1, s1;
	[smem:$0x7FF] =	sst s3;
	s13 =	sshll.u32 s7, $0xE  }
0x7: {  	p0 =	seq.s32 s7, $0xF;
	s4 =	sshll.u32 s1, $0x4;
	_ =	strace $0x8000004A  }
0x8: {  	s5 =	ssub.s32 $0x2, s1;
	s15 =	sor.u32 $0x40000, s13;
	s18 =	sadd.s32 s13, s2  }
0x9: {  	s16 =	sor.u32 $0x80000, s13;
	s17 =	sor.u32 $0xC0000, s13;
	s23 =	smul.u32 $0x13C000, s1  }
0xa: {  	s1 =	smul.u32 $0x500, s1;
	s4 =	sor.u32 s7, s4;
	s6 =	sshrl.u32 s5, $0x1  }
0xb: {  	[dreg:$0x6] =	wrdreg s18;
	s19 =	sadd.s32 s15, s2;
	s20 =	sadd.s32 s16, s2  }
0xc: {  	s18 =	sor.u32 $0x100000, s13;
	s8 =	sadd.s32 s17, s2;
	s10 =	smul.u32 $0x500, s4  }
0xd: {  	s4 =	sadd.s32 $0x5B600, s0;
	s14 =	ssub.s32 s5, s6;
	[dreg:$0x7] =	wrdreg s19  }
0xe: {  	[dreg:$0x8] =	wrdreg s20;
	s9 =	sadd.s32 s18, s2;
	s13 =	sadd.s32 s13, s23  }
0xf: {  	s15 =	sadd.s32 s23, s15;
	s19 =	smul.u32 $0x50, s7;
	s16 =	sadd.s32 s23, s16  }
0x10: {  	s17 =	sadd.s32 s23, s17;
	s12 =	sadd.s32 s10, s0;
	s5 =	sadd.s32 s11, s10  }
0x11: {  	s13 =	sshrl.u32 s13, $0x3;
	s21 =	sadd.s32 $0x51600, s12;
	[dreg:$0x9] =	wrdreg s5  }
0x12: {  	s15 =	sshrl.u32 s15, $0x3;
	s22 =	sadd.s32 $0x10, s5;
	[dreg:$0xa] =	wrdreg s21  }
0x13: {  	s0 =	sadd.s32 $0x82E00, s0;
	s24 =	sadd.s32 $0x20, s5;
	[dreg:$0xb] =	wrdreg s22  }
0x14: {  	s1 =	sadd.s32 s19, s1;
	s25 =	sadd.s32 $0x30, s5;
	[dreg:$0xc] =	wrdreg s24  }
0x15: {  	s19 =	sshrl.u32 s16, $0x3;
	s26 =	sadd.s32 $0x40, s5;
	[dreg:$0xd] =	wrdreg s25  }
0x16: {  	s16 =	simm.s32 $0x8;
	s10 =	sadd.s32 $0x50, s5;
	[dreg:$0xe] =	wrdreg s26  }
0x17: {  	s12 =	sadd.s32 s23, s18;
	s13 =	sadd.s32 s0, s13;
	[dreg:$0xf] =	wrdreg s10  }
0x18: {  	s18 =	sadd.s32 s0, s15;
	s1 =	sshll.u32 s1, $0x4;
	[dreg:$0x10] =	wrdreg s13  }
0x19: {  	s20 =	sadd.s32 s0, s19;
	s15 =	simm.s32 $0x4;
	[dreg:$0x11] =	wrdreg s18  }
0x1a: {  	s19 =	simm.s32 $0x0;
	[dreg:$0x12] =	wrdreg s20;
	s21 =	sshrl.u32 s17, $0x3  }
0x1b: {  	s20 =	sadd.s32 s1, s11;
	s23 =	sshrl.u32 s12, $0x3;
	s25 =	sadd.s32 $0x60, s5  }
0x1c: {  	s26 =	smax.u32 s14, $0x1;
	s1 =	simm.s32 $0x6A00;
	s12 =	simm.s32 $0x3  }
0x1d: {  	s13 =	simm.s32 $0x7;
	s14 =	simm.s32 $0x2;
	[dreg:$0x15] =	wrdreg s25  }
0x1e: {  	s17 =	simm.s32 $0x5;
	s22 =	sadd.s32 s0, s21;
	[dreg:$0x16] =	wrdreg s26  }
0x1f: {  	s18 =	simm.s32 $0x6;
	s0 =	sadd.s32 s0, s23;
	[dreg:$0x13] =	wrdreg s22  }
0x20: {  	s11 =	sadd.s32 $0xA0, s20;
	s24 =	sadd.s32 $0x80, s20;
	[dreg:$0x14] =	wrdreg s0  }
0x21: {  	s25 =	simm.s32 $0x2A00;
	s26 =	simm.s32 $0x9;
	[dreg:$0x4] =	wrdreg s11  }
0x22: {  	v0 =	vimm.f32 $0.0e+00;
	[dreg:$0x5] =	wrdreg s24;
	s0 =	simm.s32 $0x80;
	s11 =	simm.s32 $0x1  }
.LBB2_1:
0x23: {  	s21 =	sand.u32 $0xFE00, s3  }
0x24: {  	s22 =	sand.u32 $0x70, s3;
	s23 =	sshrl.u32 s21, $0x2  }
0x25: {  	s21 =	simm.s32 $0x40;
	s23 =	sor.u32 s22, s23;
	s22 =	simm.s32 $0x0  }
.LBB2_2:
0x26: {  	p1 =	sne.s32 s21, $0xFFC0  }
0x27: {  	[tilespmem:s23+$0x2A00] =	vst v0;
	s22 =	sadd.s32 $0x10, s22;
	s23 =	smov.u32 s21;
	s21 =	sadd.s32 $0x40, s21  }
.Ltmp0:
0x28: {  	(pc) =	sbr.rel @p1 .LBB2_2-.Ltmp0, $4  }
0x29: {  	_ = 	snop  }
0x2a: {  	s23 =	sand.u32 $0xFE00, s23  }
0x2b: {  	s24 =	sand.u32 $0x70, s22;
	s23 =	sshrl.u32 s23, $0x2  }
0x2c: {  	s23 =	sor.u32 s24, s23  }
0x2d: {  	[tilespmem:s23+$0x2A00] =	vst v0;
	s5 =	rddreg [dreg:$0x6]  }
0x2e: {  	[spmem:s5] =	stream.linear.scatter [tilespmem:s25], [sflag:$0x9], $0x4000, $0x38;
	[tilespmem:$0x1E600] =	vst v63  }
0x2f: {  	_ =	swait.ge [sflag:s26], $0x4000  }
0x30: {  	[sflag:s26] =	ssyncset.done $0x0  }
0x31: {  	s10 =	rddreg [dreg:$0x7];
	[sflag:s26] =	ssyncadd.s32 $0xFFFFC000  }
0x32: {  	[spmem:s10] =	stream.linear.scatter [tilespmem:s25], [sflag:$0x9], $0x4000, $0x38;
	[tilespmem:$0x1E600] =	vst v63  }
0x33: {  	_ =	swait.ge [sflag:s26], $0x4000  }
0x34: {  	[sflag:s26] =	ssyncset.done $0x0  }
0x35: {  	s21 =	rddreg [dreg:$0x8];
	[sflag:s26] =	ssyncadd.s32 $0xFFFFC000  }
0x36: {  	[spmem:s21] =	stream.linear.scatter [tilespmem:s25], [sflag:$0x9], $0x4000, $0x38;
	[tilespmem:$0x1E600] =	vst v63  }
0x37: {  	_ =	swait.ge [sflag:s26], $0x4000  }
0x38: {  	[sflag:s26] =	ssyncset.done $0x0  }
0x39: {  	[sflag:s26] =	ssyncadd.s32 $0xFFFFC000  }
0x3a: {  	[spmem:s8] =	stream.linear.scatter [tilespmem:s25], [sflag:$0x9], $0x4000, $0x38;
	[tilespmem:$0x1E600] =	vst v63  }
0x3b: {  	_ =	swait.ge [sflag:s26], $0x4000  }
0x3c: {  	[sflag:s26] =	ssyncset.done $0x0  }
0x3d: {  	s21 =	simm.s32 @!p0 $0x2A00;
	[sflag:s26] =	ssyncadd.s32 $0xFFFFC000  }
0x3e: {  	[spmem:s9] =	stream.linear.scatter @!p0 [tilespmem:s21], [sflag:$0x9], $0x4000, $0x38;
	[tilespmem:$0x1E600] =	vst v63  }
0x3f: {  	s21 =	simm.s32 @!p0 $0x9  }
0x40: {  	_ =	swait.ge @!p0 [sflag:s21], $0x4000  }
0x41: {  	[sflag:s21] =	ssyncset.done @!p0 $0x0  }
0x42: {  	[sflag:s21] =	ssyncadd.s32 @!p0 $0xFFFFC000  }
0x43: {  	[bflag:$0x0] =	sbarrier.arrive $0xFFFF  }
0x44: {  	s21 =	simm.s32 $0x0;
	s22 =	rddreg [dreg:$0xa]  }
0x45: {  	[tilespmem:s21], [sflag:$0x9] =	stream.linear.gather [hbm4b:s22+s21], $0x2800, $0x38;
	[tilespmem:$0x1E600] =	vst v63  }
0x46: {  	_ =	swait.ge [sflag:s26], $0x2800  }
0x47: {  	[sflag:s26] =	ssyncset.done $0x0  }
0x48: {  	s23 =	rddreg [dreg:$0x9];
	[sflag:s26] =	ssyncadd.s32 $0xFFFFD800  }
0x49: {  	[tilespmem:s28], [sflag:$0x3] =	stream.linear.gather [hbm4b:s23+s21], $0x80, $0x38;
	[tilespmem:$0x1E600] =	vst v63  }
0x4a: {  	s24 =	rddreg [dreg:$0xb]  }
0x4b: {  	[tilespmem:s29], [sflag:$0x4] =	stream.linear.gather [hbm4b:s24+s21], $0x80, $0x38;
	[tilespmem:$0x1E600] =	vst v63  }
0x4c: {  	s6 =	rddreg [dreg:$0xc]  }
0x4d: {  	[tilespmem:s30], [sflag:$0x5] =	stream.linear.gather [hbm4b:s6+s21], $0x80, $0x38;
	[tilespmem:$0x1E600] =	vst v63  }
0x4e: {  	s7 =	rddreg [dreg:$0xd]  }
0x4f: {  	[tilespmem:s31], [sflag:$0x6] =	stream.linear.gather [hbm4b:s7+s21], $0x80, $0x38;
	[tilespmem:$0x1E600] =	vst v63  }
0x50: {  	_ = 	snop  }
0x51: {  	[tilespmem:s25], [sflag:$0x1] =	stream.indirect.gather [hbm4b:s4+s0], $0x80, s21, s0, $0xb8;
	[tilespmem:$0x1E600] =	vst v63  }
0x52: {  	_ = 	snop  }
0x53: {  	[tilespmem:s1], [sflag:$0x2] =	stream.indirect.gather [hbm4b:s4+s0], $0x80, s0, s0, $0xb8;
	[tilespmem:$0x1E600] =	vst v63  }
0x54: {  	_ =	swait.ge [sflag:s11], $0x4000  }
0x55: {  	[sflag:s11] =	ssyncset.done $0x0  }
0x56: {  	[sflag:s11] =	ssyncadd.s32 $0xFFFFC000  }
0x57: {  	_ =	swait.ge [sflag:s12], $0x80  }
0x58: {  	[sflag:s12] =	ssyncset.done $0x0  }
0x59: {  	[sflag:s12] =	ssyncadd.s32 $0xFFFFFF80  }
0x5a: {  	[spmem:s2] =	stream.indirect.scatter.add.f32 [tilespmem:s25], [sflag:$0x7], $0x80, s28, s0, $0xb8;
	[tilespmem:$0x1E600] =	vst v63  }
0x5b: {  	_ =	swait.ge [sflag:s13], $0x4000  }
0x5c: {  	[sflag:s13] =	ssyncset.done $0x0  }
0x5d: {  	s10 =	rddreg [dreg:$0xe];
	[sflag:s13] =	ssyncadd.s32 $0xFFFFC000  }
0x5e: {  	[tilespmem:s28], [sflag:$0x3] =	stream.linear.gather [hbm4b:s10+s21], $0x80, $0x38;
	[tilespmem:$0x1E600] =	vst v63  }
0x5f: {  	s22 =	simm.s32 $0x100  }
0x60: {  	[tilespmem:s25], [sflag:$0x1] =	stream.indirect.gather [hbm4b:s4+s0], $0x80, s22, s0, $0xb8;
	[tilespmem:$0x1E600] =	vst v63  }
0x61: {  	_ =	swait.ge [sflag:s14], $0x4000  }
0x62: {  	[sflag:s14] =	ssyncset.done $0x0  }
0x63: {  	[sflag:s14] =	ssyncadd.s32 $0xFFFFC000  }
0x64: {  	_ =	swait.ge [sflag:s15], $0x80  }
0x65: {  	[sflag:s15] =	ssyncset.done $0x0  }
0x66: {  	[sflag:s15] =	ssyncadd.s32 $0xFFFFFF80  }
0x67: {  	[spmem:s2] =	stream.indirect.scatter.add.f32 [tilespmem:s1], [sflag:$0x8], $0x80, s29, s0, $0xb8;
	[tilespmem:$0x1E600] =	vst v63  }
0x68: {  	_ =	swait.ge [sflag:s16], $0x4000  }
0x69: {  	[sflag:s16] =	ssyncset.done $0x0  }
0x6a: {  	s23 =	rddreg [dreg:$0xf];
	[sflag:s16] =	ssyncadd.s32 $0xFFFFC000  }
0x6b: {  	[tilespmem:s29], [sflag:$0x4] =	stream.linear.gather [hbm4b:s23+s21], $0x80, $0x38;
	[tilespmem:$0x1E600] =	vst v63  }
0x6c: {  	s24 =	simm.s32 $0x180  }
0x6d: {  	[tilespmem:s1], [sflag:$0x2] =	stream.indirect.gather [hbm4b:s4+s0], $0x80, s24, s0, $0xb8;
	[tilespmem:$0x1E600] =	vst v63  }
0x6e: {  	_ =	swait.ge [sflag:s11], $0x4000  }
0x6f: {  	[sflag:s11] =	ssyncset.done $0x0  }
0x70: {  	[sflag:s11] =	ssyncadd.s32 $0xFFFFC000  }
0x71: {  	_ =	swait.ge [sflag:s17], $0x80  }
0x72: {  	[sflag:s17] =	ssyncset.done $0x0  }
0x73: {  	[sflag:s17] =	ssyncadd.s32 $0xFFFFFF80  }
0x74: {  	[spmem:s2] =	stream.indirect.scatter.add.f32 [tilespmem:s25], [sflag:$0x7], $0x80, s30, s0, $0xb8;
	[tilespmem:$0x1E600] =	vst v63  }
0x75: {  	_ =	swait.ge [sflag:s13], $0x4000  }
0x76: {  	[sflag:s13] =	ssyncset.done $0x0  }
0x77: {  	s6 =	rddreg [dreg:$0x15];
	[sflag:s13] =	ssyncadd.s32 $0xFFFFC000  }
0x78: {  	[tilespmem:s30], [sflag:$0x5] =	stream.linear.gather [hbm4b:s6+s21], $0x80, $0x38;
	[tilespmem:$0x1E600] =	vst v63  }
0x79: {  	s7 =	simm.s32 $0x200  }
0x7a: {  	[tilespmem:s25], [sflag:$0x1] =	stream.indirect.gather [hbm4b:s4+s0], $0x80, s7, s0, $0xb8;
	[tilespmem:$0x1E600] =	vst v63  }
0x7b: {  	_ =	swait.ge [sflag:s14], $0x4000  }
0x7c: {  	[sflag:s14] =	ssyncset.done $0x0  }
0x7d: {  	[sflag:s14] =	ssyncadd.s32 $0xFFFFC000  }
0x7e: {  	_ =	swait.ge [sflag:s18], $0x80  }
0x7f: {  	[sflag:s18] =	ssyncset.done $0x0  }
0x80: {  	[sflag:s18] =	ssyncadd.s32 $0xFFFFFF80  }
0x81: {  	[spmem:s2] =	stream.indirect.scatter.add.f32 [tilespmem:s1], [sflag:$0x8], $0x80, s31, s0, $0xb8;
	[tilespmem:$0x1E600] =	vst v63  }
0x82: {  	_ =	swait.ge [sflag:s16], $0x4000  }
0x83: {  	s10 =	sadd.s32 $0x0, s20;
	[sflag:s16] =	ssyncset.done $0x0  }
0x84: {  	s21 =	sadd.s32 $0x70, s10;
	[sflag:s16] =	ssyncadd.s32 $0xFFFFC000  }
0x85: {  	[tilespmem:s31], [sflag:$0x6] =	stream.linear.gather [hbm4b:s21+s3], $0x80, $0x38;
	[tilespmem:$0x1E600] =	vst v63  }
0x86: {  	s22 =	simm.s32 $0x280  }
0x87: {  	[tilespmem:s1], [sflag:$0x2] =	stream.indirect.gather [hbm4b:s4+s0], $0x80, s22, s0, $0xb8;
	[tilespmem:$0x1E600] =	vst v63  }
0x88: {  	_ =	swait.ge [sflag:s11], $0x4000  }
0x89: {  	[sflag:s11] =	ssyncset.done $0x0  }
0x8a: {  	[sflag:s11] =	ssyncadd.s32 $0xFFFFC000  }
0x8b: {  	_ =	swait.ge [sflag:s12], $0x80  }
0x8c: {  	[sflag:s12] =	ssyncset.done $0x0  }
0x8d: {  	[sflag:s12] =	ssyncadd.s32 $0xFFFFFF80  }
0x8e: {  	[spmem:s2] =	stream.indirect.scatter.add.f32 [tilespmem:s25], [sflag:$0x7], $0x80, s28, s0, $0xb8;
	[tilespmem:$0x1E600] =	vst v63  }
0x8f: {  	p1 =	por $0x0, $0x0;
	_ =	swait.ge [sflag:s13], $0x4000  }
0x90: {  	s23 =	simm.s32 @!p1 $0x2800;
	s21 =	rddreg [dreg:$0x5];
	[sflag:s13] =	ssyncset.done $0x0  }
0x91: {  	s22 =	simm.s32 @!p1 $0x0;
	[sflag:s13] =	ssyncadd.s32 $0xFFFFC000;
	s21 =	sadd.s32 @!p1 $0x0, s21  }
0x92: {  	[tilespmem:s23], [sflag:$0x3] =	stream.linear.gather @!p1 [hbm4b:s21+s22], $0x80, $0x38;
	[tilespmem:$0x1E600] =	vst v63  }
0x93: {  	s23 =	simm.s32 $0x300  }
0x94: {  	[tilespmem:s25], [sflag:$0x1] =	stream.indirect.gather [hbm4b:s4+s0], $0x80, s23, s0, $0xb8;
	[tilespmem:$0x1E600] =	vst v63  }
0x95: {  	_ =	swait.ge [sflag:s14], $0x4000  }
0x96: {  	[sflag:s14] =	ssyncset.done $0x0  }
0x97: {  	[sflag:s14] =	ssyncadd.s32 $0xFFFFC000  }
0x98: {  	_ =	swait.ge [sflag:s15], $0x80  }
0x99: {  	[sflag:s15] =	ssyncset.done $0x0  }
0x9a: {  	[sflag:s15] =	ssyncadd.s32 $0xFFFFFF80  }
0x9b: {  	[spmem:s2] =	stream.indirect.scatter.add.f32 [tilespmem:s1], [sflag:$0x8], $0x80, s29, s0, $0xb8;
	[tilespmem:$0x1E600] =	vst v63  }
0x9c: {  	_ =	swait.ge [sflag:s16], $0x4000  }
0x9d: {  	s21 =	sadd.s32 @!p1 $0x0, s20;
	[sflag:s16] =	ssyncset.done $0x0  }
0x9e: {  	s21 =	sadd.s32 @!p1 $0x90, s21;
	s23 =	simm.s32 @!p1 $0x2880;
	[sflag:s16] =	ssyncadd.s32 $0xFFFFC000  }
0x9f: {  	[tilespmem:s23], [sflag:$0x4] =	stream.linear.gather @!p1 [hbm4b:s21+s22], $0x80, $0x38;
	[tilespmem:$0x1E600] =	vst v63  }
0xa0: {  	s24 =	simm.s32 $0x380  }
0xa1: {  	[tilespmem:s1], [sflag:$0x2] =	stream.indirect.gather [hbm4b:s4+s0], $0x80, s24, s0, $0xb8;
	[tilespmem:$0x1E600] =	vst v63  }
0xa2: {  	_ =	swait.ge [sflag:s11], $0x4000  }
0xa3: {  	[sflag:s11] =	ssyncset.done $0x0  }
0xa4: {  	[sflag:s11] =	ssyncadd.s32 $0xFFFFC000  }
0xa5: {  	_ =	swait.ge [sflag:s17], $0x80  }
0xa6: {  	[sflag:s17] =	ssyncset.done $0x0  }
0xa7: {  	[sflag:s17] =	ssyncadd.s32 $0xFFFFFF80  }
0xa8: {  	[spmem:s2] =	stream.indirect.scatter.add.f32 [tilespmem:s25], [sflag:$0x7], $0x80, s30, s0, $0xb8;
	[tilespmem:$0x1E600] =	vst v63  }
0xa9: {  	_ =	swait.ge [sflag:s13], $0x4000  }
0xaa: {  	s21 =	rddreg [dreg:$0x4];
	[sflag:s13] =	ssyncset.done $0x0  }
0xab: {  	s23 =	simm.s32 @!p1 $0x2900;
	[sflag:s13] =	ssyncadd.s32 $0xFFFFC000;
	s21 =	sadd.s32 @!p1 $0x0, s21  }
0xac: {  	[tilespmem:s23], [sflag:$0x5] =	stream.linear.gather @!p1 [hbm4b:s21+s22], $0x80, $0x38;
	[tilespmem:$0x1E600] =	vst v63  }
0xad: {  	s21 =	simm.s32 $0x400;
	s22 =	simm.s32 @!p1 $0x80;
	s23 =	simm.s32 @!p1 $0x2A00  }
0xae: {  	[tilespmem:s23], [sflag:$0x1] =	stream.indirect.gather @!p1 [hbm4b:s4+s22], $0x80, s21, s22, $0xb8;
	[tilespmem:$0x1E600] =	vst v63  }
0xaf: {  	_ =	swait.ge [sflag:s14], $0x4000  }
0xb0: {  	[sflag:s14] =	ssyncset.done $0x0  }
0xb1: {  	[sflag:s14] =	ssyncadd.s32 $0xFFFFC000  }
0xb2: {  	_ =	swait.ge [sflag:s18], $0x80  }
0xb3: {  	s22 =	simm.s32 $0x40;
	[sflag:s18] =	ssyncset.done $0x0  }
.LBB2_4:
0xb4: {  	[sflag:s18] =	ssyncadd.s32 $0xFFFFFF80  }
0xb5: {  	[spmem:s2] =	stream.indirect.scatter.add.f32 [tilespmem:s1], [sflag:$0x8], $0x80, s31, s0, $0xb8;
	[tilespmem:$0x1E600] =	vst v63  }
0xb6: {  	s23 =	smov.u32 s22;
	_ =	swait.ge [sflag:s16], $0x4000  }
0xb7: {  	s24 =	sadd.s32 s23, s20;
	[sflag:s16] =	ssyncset.done $0x0  }
0xb8: {  	s21 =	sadd.s32 $0x200, s21;
	s24 =	sadd.s32 $0x70, s24;
	[sflag:s16] =	ssyncadd.s32 $0xFFFFC000  }
0xb9: {  	[tilespmem:s31], [sflag:$0x6] =	stream.linear.gather [hbm4b:s24+s3], $0x80, $0x38;
	[tilespmem:$0x1E600] =	vst v63  }
0xba: {  	s7 =	sadd.s32 $0xFFFFFE80, s21  }
0xbb: {  	[tilespmem:s1], [sflag:$0x2] =	stream.indirect.gather [hbm4b:s4+s0], $0x80, s7, s0, $0xb8;
	[tilespmem:$0x1E600] =	vst v63  }
0xbc: {  	_ =	swait.ge [sflag:s11], $0x4000  }
0xbd: {  	[sflag:s11] =	ssyncset.done $0x0  }
0xbe: {  	[sflag:s11] =	ssyncadd.s32 $0xFFFFC000  }
0xbf: {  	_ =	swait.ge [sflag:s12], $0x80  }
0xc0: {  	[sflag:s12] =	ssyncset.done $0x0  }
0xc1: {  	[sflag:s12] =	ssyncadd.s32 $0xFFFFFF80  }
0xc2: {  	[spmem:s2] =	stream.indirect.scatter.add.f32 [tilespmem:s25], [sflag:$0x7], $0x80, s28, s0, $0xb8;
	[tilespmem:$0x1E600] =	vst v63  }
0xc3: {  	p2 =	seq.s32 s23, $0x480;
	_ =	swait.ge [sflag:s13], $0x4000  }
0xc4: {  	s24 =	simm.s32 @!p2 $0x0;
	s10 =	rddreg [dreg:$0x5];
	[sflag:s13] =	ssyncset.done $0x0  }
0xc5: {  	s7 =	simm.s32 @!p2 $0x2800;
	[sflag:s13] =	ssyncadd.s32 $0xFFFFC000;
	s10 =	sadd.s32 @!p2 s23, s10  }
0xc6: {  	[tilespmem:s7], [sflag:$0x3] =	stream.linear.gather @!p2 [hbm4b:s10+s24], $0x80, $0x38;
	[tilespmem:$0x1E600] =	vst v63  }
0xc7: {  	s5 =	sadd.s32 $0xFFFFFF00, s21  }
0xc8: {  	[tilespmem:s25], [sflag:$0x1] =	stream.indirect.gather [hbm4b:s4+s0], $0x80, s5, s0, $0xb8;
	[tilespmem:$0x1E600] =	vst v63  }
0xc9: {  	_ =	swait.ge [sflag:s14], $0x4000  }
0xca: {  	[sflag:s14] =	ssyncset.done $0x0  }
0xcb: {  	[sflag:s14] =	ssyncadd.s32 $0xFFFFC000  }
0xcc: {  	_ =	swait.ge [sflag:s15], $0x80  }
0xcd: {  	[sflag:s15] =	ssyncset.done $0x0  }
0xce: {  	[sflag:s15] =	ssyncadd.s32 $0xFFFFFF80  }
0xcf: {  	[spmem:s2] =	stream.indirect.scatter.add.f32 [tilespmem:s1], [sflag:$0x8], $0x80, s29, s0, $0xb8;
	[tilespmem:$0x1E600] =	vst v63  }
0xd0: {  	_ =	swait.ge [sflag:s16], $0x4000  }
0xd1: {  	s6 =	sadd.s32 @!p2 s23, s20;
	[sflag:s16] =	ssyncset.done $0x0  }
0xd2: {  	s6 =	sadd.s32 @!p2 $0x90, s6;
	s5 =	simm.s32 @!p2 $0x2880;
	[sflag:s16] =	ssyncadd.s32 $0xFFFFC000  }
0xd3: {  	[tilespmem:s5], [sflag:$0x4] =	stream.linear.gather @!p2 [hbm4b:s6+s24], $0x80, $0x38;
	[tilespmem:$0x1E600] =	vst v63  }
0xd4: {  	s10 =	sadd.s32 $0xFFFFFF80, s21  }
0xd5: {  	[tilespmem:s1], [sflag:$0x2] =	stream.indirect.gather [hbm4b:s4+s0], $0x80, s10, s0, $0xb8;
	[tilespmem:$0x1E600] =	vst v63  }
0xd6: {  	_ =	swait.ge [sflag:s11], $0x4000  }
0xd7: {  	[sflag:s11] =	ssyncset.done $0x0  }
0xd8: {  	[sflag:s11] =	ssyncadd.s32 $0xFFFFC000  }
0xd9: {  	_ =	swait.ge [sflag:s17], $0x80  }
0xda: {  	[sflag:s17] =	ssyncset.done $0x0  }
0xdb: {  	[sflag:s17] =	ssyncadd.s32 $0xFFFFFF80  }
0xdc: {  	[spmem:s2] =	stream.indirect.scatter.add.f32 [tilespmem:s25], [sflag:$0x7], $0x80, s30, s0, $0xb8;
	[tilespmem:$0x1E600] =	vst v63  }
0xdd: {  	_ =	swait.ge [sflag:s13], $0x4000  }
0xde: {  	s22 =	sadd.s32 $0x40, s22;
	s5 =	rddreg [dreg:$0x4];
	[sflag:s13] =	ssyncset.done $0x0  }
0xdf: {  	s6 =	simm.s32 @!p2 $0x2900;
	[sflag:s13] =	ssyncadd.s32 $0xFFFFC000;
	s5 =	sadd.s32 @!p2 s23, s5  }
0xe0: {  	[tilespmem:s6], [sflag:$0x5] =	stream.linear.gather @!p2 [hbm4b:s5+s24], $0x80, $0x38;
	[tilespmem:$0x1E600] =	vst v63  }
0xe1: {  	p1 =	sne.s32 s22, $0x4C0;
	s7 =	simm.s32 @!p2 $0x80;
	s10 =	simm.s32 @!p2 $0x2A00  }
0xe2: {  	[tilespmem:s10], [sflag:$0x1] =	stream.indirect.gather @!p2 [hbm4b:s4+s7], $0x80, s21, s7, $0xb8;
	[tilespmem:$0x1E600] =	vst v63  }
.Ltmp1:
0xe3: {  	_ =	swait.ge [sflag:s14], $0x4000;
	(pc) =	sbr.rel @p1 .LBB2_4-.Ltmp1, $4  }
0xe4: {  	[sflag:s14] =	ssyncset.done $0x0  }
0xe5: {  	[sflag:s14] =	ssyncadd.s32 $0xFFFFC000  }
0xe6: {  	_ =	swait.ge [sflag:s18], $0x80  }
0xe7: {  	[sflag:s18] =	ssyncset.done $0x0  }
0xe8: {  	[sflag:s18] =	ssyncadd.s32 $0xFFFFFF80  }
0xe9: {  	[spmem:s2] =	stream.indirect.scatter.add.f32 [tilespmem:s1], [sflag:$0x8], $0x80, s31, s0, $0xb8;
	[tilespmem:$0x1E600] =	vst v63  }
0xea: {  	_ =	swait.ge [sflag:s16], $0x4000  }
0xeb: {  	[sflag:s16] =	ssyncset.done $0x0  }
0xec: {  	[sflag:s16] =	ssyncadd.s32 $0xFFFFC000  }
0xed: {  	s5 =	stileid.u32;
	[bflag:$0x0] =	sbarrier.arrive $0xFFFF  }
0xee: {  	s5 =	sshll.u32 s5, $0x6;
	s6 =	rddreg [dreg:$0x6]  }
0xef: {  	s5 =	sor.u32 $0x1C09, s5;
	s7 =	rddreg [dreg:$0x10];
	s6 =	sshrl.u32 s6, $0x3  }
0xf0: {  	[hbm:s7], [sflag:s5] =	dma.local [spmem:s6], $0x800  }
0xf1: {  	_ =	swait.ge [sflag:s26], $0x800  }
0xf2: {  	[sflag:s26] =	ssyncset.done $0x0;
	s23 =	rddreg [dreg:$0x7]  }
0xf3: {  	s24 =	rddreg [dreg:$0x11];
	[sflag:s26] =	ssyncadd.s32 $0xFFFFF800;
	s6 =	sshrl.u32 s23, $0x3  }
0xf4: {  	[hbm:s24], [sflag:s5] =	dma.local [spmem:s6], $0x800  }
0xf5: {  	_ =	swait.ge [sflag:s26], $0x800  }
0xf6: {  	[sflag:s26] =	ssyncset.done $0x0;
	s10 =	rddreg [dreg:$0x8]  }
0xf7: {  	s21 =	rddreg [dreg:$0x12];
	[sflag:s26] =	ssyncadd.s32 $0xFFFFF800;
	s6 =	sshrl.u32 s10, $0x3  }
0xf8: {  	[hbm:s21], [sflag:s5] =	dma.local [spmem:s6], $0x800  }
0xf9: {  	_ =	swait.ge [sflag:s26], $0x800  }
0xfa: {  	[sflag:s26] =	ssyncset.done $0x0  }
0xfb: {  	s22 =	sshrl.u32 s8, $0x3;
	s23 =	rddreg [dreg:$0x13];
	[sflag:s26] =	ssyncadd.s32 $0xFFFFF800  }
0xfc: {  	[hbm:s23], [sflag:s5] =	dma.local [spmem:s22], $0x800  }
0xfd: {  	_ =	swait.ge [sflag:s26], $0x800  }
0xfe: {  	[sflag:s26] =	ssyncset.done $0x0  }
0xff: {  	s6 =	sshrl.u32 @!p0 s9, $0x3;
	s7 =	rddreg [dreg:$0x14];
	[sflag:s26] =	ssyncadd.s32 $0xFFFFF800  }
0x100: {  	[hbm:s7], [sflag:s5] =	dma.local @!p0 [spmem:s6], $0x800  }
0x101: {  	s5 =	simm.s32 @!p0 $0x9  }
0x102: {  	_ =	swait.ge @!p0 [sflag:s5], $0x800  }
0x103: {  	s19 =	sadd.s32 $0x1, s19;
	s24 =	rddreg [dreg:$0x16]  }
0x104: {  	p1 =	sne.s32 s19, s24  }
.Ltmp2:
0x105: {  	_ = 	snop;
	(pc) =	sbr.rel @p1 .LBB2_1-.Ltmp2, $3  }
0x106: {  	_ =	sdelay $0x1  }
0x107: {  	[sflag:s5] =	ssyncset.done @!p0 $0x0  }
0x108: {  	[sflag:s5] =	ssyncadd.s32 @!p0 $0xFFFFF800  }
0x109: {  	_ =	sfence.sel $0x180000  }
0x10a: {  	[bflag:$0x0] =	sbarrier.arrive $0xFFFF  }
0x10b: {  	_ =	strace $0x9000004A  }
0x10c: {  	s0 =	stileid.u32;
	[bflag:$0x2] =	sbarrier.arrive $0xFFFF  }
0x10d: {  	p0 =	sne.s32 s0, $0x0;
	s0 =	rddreg [dreg:$0x3]  }
0x10e: {  	s0 =	sadd.s32 @!p0 $0x100000, s0  }
0x10f: {  	[sflag:s0] =	ssyncadd.tile.s32 @!p0 $0x1;
	_ =	shalt  }
.Lfunc_end2:
_tile_overlayer_lowered:
.L_overlay_start_2:
0x110: {  	(tag) =	ssettag $0x2  }
0x111: {  	s0 =	rddreg [dreg:$0x0];
	s2 =	stileid.u32  }
0x112: {  	s1 =	rddreg [dreg:$0x1];
	p0 =	sne.s32 s2, $0x0  }
0x113: {  	s3 =	rddreg [dreg:$0x2];
	[bflag:$0x3] =	sbarrier.arrive $0xFFFF;
	s2 =	simm.s32 @!p0 $0x1C09  }
0x114: {  	[timem:s3], [sflag:s2] =	dma.local @!p0 [hbm:s0], s1  }
0x115: {  	s0 =	simm.s32 @!p0 $0x9  }
0x116: {  	_ =	swait.ge @!p0 [sflag:s0], s1  }
0x117: {  	s1 =	ssub.s32 @!p0 $0x0, s1;
	[sflag:s0] =	ssyncset.done @!p0 $0x0  }
0x118: {  	[sflag:s0] =	ssyncadd.s32 @!p0 s1  }
0x119: {  	[bflag:$0x3] =	sbarrier.arrive $0xFFFF  }
0x11a: {  	_ =	shalt  }

// kernel: kernel.14.cloned.1.call-start
scs
__scs_entry_jumppad:
0x0: {  	(pc) =	sbr.rel $0x88, $3  }
0x1: {  	(tag) =	ssettag $0x0;
	lr =	simm.s32 $0x1  }
0x2: {  	[smem:$0x3F9B] =	sst lr;
	_ =	strace $0xD0000000  }
0x3: {  	_ = 	snop  }
0x4: {  	_ = 	snop  }
0x5: {  	_ = 	snop  }
0x6: {  	_ = 	snop  }
0x7: {  	_ = 	snop  }
__scs_overlays_trampoline_lowered:
0x8: {  	[smem:$0x3FAA] =	sst s0  }
0x9: {  	[smem:$0x3FAB] =	sst s1  }
0xa: {  	[smem:$0x3FAC] =	sst s2  }
0xb: {  	[smem:$0x3FAD] =	sst s3  }
0xc: {  	[smem:$0x3FAE] =	sst s4  }
0xd: {  	[smem:$0x3FAF] =	sst s5  }
0xe: {  	[smem:$0x3FB0] =	sst s6  }
0xf: {  	[smem:$0x3FB1] =	sst s7  }
0x10: {  	[smem:$0x3FB2] =	sst s8  }
0x11: {  	[smem:$0x3FB3] =	sst s9;
	s0 =	simm.s32 @!p0 $0x0  }
0x12: {  	s1 =	sld [smem:$0x3F99];
	s0 =	simm.s32 @p0 $0x1  }
0x13: {  	[smem:$0x3FB4] =	sst s0;
	s0 =	simm.s32 @!p1 $0x0  }
0x14: {  	s2 =	sld [smem:$0x3F98];
	s0 =	simm.s32 @p1 $0x1  }
0x15: {  	[smem:$0x3FB5] =	sst s0;
	s0 =	simm.s32 @!p2 $0x0  }
0x16: {  	s3 =	sld [smem:$0x3FDB];
	s0 =	simm.s32 @p2 $0x1  }
0x17: {  	s4 =	simm.s32 $0x1BF5;
	[smem:$0x3FB7] =	sst s0  }
0x18: {  	s0 =	sld [smem:$0x3F9A];
	_ =	swait.ge [sflag:s4], $0x0  }
0x19: {  	s7 =	sld [smem:$0x3F9B]  }
0x1a: {  	s8 =	sadd.s32 $0xFFFFE003, lr  }
0x1b: {  	s9 =	sadd.s32 $0xFFFFFEF7, lr;
	s5 =	simm.s32 $0xFFFFFFFF;
	p2 =	slt.u32 s8, $0xFFFFF086  }
0x1c: {  	p1 =	slt.u32 s9, $0xF7A;
	s5 =	simm.s32 @!p2 $0x0  }
0x1d: {  	s5 =	simm.s32 @p1 $0x1;
	p0 =	seq.s32 s7, s2  }
0x1e: {  	s7 =	smul.u32 @!p0 $0xF7A, s2;
	p2 =	seq.s32 @!p0 s5, $0x0  }
0x1f: {  	s9 =	smul.u32 $0xF7A, s1;
	s8 =	simm.s32 @!p0 $0x1BF5;
	p2 =	por !p2, p0  }
0x20: {  	[sflag:s8] =	ssyncset.s32 @!p0 $0xFFFFF086;
	s6 =	sadd.s32 @!p0 s3, s7;
	s7 =	simm.s32 @!p0 $0x108  }
0x21: {  	s3 =	sadd.s32 s3, s9;
	s6 =	sadd.s32 @!p0 $0x88, s6;
	s7 =	simm.s32 @p2 $0x1082  }
0x22: {  	[simem:s7], [sflag:s8] =	dma.local @!p0 [hbm:s6], $0xF7A  }
0x23: {  	s9 =	sor.u32 $0xD0000000, s2;
	s6 =	simm.s32 $0x108;
	_ =	swait.ge @!p0 [sflag:s8], $0x0  }
0x24: {  	s3 =	sadd.s32 $0x88, s3;
	s6 =	simm.s32 @!p1 $0x1082;
	[sflag:s4] =	ssyncset.s32 $0xFFFFF086  }
0x25: {  	[simem:s6], [sflag:s4] =	dma.local [hbm:s3], $0xF7A  }
0x26: {  	[smem:$0x3F9B] =	sst s1;
	(tag) =	ssettag s2;
	_ =	strace s9  }
0x27: {  	s1 =	sld [smem:$0x3FAB]  }
0x28: {  	s2 =	sld [smem:$0x3FAC]  }
0x29: {  	s4 =	sld [smem:$0x3FAE]  }
0x2a: {  	p0 =	seq.s32 s5, $0x0;
	s5 =	sld [smem:$0x3FAF]  }
0x2b: {  	s6 =	sld [smem:$0x3FB0]  }
0x2c: {  	s7 =	sld [smem:$0x3FB1]  }
0x2d: {  	s3 =	simm.s32 $0x108;
	s8 =	sld [smem:$0x3FB2]  }
0x2e: {  	s3 =	simm.s32 @!p0 $0x1082;
	s9 =	sld [smem:$0x3FB3]  }
0x2f: {  	lr =	sadd.s32 s0, s3;
	s0 =	sld [smem:$0x3FAA]  }
0x30: {  	s3 =	sld [smem:$0x3FAD]  }
0x31: {  	[smem:$0x3FB6] =	sst s10  }
0x32: {  	s10 =	sld [smem:$0x3FB4];
	_ =	sdelay $0x3  }
0x33: {  	p0 =	seq.s32 s10, $0x1;
	s10 =	sld [smem:$0x3FB6];
	_ =	sdelay $0x3  }
0x34: {  	[smem:$0x3FB6] =	sst s10  }
0x35: {  	s10 =	sld [smem:$0x3FB5];
	_ =	sdelay $0x3  }
0x36: {  	p1 =	seq.s32 s10, $0x1;
	s10 =	sld [smem:$0x3FB6];
	_ =	sdelay $0x3  }
0x37: {  	[smem:$0x3FB6] =	sst s10  }
0x38: {  	s10 =	sld [smem:$0x3FB7]  }
0x39: {  	_ = 	snop;
	(pc) =	sbr.ind lr, $3  }
0x3a: {  	_ = 	snop  }
0x3b: {  	_ = 	snop  }
0x3c: {  	p2 =	seq.s32 s10, $0x1;
	s10 =	sld [smem:$0x3FB6]  }
0x3d: {  	_ =	shalt  }
0x3e: {  	_ =	shalt  }
0x3f: {  	_ =	shalt  }
0x40: {  	_ =	shalt  }
0x41: {  	_ =	shalt  }
0x42: {  	_ =	shalt  }
0x43: {  	_ =	shalt  }
0x44: {  	_ =	shalt  }
0x45: {  	_ =	shalt  }
0x46: {  	_ =	shalt  }
0x47: {  	_ =	shalt  }
0x48: {  	_ =	shalt  }
0x49: {  	_ =	shalt  }
0x4a: {  	_ =	shalt  }
0x4b: {  	_ =	shalt  }
0x4c: {  	_ =	shalt  }
0x4d: {  	_ =	shalt  }
0x4e: {  	_ =	shalt  }
0x4f: {  	_ =	shalt  }
0x50: {  	_ =	shalt  }
0x51: {  	_ =	shalt  }
0x52: {  	_ =	shalt  }
0x53: {  	_ =	shalt  }
0x54: {  	_ =	shalt  }
0x55: {  	_ =	shalt  }
0x56: {  	_ =	shalt  }
0x57: {  	_ =	shalt  }
0x58: {  	_ =	shalt  }
0x59: {  	_ =	shalt  }
0x5a: {  	_ =	shalt  }
0x5b: {  	_ =	shalt  }
0x5c: {  	_ =	shalt  }
0x5d: {  	_ =	shalt  }
0x5e: {  	_ =	shalt  }
0x5f: {  	_ =	shalt  }
0x60: {  	_ =	shalt  }
0x61: {  	_ =	shalt  }
0x62: {  	_ =	shalt  }
0x63: {  	_ =	shalt  }
0x64: {  	_ =	shalt  }
0x65: {  	_ =	shalt  }
0x66: {  	_ =	shalt  }
0x67: {  	_ =	shalt  }
0x68: {  	_ =	shalt  }
0x69: {  	_ =	shalt  }
0x6a: {  	_ =	shalt  }
0x6b: {  	_ =	shalt  }
0x6c: {  	_ =	shalt  }
0x6d: {  	_ =	shalt  }
0x6e: {  	_ =	shalt  }
0x6f: {  	_ =	shalt  }
0x70: {  	_ =	shalt  }
0x71: {  	_ =	shalt  }
0x72: {  	_ =	shalt  }
0x73: {  	_ =	shalt  }
0x74: {  	_ =	shalt  }
0x75: {  	_ =	shalt  }
0x76: {  	_ =	shalt  }
0x77: {  	_ =	shalt  }
0x78: {  	_ =	shalt  }
0x79: {  	_ =	shalt  }
0x7a: {  	_ =	shalt  }
0x7b: {  	_ =	shalt  }
0x7c: {  	_ =	shalt  }
0x7d: {  	_ =	shalt  }
0x7e: {  	_ =	shalt  }
0x7f: {  	_ =	shalt  }
0x80: {  	_ =	shalt  }
0x81: {  	_ =	shalt  }
0x82: {  	_ =	shalt  }
0x83: {  	_ =	shalt  }
0x84: {  	_ =	shalt  }
0x85: {  	_ =	shalt  }
0x86: {  	_ =	shalt  }
0x87: {  	_ =	shalt  }
.Lfunc_end0:
.L_simem_size_0:
called_computation.2_lowered:
.L_overlay_start_0:
0x88: {  	s2 =	sld [smem:$0x3FD9]  }
0x89: {  	s3 =	sld [smem:$0x3FFE];
	_ =	sdelay $0x1  }
0x8a: {  	s1 =	srdreg.scid  }
0x8b: {  	s0 =	sand.u32 $0x1, s1  }
0x8c: {  	s17 =	sshll.u32 s0, $0xA;
	s2 =	sadd.s32 s3, s2  }
0x8d: {  	s2 =	sadd.s32 s2, s17  }
0x8e: {  	[smem:$0x3FC2] =	sst s2  }
0x8f: {  	_ = 	snop  }
0x90: {  	s2 =	sld [smem:$0x3FD0];
	(tm) =	ssettm $0x1  }
0x91: {  	s18 =	sld [smem:$0x3FFB];
	_ =	sdelay $0x3  }
0x92: {  	_ =	strace s18  }
0x93: {  	s3 =	sld [smem:$0x3FFC];
	_ =	sdelay $0x3  }
0x94: {  	_ =	strace s3  }
0x95: {  	s3 =	sld [smem:$0x3FFD];
	_ =	sdelay $0x3  }
0x96: {  	_ =	strace s3  }
0x97: {  	_ =	strace $0x8FFFFFFF  }
0x98: {  	s19 =	sld [smem:$0x3FDB];
	_ =	sdelay $0x1  }
0x99: {  	s4 =	simm.s32 $_scs_section_size  }
0x9a: {  	s5 =	simm.s32 $_size__tile_overlayer_lowered;
	s6 =	simm.s32 $_tile_overlayer_lowered  }
0x9b: {  	s22 =	simm.s32 $0x1BFF;
	s21 =	sshll.u32 s6, $0x1;
	s3 =	sadd.s32 s4, s19  }
0x9c: {  	s7 =	simm.s32 $0x0;
	s20 =	sshll.u32 s5, $0x1;
	s5 =	sadd.s32 s21, s3  }
0x9d: {  	[timem:s7], [sflag:s22] =	dma.local [hbm:s5], s20  }
0x9e: {  	_ =	swait.ge [sflag:s22], s20  }
0x9f: {  	s4 =	ssub.s32 $0x0, s20;
	[sflag:s22] =	ssyncset.done $0x0  }
0xa0: {  	[sflag:s22] =	ssyncadd.s32 s4;
	_ =	sdelay $0x1  }
0xa1: {  	s23 =	simm.s32 $0x1B8B  }
0xa2: {  	_ =	swait.ge [sflag:s23], $0x1  }
0xa3: {  	[sflag:s23] =	ssyncset.done $0x0  }
0xa4: {  	s25 =	simm.s32 $0x1B8E;
	s24 =	sld [smem:$0x3FFE];
	[sflag:s23] =	ssyncadd.s32 $0xFFFFFFFF  }
0xa5: {  	s26 =	simm.s32 $execute0_lowered;
	[smem:$0x3FD2] =	sst s25  }
0xa6: {  	s5 =	sshll.u32 s26, $0x1;
	_ =	strace $0x8000004C;
	[dreg:$0x1] =	wrdreg $0xFFFFFFFF  }
0xa7: {  	s28 =	simm.s32 $_size_execute0_lowered;
	s3 =	sadd.s32 s3, s5;
	[dreg:$0x0] =	wrdreg $0x0  }
0xa8: {  	s5 =	sshll.u32 s28, $0x1;
	[dreg:$0x2] =	wrdreg s3  }
0xa9: {  	[dreg:$0x3] =	wrdreg s5  }
0xaa: {  	[dreg:$0x4] =	wrdreg $0xC0  }
0xab: {  	_ =	task [dreg:s7], $0x5FFFF  }
0xac: {  	[dreg:$0x1] =	wrdreg $0xFFFFFFFF  }
0xad: {  	[dreg:$0x0] =	wrdreg $0x60  }
0xae: {  	[dreg:$0x2] =	wrdreg s24  }
0xaf: {  	[dreg:$0x3] =	wrdreg s2  }
0xb0: {  	[dreg:$0x4] =	wrdreg $0xAA000  }
0xb1: {  	[dreg:$0x5] =	wrdreg $0x9  }
0xb2: {  	_ =	task.clear_ibuf [dreg:s7], $0x6FFFF;
	_ =	strace $0x9000004C  }
0xb3: {  	s29 =	simm.s32 $0x9;
	_ =	strace $0x8000004E  }
0xb4: {  	_ =	swait.ge [sflag:s29], $0x1  }
0xb5: {  	[sflag:s29] =	ssyncadd.s32 $0xFFFFFFFF  }
0xb6: {  	_ =	strace $0x9000004E  }
0xb7: {  	_ =	sfence  }
0xb8: {  	s30 =	sld [smem:$0x0];
	_ =	sdelay $0x2  }
0xb9: {  	s31 =	sshll.u32 s1, $0xD;
	s1 =	sshrl.u32 s1, $0x2  }
0xba: {  	s3 =	sand.u32 $0x4000, s31;
	s1 =	sadd.s32 s1, s30  }
0xbb: {  	s0 =	sor.u32 s3, s0;
	s1 =	sshll.u32 s1, $0x11  }
0xbc: {  	s0 =	sor.u32 s1, s0  }
0xbd: {  	s0 =	sadd.s32 $0x8F2B, s0  }
0xbe: {  	[sflag:s0] =	ssyncadd.remote.s32 $0x1  }
0xbf: {  	_ =	sfence.sel $0xFFFF  }
0xc0: {  	[dreg:$0x0] =	wrdreg $0xFFFFFFFF;
	(pc) =	sbr.abs _section_cstart, $3  }
0xc1: {  	[dreg:$0x1] =	wrdreg $0xFFFFFFFF  }
0xc2: {  	_ =	task.clear_ibuf [dreg:s7], $0x2FFFF;
	_ =	strace $0x9FFFFFFF  }
0xc3: {  	(tm) =	ssettm $0x7FFFFFFF  }
tec
execute0_lowered:
.L_overlay_start_1:
0x0: {  	(tag) =	ssettag $0x1  }
0x1: {  	s0 =	rddreg [dreg:$0x0]  }
0x2: {  	s11 =	rddreg [dreg:$0x1]  }
0x3: {  	s1 =	srdreg.scid;
	s2 =	rddreg [dreg:$0x2]  }
0x4: {  	s7 =	stileid.u32;
	s3 =	simm.s32 $0x0;
	s28 =	simm.s32 $0x2800  }
0x5: {  	s29 =	simm.s32 $0x2880;
	s30 =	simm.s32 $0x2900;
	s31 =	simm.s32 $0x2980  }
0x6: {  	s1 =	sand.u32 $0x1, s1;
	[smem:$0x7FF] =	sst s3;
	s13 =	sshll.u32 s7, $0xE  }
0x7: {  	p0 =	seq.s32 s7, $0xF;
	s4 =	sshll.u32 s1, $0x4;
	_ =	strace $0x8000004D  }
0x8: {  	s5 =	ssub.s32 $0x2, s1;
	s15 =	sor.u32 $0x40000, s13;
	s18 =	sadd.s32 s13, s2  }
0x9: {  	s16 =	sor.u32 $0x80000, s13;
	s17 =	sor.u32 $0xC0000, s13;
	s23 =	smul.u32 $0x13C000, s1  }
0xa: {  	s1 =	smul.u32 $0x500, s1;
	s4 =	sor.u32 s7, s4;
	s6 =	sshrl.u32 s5, $0x1  }
0xb: {  	[dreg:$0x6] =	wrdreg s18;
	s19 =	sadd.s32 s15, s2;
	s20 =	sadd.s32 s16, s2  }
0xc: {  	s18 =	sor.u32 $0x100000, s13;
	s8 =	sadd.s32 s17, s2;
	s10 =	smul.u32 $0x500, s4  }
0xd: {  	s4 =	sadd.s32 $0x5B600, s0;
	s14 =	ssub.s32 s5, s6;
	[dreg:$0x7] =	wrdreg s19  }
0xe: {  	[dreg:$0x8] =	wrdreg s20;
	s9 =	sadd.s32 s18, s2;
	s13 =	sadd.s32 s13, s23  }
0xf: {  	s15 =	sadd.s32 s23, s15;
	s19 =	smul.u32 $0x50, s7;
	s16 =	sadd.s32 s23, s16  }
0x10: {  	s17 =	sadd.s32 s23, s17;
	s12 =	sadd.s32 s10, s0;
	s5 =	sadd.s32 s11, s10  }
0x11: {  	s13 =	sshrl.u32 s13, $0x3;
	s21 =	sadd.s32 $0x51600, s12;
	[dreg:$0x9] =	wrdreg s5  }
0x12: {  	s15 =	sshrl.u32 s15, $0x3;
	s22 =	sadd.s32 $0x10, s5;
	[dreg:$0xa] =	wrdreg s21  }
0x13: {  	s0 =	sadd.s32 $0x82E00, s0;
	s24 =	sadd.s32 $0x20, s5;
	[dreg:$0xb] =	wrdreg s22  }
0x14: {  	s1 =	sadd.s32 s19, s1;
	s25 =	sadd.s32 $0x30, s5;
	[dreg:$0xc] =	wrdreg s24  }
0x15: {  	s19 =	sshrl.u32 s16, $0x3;
	s26 =	sadd.s32 $0x40, s5;
	[dreg:$0xd] =	wrdreg s25  }
0x16: {  	s16 =	simm.s32 $0x8;
	s10 =	sadd.s32 $0x50, s5;
	[dreg:$0xe] =	wrdreg s26  }
0x17: {  	s12 =	sadd.s32 s23, s18;
	s13 =	sadd.s32 s0, s13;
	[dreg:$0xf] =	wrdreg s10  }
0x18: {  	s18 =	sadd.s32 s0, s15;
	s1 =	sshll.u32 s1, $0x4;
	[dreg:$0x10] =	wrdreg s13  }
0x19: {  	s20 =	sadd.s32 s0, s19;
	s15 =	simm.s32 $0x4;
	[dreg:$0x11] =	wrdreg s18  }
0x1a: {  	s19 =	simm.s32 $0x0;
	[dreg:$0x12] =	wrdreg s20;
	s21 =	sshrl.u32 s17, $0x3  }
0x1b: {  	s20 =	sadd.s32 s1, s11;
	s23 =	sshrl.u32 s12, $0x3;
	s25 =	sadd.s32 $0x60, s5  }
0x1c: {  	s26 =	smax.u32 s14, $0x1;
	s1 =	simm.s32 $0x6A00;
	s12 =	simm.s32 $0x3  }
0x1d: {  	s13 =	simm.s32 $0x7;
	s14 =	simm.s32 $0x2;
	[dreg:$0x15] =	wrdreg s25  }
0x1e: {  	s17 =	simm.s32 $0x5;
	s22 =	sadd.s32 s0, s21;
	[dreg:$0x16] =	wrdreg s26  }
0x1f: {  	s18 =	simm.s32 $0x6;
	s0 =	sadd.s32 s0, s23;
	[dreg:$0x13] =	wrdreg s22  }
0x20: {  	s11 =	sadd.s32 $0xA0, s20;
	s24 =	sadd.s32 $0x80, s20;
	[dreg:$0x14] =	wrdreg s0  }
0x21: {  	s25 =	simm.s32 $0x2A00;
	s26 =	simm.s32 $0x9;
	[dreg:$0x4] =	wrdreg s11  }
0x22: {  	v0 =	vimm.f32 $0.0e+00;
	[dreg:$0x5] =	wrdreg s24;
	s0 =	simm.s32 $0x80;
	s11 =	simm.s32 $0x1  }
.LBB2_1:
0x23: {  	s21 =	sand.u32 $0xFE00, s3  }
0x24: {  	s22 =	sand.u32 $0x70, s3;
	s23 =	sshrl.u32 s21, $0x2  }
0x25: {  	s21 =	simm.s32 $0x40;
	s23 =	sor.u32 s22, s23;
	s22 =	simm.s32 $0x0  }
.LBB2_2:
0x26: {  	p1 =	sne.s32 s21, $0xFFC0  }
0x27: {  	[tilespmem:s23+$0x2A00] =	vst v0;
	s22 =	sadd.s32 $0x10, s22;
	s23 =	smov.u32 s21;
	s21 =	sadd.s32 $0x40, s21  }
.Ltmp0:
0x28: {  	(pc) =	sbr.rel @p1 .LBB2_2-.Ltmp0, $4  }
0x29: {  	_ = 	snop  }
0x2a: {  	s23 =	sand.u32 $0xFE00, s23  }
0x2b: {  	s24 =	sand.u32 $0x70, s22;
	s23 =	sshrl.u32 s23, $0x2  }
0x2c: {  	s23 =	sor.u32 s24, s23  }
0x2d: {  	[tilespmem:s23+$0x2A00] =	vst v0;
	s5 =	rddreg [dreg:$0x6]  }
0x2e: {  	[spmem:s5] =	stream.linear.scatter [tilespmem:s25], [sflag:$0x9], $0x4000, $0x38;
	[tilespmem:$0x1E600] =	vst v63  }
0x2f: {  	_ =	swait.ge [sflag:s26], $0x4000  }
0x30: {  	[sflag:s26] =	ssyncset.done $0x0  }
0x31: {  	s10 =	rddreg [dreg:$0x7];
	[sflag:s26] =	ssyncadd.s32 $0xFFFFC000  }
0x32: {  	[spmem:s10] =	stream.linear.scatter [tilespmem:s25], [sflag:$0x9], $0x4000, $0x38;
	[tilespmem:$0x1E600] =	vst v63  }
0x33: {  	_ =	swait.ge [sflag:s26], $0x4000  }
0x34: {  	[sflag:s26] =	ssyncset.done $0x0  }
0x35: {  	s21 =	rddreg [dreg:$0x8];
	[sflag:s26] =	ssyncadd.s32 $0xFFFFC000  }
0x36: {  	[spmem:s21] =	stream.linear.scatter [tilespmem:s25], [sflag:$0x9], $0x4000, $0x38;
	[tilespmem:$0x1E600] =	vst v63  }
0x37: {  	_ =	swait.ge [sflag:s26], $0x4000  }
0x38: {  	[sflag:s26] =	ssyncset.done $0x0  }
0x39: {  	[sflag:s26] =	ssyncadd.s32 $0xFFFFC000  }
0x3a: {  	[spmem:s8] =	stream.linear.scatter [tilespmem:s25], [sflag:$0x9], $0x4000, $0x38;
	[tilespmem:$0x1E600] =	vst v63  }
0x3b: {  	_ =	swait.ge [sflag:s26], $0x4000  }
0x3c: {  	[sflag:s26] =	ssyncset.done $0x0  }
0x3d: {  	s21 =	simm.s32 @!p0 $0x2A00;
	[sflag:s26] =	ssyncadd.s32 $0xFFFFC000  }
0x3e: {  	[spmem:s9] =	stream.linear.scatter @!p0 [tilespmem:s21], [sflag:$0x9], $0x4000, $0x38;
	[tilespmem:$0x1E600] =	vst v63  }
0x3f: {  	s21 =	simm.s32 @!p0 $0x9  }
0x40: {  	_ =	swait.ge @!p0 [sflag:s21], $0x4000  }
0x41: {  	[sflag:s21] =	ssyncset.done @!p0 $0x0  }
0x42: {  	[sflag:s21] =	ssyncadd.s32 @!p0 $0xFFFFC000  }
0x43: {  	[bflag:$0x0] =	sbarrier.arrive $0xFFFF  }
0x44: {  	s21 =	simm.s32 $0x0;
	s22 =	rddreg [dreg:$0xa]  }
0x45: {  	[tilespmem:s21], [sflag:$0x9] =	stream.linear.gather [hbm4b:s22+s21], $0x2800, $0x38;
	[tilespmem:$0x1E600] =	vst v63  }
0x46: {  	_ =	swait.ge [sflag:s26], $0x2800  }
0x47: {  	[sflag:s26] =	ssyncset.done $0x0  }
0x48: {  	s23 =	rddreg [dreg:$0x9];
	[sflag:s26] =	ssyncadd.s32 $0xFFFFD800  }
0x49: {  	[tilespmem:s28], [sflag:$0x3] =	stream.linear.gather [hbm4b:s23+s21], $0x80, $0x38;
	[tilespmem:$0x1E600] =	vst v63  }
0x4a: {  	s24 =	rddreg [dreg:$0xb]  }
0x4b: {  	[tilespmem:s29], [sflag:$0x4] =	stream.linear.gather [hbm4b:s24+s21], $0x80, $0x38;
	[tilespmem:$0x1E600] =	vst v63  }
0x4c: {  	s6 =	rddreg [dreg:$0xc]  }
0x4d: {  	[tilespmem:s30], [sflag:$0x5] =	stream.linear.gather [hbm4b:s6+s21], $0x80, $0x38;
	[tilespmem:$0x1E600] =	vst v63  }
0x4e: {  	s7 =	rddreg [dreg:$0xd]  }
0x4f: {  	[tilespmem:s31], [sflag:$0x6] =	stream.linear.gather [hbm4b:s7+s21], $0x80, $0x38;
	[tilespmem:$0x1E600] =	vst v63  }
0x50: {  	_ = 	snop  }
0x51: {  	[tilespmem:s25], [sflag:$0x1] =	stream.indirect.gather [hbm4b:s4+s0], $0x80, s21, s0, $0xb8;
	[tilespmem:$0x1E600] =	vst v63  }
0x52: {  	_ = 	snop  }
0x53: {  	[tilespmem:s1], [sflag:$0x2] =	stream.indirect.gather [hbm4b:s4+s0], $0x80, s0, s0, $0xb8;
	[tilespmem:$0x1E600] =	vst v63  }
0x54: {  	_ =	swait.ge [sflag:s11], $0x4000  }
0x55: {  	[sflag:s11] =	ssyncset.done $0x0  }
0x56: {  	[sflag:s11] =	ssyncadd.s32 $0xFFFFC000  }
0x57: {  	_ =	swait.ge [sflag:s12], $0x80  }
0x58: {  	[sflag:s12] =	ssyncset.done $0x0  }
0x59: {  	[sflag:s12] =	ssyncadd.s32 $0xFFFFFF80  }
0x5a: {  	[spmem:s2] =	stream.indirect.scatter.add.f32 [tilespmem:s25], [sflag:$0x7], $0x80, s28, s0, $0xb8;
	[tilespmem:$0x1E600] =	vst v63  }
0x5b: {  	_ =	swait.ge [sflag:s13], $0x4000  }
0x5c: {  	[sflag:s13] =	ssyncset.done $0x0  }
0x5d: {  	s10 =	rddreg [dreg:$0xe];
	[sflag:s13] =	ssyncadd.s32 $0xFFFFC000  }
0x5e: {  	[tilespmem:s28], [sflag:$0x3] =	stream.linear.gather [hbm4b:s10+s21], $0x80, $0x38;
	[tilespmem:$0x1E600] =	vst v63  }
0x5f: {  	s22 =	simm.s32 $0x100  }
0x60: {  	[tilespmem:s25], [sflag:$0x1] =	stream.indirect.gather [hbm4b:s4+s0], $0x80, s22, s0, $0xb8;
	[tilespmem:$0x1E600] =	vst v63  }
0x61: {  	_ =	swait.ge [sflag:s14], $0x4000  }
0x62: {  	[sflag:s14] =	ssyncset.done $0x0  }
0x63: {  	[sflag:s14] =	ssyncadd.s32 $0xFFFFC000  }
0x64: {  	_ =	swait.ge [sflag:s15], $0x80  }
0x65: {  	[sflag:s15] =	ssyncset.done $0x0  }
0x66: {  	[sflag:s15] =	ssyncadd.s32 $0xFFFFFF80  }
0x67: {  	[spmem:s2] =	stream.indirect.scatter.add.f32 [tilespmem:s1], [sflag:$0x8], $0x80, s29, s0, $0xb8;
	[tilespmem:$0x1E600] =	vst v63  }
0x68: {  	_ =	swait.ge [sflag:s16], $0x4000  }
0x69: {  	[sflag:s16] =	ssyncset.done $0x0  }
0x6a: {  	s23 =	rddreg [dreg:$0xf];
	[sflag:s16] =	ssyncadd.s32 $0xFFFFC000  }
0x6b: {  	[tilespmem:s29], [sflag:$0x4] =	stream.linear.gather [hbm4b:s23+s21], $0x80, $0x38;
	[tilespmem:$0x1E600] =	vst v63  }
0x6c: {  	s24 =	simm.s32 $0x180  }
0x6d: {  	[tilespmem:s1], [sflag:$0x2] =	stream.indirect.gather [hbm4b:s4+s0], $0x80, s24, s0, $0xb8;
	[tilespmem:$0x1E600] =	vst v63  }
0x6e: {  	_ =	swait.ge [sflag:s11], $0x4000  }
0x6f: {  	[sflag:s11] =	ssyncset.done $0x0  }
0x70: {  	[sflag:s11] =	ssyncadd.s32 $0xFFFFC000  }
0x71: {  	_ =	swait.ge [sflag:s17], $0x80  }
0x72: {  	[sflag:s17] =	ssyncset.done $0x0  }
0x73: {  	[sflag:s17] =	ssyncadd.s32 $0xFFFFFF80  }
0x74: {  	[spmem:s2] =	stream.indirect.scatter.add.f32 [tilespmem:s25], [sflag:$0x7], $0x80, s30, s0, $0xb8;
	[tilespmem:$0x1E600] =	vst v63  }
0x75: {  	_ =	swait.ge [sflag:s13], $0x4000  }
0x76: {  	[sflag:s13] =	ssyncset.done $0x0  }
0x77: {  	s6 =	rddreg [dreg:$0x15];
	[sflag:s13] =	ssyncadd.s32 $0xFFFFC000  }
0x78: {  	[tilespmem:s30], [sflag:$0x5] =	stream.linear.gather [hbm4b:s6+s21], $0x80, $0x38;
	[tilespmem:$0x1E600] =	vst v63  }
0x79: {  	s7 =	simm.s32 $0x200  }
0x7a: {  	[tilespmem:s25], [sflag:$0x1] =	stream.indirect.gather [hbm4b:s4+s0], $0x80, s7, s0, $0xb8;
	[tilespmem:$0x1E600] =	vst v63  }
0x7b: {  	_ =	swait.ge [sflag:s14], $0x4000  }
0x7c: {  	[sflag:s14] =	ssyncset.done $0x0  }
0x7d: {  	[sflag:s14] =	ssyncadd.s32 $0xFFFFC000  }
0x7e: {  	_ =	swait.ge [sflag:s18], $0x80  }
0x7f: {  	[sflag:s18] =	ssyncset.done $0x0  }
0x80: {  	[sflag:s18] =	ssyncadd.s32 $0xFFFFFF80  }
0x81: {  	[spmem:s2] =	stream.indirect.scatter.add.f32 [tilespmem:s1], [sflag:$0x8], $0x80, s31, s0, $0xb8;
	[tilespmem:$0x1E600] =	vst v63  }
0x82: {  	_ =	swait.ge [sflag:s16], $0x4000  }
0x83: {  	s10 =	sadd.s32 $0x0, s20;
	[sflag:s16] =	ssyncset.done $0x0  }
0x84: {  	s21 =	sadd.s32 $0x70, s10;
	[sflag:s16] =	ssyncadd.s32 $0xFFFFC000  }
0x85: {  	[tilespmem:s31], [sflag:$0x6] =	stream.linear.gather [hbm4b:s21+s3], $0x80, $0x38;
	[tilespmem:$0x1E600] =	vst v63  }
0x86: {  	s22 =	simm.s32 $0x280  }
0x87: {  	[tilespmem:s1], [sflag:$0x2] =	stream.indirect.gather [hbm4b:s4+s0], $0x80, s22, s0, $0xb8;
	[tilespmem:$0x1E600] =	vst v63  }
0x88: {  	_ =	swait.ge [sflag:s11], $0x4000  }
0x89: {  	[sflag:s11] =	ssyncset.done $0x0  }
0x8a: {  	[sflag:s11] =	ssyncadd.s32 $0xFFFFC000  }
0x8b: {  	_ =	swait.ge [sflag:s12], $0x80  }
0x8c: {  	[sflag:s12] =	ssyncset.done $0x0  }
0x8d: {  	[sflag:s12] =	ssyncadd.s32 $0xFFFFFF80  }
0x8e: {  	[spmem:s2] =	stream.indirect.scatter.add.f32 [tilespmem:s25], [sflag:$0x7], $0x80, s28, s0, $0xb8;
	[tilespmem:$0x1E600] =	vst v63  }
0x8f: {  	p1 =	por $0x0, $0x0;
	_ =	swait.ge [sflag:s13], $0x4000  }
0x90: {  	s23 =	simm.s32 @!p1 $0x2800;
	s21 =	rddreg [dreg:$0x5];
	[sflag:s13] =	ssyncset.done $0x0  }
0x91: {  	s22 =	simm.s32 @!p1 $0x0;
	[sflag:s13] =	ssyncadd.s32 $0xFFFFC000;
	s21 =	sadd.s32 @!p1 $0x0, s21  }
0x92: {  	[tilespmem:s23], [sflag:$0x3] =	stream.linear.gather @!p1 [hbm4b:s21+s22], $0x80, $0x38;
	[tilespmem:$0x1E600] =	vst v63  }
0x93: {  	s23 =	simm.s32 $0x300  }
0x94: {  	[tilespmem:s25], [sflag:$0x1] =	stream.indirect.gather [hbm4b:s4+s0], $0x80, s23, s0, $0xb8;
	[tilespmem:$0x1E600] =	vst v63  }
0x95: {  	_ =	swait.ge [sflag:s14], $0x4000  }
0x96: {  	[sflag:s14] =	ssyncset.done $0x0  }
0x97: {  	[sflag:s14] =	ssyncadd.s32 $0xFFFFC000  }
0x98: {  	_ =	swait.ge [sflag:s15], $0x80  }
0x99: {  	[sflag:s15] =	ssyncset.done $0x0  }
0x9a: {  	[sflag:s15] =	ssyncadd.s32 $0xFFFFFF80  }
0x9b: {  	[spmem:s2] =	stream.indirect.scatter.add.f32 [tilespmem:s1], [sflag:$0x8], $0x80, s29, s0, $0xb8;
	[tilespmem:$0x1E600] =	vst v63  }
0x9c: {  	_ =	swait.ge [sflag:s16], $0x4000  }
0x9d: {  	s21 =	sadd.s32 @!p1 $0x0, s20;
	[sflag:s16] =	ssyncset.done $0x0  }
0x9e: {  	s21 =	sadd.s32 @!p1 $0x90, s21;
	s23 =	simm.s32 @!p1 $0x2880;
	[sflag:s16] =	ssyncadd.s32 $0xFFFFC000  }
0x9f: {  	[tilespmem:s23], [sflag:$0x4] =	stream.linear.gather @!p1 [hbm4b:s21+s22], $0x80, $0x38;
	[tilespmem:$0x1E600] =	vst v63  }
0xa0: {  	s24 =	simm.s32 $0x380  }
0xa1: {  	[tilespmem:s1], [sflag:$0x2] =	stream.indirect.gather [hbm4b:s4+s0], $0x80, s24, s0, $0xb8;
	[tilespmem:$0x1E600] =	vst v63  }
0xa2: {  	_ =	swait.ge [sflag:s11], $0x4000  }
0xa3: {  	[sflag:s11] =	ssyncset.done $0x0  }
0xa4: {  	[sflag:s11] =	ssyncadd.s32 $0xFFFFC000  }
0xa5: {  	_ =	swait.ge [sflag:s17], $0x80  }
0xa6: {  	[sflag:s17] =	ssyncset.done $0x0  }
0xa7: {  	[sflag:s17] =	ssyncadd.s32 $0xFFFFFF80  }
0xa8: {  	[spmem:s2] =	stream.indirect.scatter.add.f32 [tilespmem:s25], [sflag:$0x7], $0x80, s30, s0, $0xb8;
	[tilespmem:$0x1E600] =	vst v63  }
0xa9: {  	_ =	swait.ge [sflag:s13], $0x4000  }
0xaa: {  	s21 =	rddreg [dreg:$0x4];
	[sflag:s13] =	ssyncset.done $0x0  }
0xab: {  	s23 =	simm.s32 @!p1 $0x2900;
	[sflag:s13] =	ssyncadd.s32 $0xFFFFC000;
	s21 =	sadd.s32 @!p1 $0x0, s21  }
0xac: {  	[tilespmem:s23], [sflag:$0x5] =	stream.linear.gather @!p1 [hbm4b:s21+s22], $0x80, $0x38;
	[tilespmem:$0x1E600] =	vst v63  }
0xad: {  	s21 =	simm.s32 $0x400;
	s22 =	simm.s32 @!p1 $0x80;
	s23 =	simm.s32 @!p1 $0x2A00  }
0xae: {  	[tilespmem:s23], [sflag:$0x1] =	stream.indirect.gather @!p1 [hbm4b:s4+s22], $0x80, s21, s22, $0xb8;
	[tilespmem:$0x1E600] =	vst v63  }
0xaf: {  	_ =	swait.ge [sflag:s14], $0x4000  }
0xb0: {  	[sflag:s14] =	ssyncset.done $0x0  }
0xb1: {  	[sflag:s14] =	ssyncadd.s32 $0xFFFFC000  }
0xb2: {  	_ =	swait.ge [sflag:s18], $0x80  }
0xb3: {  	s22 =	simm.s32 $0x40;
	[sflag:s18] =	ssyncset.done $0x0  }
.LBB2_4:
0xb4: {  	[sflag:s18] =	ssyncadd.s32 $0xFFFFFF80  }
0xb5: {  	[spmem:s2] =	stream.indirect.scatter.add.f32 [tilespmem:s1], [sflag:$0x8], $0x80, s31, s0, $0xb8;
	[tilespmem:$0x1E600] =	vst v63  }
0xb6: {  	s23 =	smov.u32 s22;
	_ =	swait.ge [sflag:s16], $0x4000  }
0xb7: {  	s24 =	sadd.s32 s23, s20;
	[sflag:s16] =	ssyncset.done $0x0  }
0xb8: {  	s21 =	sadd.s32 $0x200, s21;
	s24 =	sadd.s32 $0x70, s24;
	[sflag:s16] =	ssyncadd.s32 $0xFFFFC000  }
0xb9: {  	[tilespmem:s31], [sflag:$0x6] =	stream.linear.gather [hbm4b:s24+s3], $0x80, $0x38;
	[tilespmem:$0x1E600] =	vst v63  }
0xba: {  	s7 =	sadd.s32 $0xFFFFFE80, s21  }
0xbb: {  	[tilespmem:s1], [sflag:$0x2] =	stream.indirect.gather [hbm4b:s4+s0], $0x80, s7, s0, $0xb8;
	[tilespmem:$0x1E600] =	vst v63  }
0xbc: {  	_ =	swait.ge [sflag:s11], $0x4000  }
0xbd: {  	[sflag:s11] =	ssyncset.done $0x0  }
0xbe: {  	[sflag:s11] =	ssyncadd.s32 $0xFFFFC000  }
0xbf: {  	_ =	swait.ge [sflag:s12], $0x80  }
0xc0: {  	[sflag:s12] =	ssyncset.done $0x0  }
0xc1: {  	[sflag:s12] =	ssyncadd.s32 $0xFFFFFF80  }
0xc2: {  	[spmem:s2] =	stream.indirect.scatter.add.f32 [tilespmem:s25], [sflag:$0x7], $0x80, s28, s0, $0xb8;
	[tilespmem:$0x1E600] =	vst v63  }
0xc3: {  	p2 =	seq.s32 s23, $0x480;
	_ =	swait.ge [sflag:s13], $0x4000  }
0xc4: {  	s24 =	simm.s32 @!p2 $0x0;
	s10 =	rddreg [dreg:$0x5];
	[sflag:s13] =	ssyncset.done $0x0  }
0xc5: {  	s7 =	simm.s32 @!p2 $0x2800;
	[sflag:s13] =	ssyncadd.s32 $0xFFFFC000;
	s10 =	sadd.s32 @!p2 s23, s10  }
0xc6: {  	[tilespmem:s7], [sflag:$0x3] =	stream.linear.gather @!p2 [hbm4b:s10+s24], $0x80, $0x38;
	[tilespmem:$0x1E600] =	vst v63  }
0xc7: {  	s5 =	sadd.s32 $0xFFFFFF00, s21  }
0xc8: {  	[tilespmem:s25], [sflag:$0x1] =	stream.indirect.gather [hbm4b:s4+s0], $0x80, s5, s0, $0xb8;
	[tilespmem:$0x1E600] =	vst v63  }
0xc9: {  	_ =	swait.ge [sflag:s14], $0x4000  }
0xca: {  	[sflag:s14] =	ssyncset.done $0x0  }
0xcb: {  	[sflag:s14] =	ssyncadd.s32 $0xFFFFC000  }
0xcc: {  	_ =	swait.ge [sflag:s15], $0x80  }
0xcd: {  	[sflag:s15] =	ssyncset.done $0x0  }
0xce: {  	[sflag:s15] =	ssyncadd.s32 $0xFFFFFF80  }
0xcf: {  	[spmem:s2] =	stream.indirect.scatter.add.f32 [tilespmem:s1], [sflag:$0x8], $0x80, s29, s0, $0xb8;
	[tilespmem:$0x1E600] =	vst v63  }
0xd0: {  	_ =	swait.ge [sflag:s16], $0x4000  }
0xd1: {  	s6 =	sadd.s32 @!p2 s23, s20;
	[sflag:s16] =	ssyncset.done $0x0  }
0xd2: {  	s6 =	sadd.s32 @!p2 $0x90, s6;
	s5 =	simm.s32 @!p2 $0x2880;
	[sflag:s16] =	ssyncadd.s32 $0xFFFFC000  }
0xd3: {  	[tilespmem:s5], [sflag:$0x4] =	stream.linear.gather @!p2 [hbm4b:s6+s24], $0x80, $0x38;
	[tilespmem:$0x1E600] =	vst v63  }
0xd4: {  	s10 =	sadd.s32 $0xFFFFFF80, s21  }
0xd5: {  	[tilespmem:s1], [sflag:$0x2] =	stream.indirect.gather [hbm4b:s4+s0], $0x80, s10, s0, $0xb8;
	[tilespmem:$0x1E600] =	vst v63  }
0xd6: {  	_ =	swait.ge [sflag:s11], $0x4000  }
0xd7: {  	[sflag:s11] =	ssyncset.done $0x0  }
0xd8: {  	[sflag:s11] =	ssyncadd.s32 $0xFFFFC000  }
0xd9: {  	_ =	swait.ge [sflag:s17], $0x80  }
0xda: {  	[sflag:s17] =	ssyncset.done $0x0  }
0xdb: {  	[sflag:s17] =	ssyncadd.s32 $0xFFFFFF80  }
0xdc: {  	[spmem:s2] =	stream.indirect.scatter.add.f32 [tilespmem:s25], [sflag:$0x7], $0x80, s30, s0, $0xb8;
	[tilespmem:$0x1E600] =	vst v63  }
0xdd: {  	_ =	swait.ge [sflag:s13], $0x4000  }
0xde: {  	s22 =	sadd.s32 $0x40, s22;
	s5 =	rddreg [dreg:$0x4];
	[sflag:s13] =	ssyncset.done $0x0  }
0xdf: {  	s6 =	simm.s32 @!p2 $0x2900;
	[sflag:s13] =	ssyncadd.s32 $0xFFFFC000;
	s5 =	sadd.s32 @!p2 s23, s5  }
0xe0: {  	[tilespmem:s6], [sflag:$0x5] =	stream.linear.gather @!p2 [hbm4b:s5+s24], $0x80, $0x38;
	[tilespmem:$0x1E600] =	vst v63  }
0xe1: {  	p1 =	sne.s32 s22, $0x4C0;
	s7 =	simm.s32 @!p2 $0x80;
	s10 =	simm.s32 @!p2 $0x2A00  }
0xe2: {  	[tilespmem:s10], [sflag:$0x1] =	stream.indirect.gather @!p2 [hbm4b:s4+s7], $0x80, s21, s7, $0xb8;
	[tilespmem:$0x1E600] =	vst v63  }
.Ltmp1:
0xe3: {  	_ =	swait.ge [sflag:s14], $0x4000;
	(pc) =	sbr.rel @p1 .LBB2_4-.Ltmp1, $4  }
0xe4: {  	[sflag:s14] =	ssyncset.done $0x0  }
0xe5: {  	[sflag:s14] =	ssyncadd.s32 $0xFFFFC000  }
0xe6: {  	_ =	swait.ge [sflag:s18], $0x80  }
0xe7: {  	[sflag:s18] =	ssyncset.done $0x0  }
0xe8: {  	[sflag:s18] =	ssyncadd.s32 $0xFFFFFF80  }
0xe9: {  	[spmem:s2] =	stream.indirect.scatter.add.f32 [tilespmem:s1], [sflag:$0x8], $0x80, s31, s0, $0xb8;
	[tilespmem:$0x1E600] =	vst v63  }
0xea: {  	_ =	swait.ge [sflag:s16], $0x4000  }
0xeb: {  	[sflag:s16] =	ssyncset.done $0x0  }
0xec: {  	[sflag:s16] =	ssyncadd.s32 $0xFFFFC000  }
0xed: {  	s5 =	stileid.u32;
	[bflag:$0x0] =	sbarrier.arrive $0xFFFF  }
0xee: {  	s5 =	sshll.u32 s5, $0x6;
	s6 =	rddreg [dreg:$0x6]  }
0xef: {  	s5 =	sor.u32 $0x1C09, s5;
	s7 =	rddreg [dreg:$0x10];
	s6 =	sshrl.u32 s6, $0x3  }
0xf0: {  	[hbm:s7], [sflag:s5] =	dma.local [spmem:s6], $0x800  }
0xf1: {  	_ =	swait.ge [sflag:s26], $0x800  }
0xf2: {  	[sflag:s26] =	ssyncset.done $0x0;
	s23 =	rddreg [dreg:$0x7]  }
0xf3: {  	s24 =	rddreg [dreg:$0x11];
	[sflag:s26] =	ssyncadd.s32 $0xFFFFF800;
	s6 =	sshrl.u32 s23, $0x3  }
0xf4: {  	[hbm:s24], [sflag:s5] =	dma.local [spmem:s6], $0x800  }
0xf5: {  	_ =	swait.ge [sflag:s26], $0x800  }
0xf6: {  	[sflag:s26] =	ssyncset.done $0x0;
	s10 =	rddreg [dreg:$0x8]  }
0xf7: {  	s21 =	rddreg [dreg:$0x12];
	[sflag:s26] =	ssyncadd.s32 $0xFFFFF800;
	s6 =	sshrl.u32 s10, $0x3  }
0xf8: {  	[hbm:s21], [sflag:s5] =	dma.local [spmem:s6], $0x800  }
0xf9: {  	_ =	swait.ge [sflag:s26], $0x800  }
0xfa: {  	[sflag:s26] =	ssyncset.done $0x0  }
0xfb: {  	s22 =	sshrl.u32 s8, $0x3;
	s23 =	rddreg [dreg:$0x13];
	[sflag:s26] =	ssyncadd.s32 $0xFFFFF800  }
0xfc: {  	[hbm:s23], [sflag:s5] =	dma.local [spmem:s22], $0x800  }
0xfd: {  	_ =	swait.ge [sflag:s26], $0x800  }
0xfe: {  	[sflag:s26] =	ssyncset.done $0x0  }
0xff: {  	s6 =	sshrl.u32 @!p0 s9, $0x3;
	s7 =	rddreg [dreg:$0x14];
	[sflag:s26] =	ssyncadd.s32 $0xFFFFF800  }
0x100: {  	[hbm:s7], [sflag:s5] =	dma.local @!p0 [spmem:s6], $0x800  }
0x101: {  	s5 =	simm.s32 @!p0 $0x9  }
0x102: {  	_ =	swait.ge @!p0 [sflag:s5], $0x800  }
0x103: {  	s19 =	sadd.s32 $0x1, s19;
	s24 =	rddreg [dreg:$0x16]  }
0x104: {  	p1 =	sne.s32 s19, s24  }
.Ltmp2:
0x105: {  	_ = 	snop;
	(pc) =	sbr.rel @p1 .LBB2_1-.Ltmp2, $3  }
0x106: {  	_ =	sdelay $0x1  }
0x107: {  	[sflag:s5] =	ssyncset.done @!p0 $0x0  }
0x108: {  	[sflag:s5] =	ssyncadd.s32 @!p0 $0xFFFFF800  }
0x109: {  	_ =	sfence.sel $0x180000  }
0x10a: {  	[bflag:$0x0] =	sbarrier.arrive $0xFFFF  }
0x10b: {  	_ =	strace $0x9000004D  }
0x10c: {  	s0 =	stileid.u32;
	[bflag:$0x2] =	sbarrier.arrive $0xFFFF  }
0x10d: {  	p0 =	sne.s32 s0, $0x0;
	s0 =	rddreg [dreg:$0x3]  }
0x10e: {  	s0 =	sadd.s32 @!p0 $0x100000, s0  }
0x10f: {  	[sflag:s0] =	ssyncadd.tile.s32 @!p0 $0x1;
	_ =	shalt  }
.Lfunc_end2:
_tile_overlayer_lowered:
.L_overlay_start_2:
0x110: {  	(tag) =	ssettag $0x2  }
0x111: {  	s0 =	rddreg [dreg:$0x0];
	s2 =	stileid.u32  }
0x112: {  	s1 =	rddreg [dreg:$0x1];
	p0 =	sne.s32 s2, $0x0  }
0x113: {  	s3 =	rddreg [dreg:$0x2];
	[bflag:$0x3] =	sbarrier.arrive $0xFFFF;
	s2 =	simm.s32 @!p0 $0x1C09  }
0x114: {  	[timem:s3], [sflag:s2] =	dma.local @!p0 [hbm:s0], s1  }
0x115: {  	s0 =	simm.s32 @!p0 $0x9  }
0x116: {  	_ =	swait.ge @!p0 [sflag:s0], s1  }
0x117: {  	s1 =	ssub.s32 @!p0 $0x0, s1;
	[sflag:s0] =	ssyncset.done @!p0 $0x0  }
0x118: {  	[sflag:s0] =	ssyncadd.s32 @!p0 s1  }
0x119: {  	[bflag:$0x3] =	sbarrier.arrive $0xFFFF  }
0x11a: {  	_ =	shalt  }

// kernel: kernel.8.cloned.1.call-start
scs
__scs_entry_jumppad:
0x0: {  	(pc) =	sbr.rel $0x88, $3  }
0x1: {  	(tag) =	ssettag $0x0;
	lr =	simm.s32 $0x1  }
0x2: {  	[smem:$0x3F9B] =	sst lr;
	_ =	strace $0xD0000000  }
0x3: {  	_ = 	snop  }
0x4: {  	_ = 	snop  }
0x5: {  	_ = 	snop  }
0x6: {  	_ = 	snop  }
0x7: {  	_ = 	snop  }
__scs_overlays_trampoline_lowered:
0x8: {  	[smem:$0x3FAA] =	sst s0  }
0x9: {  	[smem:$0x3FAB] =	sst s1  }
0xa: {  	[smem:$0x3FAC] =	sst s2  }
0xb: {  	[smem:$0x3FAD] =	sst s3  }
0xc: {  	[smem:$0x3FAE] =	sst s4  }
0xd: {  	[smem:$0x3FAF] =	sst s5  }
0xe: {  	[smem:$0x3FB0] =	sst s6  }
0xf: {  	[smem:$0x3FB1] =	sst s7  }
0x10: {  	[smem:$0x3FB2] =	sst s8  }
0x11: {  	[smem:$0x3FB3] =	sst s9;
	s0 =	simm.s32 @!p0 $0x0  }
0x12: {  	s1 =	sld [smem:$0x3F99];
	s0 =	simm.s32 @p0 $0x1  }
0x13: {  	[smem:$0x3FB4] =	sst s0;
	s0 =	simm.s32 @!p1 $0x0  }
0x14: {  	s2 =	sld [smem:$0x3F98];
	s0 =	simm.s32 @p1 $0x1  }
0x15: {  	[smem:$0x3FB5] =	sst s0;
	s0 =	simm.s32 @!p2 $0x0  }
0x16: {  	s3 =	sld [smem:$0x3FDB];
	s0 =	simm.s32 @p2 $0x1  }
0x17: {  	s4 =	simm.s32 $0x1BF5;
	[smem:$0x3FB7] =	sst s0  }
0x18: {  	s0 =	sld [smem:$0x3F9A];
	_ =	swait.ge [sflag:s4], $0x0  }
0x19: {  	s7 =	sld [smem:$0x3F9B]  }
0x1a: {  	s8 =	sadd.s32 $0xFFFFE003, lr  }
0x1b: {  	s9 =	sadd.s32 $0xFFFFFEF7, lr;
	s5 =	simm.s32 $0xFFFFFFFF;
	p2 =	slt.u32 s8, $0xFFFFF086  }
0x1c: {  	p1 =	slt.u32 s9, $0xF7A;
	s5 =	simm.s32 @!p2 $0x0  }
0x1d: {  	s5 =	simm.s32 @p1 $0x1;
	p0 =	seq.s32 s7, s2  }
0x1e: {  	s7 =	smul.u32 @!p0 $0xF7A, s2;
	p2 =	seq.s32 @!p0 s5, $0x0  }
0x1f: {  	s9 =	smul.u32 $0xF7A, s1;
	s8 =	simm.s32 @!p0 $0x1BF5;
	p2 =	por !p2, p0  }
0x20: {  	[sflag:s8] =	ssyncset.s32 @!p0 $0xFFFFF086;
	s6 =	sadd.s32 @!p0 s3, s7;
	s7 =	simm.s32 @!p0 $0x108  }
0x21: {  	s3 =	sadd.s32 s3, s9;
	s6 =	sadd.s32 @!p0 $0x88, s6;
	s7 =	simm.s32 @p2 $0x1082  }
0x22: {  	[simem:s7], [sflag:s8] =	dma.local @!p0 [hbm:s6], $0xF7A  }
0x23: {  	s9 =	sor.u32 $0xD0000000, s2;
	s6 =	simm.s32 $0x108;
	_ =	swait.ge @!p0 [sflag:s8], $0x0  }
0x24: {  	s3 =	sadd.s32 $0x88, s3;
	s6 =	simm.s32 @!p1 $0x1082;
	[sflag:s4] =	ssyncset.s32 $0xFFFFF086  }
0x25: {  	[simem:s6], [sflag:s4] =	dma.local [hbm:s3], $0xF7A  }
0x26: {  	[smem:$0x3F9B] =	sst s1;
	(tag) =	ssettag s2;
	_ =	strace s9  }
0x27: {  	s1 =	sld [smem:$0x3FAB]  }
0x28: {  	s2 =	sld [smem:$0x3FAC]  }
0x29: {  	s4 =	sld [smem:$0x3FAE]  }
0x2a: {  	p0 =	seq.s32 s5, $0x0;
	s5 =	sld [smem:$0x3FAF]  }
0x2b: {  	s6 =	sld [smem:$0x3FB0]  }
0x2c: {  	s7 =	sld [smem:$0x3FB1]  }
0x2d: {  	s3 =	simm.s32 $0x108;
	s8 =	sld [smem:$0x3FB2]  }
0x2e: {  	s3 =	simm.s32 @!p0 $0x1082;
	s9 =	sld [smem:$0x3FB3]  }
0x2f: {  	lr =	sadd.s32 s0, s3;
	s0 =	sld [smem:$0x3FAA]  }
0x30: {  	s3 =	sld [smem:$0x3FAD]  }
0x31: {  	[smem:$0x3FB6] =	sst s10  }
0x32: {  	s10 =	sld [smem:$0x3FB4];
	_ =	sdelay $0x3  }
0x33: {  	p0 =	seq.s32 s10, $0x1;
	s10 =	sld [smem:$0x3FB6];
	_ =	sdelay $0x3  }
0x34: {  	[smem:$0x3FB6] =	sst s10  }
0x35: {  	s10 =	sld [smem:$0x3FB5];
	_ =	sdelay $0x3  }
0x36: {  	p1 =	seq.s32 s10, $0x1;
	s10 =	sld [smem:$0x3FB6];
	_ =	sdelay $0x3  }
0x37: {  	[smem:$0x3FB6] =	sst s10  }
0x38: {  	s10 =	sld [smem:$0x3FB7]  }
0x39: {  	_ = 	snop;
	(pc) =	sbr.ind lr, $3  }
0x3a: {  	_ = 	snop  }
0x3b: {  	_ = 	snop  }
0x3c: {  	p2 =	seq.s32 s10, $0x1;
	s10 =	sld [smem:$0x3FB6]  }
0x3d: {  	_ =	shalt  }
0x3e: {  	_ =	shalt  }
0x3f: {  	_ =	shalt  }
0x40: {  	_ =	shalt  }
0x41: {  	_ =	shalt  }
0x42: {  	_ =	shalt  }
0x43: {  	_ =	shalt  }
0x44: {  	_ =	shalt  }
0x45: {  	_ =	shalt  }
0x46: {  	_ =	shalt  }
0x47: {  	_ =	shalt  }
0x48: {  	_ =	shalt  }
0x49: {  	_ =	shalt  }
0x4a: {  	_ =	shalt  }
0x4b: {  	_ =	shalt  }
0x4c: {  	_ =	shalt  }
0x4d: {  	_ =	shalt  }
0x4e: {  	_ =	shalt  }
0x4f: {  	_ =	shalt  }
0x50: {  	_ =	shalt  }
0x51: {  	_ =	shalt  }
0x52: {  	_ =	shalt  }
0x53: {  	_ =	shalt  }
0x54: {  	_ =	shalt  }
0x55: {  	_ =	shalt  }
0x56: {  	_ =	shalt  }
0x57: {  	_ =	shalt  }
0x58: {  	_ =	shalt  }
0x59: {  	_ =	shalt  }
0x5a: {  	_ =	shalt  }
0x5b: {  	_ =	shalt  }
0x5c: {  	_ =	shalt  }
0x5d: {  	_ =	shalt  }
0x5e: {  	_ =	shalt  }
0x5f: {  	_ =	shalt  }
0x60: {  	_ =	shalt  }
0x61: {  	_ =	shalt  }
0x62: {  	_ =	shalt  }
0x63: {  	_ =	shalt  }
0x64: {  	_ =	shalt  }
0x65: {  	_ =	shalt  }
0x66: {  	_ =	shalt  }
0x67: {  	_ =	shalt  }
0x68: {  	_ =	shalt  }
0x69: {  	_ =	shalt  }
0x6a: {  	_ =	shalt  }
0x6b: {  	_ =	shalt  }
0x6c: {  	_ =	shalt  }
0x6d: {  	_ =	shalt  }
0x6e: {  	_ =	shalt  }
0x6f: {  	_ =	shalt  }
0x70: {  	_ =	shalt  }
0x71: {  	_ =	shalt  }
0x72: {  	_ =	shalt  }
0x73: {  	_ =	shalt  }
0x74: {  	_ =	shalt  }
0x75: {  	_ =	shalt  }
0x76: {  	_ =	shalt  }
0x77: {  	_ =	shalt  }
0x78: {  	_ =	shalt  }
0x79: {  	_ =	shalt  }
0x7a: {  	_ =	shalt  }
0x7b: {  	_ =	shalt  }
0x7c: {  	_ =	shalt  }
0x7d: {  	_ =	shalt  }
0x7e: {  	_ =	shalt  }
0x7f: {  	_ =	shalt  }
0x80: {  	_ =	shalt  }
0x81: {  	_ =	shalt  }
0x82: {  	_ =	shalt  }
0x83: {  	_ =	shalt  }
0x84: {  	_ =	shalt  }
0x85: {  	_ =	shalt  }
0x86: {  	_ =	shalt  }
0x87: {  	_ =	shalt  }
.Lfunc_end0:
.L_simem_size_0:
called_computation_lowered:
.L_overlay_start_0:
0x88: {  	s2 =	sld [smem:$0x3FD9]  }
0x89: {  	s3 =	sld [smem:$0x3FFE];
	_ =	sdelay $0x1  }
0x8a: {  	s1 =	srdreg.scid  }
0x8b: {  	s0 =	sand.u32 $0x1, s1  }
0x8c: {  	s17 =	sshll.u32 s0, $0xA;
	s2 =	sadd.s32 s3, s2  }
0x8d: {  	s2 =	sadd.s32 s2, s17  }
0x8e: {  	[smem:$0x3FC2] =	sst s2  }
0x8f: {  	_ = 	snop  }
0x90: {  	s2 =	sld [smem:$0x3FD0];
	(tm) =	ssettm $0x1  }
0x91: {  	s18 =	sld [smem:$0x3FFB];
	_ =	sdelay $0x3  }
0x92: {  	_ =	strace s18  }
0x93: {  	s3 =	sld [smem:$0x3FFC];
	_ =	sdelay $0x3  }
0x94: {  	_ =	strace s3  }
0x95: {  	s3 =	sld [smem:$0x3FFD];
	_ =	sdelay $0x3  }
0x96: {  	_ =	strace s3  }
0x97: {  	_ =	strace $0x8FFFFFFF  }
0x98: {  	s19 =	sld [smem:$0x3FDB];
	_ =	sdelay $0x1  }
0x99: {  	s4 =	simm.s32 $_scs_section_size  }
0x9a: {  	s5 =	simm.s32 $_size__tile_overlayer_lowered;
	s6 =	simm.s32 $_tile_overlayer_lowered  }
0x9b: {  	s22 =	simm.s32 $0x1BFF;
	s21 =	sshll.u32 s6, $0x1;
	s3 =	sadd.s32 s4, s19  }
0x9c: {  	s7 =	simm.s32 $0x0;
	s20 =	sshll.u32 s5, $0x1;
	s5 =	sadd.s32 s21, s3  }
0x9d: {  	[timem:s7], [sflag:s22] =	dma.local [hbm:s5], s20  }
0x9e: {  	_ =	swait.ge [sflag:s22], s20  }
0x9f: {  	s4 =	ssub.s32 $0x0, s20;
	[sflag:s22] =	ssyncset.done $0x0  }
0xa0: {  	[sflag:s22] =	ssyncadd.s32 s4;
	_ =	sdelay $0x1  }
0xa1: {  	s23 =	simm.s32 $0x1B8B  }
0xa2: {  	_ =	swait.ge [sflag:s23], $0x1  }
0xa3: {  	[sflag:s23] =	ssyncset.done $0x0  }
0xa4: {  	s25 =	simm.s32 $0x1B8E;
	s24 =	sld [smem:$0x3FFE];
	[sflag:s23] =	ssyncadd.s32 $0xFFFFFFFF  }
0xa5: {  	s26 =	simm.s32 $execute0_lowered;
	[smem:$0x3FD2] =	sst s25  }
0xa6: {  	s5 =	sshll.u32 s26, $0x1;
	_ =	strace $0x80000046;
	[dreg:$0x1] =	wrdreg $0xFFFFFFFF  }
0xa7: {  	s28 =	simm.s32 $_size_execute0_lowered;
	s3 =	sadd.s32 s3, s5;
	[dreg:$0x0] =	wrdreg $0x0  }
0xa8: {  	s5 =	sshll.u32 s28, $0x1;
	[dreg:$0x2] =	wrdreg s3  }
0xa9: {  	[dreg:$0x3] =	wrdreg s5  }
0xaa: {  	[dreg:$0x4] =	wrdreg $0xC0  }
0xab: {  	_ =	task [dreg:s7], $0x5FFFF  }
0xac: {  	[dreg:$0x1] =	wrdreg $0xFFFFFFFF  }
0xad: {  	[dreg:$0x0] =	wrdreg $0x60  }
0xae: {  	[dreg:$0x2] =	wrdreg s2  }
0xaf: {  	[dreg:$0x3] =	wrdreg s24  }
0xb0: {  	[dreg:$0x4] =	wrdreg $0x42000  }
0xb1: {  	[dreg:$0x5] =	wrdreg $0x9  }
0xb2: {  	_ =	task.clear_ibuf [dreg:s7], $0x6FFFF;
	_ =	strace $0x90000046  }
0xb3: {  	s29 =	simm.s32 $0x9;
	_ =	strace $0x80000048  }
0xb4: {  	_ =	swait.ge [sflag:s29], $0x1  }
0xb5: {  	[sflag:s29] =	ssyncadd.s32 $0xFFFFFFFF  }
0xb6: {  	_ =	strace $0x90000048  }
0xb7: {  	_ =	sfence  }
0xb8: {  	s30 =	sld [smem:$0x0];
	_ =	sdelay $0x2  }
0xb9: {  	s31 =	sshll.u32 s1, $0xD;
	s1 =	sshrl.u32 s1, $0x2  }
0xba: {  	s3 =	sand.u32 $0x4000, s31;
	s1 =	sadd.s32 s1, s30  }
0xbb: {  	s0 =	sor.u32 s3, s0;
	s1 =	sshll.u32 s1, $0x11  }
0xbc: {  	s0 =	sor.u32 s1, s0  }
0xbd: {  	s0 =	sadd.s32 $0x8F2B, s0  }
0xbe: {  	[sflag:s0] =	ssyncadd.remote.s32 $0x1  }
0xbf: {  	_ =	sfence.sel $0xFFFF  }
0xc0: {  	[dreg:$0x0] =	wrdreg $0xFFFFFFFF;
	(pc) =	sbr.abs _section_cstart, $3  }
0xc1: {  	[dreg:$0x1] =	wrdreg $0xFFFFFFFF  }
0xc2: {  	_ =	task.clear_ibuf [dreg:s7], $0x2FFFF;
	_ =	strace $0x9FFFFFFF  }
0xc3: {  	(tm) =	ssettm $0x7FFFFFFF  }
tec
execute0_lowered:
.L_overlay_start_1:
0x0: {  	(tag) =	ssettag $0x1  }
0x1: {  	s0 =	rddreg [dreg:$0x0]  }
0x2: {  	s3 =	rddreg [dreg:$0x1]  }
0x3: {  	s1 =	rddreg [dreg:$0x2];
	s2 =	simm.s32 $0x0  }
0x4: {  	s4 =	srdreg.scid;
	s13 =	stileid.u32;
	s28 =	simm.s32 $0x180  }
0x5: {  	s29 =	simm.s32 $0x1;
	s30 =	simm.s32 $0x3;
	s31 =	simm.s32 $0x4  }
0x6: {  	[smem:$0x7FF] =	sst s2;
	s4 =	sand.u32 $0x1, s4;
	s5 =	sadd.s32 $0x1E00, s3  }
0x7: {  	s3 =	sadd.s32 $0x2600, s3;
	s10 =	sshll.u32 s13, $0xE;
	s20 =	smul.u32 $0x50, s13  }
0x8: {  	p0 =	seq.s32 s13, $0xF;
	_ =	strace $0x80000047;
	[dreg:$0x4] =	wrdreg s5  }
0x9: {  	s22 =	ssub.s32 $0x2, s4;
	s7 =	sshll.u32 s4, $0x4;
	s5 =	sadd.s32 s10, s1  }
0xa: {  	s15 =	sor.u32 $0x40000, s10;
	s16 =	sor.u32 $0x80000, s10;
	s18 =	smul.u32 $0x13C000, s4  }
0xb: {  	s17 =	sor.u32 $0xC0000, s10;
	s19 =	sor.u32 $0x100000, s10;
	s4 =	smul.u32 $0x500, s4  }
0xc: {  	s6 =	sshrl.u32 s22, $0x1;
	s23 =	sor.u32 s13, s7;
	s7 =	sadd.s32 s16, s1  }
0xd: {  	s8 =	sadd.s32 s17, s1;
	s11 =	ssub.s32 s22, s6;
	s9 =	smul.u32 $0x500, s23  }
0xe: {  	s6 =	sadd.s32 s15, s1;
	s12 =	sadd.s32 s10, s18;
	s10 =	sadd.s32 s19, s1  }
0xf: {  	s15 =	sadd.s32 s18, s15;
	s16 =	sadd.s32 s18, s16;
	s17 =	sadd.s32 s18, s17  }
0x10: {  	s18 =	sadd.s32 s18, s19;
	s4 =	sadd.s32 s20, s4;
	s23 =	simm.s32 $0x200  }
0x11: {  	s24 =	sshrl.u32 s12, $0x3;
	s15 =	sshrl.u32 s15, $0x3;
	s16 =	sshrl.u32 s16, $0x3  }
0x12: {  	s17 =	sshrl.u32 s17, $0x3;
	s18 =	sshrl.u32 s18, $0x3;
	s4 =	sshll.u32 s4, $0x4  }
0x13: {  	s19 =	smax.u32 s11, $0x1;
	s9 =	sadd.s32 s0, s9;
	s15 =	sadd.s32 s3, s15  }
0x14: {  	s16 =	sadd.s32 s3, s16;
	s17 =	sadd.s32 s3, s17;
	s18 =	sadd.s32 s3, s18  }
.Ltmp0:
0x15: {  	s20 =	sadd.s32 s4, s0;
	s14 =	sadd.s32 $0x10, s9;
	(pc) =	sbr.rel .LBB2_1-.Ltmp0, $4  }
0x16: {  	s0 =	simm.s32 $0x0;
	s25 =	sadd.s32 $0x20, s9;
	[dreg:$0x5] =	wrdreg s14  }
0x17: {  	s26 =	sadd.s32 $0x30, s9;
	s21 =	sadd.s32 $0x60, s20;
	[dreg:$0x6] =	wrdreg s25  }
0x18: {  	s22 =	sadd.s32 $0x40, s20;
	[dreg:$0x7] =	wrdreg s26;
	s14 =	sadd.s32 s3, s24  }
0x19: {  	v0 =	vimm.f32 $0.0e+00;
	s24 =	simm.s32 $0x5;
	s25 =	simm.s32 $0x80;
	s26 =	simm.s32 $0x100  }
.LBB2_6:
0x1a: {  	_ =	swait.ge [sflag:s31], $0x80  }
0x1b: {  	[sflag:s31] =	ssyncset.done $0x0  }
0x1c: {  	[sflag:s31] =	ssyncadd.s32 $0xFFFFFF80  }
0x1d: {  	[spmem:s1] =	stream.indirect.scatter.add.f32 [tilespmem:s23], [sflag:$0x5], $0x80, s28, s25, $0xb8;
	[tilespmem:$0x17E00] =	vst v63  }
0x1e: {  	_ =	swait.ge [sflag:s24], $0x4000  }
0x1f: {  	s3 =	stileid.u32;
	[sflag:s24] =	ssyncset.done $0x0  }
0x20: {  	s3 =	sshll.u32 s3, $0x6;
	[sflag:s24] =	ssyncadd.s32 $0xFFFFC000  }
0x21: {  	s4 =	sshrl.u32 s5, $0x3;
	s3 =	sor.u32 $0x1C05, s3;
	[bflag:$0x0] =	sbarrier.arrive $0xFFFF  }
0x22: {  	[hbm:s14], [sflag:s3] =	dma.local [spmem:s4], $0x800  }
0x23: {  	_ =	swait.ge [sflag:s24], $0x800  }
0x24: {  	[sflag:s24] =	ssyncset.done $0x0  }
0x25: {  	s11 =	sshrl.u32 s6, $0x3;
	[sflag:s24] =	ssyncadd.s32 $0xFFFFF800  }
0x26: {  	[hbm:s15], [sflag:s3] =	dma.local [spmem:s11], $0x800  }
0x27: {  	_ =	swait.ge [sflag:s24], $0x800  }
0x28: {  	[sflag:s24] =	ssyncset.done $0x0  }
0x29: {  	s12 =	sshrl.u32 s7, $0x3;
	[sflag:s24] =	ssyncadd.s32 $0xFFFFF800  }
0x2a: {  	[hbm:s16], [sflag:s3] =	dma.local [spmem:s12], $0x800  }
0x2b: {  	_ =	swait.ge [sflag:s24], $0x800  }
0x2c: {  	[sflag:s24] =	ssyncset.done $0x0  }
0x2d: {  	s13 =	sshrl.u32 s8, $0x3;
	[sflag:s24] =	ssyncadd.s32 $0xFFFFF800  }
0x2e: {  	[hbm:s17], [sflag:s3] =	dma.local [spmem:s13], $0x800  }
0x2f: {  	_ =	swait.ge [sflag:s24], $0x800  }
0x30: {  	s0 =	sadd.s32 $0x1, s0;
	[sflag:s24] =	ssyncset.done $0x0  }
0x31: {  	p1 =	sne.s32 s0, s19;
	s4 =	sshrl.u32 @!p0 s10, $0x3;
	[sflag:s24] =	ssyncadd.s32 $0xFFFFF800  }
0x32: {  	[hbm:s18], [sflag:s3] =	dma.local @!p0 [spmem:s4], $0x800  }
.Ltmp1:
0x33: {  	_ = 	snop;
	(pc) =	sbr.rel @!p1 .LBB2_7-.Ltmp1, $4  }
0x34: {  	s3 =	simm.s32 @!p0 $0x5  }
0x35: {  	_ =	swait.ge @!p0 [sflag:s3], $0x800  }
0x36: {  	[sflag:s3] =	ssyncset.done @!p0 $0x0  }
0x37: {  	[sflag:s3] =	ssyncadd.s32 @!p0 $0xFFFFF800  }
.LBB2_1:
0x38: {  	s3 =	sand.u32 $0xFE00, s2  }
0x39: {  	s4 =	sand.u32 $0x70, s2;
	s11 =	sshrl.u32 s3, $0x2  }
0x3a: {  	s3 =	simm.s32 $0x40;
	s11 =	sor.u32 s4, s11;
	s4 =	simm.s32 $0x0  }
.LBB2_2:
0x3b: {  	p1 =	sne.s32 s3, $0xFFC0  }
0x3c: {  	[tilespmem:s11+$0x200] =	vst v0;
	s4 =	sadd.s32 $0x10, s4;
	s11 =	smov.u32 s3;
	s3 =	sadd.s32 $0x40, s3  }
.Ltmp2:
0x3d: {  	(pc) =	sbr.rel @p1 .LBB2_2-.Ltmp2, $4  }
0x3e: {  	_ = 	snop  }
0x3f: {  	s11 =	sand.u32 $0xFE00, s11  }
0x40: {  	s12 =	sand.u32 $0x70, s4;
	s11 =	sshrl.u32 s11, $0x2  }
0x41: {  	s11 =	sor.u32 s12, s11  }
0x42: {  	[tilespmem:s11+$0x200] =	vst v0  }
0x43: {  	[spmem:s5] =	stream.linear.scatter [tilespmem:s23], [sflag:$0x5], $0x4000, $0x38;
	[tilespmem:$0x17E00] =	vst v63  }
0x44: {  	_ =	swait.ge [sflag:s24], $0x4000  }
0x45: {  	[sflag:s24] =	ssyncset.done $0x0  }
0x46: {  	[sflag:s24] =	ssyncadd.s32 $0xFFFFC000  }
0x47: {  	[spmem:s6] =	stream.linear.scatter [tilespmem:s23], [sflag:$0x5], $0x4000, $0x38;
	[tilespmem:$0x17E00] =	vst v63  }
0x48: {  	_ =	swait.ge [sflag:s24], $0x4000  }
0x49: {  	[sflag:s24] =	ssyncset.done $0x0  }
0x4a: {  	[sflag:s24] =	ssyncadd.s32 $0xFFFFC000  }
0x4b: {  	[spmem:s7] =	stream.linear.scatter [tilespmem:s23], [sflag:$0x5], $0x4000, $0x38;
	[tilespmem:$0x17E00] =	vst v63  }
0x4c: {  	_ =	swait.ge [sflag:s24], $0x4000  }
0x4d: {  	[sflag:s24] =	ssyncset.done $0x0  }
0x4e: {  	[sflag:s24] =	ssyncadd.s32 $0xFFFFC000  }
0x4f: {  	[spmem:s8] =	stream.linear.scatter [tilespmem:s23], [sflag:$0x5], $0x4000, $0x38;
	[tilespmem:$0x17E00] =	vst v63  }
0x50: {  	_ =	swait.ge [sflag:s24], $0x4000  }
0x51: {  	[sflag:s24] =	ssyncset.done $0x0  }
0x52: {  	s3 =	simm.s32 @!p0 $0x200;
	[sflag:s24] =	ssyncadd.s32 $0xFFFFC000  }
0x53: {  	[spmem:s10] =	stream.linear.scatter @!p0 [tilespmem:s3], [sflag:$0x5], $0x4000, $0x38;
	[tilespmem:$0x17E00] =	vst v63  }
0x54: {  	s3 =	simm.s32 @!p0 $0x5  }
0x55: {  	_ =	swait.ge @!p0 [sflag:s3], $0x4000  }
0x56: {  	[sflag:s3] =	ssyncset.done @!p0 $0x0  }
0x57: {  	[sflag:s3] =	ssyncadd.s32 @!p0 $0xFFFFC000  }
0x58: {  	[bflag:$0x0] =	sbarrier.arrive $0xFFFF  }
0x59: {  	s3 =	simm.s32 $0x0;
	s4 =	rddreg [dreg:$0x4]  }
0x5a: {  	[tilespmem:s23], [sflag:$0x5] =	stream.linear.gather [hbm4b:s4+s3], $0x4000, $0x38;
	[tilespmem:$0x17E00] =	vst v63  }
0x5b: {  	_ =	swait.ge [sflag:s24], $0x4000  }
0x5c: {  	[sflag:s24] =	ssyncset.done $0x0  }
0x5d: {  	[sflag:s24] =	ssyncadd.s32 $0xFFFFC000  }
0x5e: {  	[tilespmem:s3], [sflag:$0x1] =	stream.linear.gather [hbm4b:s9+s3], $0x80, $0x38;
	[tilespmem:$0x17E00] =	vst v63  }
0x5f: {  	s11 =	rddreg [dreg:$0x5]  }
0x60: {  	[tilespmem:s25], [sflag:$0x2] =	stream.linear.gather [hbm4b:s11+s3], $0x80, $0x38;
	[tilespmem:$0x17E00] =	vst v63  }
0x61: {  	s12 =	rddreg [dreg:$0x6]  }
0x62: {  	[tilespmem:s26], [sflag:$0x3] =	stream.linear.gather [hbm4b:s12+s3], $0x80, $0x38;
	[tilespmem:$0x17E00] =	vst v63  }
0x63: {  	s13 =	rddreg [dreg:$0x7]  }
0x64: {  	[tilespmem:s28], [sflag:$0x4] =	stream.linear.gather [hbm4b:s13+s3], $0x80, $0x38;
	[tilespmem:$0x17E00] =	vst v63  }
.LBB2_4:
0x65: {  	_ =	swait.ge [sflag:s29], $0x80  }
0x66: {  	[sflag:s29] =	ssyncset.done $0x0  }
0x67: {  	[sflag:s29] =	ssyncadd.s32 $0xFFFFFF80  }
0x68: {  	[spmem:s1] =	stream.indirect.scatter.add.f32 [tilespmem:s23], [sflag:$0x5], $0x80, s2, s25, $0xb8;
	[tilespmem:$0x17E00] =	vst v63  }
0x69: {  	_ =	swait.ge [sflag:s24], $0x4000  }
0x6a: {  	p1 =	seq.s32 s3, $0x4C0;
	[sflag:s24] =	ssyncset.done $0x0  }
0x6b: {  	s4 =	simm.s32 @p1 $0x2;
	[sflag:s24] =	ssyncadd.s32 $0xFFFFC000  }
0x6c: {  	_ =	swait.ge @p1 [sflag:s4], $0x80  }
0x6d: {  	[sflag:s4] =	ssyncset.done @p1 $0x0  }
0x6e: {  	s11 =	simm.s32 @p1 $0x200;
	[sflag:s4] =	ssyncadd.s32 @p1 $0xFFFFFF80;
	s4 =	simm.s32 @p1 $0x80  }
0x6f: {  	[spmem:s1] =	stream.indirect.scatter.add.f32 @p1 [tilespmem:s11], [sflag:$0x5], $0x80, s4, s4, $0xb8;
	[tilespmem:$0x17E00] =	vst v63  }
0x70: {  	s4 =	simm.s32 @p1 $0x5  }
0x71: {  	_ =	swait.ge @p1 [sflag:s4], $0x4000  }
0x72: {  	[sflag:s4] =	ssyncset.done @p1 $0x0  }
0x73: {  	s11 =	simm.s32 @!p1 $0x0;
	[sflag:s4] =	ssyncadd.s32 @p1 $0xFFFFC000;
	s4 =	sadd.s32 @!p1 s3, s22  }
0x74: {  	[tilespmem:s11], [sflag:$0x1] =	stream.linear.gather @!p1 [hbm4b:s4+s11], $0x80, $0x38;
	[tilespmem:$0x17E00] =	vst v63  }
0x75: {  	s4 =	simm.s32 @!p1 $0x2  }
0x76: {  	_ =	swait.ge @!p1 [sflag:s4], $0x80  }
0x77: {  	[sflag:s4] =	ssyncset.done @!p1 $0x0  }
0x78: {  	s12 =	simm.s32 @!p1 $0x200;
	[sflag:s4] =	ssyncadd.s32 @!p1 $0xFFFFFF80;
	s4 =	simm.s32 @!p1 $0x80  }
0x79: {  	[spmem:s1] =	stream.indirect.scatter.add.f32 @!p1 [tilespmem:s12], [sflag:$0x5], $0x80, s4, s4, $0xb8;
	[tilespmem:$0x17E00] =	vst v63  }
0x7a: {  	s12 =	simm.s32 @!p1 $0x5  }
0x7b: {  	_ =	swait.ge @!p1 [sflag:s12], $0x4000  }
0x7c: {  	s13 =	sadd.s32 @!p1 s3, s20;
	[sflag:s12] =	ssyncset.done @!p1 $0x0  }
0x7d: {  	[sflag:s12] =	ssyncadd.s32 @!p1 $0xFFFFC000;
	s12 =	sadd.s32 @!p1 $0x50, s13  }
0x7e: {  	[tilespmem:s4], [sflag:$0x2] =	stream.linear.gather @!p1 [hbm4b:s12+s11], $0x80, $0x38;
	[tilespmem:$0x17E00] =	vst v63  }
0x7f: {  	_ =	swait.ge [sflag:s30], $0x80  }
0x80: {  	[sflag:s30] =	ssyncset.done $0x0  }
.Ltmp3:
0x81: {  	[sflag:s30] =	ssyncadd.s32 $0xFFFFFF80;
	(pc) =	sbr.rel @p1 .LBB2_6-.Ltmp3, $4  }
0x82: {  	[spmem:s1] =	stream.indirect.scatter.add.f32 [tilespmem:s23], [sflag:$0x5], $0x80, s26, s25, $0xb8;
	[tilespmem:$0x17E00] =	vst v63  }
0x83: {  	_ =	swait.ge [sflag:s24], $0x4000  }
0x84: {  	[sflag:s24] =	ssyncset.done $0x0  }
0x85: {  	[sflag:s24] =	ssyncadd.s32 $0xFFFFC000  }
0x86: {  	s4 =	sadd.s32 s3, s21  }
0x87: {  	[tilespmem:s26], [sflag:$0x3] =	stream.linear.gather [hbm4b:s4+s2], $0x80, $0x38;
	[tilespmem:$0x17E00] =	vst v63  }
0x88: {  	_ =	swait.ge [sflag:s31], $0x80  }
0x89: {  	[sflag:s31] =	ssyncset.done $0x0  }
0x8a: {  	[sflag:s31] =	ssyncadd.s32 $0xFFFFFF80  }
0x8b: {  	[spmem:s1] =	stream.indirect.scatter.add.f32 [tilespmem:s23], [sflag:$0x5], $0x80, s28, s25, $0xb8;
	[tilespmem:$0x17E00] =	vst v63  }
.Ltmp4:
0x8c: {  	_ = 	snop;
	(pc) =	sbr.rel .LBB2_4-.Ltmp4, $4  }
0x8d: {  	_ =	swait.ge [sflag:s24], $0x4000  }
0x8e: {  	s13 =	sadd.s32 s3, s20;
	[sflag:s24] =	ssyncset.done $0x0  }
0x8f: {  	s3 =	sadd.s32 $0x40, s3;
	s4 =	sadd.s32 $0x70, s13;
	[sflag:s24] =	ssyncadd.s32 $0xFFFFC000  }
0x90: {  	[tilespmem:s28], [sflag:$0x4] =	stream.linear.gather [hbm4b:s4+s2], $0x80, $0x38;
	[tilespmem:$0x17E00] =	vst v63  }
.LBB2_7:
0x91: {  	_ =	sfence.sel $0x180000  }
0x92: {  	[bflag:$0x0] =	sbarrier.arrive $0xFFFF  }
0x93: {  	_ =	strace $0x90000047  }
0x94: {  	s0 =	stileid.u32;
	[bflag:$0x2] =	sbarrier.arrive $0xFFFF  }
0x95: {  	p0 =	sne.s32 s0, $0x0;
	s0 =	rddreg [dreg:$0x3]  }
0x96: {  	s0 =	sadd.s32 @!p0 $0x100000, s0  }
0x97: {  	[sflag:s0] =	ssyncadd.tile.s32 @!p0 $0x1;
	_ =	shalt  }
.Lfunc_end2:
_tile_overlayer_lowered:
.L_overlay_start_2:
0x98: {  	(tag) =	ssettag $0x2  }
0x99: {  	s0 =	rddreg [dreg:$0x0];
	s2 =	stileid.u32  }
0x9a: {  	s1 =	rddreg [dreg:$0x1];
	p0 =	sne.s32 s2, $0x0  }
0x9b: {  	s3 =	rddreg [dreg:$0x2];
	[bflag:$0x3] =	sbarrier.arrive $0xFFFF;
	s2 =	simm.s32 @!p0 $0x1C05  }
0x9c: {  	[timem:s3], [sflag:s2] =	dma.local @!p0 [hbm:s0], s1  }
0x9d: {  	s0 =	simm.s32 @!p0 $0x5  }
0x9e: {  	_ =	swait.ge @!p0 [sflag:s0], s1  }
0x9f: {  	s1 =	ssub.s32 @!p0 $0x0, s1;
	[sflag:s0] =	ssyncset.done @!p0 $0x0  }
0xa0: {  	[sflag:s0] =	ssyncadd.s32 @!p0 s1  }
0xa1: {  	[bflag:$0x3] =	sbarrier.arrive $0xFFFF  }
0xa2: {  	_ =	shalt  }

</sc_bundles>
